<compile_context>
chip_gen: v7x
topology: tpu7x:2x2x1
jax: 0.10.2.dev20260603
libtpu: 0.0.44.dev20260713+nightly
codegen_flags: <defaults>
</compile_context>

<pallas_src>
import functools

import jax
import jax.numpy as jnp
from jax import lax
from jax.experimental import pallas as pl
from jax.experimental.pallas import tpu as pltpu
from jax.experimental.pallas import tpu_sc as plsc

N_NODES = 10000
D = 128
DC = D // 2
E = 320000
L = 16
NW = 32
EPW = E // NW
CH = 80
NCHUNKS = EPW // CH


def _normalize_body(z_ref, o_ref):
    x = z_ref[...]
    ss = jnp.sum(x * x, axis=1, keepdims=True)
    xn = x * lax.rsqrt(jnp.maximum(ss, 1e-12))
    xb = xn.astype(jnp.bfloat16)
    lo = lax.bitcast_convert_type(xb[:, :DC], jnp.uint16).astype(jnp.uint32)
    hi = lax.bitcast_convert_type(xb[:, DC:], jnp.uint16).astype(jnp.uint32)
    o_ref[...] = lax.bitcast_convert_type(lo | (hi << 16), jnp.int32)


def _normalize_pack(z):
    n = z.shape[0]
    blk = 2000
    return pl.pallas_call(
        _normalize_body,
        grid=(n // blk,),
        in_specs=[pl.BlockSpec((blk, D), lambda i: (i, 0))],
        out_specs=pl.BlockSpec((blk, DC), lambda i: (i, 0)),
        out_shape=jax.ShapeDtypeStruct((n, DC), jnp.int32),
    )(z)


def _edge_kernel(zn, srci, dsti, out, sv, dv, arows, brows, outv, shared, sems):
    cid = lax.axis_index("c")
    sid = lax.axis_index("s")
    wid = sid * 2 + cid
    base = pl.multiple_of(wid * EPW, 8)

    rpt = N_NODES // 16
    pltpu.sync_copy(zn.at[pl.ds(sid * rpt, rpt)],
                    shared.at[pl.ds(sid * rpt, rpt)])

    pltpu.sync_copy(srci.at[pl.ds(base, EPW)], sv)
    pltpu.sync_copy(dsti.at[pl.ds(base, EPW)], dv)

    plsc.subcore_barrier()

    himask = jnp.int32(-65536)

    def issue(g, b):
        coff = pl.multiple_of(g * CH, 8)
        roff = pl.multiple_of(b * CH, 8)
        pltpu.async_copy(shared.at[sv.at[pl.ds(coff, CH)]],
                         arows.at[pl.ds(roff, CH)], sems.at[b])
        pltpu.async_copy(shared.at[dv.at[pl.ds(coff, CH)]],
                         brows.at[pl.ds(roff, CH)], sems.at[b])

    def wait(g, b):
        coff = pl.multiple_of(g * CH, 8)
        roff = pl.multiple_of(b * CH, 8)
        pltpu.make_async_copy(shared.at[sv.at[pl.ds(coff, CH)]],
                              arows.at[pl.ds(roff, CH)], sems.at[b]).wait()
        pltpu.make_async_copy(shared.at[dv.at[pl.ds(coff, CH)]],
                              brows.at[pl.ds(roff, CH)], sems.at[b]).wait()

    issue(0, 0)
    issue(1, 1)
    issue(2, 2)

    def chunk_body(g, carry):
        b = g & 3

        @pl.when(g + 3 < NCHUNKS)
        def _():
            issue(g + 3, (g + 3) & 3)

        wait(g, b)
        rbase = b * CH

        for e0 in range(0, CH, L):
            ev = rbase + e0 + lax.iota(jnp.int32, L)
            dv_ = lax.iota(jnp.int32, L)
            acc32 = jnp.zeros((2 * L,), jnp.bfloat16)
            for _t in range(DC):
                ap = plsc.load_gather(arows, [ev, dv_])
                bp = plsc.load_gather(brows, [ev, dv_])
                av = plsc.bitcast(ap, jnp.bfloat16)
                bv = plsc.bitcast(bp, jnp.bfloat16)
                acc32 = acc32 + av * bv
                dv_ = (dv_ + 1) & (DC - 1)
            acci = plsc.bitcast(acc32, jnp.int32)
            acc = (plsc.bitcast(acci << 16, jnp.float32)
                   + plsc.bitcast(acci & himask, jnp.float32))
            outv[pl.ds(g * CH + e0, L)] = 1.0 / (1.0 + jnp.exp(-acc))
        return carry

    lax.fori_loop(0, NCHUNKS, chunk_body, 0)

    pltpu.sync_copy(outv, out.at[pl.ds(base, EPW)])


def _make_sc_call():
    mesh = plsc.VectorSubcoreMesh(core_axis_name="c", subcore_axis_name="s")
    return functools.partial(
        pl.kernel,
        mesh=mesh,
        compiler_params=pltpu.CompilerParams(
            needs_layout_passes=False, use_tc_tiling_on_sc=False),
        out_type=jax.ShapeDtypeStruct((E,), jnp.float32),
        scratch_types=[
            pltpu.VMEM((EPW,), jnp.int32),
            pltpu.VMEM((EPW,), jnp.int32),
            pltpu.VMEM((4 * CH, DC), jnp.int32),
            pltpu.VMEM((4 * CH, DC), jnp.int32),
            pltpu.VMEM((EPW,), jnp.float32),
            pltpu.VMEM_SHARED((N_NODES, DC), jnp.int32),
            pltpu.SemaphoreType.DMA((4,)),
        ],
    )(_edge_kernel)


def kernel(z, edge_index):
    zn = _normalize_pack(z)
    src = edge_index[0]
    dst = edge_index[1]
    return _make_sc_call()(zn, src, dst)

# --- scband reference (transcript-rebuilt; emitter-appended) ---
"""Pipeline reference for scband-cosine-sim-decoder-46694884442214 (READ-ONLY COPY).

The authoritative reference and input builder live on the scoring server;
editing this copy changes nothing except your own understanding.
"""

import jax, jax.numpy as jnp
import numpy as np

N_NODES = 10000
D_FEAT = 128
N_EDGES = 320000
EPS = 1e-8

def setup_inputs(seed: int = 0) -> dict:
    key = jax.random.key(seed)
    k1, k2 = jax.random.split(key)
    z = jax.random.normal(k1, (N_NODES, D_FEAT), dtype=jnp.float32)
    edge_index = jax.random.randint(k2, (2, N_EDGES), 0, N_NODES, dtype=jnp.int32)
    return {"z": z, "edge_index": edge_index}

def reference(z, edge_index):
    # gather endpoint embeddings for each edge
    a = jnp.take(z, edge_index[0], axis=0)
    b = jnp.take(z, edge_index[1], axis=0)
    # F.cosine_similarity(a, b, dim=1): dot / max(||a||*||b||, eps)
    dot = jnp.sum(a * b, axis=1)
    na = jnp.sqrt(jnp.sum(a * a, axis=1))
    nb = jnp.sqrt(jnp.sum(b * b, axis=1))
    denom = jnp.maximum(na * nb, EPS)
    value = dot / denom
    # sigmoid=True default
    return jax.nn.sigmoid(value)

if __name__ == "__main__":
    import jax
    _d = setup_inputs()
    print(jax.jit(kernel)(*tuple(_d.values())))

</pallas_src>

<mosaic_0001>
#map = affine_map<(d0, d1) -> (0, 0)>
#map1 = affine_map<(d0, d1) -> (0)>
module attributes {stable_mosaic.version = 14 : i64} {
  func.func @_edge_kernel(%arg0: i32, %arg1: i32, %arg2: memref<10000x64xi32, #tpu.memory_space<hbm>>, %arg3: memref<320000xi32, #tpu.memory_space<hbm>>, %arg4: memref<320000xi32, #tpu.memory_space<hbm>>, %arg5: memref<320000xf32, #tpu.memory_space<hbm>>, %arg6: memref<10000xi32, #tpu.memory_space<vmem>>, %arg7: memref<10000xi32, #tpu.memory_space<vmem>>, %arg8: memref<320x64xi32, #tpu.memory_space<vmem>>, %arg9: memref<320x64xi32, #tpu.memory_space<vmem>>, %arg10: memref<10000xf32, #tpu.memory_space<vmem>>, %arg11: memref<10000x64xi32, #tpu.memory_space<vmem_shared>>, %arg12: memref<4x!tpu.dma_semaphore, #tpu.memory_space<semaphore_mem>>) attributes {dimension_semantics = [#tpu.dimension_semantics<core_parallel>, #tpu.dimension_semantics<subcore_parallel>], iteration_bounds = array<i64: 2, 16>, scalar_prefetch = 0 : i64, scratch_operands = 7 : i64, tpu.core_type = #tpu.core_type<sc_vector_subcore>, window_params = [{transform_indices = #map}, {transform_indices = #map1}, {transform_indices = #map1}, {transform_indices = #map1}]} {
    %mul3A = arith.constant 2 : i32
    %mul3A_0 = arith.muli %arg1, %mul3A : i32
    %add3A = arith.addi %mul3A_0, %arg0 : i32
    %mul3A_1 = arith.constant 10000 : i32
    %mul3A_2 = arith.muli %add3A, %mul3A_1 : i32
    %multiple_of3A = tpu.assume_multiple %mul3A_2, 8 : i32
    %mul3A_3 = arith.constant 625 : i32
    %mul3A_4 = arith.muli %arg1, %mul3A_3 : i32
    %mul3A_5 = arith.constant 625 : i32
    %mul3A_6 = arith.muli %arg1, %mul3A_5 : i32
    "tpu.region"() ({
      %run_scoped3A = tpu.sem_alloc : memref<!tpu.dma_semaphore, #tpu.memory_space<semaphore_mem>>
      %dma_start3A_78 = arith.constant 0 : i32
      %dma_start3A_79 = tpu.memref_slice %arg11[%mul3A_6, %dma_start3A_78] : memref<10000x64xi32, #tpu.memory_space<vmem_shared>> -> memref<625x64xi32, #tpu.memory_space<vmem_shared>>
      %dma_start3A_80 = arith.constant 0 : i32
      %dma_start3A_81 = tpu.memref_slice %arg2[%mul3A_4, %dma_start3A_80] : memref<10000x64xi32, #tpu.memory_space<hbm>> -> memref<625x64xi32, #tpu.memory_space<hbm>>
      tpu.enqueue_dma source(%dma_start3A_81 : memref<625x64xi32, #tpu.memory_space<hbm>>) target(%dma_start3A_79 : memref<625x64xi32, #tpu.memory_space<vmem_shared>>) target_semaphore(%run_scoped3A : memref<!tpu.dma_semaphore, #tpu.memory_space<semaphore_mem>>)
      %dma_wait3A = arith.constant 0 : i32
      %dma_wait3A_82 = tpu.memref_slice %arg11[%mul3A_6, %dma_wait3A] : memref<10000x64xi32, #tpu.memory_space<vmem_shared>> -> memref<625x64xi32, #tpu.memory_space<vmem_shared>>
      %dma_wait3A_83 = arith.constant 0 : i32
      %dma_wait3A_84 = tpu.memref_slice %arg2[%mul3A_4, %dma_wait3A_83] : memref<10000x64xi32, #tpu.memory_space<hbm>> -> memref<625x64xi32, #tpu.memory_space<hbm>>
      tpu.wait_dma2 semaphore(%run_scoped3A : memref<!tpu.dma_semaphore, #tpu.memory_space<semaphore_mem>>) src(%dma_wait3A_84 : memref<625x64xi32, #tpu.memory_space<hbm>>) dst(%dma_wait3A_82 : memref<625x64xi32, #tpu.memory_space<vmem_shared>>)
      tpu.yield
    }) : () -> ()
    "tpu.region"() ({
      %run_scoped3A = tpu.sem_alloc : memref<!tpu.dma_semaphore, #tpu.memory_space<semaphore_mem>>
      %dma_start3A_78 = tpu.memref_slice %arg3[%multiple_of3A] : memref<320000xi32, #tpu.memory_space<hbm>> -> memref<10000xi32, #tpu.memory_space<hbm>>
      %dma_start3A_79 = tpu.memref_slice %arg3[%multiple_of3A] : memref<320000xi32, #tpu.memory_space<hbm>> -> memref<10000xi32, #tpu.memory_space<hbm>>
      tpu.enqueue_dma source(%dma_start3A_79 : memref<10000xi32, #tpu.memory_space<hbm>>) target(%arg6 : memref<10000xi32, #tpu.memory_space<vmem>>) target_semaphore(%run_scoped3A : memref<!tpu.dma_semaphore, #tpu.memory_space<semaphore_mem>>)
      %dma_wait3A = tpu.memref_slice %arg3[%multiple_of3A] : memref<320000xi32, #tpu.memory_space<hbm>> -> memref<10000xi32, #tpu.memory_space<hbm>>
      %dma_wait3A_80 = tpu.memref_slice %arg3[%multiple_of3A] : memref<320000xi32, #tpu.memory_space<hbm>> -> memref<10000xi32, #tpu.memory_space<hbm>>
      tpu.wait_dma2 semaphore(%run_scoped3A : memref<!tpu.dma_semaphore, #tpu.memory_space<semaphore_mem>>) src(%dma_wait3A_80 : memref<10000xi32, #tpu.memory_space<hbm>>) dst(%arg6 : memref<10000xi32, #tpu.memory_space<vmem>>)
      tpu.yield
    }) : () -> ()
    "tpu.region"() ({
      %run_scoped3A = tpu.sem_alloc : memref<!tpu.dma_semaphore, #tpu.memory_space<semaphore_mem>>
      %dma_start3A_78 = tpu.memref_slice %arg4[%multiple_of3A] : memref<320000xi32, #tpu.memory_space<hbm>> -> memref<10000xi32, #tpu.memory_space<hbm>>
      %dma_start3A_79 = tpu.memref_slice %arg4[%multiple_of3A] : memref<320000xi32, #tpu.memory_space<hbm>> -> memref<10000xi32, #tpu.memory_space<hbm>>
      tpu.enqueue_dma source(%dma_start3A_79 : memref<10000xi32, #tpu.memory_space<hbm>>) target(%arg7 : memref<10000xi32, #tpu.memory_space<vmem>>) target_semaphore(%run_scoped3A : memref<!tpu.dma_semaphore, #tpu.memory_space<semaphore_mem>>)
      %dma_wait3A = tpu.memref_slice %arg4[%multiple_of3A] : memref<320000xi32, #tpu.memory_space<hbm>> -> memref<10000xi32, #tpu.memory_space<hbm>>
      %dma_wait3A_80 = tpu.memref_slice %arg4[%multiple_of3A] : memref<320000xi32, #tpu.memory_space<hbm>> -> memref<10000xi32, #tpu.memory_space<hbm>>
      tpu.wait_dma2 semaphore(%run_scoped3A : memref<!tpu.dma_semaphore, #tpu.memory_space<semaphore_mem>>) src(%dma_wait3A_80 : memref<10000xi32, #tpu.memory_space<hbm>>) dst(%arg7 : memref<10000xi32, #tpu.memory_space<vmem>>)
      tpu.yield
    }) : () -> ()
    %barrier3A = arith.constant 0 : index
    tpu.barrier barrier_id(%barrier3A)
    %multiple_of3A_7 = arith.constant 0 : i32
    %multiple_of3A_8 = tpu.assume_multiple %multiple_of3A_7, 8 : i32
    %multiple_of3A_9 = arith.constant 0 : i32
    %multiple_of3A_10 = tpu.assume_multiple %multiple_of3A_9, 8 : i32
    %dma_start3A = arith.constant 0 : i32
    %dma_start3A_11 = arith.constant 0 : i32
    %dma_start3A_12 = tpu.memref_slice %arg8[%multiple_of3A_10, %dma_start3A_11] : memref<320x64xi32, #tpu.memory_space<vmem>> -> memref<80x64xi32, #tpu.memory_space<vmem>>
    %dma_start3A_13 = tpu.memref_slice %arg6[%multiple_of3A_8] : memref<10000xi32, #tpu.memory_space<vmem>> -> memref<80xi32, #tpu.memory_space<vmem>>
    %dma_start3A_14 = arith.constant 0 : i32
    %dma_start3A_15 = arith.constant 0 : i32
    %dma_start3A_16 = tpu.memref_slice %arg11[%dma_start3A_14, %dma_start3A_15] : memref<10000x64xi32, #tpu.memory_space<vmem_shared>> -> memref<10000x64xi32, #tpu.memory_space<vmem_shared>>
    %dma_start3A_17 = tpu.memref_slice %arg12[%dma_start3A] : memref<4x!tpu.dma_semaphore, #tpu.memory_space<semaphore_mem>> -> memref<1x!tpu.dma_semaphore, #tpu.memory_space<semaphore_mem>>
    %dma_start3A_18 = tpu.memref_squeeze %dma_start3A_17 : memref<1x!tpu.dma_semaphore, #tpu.memory_space<semaphore_mem>> -> memref<!tpu.dma_semaphore, #tpu.memory_space<semaphore_mem>>
    tpu.enqueue_indirect_dma source(%dma_start3A_16 : memref<10000x64xi32, #tpu.memory_space<vmem_shared>>) target(%dma_start3A_12 : memref<80x64xi32, #tpu.memory_space<vmem>>) offsets(%dma_start3A_13 : memref<80xi32, #tpu.memory_space<vmem>>) semaphore(%dma_start3A_18 : memref<!tpu.dma_semaphore, #tpu.memory_space<semaphore_mem>>)
    %dma_start3A_19 = arith.constant 0 : i32
    %dma_start3A_20 = arith.constant 0 : i32
    %dma_start3A_21 = tpu.memref_slice %arg9[%multiple_of3A_10, %dma_start3A_20] : memref<320x64xi32, #tpu.memory_space<vmem>> -> memref<80x64xi32, #tpu.memory_space<vmem>>
    %dma_start3A_22 = tpu.memref_slice %arg7[%multiple_of3A_8] : memref<10000xi32, #tpu.memory_space<vmem>> -> memref<80xi32, #tpu.memory_space<vmem>>
    %dma_start3A_23 = arith.constant 0 : i32
    %dma_start3A_24 = arith.constant 0 : i32
    %dma_start3A_25 = tpu.memref_slice %arg11[%dma_start3A_23, %dma_start3A_24] : memref<10000x64xi32, #tpu.memory_space<vmem_shared>> -> memref<10000x64xi32, #tpu.memory_space<vmem_shared>>
    %dma_start3A_26 = tpu.memref_slice %arg12[%dma_start3A_19] : memref<4x!tpu.dma_semaphore, #tpu.memory_space<semaphore_mem>> -> memref<1x!tpu.dma_semaphore, #tpu.memory_space<semaphore_mem>>
    %dma_start3A_27 = tpu.memref_squeeze %dma_start3A_26 : memref<1x!tpu.dma_semaphore, #tpu.memory_space<semaphore_mem>> -> memref<!tpu.dma_semaphore, #tpu.memory_space<semaphore_mem>>
    tpu.enqueue_indirect_dma source(%dma_start3A_25 : memref<10000x64xi32, #tpu.memory_space<vmem_shared>>) target(%dma_start3A_21 : memref<80x64xi32, #tpu.memory_space<vmem>>) offsets(%dma_start3A_22 : memref<80xi32, #tpu.memory_space<vmem>>) semaphore(%dma_start3A_27 : memref<!tpu.dma_semaphore, #tpu.memory_space<semaphore_mem>>)
    %multiple_of3A_28 = arith.constant 80 : i32
    %multiple_of3A_29 = tpu.assume_multiple %multiple_of3A_28, 8 : i32
    %multiple_of3A_30 = arith.constant 80 : i32
    %multiple_of3A_31 = tpu.assume_multiple %multiple_of3A_30, 8 : i32
    %dma_start3A_32 = arith.constant 1 : i32
    %dma_start3A_33 = arith.constant 0 : i32
    %dma_start3A_34 = tpu.memref_slice %arg8[%multiple_of3A_31, %dma_start3A_33] : memref<320x64xi32, #tpu.memory_space<vmem>> -> memref<80x64xi32, #tpu.memory_space<vmem>>
    %dma_start3A_35 = tpu.memref_slice %arg6[%multiple_of3A_29] : memref<10000xi32, #tpu.memory_space<vmem>> -> memref<80xi32, #tpu.memory_space<vmem>>
    %dma_start3A_36 = arith.constant 0 : i32
    %dma_start3A_37 = arith.constant 0 : i32
    %dma_start3A_38 = tpu.memref_slice %arg11[%dma_start3A_36, %dma_start3A_37] : memref<10000x64xi32, #tpu.memory_space<vmem_shared>> -> memref<10000x64xi32, #tpu.memory_space<vmem_shared>>
    %dma_start3A_39 = tpu.memref_slice %arg12[%dma_start3A_32] : memref<4x!tpu.dma_semaphore, #tpu.memory_space<semaphore_mem>> -> memref<1x!tpu.dma_semaphore, #tpu.memory_space<semaphore_mem>>
    %dma_start3A_40 = tpu.memref_squeeze %dma_start3A_39 : memref<1x!tpu.dma_semaphore, #tpu.memory_space<semaphore_mem>> -> memref<!tpu.dma_semaphore, #tpu.memory_space<semaphore_mem>>
    tpu.enqueue_indirect_dma source(%dma_start3A_38 : memref<10000x64xi32, #tpu.memory_space<vmem_shared>>) target(%dma_start3A_34 : memref<80x64xi32, #tpu.memory_space<vmem>>) offsets(%dma_start3A_35 : memref<80xi32, #tpu.memory_space<vmem>>) semaphore(%dma_start3A_40 : memref<!tpu.dma_semaphore, #tpu.memory_space<semaphore_mem>>)
    %dma_start3A_41 = arith.constant 1 : i32
    %dma_start3A_42 = arith.constant 0 : i32
    %dma_start3A_43 = tpu.memref_slice %arg9[%multiple_of3A_31, %dma_start3A_42] : memref<320x64xi32, #tpu.memory_space<vmem>> -> memref<80x64xi32, #tpu.memory_space<vmem>>
    %dma_start3A_44 = tpu.memref_slice %arg7[%multiple_of3A_29] : memref<10000xi32, #tpu.memory_space<vmem>> -> memref<80xi32, #tpu.memory_space<vmem>>
    %dma_start3A_45 = arith.constant 0 : i32
    %dma_start3A_46 = arith.constant 0 : i32
    %dma_start3A_47 = tpu.memref_slice %arg11[%dma_start3A_45, %dma_start3A_46] : memref<10000x64xi32, #tpu.memory_space<vmem_shared>> -> memref<10000x64xi32, #tpu.memory_space<vmem_shared>>
    %dma_start3A_48 = tpu.memref_slice %arg12[%dma_start3A_41] : memref<4x!tpu.dma_semaphore, #tpu.memory_space<semaphore_mem>> -> memref<1x!tpu.dma_semaphore, #tpu.memory_space<semaphore_mem>>
    %dma_start3A_49 = tpu.memref_squeeze %dma_start3A_48 : memref<1x!tpu.dma_semaphore, #tpu.memory_space<semaphore_mem>> -> memref<!tpu.dma_semaphore, #tpu.memory_space<semaphore_mem>>
    tpu.enqueue_indirect_dma source(%dma_start3A_47 : memref<10000x64xi32, #tpu.memory_space<vmem_shared>>) target(%dma_start3A_43 : memref<80x64xi32, #tpu.memory_space<vmem>>) offsets(%dma_start3A_44 : memref<80xi32, #tpu.memory_space<vmem>>) semaphore(%dma_start3A_49 : memref<!tpu.dma_semaphore, #tpu.memory_space<semaphore_mem>>)
    %multiple_of3A_50 = arith.constant 160 : i32
    %multiple_of3A_51 = tpu.assume_multiple %multiple_of3A_50, 8 : i32
    %multiple_of3A_52 = arith.constant 160 : i32
    %multiple_of3A_53 = tpu.assume_multiple %multiple_of3A_52, 8 : i32
    %dma_start3A_54 = arith.constant 2 : i32
    %dma_start3A_55 = arith.constant 0 : i32
    %dma_start3A_56 = tpu.memref_slice %arg8[%multiple_of3A_53, %dma_start3A_55] : memref<320x64xi32, #tpu.memory_space<vmem>> -> memref<80x64xi32, #tpu.memory_space<vmem>>
    %dma_start3A_57 = tpu.memref_slice %arg6[%multiple_of3A_51] : memref<10000xi32, #tpu.memory_space<vmem>> -> memref<80xi32, #tpu.memory_space<vmem>>
    %dma_start3A_58 = arith.constant 0 : i32
    %dma_start3A_59 = arith.constant 0 : i32
    %dma_start3A_60 = tpu.memref_slice %arg11[%dma_start3A_58, %dma_start3A_59] : memref<10000x64xi32, #tpu.memory_space<vmem_shared>> -> memref<10000x64xi32, #tpu.memory_space<vmem_shared>>
    %dma_start3A_61 = tpu.memref_slice %arg12[%dma_start3A_54] : memref<4x!tpu.dma_semaphore, #tpu.memory_space<semaphore_mem>> -> memref<1x!tpu.dma_semaphore, #tpu.memory_space<semaphore_mem>>
    %dma_start3A_62 = tpu.memref_squeeze %dma_start3A_61 : memref<1x!tpu.dma_semaphore, #tpu.memory_space<semaphore_mem>> -> memref<!tpu.dma_semaphore, #tpu.memory_space<semaphore_mem>>
    tpu.enqueue_indirect_dma source(%dma_start3A_60 : memref<10000x64xi32, #tpu.memory_space<vmem_shared>>) target(%dma_start3A_56 : memref<80x64xi32, #tpu.memory_space<vmem>>) offsets(%dma_start3A_57 : memref<80xi32, #tpu.memory_space<vmem>>) semaphore(%dma_start3A_62 : memref<!tpu.dma_semaphore, #tpu.memory_space<semaphore_mem>>)
    %dma_start3A_63 = arith.constant 2 : i32
    %dma_start3A_64 = arith.constant 0 : i32
    %dma_start3A_65 = tpu.memref_slice %arg9[%multiple_of3A_53, %dma_start3A_64] : memref<320x64xi32, #tpu.memory_space<vmem>> -> memref<80x64xi32, #tpu.memory_space<vmem>>
    %dma_start3A_66 = tpu.memref_slice %arg7[%multiple_of3A_51] : memref<10000xi32, #tpu.memory_space<vmem>> -> memref<80xi32, #tpu.memory_space<vmem>>
    %dma_start3A_67 = arith.constant 0 : i32
    %dma_start3A_68 = arith.constant 0 : i32
    %dma_start3A_69 = tpu.memref_slice %arg11[%dma_start3A_67, %dma_start3A_68] : memref<10000x64xi32, #tpu.memory_space<vmem_shared>> -> memref<10000x64xi32, #tpu.memory_space<vmem_shared>>
    %dma_start3A_70 = tpu.memref_slice %arg12[%dma_start3A_63] : memref<4x!tpu.dma_semaphore, #tpu.memory_space<semaphore_mem>> -> memref<1x!tpu.dma_semaphore, #tpu.memory_space<semaphore_mem>>
    %dma_start3A_71 = tpu.memref_squeeze %dma_start3A_70 : memref<1x!tpu.dma_semaphore, #tpu.memory_space<semaphore_mem>> -> memref<!tpu.dma_semaphore, #tpu.memory_space<semaphore_mem>>
    tpu.enqueue_indirect_dma source(%dma_start3A_69 : memref<10000x64xi32, #tpu.memory_space<vmem_shared>>) target(%dma_start3A_65 : memref<80x64xi32, #tpu.memory_space<vmem>>) offsets(%dma_start3A_66 : memref<80xi32, #tpu.memory_space<vmem>>) semaphore(%dma_start3A_71 : memref<!tpu.dma_semaphore, #tpu.memory_space<semaphore_mem>>)
    %scan3A = arith.constant 0 : i32
    %scan3A_72 = arith.constant -65536 : i32
    %scan3A_73 = arith.constant 0 : i32
    %scan3A_74 = arith.constant 125 : i32
    %scan3A_75 = arith.addi %scan3A_73, %scan3A_74 : i32
    %scan3A_76 = arith.constant 1 : i32
    scf.for %scan3A_78 = %scan3A_73 to %scan3A_75 step %scan3A_76  : i32 {
      %and3A = arith.constant 3 : i32
      %and3A_79 = arith.andi %scan3A_78, %and3A : i32
      %add3A_80 = arith.constant 3 : i32
      %add3A_81 = arith.addi %scan3A_78, %add3A_80 : i32
      %lt3A = arith.constant 125 : i32
      %lt3A_82 = arith.cmpi slt, %add3A_81, %lt3A : i32
      %convert_element_type3A = arith.extui %lt3A_82 : i1 to i32
      %cond3A = arith.constant 0 : i32
      %cond3A_83 = arith.cmpi ne, %convert_element_type3A, %cond3A : i32
      scf.if %cond3A_83 {
        %add3A_4103 = arith.constant 3 : i32
        %add3A_4104 = arith.addi %scan3A_78, %add3A_4103 : i32
        %add3A_4105 = arith.constant 3 : i32
        %add3A_4106 = arith.addi %scan3A_78, %add3A_4105 : i32
        %and3A_4107 = arith.constant 3 : i32
        %and3A_4108 = arith.andi %add3A_4106, %and3A_4107 : i32
        %mul3A_4109 = arith.constant 80 : i32
        %mul3A_4110 = arith.muli %add3A_4104, %mul3A_4109 : i32
        %multiple_of3A_4111 = tpu.assume_multiple %mul3A_4110, 8 : i32
        %mul3A_4112 = arith.constant 80 : i32
        %mul3A_4113 = arith.muli %and3A_4108, %mul3A_4112 : i32
        %multiple_of3A_4114 = tpu.assume_multiple %mul3A_4113, 8 : i32
        %dma_start3A_4115 = arith.constant 0 : i32
        %dma_start3A_4116 = tpu.memref_slice %arg8[%multiple_of3A_4114, %dma_start3A_4115] : memref<320x64xi32, #tpu.memory_space<vmem>> -> memref<80x64xi32, #tpu.memory_space<vmem>>
        %dma_start3A_4117 = tpu.memref_slice %arg6[%multiple_of3A_4111] : memref<10000xi32, #tpu.memory_space<vmem>> -> memref<80xi32, #tpu.memory_space<vmem>>
        %dma_start3A_4118 = arith.constant 0 : i32
        %dma_start3A_4119 = arith.constant 0 : i32
        %dma_start3A_4120 = tpu.memref_slice %arg11[%dma_start3A_4118, %dma_start3A_4119] : memref<10000x64xi32, #tpu.memory_space<vmem_shared>> -> memref<10000x64xi32, #tpu.memory_space<vmem_shared>>
        %dma_start3A_4121 = tpu.memref_slice %arg12[%and3A_4108] : memref<4x!tpu.dma_semaphore, #tpu.memory_space<semaphore_mem>> -> memref<1x!tpu.dma_semaphore, #tpu.memory_space<semaphore_mem>>
        %dma_start3A_4122 = tpu.memref_squeeze %dma_start3A_4121 : memref<1x!tpu.dma_semaphore, #tpu.memory_space<semaphore_mem>> -> memref<!tpu.dma_semaphore, #tpu.memory_space<semaphore_mem>>
        tpu.enqueue_indirect_dma source(%dma_start3A_4120 : memref<10000x64xi32, #tpu.memory_space<vmem_shared>>) target(%dma_start3A_4116 : memref<80x64xi32, #tpu.memory_space<vmem>>) offsets(%dma_start3A_4117 : memref<80xi32, #tpu.memory_space<vmem>>) semaphore(%dma_start3A_4122 : memref<!tpu.dma_semaphore, #tpu.memory_space<semaphore_mem>>)
        %dma_start3A_4123 = arith.constant 0 : i32
        %dma_start3A_4124 = tpu.memref_slice %arg9[%multiple_of3A_4114, %dma_start3A_4123] : memref<320x64xi32, #tpu.memory_space<vmem>> -> memref<80x64xi32, #tpu.memory_space<vmem>>
        %dma_start3A_4125 = tpu.memref_slice %arg7[%multiple_of3A_4111] : memref<10000xi32, #tpu.memory_space<vmem>> -> memref<80xi32, #tpu.memory_space<vmem>>
        %dma_start3A_4126 = arith.constant 0 : i32
        %dma_start3A_4127 = arith.constant 0 : i32
        %dma_start3A_4128 = tpu.memref_slice %arg11[%dma_start3A_4126, %dma_start3A_4127] : memref<10000x64xi32, #tpu.memory_space<vmem_shared>> -> memref<10000x64xi32, #tpu.memory_space<vmem_shared>>
        %dma_start3A_4129 = tpu.memref_slice %arg12[%and3A_4108] : memref<4x!tpu.dma_semaphore, #tpu.memory_space<semaphore_mem>> -> memref<1x!tpu.dma_semaphore, #tpu.memory_space<semaphore_mem>>
        %dma_start3A_4130 = tpu.memref_squeeze %dma_start3A_4129 : memref<1x!tpu.dma_semaphore, #tpu.memory_space<semaphore_mem>> -> memref<!tpu.dma_semaphore, #tpu.memory_space<semaphore_mem>>
        tpu.enqueue_indirect_dma source(%dma_start3A_4128 : memref<10000x64xi32, #tpu.memory_space<vmem_shared>>) target(%dma_start3A_4124 : memref<80x64xi32, #tpu.memory_space<vmem>>) offsets(%dma_start3A_4125 : memref<80xi32, #tpu.memory_space<vmem>>) semaphore(%dma_start3A_4130 : memref<!tpu.dma_semaphore, #tpu.memory_space<semaphore_mem>>)
      } else {
      }
      %mul3A_84 = arith.constant 80 : i32
      %mul3A_85 = arith.muli %scan3A_78, %mul3A_84 : i32
      %multiple_of3A_86 = tpu.assume_multiple %mul3A_85, 8 : i32
      %mul3A_87 = arith.constant 80 : i32
      %mul3A_88 = arith.muli %and3A_79, %mul3A_87 : i32
      %multiple_of3A_89 = tpu.assume_multiple %mul3A_88, 8 : i32
      %dma_wait3A = arith.constant 0 : i32
      %dma_wait3A_90 = tpu.memref_slice %arg8[%multiple_of3A_89, %dma_wait3A] : memref<320x64xi32, #tpu.memory_space<vmem>> -> memref<80x64xi32, #tpu.memory_space<vmem>>
      %dma_wait3A_91 = tpu.memref_slice %arg6[%multiple_of3A_86] : memref<10000xi32, #tpu.memory_space<vmem>> -> memref<80xi32, #tpu.memory_space<vmem>>
      %dma_wait3A_92 = arith.constant 0 : i32
      %dma_wait3A_93 = arith.constant 0 : i32
      %dma_wait3A_94 = tpu.memref_slice %arg11[%dma_wait3A_92, %dma_wait3A_93] : memref<10000x64xi32, #tpu.memory_space<vmem_shared>> -> memref<10000x64xi32, #tpu.memory_space<vmem_shared>>
      %dma_wait3A_95 = tpu.memref_slice %arg12[%and3A_79] : memref<4x!tpu.dma_semaphore, #tpu.memory_space<semaphore_mem>> -> memref<1x!tpu.dma_semaphore, #tpu.memory_space<semaphore_mem>>
      %dma_wait3A_96 = tpu.memref_squeeze %dma_wait3A_95 : memref<1x!tpu.dma_semaphore, #tpu.memory_space<semaphore_mem>> -> memref<!tpu.dma_semaphore, #tpu.memory_space<semaphore_mem>>
      tpu.wait_indirect_dma semaphore(%dma_wait3A_96 : memref<!tpu.dma_semaphore, #tpu.memory_space<semaphore_mem>>) src(%dma_wait3A_94 : memref<10000x64xi32, #tpu.memory_space<vmem_shared>>) dst(%dma_wait3A_90 : memref<80x64xi32, #tpu.memory_space<vmem>>)
      %dma_wait3A_97 = arith.constant 0 : i32
      %dma_wait3A_98 = tpu.memref_slice %arg9[%multiple_of3A_89, %dma_wait3A_97] : memref<320x64xi32, #tpu.memory_space<vmem>> -> memref<80x64xi32, #tpu.memory_space<vmem>>
      %dma_wait3A_99 = tpu.memref_slice %arg7[%multiple_of3A_86] : memref<10000xi32, #tpu.memory_space<vmem>> -> memref<80xi32, #tpu.memory_space<vmem>>
      %dma_wait3A_100 = arith.constant 0 : i32
      %dma_wait3A_101 = arith.constant 0 : i32
      %dma_wait3A_102 = tpu.memref_slice %arg11[%dma_wait3A_100, %dma_wait3A_101] : memref<10000x64xi32, #tpu.memory_space<vmem_shared>> -> memref<10000x64xi32, #tpu.memory_space<vmem_shared>>
      %dma_wait3A_103 = tpu.memref_slice %arg12[%and3A_79] : memref<4x!tpu.dma_semaphore, #tpu.memory_space<semaphore_mem>> -> memref<1x!tpu.dma_semaphore, #tpu.memory_space<semaphore_mem>>
      %dma_wait3A_104 = tpu.memref_squeeze %dma_wait3A_103 : memref<1x!tpu.dma_semaphore, #tpu.memory_space<semaphore_mem>> -> memref<!tpu.dma_semaphore, #tpu.memory_space<semaphore_mem>>
      tpu.wait_indirect_dma semaphore(%dma_wait3A_104 : memref<!tpu.dma_semaphore, #tpu.memory_space<semaphore_mem>>) src(%dma_wait3A_102 : memref<10000x64xi32, #tpu.memory_space<vmem_shared>>) dst(%dma_wait3A_98 : memref<80x64xi32, #tpu.memory_space<vmem>>)
      %mul3A_105 = arith.constant 80 : i32
      %mul3A_106 = arith.muli %and3A_79, %mul3A_105 : i32
      %add3A_107 = arith.constant 0 : i32
      %add3A_108 = arith.addi %mul3A_106, %add3A_107 : i32
      %iota3A = tpu.iota {dimensions = array<i32: 0>} : vector<16xi32>
      %add3A_109 = vector.broadcast %add3A_108 : i32 to vector<16xi32>
      %add3A_110 = arith.addi %add3A_109, %iota3A : vector<16xi32>
      %iota3A_111 = tpu.iota {dimensions = array<i32: 0>} : vector<16xi32>
      %broadcast_in_dim3A = arith.constant 0.000000e+00 : bf16
      %broadcast_in_dim3A_112 = vector.broadcast %broadcast_in_dim3A : bf16 to vector<32xbf16>
      %gather3A = tpu.vector_load_idx %arg8[%add3A_110, %iota3A_111] : memref<320x64xi32, #tpu.memory_space<vmem>>[vector<16xi32>, vector<16xi32>], vector<16xi32>,
      %gather3A_113 = tpu.vector_load_idx %arg9[%add3A_110, %iota3A_111] : memref<320x64xi32, #tpu.memory_space<vmem>>[vector<16xi32>, vector<16xi32>], vector<16xi32>,
      %bitcast3A = vector.bitcast %gather3A : vector<16xi32> to vector<32xbf16>
      %bitcast3A_114 = vector.bitcast %gather3A_113 : vector<16xi32> to vector<32xbf16>
      %mul3A_115 = arith.mulf %bitcast3A, %bitcast3A_114 : vector<32xbf16>
      %add3A_116 = arith.addf %broadcast_in_dim3A_112, %mul3A_115 : vector<32xbf16>
      %add3A_117 = arith.constant 1 : i32
      %add3A_118 = vector.broadcast %add3A_117 : i32 to vector<16xi32>
      %add3A_119 = arith.addi %iota3A_111, %add3A_118 : vector<16xi32>
      %and3A_120 = arith.constant 63 : i32
      %and3A_121 = vector.broadcast %and3A_120 : i32 to vector<16xi32>
      %and3A_122 = arith.andi %add3A_119, %and3A_121 : vector<16xi32>
      %gather3A_123 = tpu.vector_load_idx %arg8[%add3A_110, %and3A_122] : memref<320x64xi32, #tpu.memory_space<vmem>>[vector<16xi32>, vector<16xi32>], vector<16xi32>,
      %gather3A_124 = tpu.vector_load_idx %arg9[%add3A_110, %and3A_122] : memref<320x64xi32, #tpu.memory_space<vmem>>[vector<16xi32>, vector<16xi32>], vector<16xi32>,
      %bitcast3A_125 = vector.bitcast %gather3A_123 : vector<16xi32> to vector<32xbf16>
      %bitcast3A_126 = vector.bitcast %gather3A_124 : vector<16xi32> to vector<32xbf16>
      %mul3A_127 = arith.mulf %bitcast3A_125, %bitcast3A_126 : vector<32xbf16>
      %add3A_128 = arith.addf %add3A_116, %mul3A_127 : vector<32xbf16>
      %add3A_129 = arith.constant 1 : i32
      %add3A_130 = vector.broadcast %add3A_129 : i32 to vector<16xi32>
      %add3A_131 = arith.addi %and3A_122, %add3A_130 : vector<16xi32>
      %and3A_132 = arith.constant 63 : i32
      %and3A_133 = vector.broadcast %and3A_132 : i32 to vector<16xi32>
      %and3A_134 = arith.andi %add3A_131, %and3A_133 : vector<16xi32>
      %gather3A_135 = tpu.vector_load_idx %arg8[%add3A_110, %and3A_134] : memref<320x64xi32, #tpu.memory_space<vmem>>[vector<16xi32>, vector<16xi32>], vector<16xi32>,
      %gather3A_136 = tpu.vector_load_idx %arg9[%add3A_110, %and3A_134] : memref<320x64xi32, #tpu.memory_space<vmem>>[vector<16xi32>, vector<16xi32>], vector<16xi32>,
      %bitcast3A_137 = vector.bitcast %gather3A_135 : vector<16xi32> to vector<32xbf16>
      %bitcast3A_138 = vector.bitcast %gather3A_136 : vector<16xi32> to vector<32xbf16>
      %mul3A_139 = arith.mulf %bitcast3A_137, %bitcast3A_138 : vector<32xbf16>
      %add3A_140 = arith.addf %add3A_128, %mul3A_139 : vector<32xbf16>
      %add3A_141 = arith.constant 1 : i32
      %add3A_142 = vector.broadcast %add3A_141 : i32 to vector<16xi32>
      %add3A_143 = arith.addi %and3A_134, %add3A_142 : vector<16xi32>
      %and3A_144 = arith.constant 63 : i32
      %and3A_145 = vector.broadcast %and3A_144 : i32 to vector<16xi32>
      %and3A_146 = arith.andi %add3A_143, %and3A_145 : vector<16xi32>
      %gather3A_147 = tpu.vector_load_idx %arg8[%add3A_110, %and3A_146] : memref<320x64xi32, #tpu.memory_space<vmem>>[vector<16xi32>, vector<16xi32>], vector<16xi32>,
      %gather3A_148 = tpu.vector_load_idx %arg9[%add3A_110, %and3A_146] : memref<320x64xi32, #tpu.memory_space<vmem>>[vector<16xi32>, vector<16xi32>], vector<16xi32>,
      %bitcast3A_149 = vector.bitcast %gather3A_147 : vector<16xi32> to vector<32xbf16>
      %bitcast3A_150 = vector.bitcast %gather3A_148 : vector<16xi32> to vector<32xbf16>
      %mul3A_151 = arith.mulf %bitcast3A_149, %bitcast3A_150 : vector<32xbf16>
      %add3A_152 = arith.addf %add3A_140, %mul3A_151 : vector<32xbf16>
      %add3A_153 = arith.constant 1 : i32
      %add3A_154 = vector.broadcast %add3A_153 : i32 to vector<16xi32>
      %add3A_155 = arith.addi %and3A_146, %add3A_154 : vector<16xi32>
      %and3A_156 = arith.constant 63 : i32
      %and3A_157 = vector.broadcast %and3A_156 : i32 to vector<16xi32>
      %and3A_158 = arith.andi %add3A_155, %and3A_157 : vector<16xi32>
      %gather3A_159 = tpu.vector_load_idx %arg8[%add3A_110, %and3A_158] : memref<320x64xi32, #tpu.memory_space<vmem>>[vector<16xi32>, vector<16xi32>], vector<16xi32>,
      %gather3A_160 = tpu.vector_load_idx %arg9[%add3A_110, %and3A_158] : memref<320x64xi32, #tpu.memory_space<vmem>>[vector<16xi32>, vector<16xi32>], vector<16xi32>,
      %bitcast3A_161 = vector.bitcast %gather3A_159 : vector<16xi32> to vector<32xbf16>
      %bitcast3A_162 = vector.bitcast %gather3A_160 : vector<16xi32> to vector<32xbf16>
      %mul3A_163 = arith.mulf %bitcast3A_161, %bitcast3A_162 : vector<32xbf16>
      %add3A_164 = arith.addf %add3A_152, %mul3A_163 : vector<32xbf16>
      %add3A_165 = arith.constant 1 : i32
      %add3A_166 = vector.broadcast %add3A_165 : i32 to vector<16xi32>
      %add3A_167 = arith.addi %and3A_158, %add3A_166 : vector<16xi32>
      %and3A_168 = arith.constant 63 : i32
      %and3A_169 = vector.broadcast %and3A_168 : i32 to vector<16xi32>
      %and3A_170 = arith.andi %add3A_167, %and3A_169 : vector<16xi32>
      %gather3A_171 = tpu.vector_load_idx %arg8[%add3A_110, %and3A_170] : memref<320x64xi32, #tpu.memory_space<vmem>>[vector<16xi32>, vector<16xi32>], vector<16xi32>,
      %gather3A_172 = tpu.vector_load_idx %arg9[%add3A_110, %and3A_170] : memref<320x64xi32, #tpu.memory_space<vmem>>[vector<16xi32>, vector<16xi32>], vector<16xi32>,
      %bitcast3A_173 = vector.bitcast %gather3A_171 : vector<16xi32> to vector<32xbf16>
      %bitcast3A_174 = vector.bitcast %gather3A_172 : vector<16xi32> to vector<32xbf16>
      %mul3A_175 = arith.mulf %bitcast3A_173, %bitcast3A_174 : vector<32xbf16>
      %add3A_176 = arith.addf %add3A_164, %mul3A_175 : vector<32xbf16>
      %add3A_177 = arith.constant 1 : i32
      %add3A_178 = vector.broadcast %add3A_177 : i32 to vector<16xi32>
      %add3A_179 = arith.addi %and3A_170, %add3A_178 : vector<16xi32>
      %and3A_180 = arith.constant 63 : i32
      %and3A_181 = vector.broadcast %and3A_180 : i32 to vector<16xi32>
      %and3A_182 = arith.andi %add3A_179, %and3A_181 : vector<16xi32>
      %gather3A_183 = tpu.vector_load_idx %arg8[%add3A_110, %and3A_182] : memref<320x64xi32, #tpu.memory_space<vmem>>[vector<16xi32>, vector<16xi32>], vector<16xi32>,
      %gather3A_184 = tpu.vector_load_idx %arg9[%add3A_110, %and3A_182] : memref<320x64xi32, #tpu.memory_space<vmem>>[vector<16xi32>, vector<16xi32>], vector<16xi32>,
      %bitcast3A_185 = vector.bitcast %gather3A_183 : vector<16xi32> to vector<32xbf16>
      %bitcast3A_186 = vector.bitcast %gather3A_184 : vector<16xi32> to vector<32xbf16>
      %mul3A_187 = arith.mulf %bitcast3A_185, %bitcast3A_186 : vector<32xbf16>
      %add3A_188 = arith.addf %add3A_176, %mul3A_187 : vector<32xbf16>
      %add3A_189 = arith.constant 1 : i32
      %add3A_190 = vector.broadcast %add3A_189 : i32 to vector<16xi32>
      %add3A_191 = arith.addi %and3A_182, %add3A_190 : vector<16xi32>
      %and3A_192 = arith.constant 63 : i32
      %and3A_193 = vector.broadcast %and3A_192 : i32 to vector<16xi32>
      %and3A_194 = arith.andi %add3A_191, %and3A_193 : vector<16xi32>
      %gather3A_195 = tpu.vector_load_idx %arg8[%add3A_110, %and3A_194] : memref<320x64xi32, #tpu.memory_space<vmem>>[vector<16xi32>, vector<16xi32>], vector<16xi32>,
      %gather3A_196 = tpu.vector_load_idx %arg9[%add3A_110, %and3A_194] : memref<320x64xi32, #tpu.memory_space<vmem>>[vector<16xi32>, vector<16xi32>], vector<16xi32>,
      %bitcast3A_197 = vector.bitcast %gather3A_195 : vector<16xi32> to vector<32xbf16>
      %bitcast3A_198 = vector.bitcast %gather3A_196 : vector<16xi32> to vector<32xbf16>
      %mul3A_199 = arith.mulf %bitcast3A_197, %bitcast3A_198 : vector<32xbf16>
      %add3A_200 = arith.addf %add3A_188, %mul3A_199 : vector<32xbf16>
      %add3A_201 = arith.constant 1 : i32
      %add3A_202 = vector.broadcast %add3A_201 : i32 to vector<16xi32>
      %add3A_203 = arith.addi %and3A_194, %add3A_202 : vector<16xi32>
      %and3A_204 = arith.constant 63 : i32
      %and3A_205 = vector.broadcast %and3A_204 : i32 to vector<16xi32>
      %and3A_206 = arith.andi %add3A_203, %and3A_205 : vector<16xi32>
      %gather3A_207 = tpu.vector_load_idx %arg8[%add3A_110, %and3A_206] : memref<320x64xi32, #tpu.memory_space<vmem>>[vector<16xi32>, vector<16xi32>], vector<16xi32>,
      %gather3A_208 = tpu.vector_load_idx %arg9[%add3A_110, %and3A_206] : memref<320x64xi32, #tpu.memory_space<vmem>>[vector<16xi32>, vector<16xi32>], vector<16xi32>,
      %bitcast3A_209 = vector.bitcast %gather3A_207 : vector<16xi32> to vector<32xbf16>
      %bitcast3A_210 = vector.bitcast %gather3A_208 : vector<16xi32> to vector<32xbf16>
      %mul3A_211 = arith.mulf %bitcast3A_209, %bitcast3A_210 : vector<32xbf16>
      %add3A_212 = arith.addf %add3A_200, %mul3A_211 : vector<32xbf16>
      %add3A_213 = arith.constant 1 : i32
      %add3A_214 = vector.broadcast %add3A_213 : i32 to vector<16xi32>
      %add3A_215 = arith.addi %and3A_206, %add3A_214 : vector<16xi32>
      %and3A_216 = arith.constant 63 : i32
      %and3A_217 = vector.broadcast %and3A_216 : i32 to vector<16xi32>
      %and3A_218 = arith.andi %add3A_215, %and3A_217 : vector<16xi32>
      %gather3A_219 = tpu.vector_load_idx %arg8[%add3A_110, %and3A_218] : memref<320x64xi32, #tpu.memory_space<vmem>>[vector<16xi32>, vector<16xi32>], vector<16xi32>,
      %gather3A_220 = tpu.vector_load_idx %arg9[%add3A_110, %and3A_218] : memref<320x64xi32, #tpu.memory_space<vmem>>[vector<16xi32>, vector<16xi32>], vector<16xi32>,
      %bitcast3A_221 = vector.bitcast %gather3A_219 : vector<16xi32> to vector<32xbf16>
      %bitcast3A_222 = vector.bitcast %gather3A_220 : vector<16xi32> to vector<32xbf16>
      %mul3A_223 = arith.mulf %bitcast3A_221, %bitcast3A_222 : vector<32xbf16>
      %add3A_224 = arith.addf %add3A_212, %mul3A_223 : vector<32xbf16>
      %add3A_225 = arith.constant 1 : i32
      %add3A_226 = vector.broadcast %add3A_225 : i32 to vector<16xi32>
      %add3A_227 = arith.addi %and3A_218, %add3A_226 : vector<16xi32>
      %and3A_228 = arith.constant 63 : i32
      %and3A_229 = vector.broadcast %and3A_228 : i32 to vector<16xi32>
      %and3A_230 = arith.andi %add3A_227, %and3A_229 : vector<16xi32>
      %gather3A_231 = tpu.vector_load_idx %arg8[%add3A_110, %and3A_230] : memref<320x64xi32, #tpu.memory_space<vmem>>[vector<16xi32>, vector<16xi32>], vector<16xi32>,
      %gather3A_232 = tpu.vector_load_idx %arg9[%add3A_110, %and3A_230] : memref<320x64xi32, #tpu.memory_space<vmem>>[vector<16xi32>, vector<16xi32>], vector<16xi32>,
      %bitcast3A_233 = vector.bitcast %gather3A_231 : vector<16xi32> to vector<32xbf16>
      %bitcast3A_234 = vector.bitcast %gather3A_232 : vector<16xi32> to vector<32xbf16>
      %mul3A_235 = arith.mulf %bitcast3A_233, %bitcast3A_234 : vector<32xbf16>
      %add3A_236 = arith.addf %add3A_224, %mul3A_235 : vector<32xbf16>
      %add3A_237 = arith.constant 1 : i32
      %add3A_238 = vector.broadcast %add3A_237 : i32 to vector<16xi32>
      %add3A_239 = arith.addi %and3A_230, %add3A_238 : vector<16xi32>
      %and3A_240 = arith.constant 63 : i32
      %and3A_241 = vector.broadcast %and3A_240 : i32 to vector<16xi32>
      %and3A_242 = arith.andi %add3A_239, %and3A_241 : vector<16xi32>
      %gather3A_243 = tpu.vector_load_idx %arg8[%add3A_110, %and3A_242] : memref<320x64xi32, #tpu.memory_space<vmem>>[vector<16xi32>, vector<16xi32>], vector<16xi32>,
      %gather3A_244 = tpu.vector_load_idx %arg9[%add3A_110, %and3A_242] : memref<320x64xi32, #tpu.memory_space<vmem>>[vector<16xi32>, vector<16xi32>], vector<16xi32>,
      %bitcast3A_245 = vector.bitcast %gather3A_243 : vector<16xi32> to vector<32xbf16>
      %bitcast3A_246 = vector.bitcast %gather3A_244 : vector<16xi32> to vector<32xbf16>
      %mul3A_247 = arith.mulf %bitcast3A_245, %bitcast3A_246 : vector<32xbf16>
      %add3A_248 = arith.addf %add3A_236, %mul3A_247 : vector<32xbf16>
      %add3A_249 = arith.constant 1 : i32
      %add3A_250 = vector.broadcast %add3A_249 : i32 to vector<16xi32>
      %add3A_251 = arith.addi %and3A_242, %add3A_250 : vector<16xi32>
      %and3A_252 = arith.constant 63 : i32
      %and3A_253 = vector.broadcast %and3A_252 : i32 to vector<16xi32>
      %and3A_254 = arith.andi %add3A_251, %and3A_253 : vector<16xi32>
      %gather3A_255 = tpu.vector_load_idx %arg8[%add3A_110, %and3A_254] : memref<320x64xi32, #tpu.memory_space<vmem>>[vector<16xi32>, vector<16xi32>], vector<16xi32>,
      %gather3A_256 = tpu.vector_load_idx %arg9[%add3A_110, %and3A_254] : memref<320x64xi32, #tpu.memory_space<vmem>>[vector<16xi32>, vector<16xi32>], vector<16xi32>,
      %bitcast3A_257 = vector.bitcast %gather3A_255 : vector<16xi32> to vector<32xbf16>
      %bitcast3A_258 = vector.bitcast %gather3A_256 : vector<16xi32> to vector<32xbf16>
      %mul3A_259 = arith.mulf %bitcast3A_257, %bitcast3A_258 : vector<32xbf16>
      %add3A_260 = arith.addf %add3A_248, %mul3A_259 : vector<32xbf16>
      %add3A_261 = arith.constant 1 : i32
      %add3A_262 = vector.broadcast %add3A_261 : i32 to vector<16xi32>
      %add3A_263 = arith.addi %and3A_254, %add3A_262 : vector<16xi32>
      %and3A_264 = arith.constant 63 : i32
      %and3A_265 = vector.broadcast %and3A_264 : i32 to vector<16xi32>
      %and3A_266 = arith.andi %add3A_263, %and3A_265 : vector<16xi32>
      %gather3A_267 = tpu.vector_load_idx %arg8[%add3A_110, %and3A_266] : memref<320x64xi32, #tpu.memory_space<vmem>>[vector<16xi32>, vector<16xi32>], vector<16xi32>,
      %gather3A_268 = tpu.vector_load_idx %arg9[%add3A_110, %and3A_266] : memref<320x64xi32, #tpu.memory_space<vmem>>[vector<16xi32>, vector<16xi32>], vector<16xi32>,
      %bitcast3A_269 = vector.bitcast %gather3A_267 : vector<16xi32> to vector<32xbf16>
      %bitcast3A_270 = vector.bitcast %gather3A_268 : vector<16xi32> to vector<32xbf16>
      %mul3A_271 = arith.mulf %bitcast3A_269, %bitcast3A_270 : vector<32xbf16>
      %add3A_272 = arith.addf %add3A_260, %mul3A_271 : vector<32xbf16>
      %add3A_273 = arith.constant 1 : i32
      %add3A_274 = vector.broadcast %add3A_273 : i32 to vector<16xi32>
      %add3A_275 = arith.addi %and3A_266, %add3A_274 : vector<16xi32>
      %and3A_276 = arith.constant 63 : i32
      %and3A_277 = vector.broadcast %and3A_276 : i32 to vector<16xi32>
      %and3A_278 = arith.andi %add3A_275, %and3A_277 : vector<16xi32>
      %gather3A_279 = tpu.vector_load_idx %arg8[%add3A_110, %and3A_278] : memref<320x64xi32, #tpu.memory_space<vmem>>[vector<16xi32>, vector<16xi32>], vector<16xi32>,
      %gather3A_280 = tpu.vector_load_idx %arg9[%add3A_110, %and3A_278] : memref<320x64xi32, #tpu.memory_space<vmem>>[vector<16xi32>, vector<16xi32>], vector<16xi32>,
      %bitcast3A_281 = vector.bitcast %gather3A_279 : vector<16xi32> to vector<32xbf16>
      %bitcast3A_282 = vector.bitcast %gather3A_280 : vector<16xi32> to vector<32xbf16>
      %mul3A_283 = arith.mulf %bitcast3A_281, %bitcast3A_282 : vector<32xbf16>
      %add3A_284 = arith.addf %add3A_272, %mul3A_283 : vector<32xbf16>
      %add3A_285 = arith.constant 1 : i32
      %add3A_286 = vector.broadcast %add3A_285 : i32 to vector<16xi32>
      %add3A_287 = arith.addi %and3A_278, %add3A_286 : vector<16xi32>
      %and3A_288 = arith.constant 63 : i32
      %and3A_289 = vector.broadcast %and3A_288 : i32 to vector<16xi32>
      %and3A_290 = arith.andi %add3A_287, %and3A_289 : vector<16xi32>
      %gather3A_291 = tpu.vector_load_idx %arg8[%add3A_110, %and3A_290] : memref<320x64xi32, #tpu.memory_space<vmem>>[vector<16xi32>, vector<16xi32>], vector<16xi32>,
      %gather3A_292 = tpu.vector_load_idx %arg9[%add3A_110, %and3A_290] : memref<320x64xi32, #tpu.memory_space<vmem>>[vector<16xi32>, vector<16xi32>], vector<16xi32>,
      %bitcast3A_293 = vector.bitcast %gather3A_291 : vector<16xi32> to vector<32xbf16>
      %bitcast3A_294 = vector.bitcast %gather3A_292 : vector<16xi32> to vector<32xbf16>
      %mul3A_295 = arith.mulf %bitcast3A_293, %bitcast3A_294 : vector<32xbf16>
      %add3A_296 = arith.addf %add3A_284, %mul3A_295 : vector<32xbf16>
      %add3A_297 = arith.constant 1 : i32
      %add3A_298 = vector.broadcast %add3A_297 : i32 to vector<16xi32>
      %add3A_299 = arith.addi %and3A_290, %add3A_298 : vector<16xi32>
      %and3A_300 = arith.constant 63 : i32
      %and3A_301 = vector.broadcast %and3A_300 : i32 to vector<16xi32>
      %and3A_302 = arith.andi %add3A_299, %and3A_301 : vector<16xi32>
      %gather3A_303 = tpu.vector_load_idx %arg8[%add3A_110, %and3A_302] : memref<320x64xi32, #tpu.memory_space<vmem>>[vector<16xi32>, vector<16xi32>], vector<16xi32>,
      %gather3A_304 = tpu.vector_load_idx %arg9[%add3A_110, %and3A_302] : memref<320x64xi32, #tpu.memory_space<vmem>>[vector<16xi32>, vector<16xi32>], vector<16xi32>,
      %bitcast3A_305 = vector.bitcast %gather3A_303 : vector<16xi32> to vector<32xbf16>
      %bitcast3A_306 = vector.bitcast %gather3A_304 : vector<16xi32> to vector<32xbf16>
      %mul3A_307 = arith.mulf %bitcast3A_305, %bitcast3A_306 : vector<32xbf16>
      %add3A_308 = arith.addf %add3A_296, %mul3A_307 : vector<32xbf16>
      %add3A_309 = arith.constant 1 : i32
      %add3A_310 = vector.broadcast %add3A_309 : i32 to vector<16xi32>
      %add3A_311 = arith.addi %and3A_302, %add3A_310 : vector<16xi32>
      %and3A_312 = arith.constant 63 : i32
      %and3A_313 = vector.broadcast %and3A_312 : i32 to vector<16xi32>
      %and3A_314 = arith.andi %add3A_311, %and3A_313 : vector<16xi32>
      %gather3A_315 = tpu.vector_load_idx %arg8[%add3A_110, %and3A_314] : memref<320x64xi32, #tpu.memory_space<vmem>>[vector<16xi32>, vector<16xi32>], vector<16xi32>,
      %gather3A_316 = tpu.vector_load_idx %arg9[%add3A_110, %and3A_314] : memref<320x64xi32, #tpu.memory_space<vmem>>[vector<16xi32>, vector<16xi32>], vector<16xi32>,
      %bitcast3A_317 = vector.bitcast %gather3A_315 : vector<16xi32> to vector<32xbf16>
      %bitcast3A_318 = vector.bitcast %gather3A_316 : vector<16xi32> to vector<32xbf16>
      %mul3A_319 = arith.mulf %bitcast3A_317, %bitcast3A_318 : vector<32xbf16>
      %add3A_320 = arith.addf %add3A_308, %mul3A_319 : vector<32xbf16>
      %add3A_321 = arith.constant 1 : i32
      %add3A_322 = vector.broadcast %add3A_321 : i32 to vector<16xi32>
      %add3A_323 = arith.addi %and3A_314, %add3A_322 : vector<16xi32>
      %and3A_324 = arith.constant 63 : i32
      %and3A_325 = vector.broadcast %and3A_324 : i32 to vector<16xi32>
      %and3A_326 = arith.andi %add3A_323, %and3A_325 : vector<16xi32>
      %gather3A_327 = tpu.vector_load_idx %arg8[%add3A_110, %and3A_326] : memref<320x64xi32, #tpu.memory_space<vmem>>[vector<16xi32>, vector<16xi32>], vector<16xi32>,
      %gather3A_328 = tpu.vector_load_idx %arg9[%add3A_110, %and3A_326] : memref<320x64xi32, #tpu.memory_space<vmem>>[vector<16xi32>, vector<16xi32>], vector<16xi32>,
      %bitcast3A_329 = vector.bitcast %gather3A_327 : vector<16xi32> to vector<32xbf16>
      %bitcast3A_330 = vector.bitcast %gather3A_328 : vector<16xi32> to vector<32xbf16>
      %mul3A_331 = arith.mulf %bitcast3A_329, %bitcast3A_330 : vector<32xbf16>
      %add3A_332 = arith.addf %add3A_320, %mul3A_331 : vector<32xbf16>
      %add3A_333 = arith.constant 1 : i32
      %add3A_334 = vector.broadcast %add3A_333 : i32 to vector<16xi32>
      %add3A_335 = arith.addi %and3A_326, %add3A_334 : vector<16xi32>
      %and3A_336 = arith.constant 63 : i32
      %and3A_337 = vector.broadcast %and3A_336 : i32 to vector<16xi32>
      %and3A_338 = arith.andi %add3A_335, %and3A_337 : vector<16xi32>
      %gather3A_339 = tpu.vector_load_idx %arg8[%add3A_110, %and3A_338] : memref<320x64xi32, #tpu.memory_space<vmem>>[vector<16xi32>, vector<16xi32>], vector<16xi32>,
      %gather3A_340 = tpu.vector_load_idx %arg9[%add3A_110, %and3A_338] : memref<320x64xi32, #tpu.memory_space<vmem>>[vector<16xi32>, vector<16xi32>], vector<16xi32>,
      %bitcast3A_341 = vector.bitcast %gather3A_339 : vector<16xi32> to vector<32xbf16>
      %bitcast3A_342 = vector.bitcast %gather3A_340 : vector<16xi32> to vector<32xbf16>
      %mul3A_343 = arith.mulf %bitcast3A_341, %bitcast3A_342 : vector<32xbf16>
      %add3A_344 = arith.addf %add3A_332, %mul3A_343 : vector<32xbf16>
      %add3A_345 = arith.constant 1 : i32
      %add3A_346 = vector.broadcast %add3A_345 : i32 to vector<16xi32>
      %add3A_347 = arith.addi %and3A_338, %add3A_346 : vector<16xi32>
      %and3A_348 = arith.constant 63 : i32
      %and3A_349 = vector.broadcast %and3A_348 : i32 to vector<16xi32>
      %and3A_350 = arith.andi %add3A_347, %and3A_349 : vector<16xi32>
      %gather3A_351 = tpu.vector_load_idx %arg8[%add3A_110, %and3A_350] : memref<320x64xi32, #tpu.memory_space<vmem>>[vector<16xi32>, vector<16xi32>], vector<16xi32>,
      %gather3A_352 = tpu.vector_load_idx %arg9[%add3A_110, %and3A_350] : memref<320x64xi32, #tpu.memory_space<vmem>>[vector<16xi32>, vector<16xi32>], vector<16xi32>,
      %bitcast3A_353 = vector.bitcast %gather3A_351 : vector<16xi32> to vector<32xbf16>
      %bitcast3A_354 = vector.bitcast %gather3A_352 : vector<16xi32> to vector<32xbf16>
      %mul3A_355 = arith.mulf %bitcast3A_353, %bitcast3A_354 : vector<32xbf16>
      %add3A_356 = arith.addf %add3A_344, %mul3A_355 : vector<32xbf16>
      %add3A_357 = arith.constant 1 : i32
      %add3A_358 = vector.broadcast %add3A_357 : i32 to vector<16xi32>
      %add3A_359 = arith.addi %and3A_350, %add3A_358 : vector<16xi32>
      %and3A_360 = arith.constant 63 : i32
      %and3A_361 = vector.broadcast %and3A_360 : i32 to vector<16xi32>
      %and3A_362 = arith.andi %add3A_359, %and3A_361 : vector<16xi32>
      %gather3A_363 = tpu.vector_load_idx %arg8[%add3A_110, %and3A_362] : memref<320x64xi32, #tpu.memory_space<vmem>>[vector<16xi32>, vector<16xi32>], vector<16xi32>,
      %gather3A_364 = tpu.vector_load_idx %arg9[%add3A_110, %and3A_362] : memref<320x64xi32, #tpu.memory_space<vmem>>[vector<16xi32>, vector<16xi32>], vector<16xi32>,
      %bitcast3A_365 = vector.bitcast %gather3A_363 : vector<16xi32> to vector<32xbf16>
      %bitcast3A_366 = vector.bitcast %gather3A_364 : vector<16xi32> to vector<32xbf16>
      %mul3A_367 = arith.mulf %bitcast3A_365, %bitcast3A_366 : vector<32xbf16>
      %add3A_368 = arith.addf %add3A_356, %mul3A_367 : vector<32xbf16>
      %add3A_369 = arith.constant 1 : i32
      %add3A_370 = vector.broadcast %add3A_369 : i32 to vector<16xi32>
      %add3A_371 = arith.addi %and3A_362, %add3A_370 : vector<16xi32>
      %and3A_372 = arith.constant 63 : i32
      %and3A_373 = vector.broadcast %and3A_372 : i32 to vector<16xi32>
      %and3A_374 = arith.andi %add3A_371, %and3A_373 : vector<16xi32>
      %gather3A_375 = tpu.vector_load_idx %arg8[%add3A_110, %and3A_374] : memref<320x64xi32, #tpu.memory_space<vmem>>[vector<16xi32>, vector<16xi32>], vector<16xi32>,
      %gather3A_376 = tpu.vector_load_idx %arg9[%add3A_110, %and3A_374] : memref<320x64xi32, #tpu.memory_space<vmem>>[vector<16xi32>, vector<16xi32>], vector<16xi32>,
      %bitcast3A_377 = vector.bitcast %gather3A_375 : vector<16xi32> to vector<32xbf16>
      %bitcast3A_378 = vector.bitcast %gather3A_376 : vector<16xi32> to vector<32xbf16>
      %mul3A_379 = arith.mulf %bitcast3A_377, %bitcast3A_378 : vector<32xbf16>
      %add3A_380 = arith.addf %add3A_368, %mul3A_379 : vector<32xbf16>
      %add3A_381 = arith.constant 1 : i32
      %add3A_382 = vector.broadcast %add3A_381 : i32 to vector<16xi32>
      %add3A_383 = arith.addi %and3A_374, %add3A_382 : vector<16xi32>
      %and3A_384 = arith.constant 63 : i32
      %and3A_385 = vector.broadcast %and3A_384 : i32 to vector<16xi32>
      %and3A_386 = arith.andi %add3A_383, %and3A_385 : vector<16xi32>
      %gather3A_387 = tpu.vector_load_idx %arg8[%add3A_110, %and3A_386] : memref<320x64xi32, #tpu.memory_space<vmem>>[vector<16xi32>, vector<16xi32>], vector<16xi32>,
      %gather3A_388 = tpu.vector_load_idx %arg9[%add3A_110, %and3A_386] : memref<320x64xi32, #tpu.memory_space<vmem>>[vector<16xi32>, vector<16xi32>], vector<16xi32>,
      %bitcast3A_389 = vector.bitcast %gather3A_387 : vector<16xi32> to vector<32xbf16>
      %bitcast3A_390 = vector.bitcast %gather3A_388 : vector<16xi32> to vector<32xbf16>
      %mul3A_391 = arith.mulf %bitcast3A_389, %bitcast3A_390 : vector<32xbf16>
      %add3A_392 = arith.addf %add3A_380, %mul3A_391 : vector<32xbf16>
      %add3A_393 = arith.constant 1 : i32
      %add3A_394 = vector.broadcast %add3A_393 : i32 to vector<16xi32>
      %add3A_395 = arith.addi %and3A_386, %add3A_394 : vector<16xi32>
      %and3A_396 = arith.constant 63 : i32
      %and3A_397 = vector.broadcast %and3A_396 : i32 to vector<16xi32>
      %and3A_398 = arith.andi %add3A_395, %and3A_397 : vector<16xi32>
      %gather3A_399 = tpu.vector_load_idx %arg8[%add3A_110, %and3A_398] : memref<320x64xi32, #tpu.memory_space<vmem>>[vector<16xi32>, vector<16xi32>], vector<16xi32>,
      %gather3A_400 = tpu.vector_load_idx %arg9[%add3A_110, %and3A_398] : memref<320x64xi32, #tpu.memory_space<vmem>>[vector<16xi32>, vector<16xi32>], vector<16xi32>,
      %bitcast3A_401 = vector.bitcast %gather3A_399 : vector<16xi32> to vector<32xbf16>
      %bitcast3A_402 = vector.bitcast %gather3A_400 : vector<16xi32> to vector<32xbf16>
      %mul3A_403 = arith.mulf %bitcast3A_401, %bitcast3A_402 : vector<32xbf16>
      %add3A_404 = arith.addf %add3A_392, %mul3A_403 : vector<32xbf16>
      %add3A_405 = arith.constant 1 : i32
      %add3A_406 = vector.broadcast %add3A_405 : i32 to vector<16xi32>
      %add3A_407 = arith.addi %and3A_398, %add3A_406 : vector<16xi32>
      %and3A_408 = arith.constant 63 : i32
      %and3A_409 = vector.broadcast %and3A_408 : i32 to vector<16xi32>
      %and3A_410 = arith.andi %add3A_407, %and3A_409 : vector<16xi32>
      %gather3A_411 = tpu.vector_load_idx %arg8[%add3A_110, %and3A_410] : memref<320x64xi32, #tpu.memory_space<vmem>>[vector<16xi32>, vector<16xi32>], vector<16xi32>,
      %gather3A_412 = tpu.vector_load_idx %arg9[%add3A_110, %and3A_410] : memref<320x64xi32, #tpu.memory_space<vmem>>[vector<16xi32>, vector<16xi32>], vector<16xi32>,
      %bitcast3A_413 = vector.bitcast %gather3A_411 : vector<16xi32> to vector<32xbf16>
      %bitcast3A_414 = vector.bitcast %gather3A_412 : vector<16xi32> to vector<32xbf16>
      %mul3A_415 = arith.mulf %bitcast3A_413, %bitcast3A_414 : vector<32xbf16>
      %add3A_416 = arith.addf %add3A_404, %mul3A_415 : vector<32xbf16>
      %add3A_417 = arith.constant 1 : i32
      %add3A_418 = vector.broadcast %add3A_417 : i32 to vector<16xi32>
      %add3A_419 = arith.addi %and3A_410, %add3A_418 : vector<16xi32>
      %and3A_420 = arith.constant 63 : i32
      %and3A_421 = vector.broadcast %and3A_420 : i32 to vector<16xi32>
      %and3A_422 = arith.andi %add3A_419, %and3A_421 : vector<16xi32>
      %gather3A_423 = tpu.vector_load_idx %arg8[%add3A_110, %and3A_422] : memref<320x64xi32, #tpu.memory_space<vmem>>[vector<16xi32>, vector<16xi32>], vector<16xi32>,
      %gather3A_424 = tpu.vector_load_idx %arg9[%add3A_110, %and3A_422] : memref<320x64xi32, #tpu.memory_space<vmem>>[vector<16xi32>, vector<16xi32>], vector<16xi32>,
      %bitcast3A_425 = vector.bitcast %gather3A_423 : vector<16xi32> to vector<32xbf16>
      %bitcast3A_426 = vector.bitcast %gather3A_424 : vector<16xi32> to vector<32xbf16>
      %mul3A_427 = arith.mulf %bitcast3A_425, %bitcast3A_426 : vector<32xbf16>
      %add3A_428 = arith.addf %add3A_416, %mul3A_427 : vector<32xbf16>
      %add3A_429 = arith.constant 1 : i32
      %add3A_430 = vector.broadcast %add3A_429 : i32 to vector<16xi32>
      %add3A_431 = arith.addi %and3A_422, %add3A_430 : vector<16xi32>
      %and3A_432 = arith.constant 63 : i32
      %and3A_433 = vector.broadcast %and3A_432 : i32 to vector<16xi32>
      %and3A_434 = arith.andi %add3A_431, %and3A_433 : vector<16xi32>
      %gather3A_435 = tpu.vector_load_idx %arg8[%add3A_110, %and3A_434] : memref<320x64xi32, #tpu.memory_space<vmem>>[vector<16xi32>, vector<16xi32>], vector<16xi32>,
      %gather3A_436 = tpu.vector_load_idx %arg9[%add3A_110, %and3A_434] : memref<320x64xi32, #tpu.memory_space<vmem>>[vector<16xi32>, vector<16xi32>], vector<16xi32>,
      %bitcast3A_437 = vector.bitcast %gather3A_435 : vector<16xi32> to vector<32xbf16>
      %bitcast3A_438 = vector.bitcast %gather3A_436 : vector<16xi32> to vector<32xbf16>
      %mul3A_439 = arith.mulf %bitcast3A_437, %bitcast3A_438 : vector<32xbf16>
      %add3A_440 = arith.addf %add3A_428, %mul3A_439 : vector<32xbf16>
      %add3A_441 = arith.constant 1 : i32
      %add3A_442 = vector.broadcast %add3A_441 : i32 to vector<16xi32>
      %add3A_443 = arith.addi %and3A_434, %add3A_442 : vector<16xi32>
      %and3A_444 = arith.constant 63 : i32
      %and3A_445 = vector.broadcast %and3A_444 : i32 to vector<16xi32>
      %and3A_446 = arith.andi %add3A_443, %and3A_445 : vector<16xi32>
      %gather3A_447 = tpu.vector_load_idx %arg8[%add3A_110, %and3A_446] : memref<320x64xi32, #tpu.memory_space<vmem>>[vector<16xi32>, vector<16xi32>], vector<16xi32>,
      %gather3A_448 = tpu.vector_load_idx %arg9[%add3A_110, %and3A_446] : memref<320x64xi32, #tpu.memory_space<vmem>>[vector<16xi32>, vector<16xi32>], vector<16xi32>,
      %bitcast3A_449 = vector.bitcast %gather3A_447 : vector<16xi32> to vector<32xbf16>
      %bitcast3A_450 = vector.bitcast %gather3A_448 : vector<16xi32> to vector<32xbf16>
      %mul3A_451 = arith.mulf %bitcast3A_449, %bitcast3A_450 : vector<32xbf16>
      %add3A_452 = arith.addf %add3A_440, %mul3A_451 : vector<32xbf16>
      %add3A_453 = arith.constant 1 : i32
      %add3A_454 = vector.broadcast %add3A_453 : i32 to vector<16xi32>
      %add3A_455 = arith.addi %and3A_446, %add3A_454 : vector<16xi32>
      %and3A_456 = arith.constant 63 : i32
      %and3A_457 = vector.broadcast %and3A_456 : i32 to vector<16xi32>
      %and3A_458 = arith.andi %add3A_455, %and3A_457 : vector<16xi32>
      %gather3A_459 = tpu.vector_load_idx %arg8[%add3A_110, %and3A_458] : memref<320x64xi32, #tpu.memory_space<vmem>>[vector<16xi32>, vector<16xi32>], vector<16xi32>,
      %gather3A_460 = tpu.vector_load_idx %arg9[%add3A_110, %and3A_458] : memref<320x64xi32, #tpu.memory_space<vmem>>[vector<16xi32>, vector<16xi32>], vector<16xi32>,
      %bitcast3A_461 = vector.bitcast %gather3A_459 : vector<16xi32> to vector<32xbf16>
      %bitcast3A_462 = vector.bitcast %gather3A_460 : vector<16xi32> to vector<32xbf16>
      %mul3A_463 = arith.mulf %bitcast3A_461, %bitcast3A_462 : vector<32xbf16>
      %add3A_464 = arith.addf %add3A_452, %mul3A_463 : vector<32xbf16>
      %add3A_465 = arith.constant 1 : i32
      %add3A_466 = vector.broadcast %add3A_465 : i32 to vector<16xi32>
      %add3A_467 = arith.addi %and3A_458, %add3A_466 : vector<16xi32>
      %and3A_468 = arith.constant 63 : i32
      %and3A_469 = vector.broadcast %and3A_468 : i32 to vector<16xi32>
      %and3A_470 = arith.andi %add3A_467, %and3A_469 : vector<16xi32>
      %gather3A_471 = tpu.vector_load_idx %arg8[%add3A_110, %and3A_470] : memref<320x64xi32, #tpu.memory_space<vmem>>[vector<16xi32>, vector<16xi32>], vector<16xi32>,
      %gather3A_472 = tpu.vector_load_idx %arg9[%add3A_110, %and3A_470] : memref<320x64xi32, #tpu.memory_space<vmem>>[vector<16xi32>, vector<16xi32>], vector<16xi32>,
      %bitcast3A_473 = vector.bitcast %gather3A_471 : vector<16xi32> to vector<32xbf16>
      %bitcast3A_474 = vector.bitcast %gather3A_472 : vector<16xi32> to vector<32xbf16>
      %mul3A_475 = arith.mulf %bitcast3A_473, %bitcast3A_474 : vector<32xbf16>
      %add3A_476 = arith.addf %add3A_464, %mul3A_475 : vector<32xbf16>
      %add3A_477 = arith.constant 1 : i32
      %add3A_478 = vector.broadcast %add3A_477 : i32 to vector<16xi32>
      %add3A_479 = arith.addi %and3A_470, %add3A_478 : vector<16xi32>
      %and3A_480 = arith.constant 63 : i32
      %and3A_481 = vector.broadcast %and3A_480 : i32 to vector<16xi32>
      %and3A_482 = arith.andi %add3A_479, %and3A_481 : vector<16xi32>
      %gather3A_483 = tpu.vector_load_idx %arg8[%add3A_110, %and3A_482] : memref<320x64xi32, #tpu.memory_space<vmem>>[vector<16xi32>, vector<16xi32>], vector<16xi32>,
      %gather3A_484 = tpu.vector_load_idx %arg9[%add3A_110, %and3A_482] : memref<320x64xi32, #tpu.memory_space<vmem>>[vector<16xi32>, vector<16xi32>], vector<16xi32>,
      %bitcast3A_485 = vector.bitcast %gather3A_483 : vector<16xi32> to vector<32xbf16>
      %bitcast3A_486 = vector.bitcast %gather3A_484 : vector<16xi32> to vector<32xbf16>
      %mul3A_487 = arith.mulf %bitcast3A_485, %bitcast3A_486 : vector<32xbf16>
      %add3A_488 = arith.addf %add3A_476, %mul3A_487 : vector<32xbf16>
      %add3A_489 = arith.constant 1 : i32
      %add3A_490 = vector.broadcast %add3A_489 : i32 to vector<16xi32>
      %add3A_491 = arith.addi %and3A_482, %add3A_490 : vector<16xi32>
      %and3A_492 = arith.constant 63 : i32
      %and3A_493 = vector.broadcast %and3A_492 : i32 to vector<16xi32>
      %and3A_494 = arith.andi %add3A_491, %and3A_493 : vector<16xi32>
      %gather3A_495 = tpu.vector_load_idx %arg8[%add3A_110, %and3A_494] : memref<320x64xi32, #tpu.memory_space<vmem>>[vector<16xi32>, vector<16xi32>], vector<16xi32>,
      %gather3A_496 = tpu.vector_load_idx %arg9[%add3A_110, %and3A_494] : memref<320x64xi32, #tpu.memory_space<vmem>>[vector<16xi32>, vector<16xi32>], vector<16xi32>,
      %bitcast3A_497 = vector.bitcast %gather3A_495 : vector<16xi32> to vector<32xbf16>
      %bitcast3A_498 = vector.bitcast %gather3A_496 : vector<16xi32> to vector<32xbf16>
      %mul3A_499 = arith.mulf %bitcast3A_497, %bitcast3A_498 : vector<32xbf16>
      %add3A_500 = arith.addf %add3A_488, %mul3A_499 : vector<32xbf16>
      %add3A_501 = arith.constant 1 : i32
      %add3A_502 = vector.broadcast %add3A_501 : i32 to vector<16xi32>
      %add3A_503 = arith.addi %and3A_494, %add3A_502 : vector<16xi32>
      %and3A_504 = arith.constant 63 : i32
      %and3A_505 = vector.broadcast %and3A_504 : i32 to vector<16xi32>
      %and3A_506 = arith.andi %add3A_503, %and3A_505 : vector<16xi32>
      %gather3A_507 = tpu.vector_load_idx %arg8[%add3A_110, %and3A_506] : memref<320x64xi32, #tpu.memory_space<vmem>>[vector<16xi32>, vector<16xi32>], vector<16xi32>,
      %gather3A_508 = tpu.vector_load_idx %arg9[%add3A_110, %and3A_506] : memref<320x64xi32, #tpu.memory_space<vmem>>[vector<16xi32>, vector<16xi32>], vector<16xi32>,
      %bitcast3A_509 = vector.bitcast %gather3A_507 : vector<16xi32> to vector<32xbf16>
      %bitcast3A_510 = vector.bitcast %gather3A_508 : vector<16xi32> to vector<32xbf16>
      %mul3A_511 = arith.mulf %bitcast3A_509, %bitcast3A_510 : vector<32xbf16>
      %add3A_512 = arith.addf %add3A_500, %mul3A_511 : vector<32xbf16>
      %add3A_513 = arith.constant 1 : i32
      %add3A_514 = vector.broadcast %add3A_513 : i32 to vector<16xi32>
      %add3A_515 = arith.addi %and3A_506, %add3A_514 : vector<16xi32>
      %and3A_516 = arith.constant 63 : i32
      %and3A_517 = vector.broadcast %and3A_516 : i32 to vector<16xi32>
      %and3A_518 = arith.andi %add3A_515, %and3A_517 : vector<16xi32>
      %gather3A_519 = tpu.vector_load_idx %arg8[%add3A_110, %and3A_518] : memref<320x64xi32, #tpu.memory_space<vmem>>[vector<16xi32>, vector<16xi32>], vector<16xi32>,
      %gather3A_520 = tpu.vector_load_idx %arg9[%add3A_110, %and3A_518] : memref<320x64xi32, #tpu.memory_space<vmem>>[vector<16xi32>, vector<16xi32>], vector<16xi32>,
      %bitcast3A_521 = vector.bitcast %gather3A_519 : vector<16xi32> to vector<32xbf16>
      %bitcast3A_522 = vector.bitcast %gather3A_520 : vector<16xi32> to vector<32xbf16>
      %mul3A_523 = arith.mulf %bitcast3A_521, %bitcast3A_522 : vector<32xbf16>
      %add3A_524 = arith.addf %add3A_512, %mul3A_523 : vector<32xbf16>
      %add3A_525 = arith.constant 1 : i32
      %add3A_526 = vector.broadcast %add3A_525 : i32 to vector<16xi32>
      %add3A_527 = arith.addi %and3A_518, %add3A_526 : vector<16xi32>
      %and3A_528 = arith.constant 63 : i32
      %and3A_529 = vector.broadcast %and3A_528 : i32 to vector<16xi32>
      %and3A_530 = arith.andi %add3A_527, %and3A_529 : vector<16xi32>
      %gather3A_531 = tpu.vector_load_idx %arg8[%add3A_110, %and3A_530] : memref<320x64xi32, #tpu.memory_space<vmem>>[vector<16xi32>, vector<16xi32>], vector<16xi32>,
      %gather3A_532 = tpu.vector_load_idx %arg9[%add3A_110, %and3A_530] : memref<320x64xi32, #tpu.memory_space<vmem>>[vector<16xi32>, vector<16xi32>], vector<16xi32>,
      %bitcast3A_533 = vector.bitcast %gather3A_531 : vector<16xi32> to vector<32xbf16>
      %bitcast3A_534 = vector.bitcast %gather3A_532 : vector<16xi32> to vector<32xbf16>
      %mul3A_535 = arith.mulf %bitcast3A_533, %bitcast3A_534 : vector<32xbf16>
      %add3A_536 = arith.addf %add3A_524, %mul3A_535 : vector<32xbf16>
      %add3A_537 = arith.constant 1 : i32
      %add3A_538 = vector.broadcast %add3A_537 : i32 to vector<16xi32>
      %add3A_539 = arith.addi %and3A_530, %add3A_538 : vector<16xi32>
      %and3A_540 = arith.constant 63 : i32
      %and3A_541 = vector.broadcast %and3A_540 : i32 to vector<16xi32>
      %and3A_542 = arith.andi %add3A_539, %and3A_541 : vector<16xi32>
      %gather3A_543 = tpu.vector_load_idx %arg8[%add3A_110, %and3A_542] : memref<320x64xi32, #tpu.memory_space<vmem>>[vector<16xi32>, vector<16xi32>], vector<16xi32>,
      %gather3A_544 = tpu.vector_load_idx %arg9[%add3A_110, %and3A_542] : memref<320x64xi32, #tpu.memory_space<vmem>>[vector<16xi32>, vector<16xi32>], vector<16xi32>,
      %bitcast3A_545 = vector.bitcast %gather3A_543 : vector<16xi32> to vector<32xbf16>
      %bitcast3A_546 = vector.bitcast %gather3A_544 : vector<16xi32> to vector<32xbf16>
      %mul3A_547 = arith.mulf %bitcast3A_545, %bitcast3A_546 : vector<32xbf16>
      %add3A_548 = arith.addf %add3A_536, %mul3A_547 : vector<32xbf16>
      %add3A_549 = arith.constant 1 : i32
      %add3A_550 = vector.broadcast %add3A_549 : i32 to vector<16xi32>
      %add3A_551 = arith.addi %and3A_542, %add3A_550 : vector<16xi32>
      %and3A_552 = arith.constant 63 : i32
      %and3A_553 = vector.broadcast %and3A_552 : i32 to vector<16xi32>
      %and3A_554 = arith.andi %add3A_551, %and3A_553 : vector<16xi32>
      %gather3A_555 = tpu.vector_load_idx %arg8[%add3A_110, %and3A_554] : memref<320x64xi32, #tpu.memory_space<vmem>>[vector<16xi32>, vector<16xi32>], vector<16xi32>,
      %gather3A_556 = tpu.vector_load_idx %arg9[%add3A_110, %and3A_554] : memref<320x64xi32, #tpu.memory_space<vmem>>[vector<16xi32>, vector<16xi32>], vector<16xi32>,
      %bitcast3A_557 = vector.bitcast %gather3A_555 : vector<16xi32> to vector<32xbf16>
      %bitcast3A_558 = vector.bitcast %gather3A_556 : vector<16xi32> to vector<32xbf16>
      %mul3A_559 = arith.mulf %bitcast3A_557, %bitcast3A_558 : vector<32xbf16>
      %add3A_560 = arith.addf %add3A_548, %mul3A_559 : vector<32xbf16>
      %add3A_561 = arith.constant 1 : i32
      %add3A_562 = vector.broadcast %add3A_561 : i32 to vector<16xi32>
      %add3A_563 = arith.addi %and3A_554, %add3A_562 : vector<16xi32>
      %and3A_564 = arith.constant 63 : i32
      %and3A_565 = vector.broadcast %and3A_564 : i32 to vector<16xi32>
      %and3A_566 = arith.andi %add3A_563, %and3A_565 : vector<16xi32>
      %gather3A_567 = tpu.vector_load_idx %arg8[%add3A_110, %and3A_566] : memref<320x64xi32, #tpu.memory_space<vmem>>[vector<16xi32>, vector<16xi32>], vector<16xi32>,
      %gather3A_568 = tpu.vector_load_idx %arg9[%add3A_110, %and3A_566] : memref<320x64xi32, #tpu.memory_space<vmem>>[vector<16xi32>, vector<16xi32>], vector<16xi32>,
      %bitcast3A_569 = vector.bitcast %gather3A_567 : vector<16xi32> to vector<32xbf16>
      %bitcast3A_570 = vector.bitcast %gather3A_568 : vector<16xi32> to vector<32xbf16>
      %mul3A_571 = arith.mulf %bitcast3A_569, %bitcast3A_570 : vector<32xbf16>
      %add3A_572 = arith.addf %add3A_560, %mul3A_571 : vector<32xbf16>
      %add3A_573 = arith.constant 1 : i32
      %add3A_574 = vector.broadcast %add3A_573 : i32 to vector<16xi32>
      %add3A_575 = arith.addi %and3A_566, %add3A_574 : vector<16xi32>
      %and3A_576 = arith.constant 63 : i32
      %and3A_577 = vector.broadcast %and3A_576 : i32 to vector<16xi32>
      %and3A_578 = arith.andi %add3A_575, %and3A_577 : vector<16xi32>
      %gather3A_579 = tpu.vector_load_idx %arg8[%add3A_110, %and3A_578] : memref<320x64xi32, #tpu.memory_space<vmem>>[vector<16xi32>, vector<16xi32>], vector<16xi32>,
      %gather3A_580 = tpu.vector_load_idx %arg9[%add3A_110, %and3A_578] : memref<320x64xi32, #tpu.memory_space<vmem>>[vector<16xi32>, vector<16xi32>], vector<16xi32>,
      %bitcast3A_581 = vector.bitcast %gather3A_579 : vector<16xi32> to vector<32xbf16>
      %bitcast3A_582 = vector.bitcast %gather3A_580 : vector<16xi32> to vector<32xbf16>
      %mul3A_583 = arith.mulf %bitcast3A_581, %bitcast3A_582 : vector<32xbf16>
      %add3A_584 = arith.addf %add3A_572, %mul3A_583 : vector<32xbf16>
      %add3A_585 = arith.constant 1 : i32
      %add3A_586 = vector.broadcast %add3A_585 : i32 to vector<16xi32>
      %add3A_587 = arith.addi %and3A_578, %add3A_586 : vector<16xi32>
      %and3A_588 = arith.constant 63 : i32
      %and3A_589 = vector.broadcast %and3A_588 : i32 to vector<16xi32>
      %and3A_590 = arith.andi %add3A_587, %and3A_589 : vector<16xi32>
      %gather3A_591 = tpu.vector_load_idx %arg8[%add3A_110, %and3A_590] : memref<320x64xi32, #tpu.memory_space<vmem>>[vector<16xi32>, vector<16xi32>], vector<16xi32>,
      %gather3A_592 = tpu.vector_load_idx %arg9[%add3A_110, %and3A_590] : memref<320x64xi32, #tpu.memory_space<vmem>>[vector<16xi32>, vector<16xi32>], vector<16xi32>,
      %bitcast3A_593 = vector.bitcast %gather3A_591 : vector<16xi32> to vector<32xbf16>
      %bitcast3A_594 = vector.bitcast %gather3A_592 : vector<16xi32> to vector<32xbf16>
      %mul3A_595 = arith.mulf %bitcast3A_593, %bitcast3A_594 : vector<32xbf16>
      %add3A_596 = arith.addf %add3A_584, %mul3A_595 : vector<32xbf16>
      %add3A_597 = arith.constant 1 : i32
      %add3A_598 = vector.broadcast %add3A_597 : i32 to vector<16xi32>
      %add3A_599 = arith.addi %and3A_590, %add3A_598 : vector<16xi32>
      %and3A_600 = arith.constant 63 : i32
      %and3A_601 = vector.broadcast %and3A_600 : i32 to vector<16xi32>
      %and3A_602 = arith.andi %add3A_599, %and3A_601 : vector<16xi32>
      %gather3A_603 = tpu.vector_load_idx %arg8[%add3A_110, %and3A_602] : memref<320x64xi32, #tpu.memory_space<vmem>>[vector<16xi32>, vector<16xi32>], vector<16xi32>,
      %gather3A_604 = tpu.vector_load_idx %arg9[%add3A_110, %and3A_602] : memref<320x64xi32, #tpu.memory_space<vmem>>[vector<16xi32>, vector<16xi32>], vector<16xi32>,
      %bitcast3A_605 = vector.bitcast %gather3A_603 : vector<16xi32> to vector<32xbf16>
      %bitcast3A_606 = vector.bitcast %gather3A_604 : vector<16xi32> to vector<32xbf16>
      %mul3A_607 = arith.mulf %bitcast3A_605, %bitcast3A_606 : vector<32xbf16>
      %add3A_608 = arith.addf %add3A_596, %mul3A_607 : vector<32xbf16>
      %add3A_609 = arith.constant 1 : i32
      %add3A_610 = vector.broadcast %add3A_609 : i32 to vector<16xi32>
      %add3A_611 = arith.addi %and3A_602, %add3A_610 : vector<16xi32>
      %and3A_612 = arith.constant 63 : i32
      %and3A_613 = vector.broadcast %and3A_612 : i32 to vector<16xi32>
      %and3A_614 = arith.andi %add3A_611, %and3A_613 : vector<16xi32>
      %gather3A_615 = tpu.vector_load_idx %arg8[%add3A_110, %and3A_614] : memref<320x64xi32, #tpu.memory_space<vmem>>[vector<16xi32>, vector<16xi32>], vector<16xi32>,
      %gather3A_616 = tpu.vector_load_idx %arg9[%add3A_110, %and3A_614] : memref<320x64xi32, #tpu.memory_space<vmem>>[vector<16xi32>, vector<16xi32>], vector<16xi32>,
      %bitcast3A_617 = vector.bitcast %gather3A_615 : vector<16xi32> to vector<32xbf16>
      %bitcast3A_618 = vector.bitcast %gather3A_616 : vector<16xi32> to vector<32xbf16>
      %mul3A_619 = arith.mulf %bitcast3A_617, %bitcast3A_618 : vector<32xbf16>
      %add3A_620 = arith.addf %add3A_608, %mul3A_619 : vector<32xbf16>
      %add3A_621 = arith.constant 1 : i32
      %add3A_622 = vector.broadcast %add3A_621 : i32 to vector<16xi32>
      %add3A_623 = arith.addi %and3A_614, %add3A_622 : vector<16xi32>
      %and3A_624 = arith.constant 63 : i32
      %and3A_625 = vector.broadcast %and3A_624 : i32 to vector<16xi32>
      %and3A_626 = arith.andi %add3A_623, %and3A_625 : vector<16xi32>
      %gather3A_627 = tpu.vector_load_idx %arg8[%add3A_110, %and3A_626] : memref<320x64xi32, #tpu.memory_space<vmem>>[vector<16xi32>, vector<16xi32>], vector<16xi32>,
      %gather3A_628 = tpu.vector_load_idx %arg9[%add3A_110, %and3A_626] : memref<320x64xi32, #tpu.memory_space<vmem>>[vector<16xi32>, vector<16xi32>], vector<16xi32>,
      %bitcast3A_629 = vector.bitcast %gather3A_627 : vector<16xi32> to vector<32xbf16>
      %bitcast3A_630 = vector.bitcast %gather3A_628 : vector<16xi32> to vector<32xbf16>
      %mul3A_631 = arith.mulf %bitcast3A_629, %bitcast3A_630 : vector<32xbf16>
      %add3A_632 = arith.addf %add3A_620, %mul3A_631 : vector<32xbf16>
      %add3A_633 = arith.constant 1 : i32
      %add3A_634 = vector.broadcast %add3A_633 : i32 to vector<16xi32>
      %add3A_635 = arith.addi %and3A_626, %add3A_634 : vector<16xi32>
      %and3A_636 = arith.constant 63 : i32
      %and3A_637 = vector.broadcast %and3A_636 : i32 to vector<16xi32>
      %and3A_638 = arith.andi %add3A_635, %and3A_637 : vector<16xi32>
      %gather3A_639 = tpu.vector_load_idx %arg8[%add3A_110, %and3A_638] : memref<320x64xi32, #tpu.memory_space<vmem>>[vector<16xi32>, vector<16xi32>], vector<16xi32>,
      %gather3A_640 = tpu.vector_load_idx %arg9[%add3A_110, %and3A_638] : memref<320x64xi32, #tpu.memory_space<vmem>>[vector<16xi32>, vector<16xi32>], vector<16xi32>,
      %bitcast3A_641 = vector.bitcast %gather3A_639 : vector<16xi32> to vector<32xbf16>
      %bitcast3A_642 = vector.bitcast %gather3A_640 : vector<16xi32> to vector<32xbf16>
      %mul3A_643 = arith.mulf %bitcast3A_641, %bitcast3A_642 : vector<32xbf16>
      %add3A_644 = arith.addf %add3A_632, %mul3A_643 : vector<32xbf16>
      %add3A_645 = arith.constant 1 : i32
      %add3A_646 = vector.broadcast %add3A_645 : i32 to vector<16xi32>
      %add3A_647 = arith.addi %and3A_638, %add3A_646 : vector<16xi32>
      %and3A_648 = arith.constant 63 : i32
      %and3A_649 = vector.broadcast %and3A_648 : i32 to vector<16xi32>
      %and3A_650 = arith.andi %add3A_647, %and3A_649 : vector<16xi32>
      %gather3A_651 = tpu.vector_load_idx %arg8[%add3A_110, %and3A_650] : memref<320x64xi32, #tpu.memory_space<vmem>>[vector<16xi32>, vector<16xi32>], vector<16xi32>,
      %gather3A_652 = tpu.vector_load_idx %arg9[%add3A_110, %and3A_650] : memref<320x64xi32, #tpu.memory_space<vmem>>[vector<16xi32>, vector<16xi32>], vector<16xi32>,
      %bitcast3A_653 = vector.bitcast %gather3A_651 : vector<16xi32> to vector<32xbf16>
      %bitcast3A_654 = vector.bitcast %gather3A_652 : vector<16xi32> to vector<32xbf16>
      %mul3A_655 = arith.mulf %bitcast3A_653, %bitcast3A_654 : vector<32xbf16>
      %add3A_656 = arith.addf %add3A_644, %mul3A_655 : vector<32xbf16>
      %add3A_657 = arith.constant 1 : i32
      %add3A_658 = vector.broadcast %add3A_657 : i32 to vector<16xi32>
      %add3A_659 = arith.addi %and3A_650, %add3A_658 : vector<16xi32>
      %and3A_660 = arith.constant 63 : i32
      %and3A_661 = vector.broadcast %and3A_660 : i32 to vector<16xi32>
      %and3A_662 = arith.andi %add3A_659, %and3A_661 : vector<16xi32>
      %gather3A_663 = tpu.vector_load_idx %arg8[%add3A_110, %and3A_662] : memref<320x64xi32, #tpu.memory_space<vmem>>[vector<16xi32>, vector<16xi32>], vector<16xi32>,
      %gather3A_664 = tpu.vector_load_idx %arg9[%add3A_110, %and3A_662] : memref<320x64xi32, #tpu.memory_space<vmem>>[vector<16xi32>, vector<16xi32>], vector<16xi32>,
      %bitcast3A_665 = vector.bitcast %gather3A_663 : vector<16xi32> to vector<32xbf16>
      %bitcast3A_666 = vector.bitcast %gather3A_664 : vector<16xi32> to vector<32xbf16>
      %mul3A_667 = arith.mulf %bitcast3A_665, %bitcast3A_666 : vector<32xbf16>
      %add3A_668 = arith.addf %add3A_656, %mul3A_667 : vector<32xbf16>
      %add3A_669 = arith.constant 1 : i32
      %add3A_670 = vector.broadcast %add3A_669 : i32 to vector<16xi32>
      %add3A_671 = arith.addi %and3A_662, %add3A_670 : vector<16xi32>
      %and3A_672 = arith.constant 63 : i32
      %and3A_673 = vector.broadcast %and3A_672 : i32 to vector<16xi32>
      %and3A_674 = arith.andi %add3A_671, %and3A_673 : vector<16xi32>
      %gather3A_675 = tpu.vector_load_idx %arg8[%add3A_110, %and3A_674] : memref<320x64xi32, #tpu.memory_space<vmem>>[vector<16xi32>, vector<16xi32>], vector<16xi32>,
      %gather3A_676 = tpu.vector_load_idx %arg9[%add3A_110, %and3A_674] : memref<320x64xi32, #tpu.memory_space<vmem>>[vector<16xi32>, vector<16xi32>], vector<16xi32>,
      %bitcast3A_677 = vector.bitcast %gather3A_675 : vector<16xi32> to vector<32xbf16>
      %bitcast3A_678 = vector.bitcast %gather3A_676 : vector<16xi32> to vector<32xbf16>
      %mul3A_679 = arith.mulf %bitcast3A_677, %bitcast3A_678 : vector<32xbf16>
      %add3A_680 = arith.addf %add3A_668, %mul3A_679 : vector<32xbf16>
      %add3A_681 = arith.constant 1 : i32
      %add3A_682 = vector.broadcast %add3A_681 : i32 to vector<16xi32>
      %add3A_683 = arith.addi %and3A_674, %add3A_682 : vector<16xi32>
      %and3A_684 = arith.constant 63 : i32
      %and3A_685 = vector.broadcast %and3A_684 : i32 to vector<16xi32>
      %and3A_686 = arith.andi %add3A_683, %and3A_685 : vector<16xi32>
      %gather3A_687 = tpu.vector_load_idx %arg8[%add3A_110, %and3A_686] : memref<320x64xi32, #tpu.memory_space<vmem>>[vector<16xi32>, vector<16xi32>], vector<16xi32>,
      %gather3A_688 = tpu.vector_load_idx %arg9[%add3A_110, %and3A_686] : memref<320x64xi32, #tpu.memory_space<vmem>>[vector<16xi32>, vector<16xi32>], vector<16xi32>,
      %bitcast3A_689 = vector.bitcast %gather3A_687 : vector<16xi32> to vector<32xbf16>
      %bitcast3A_690 = vector.bitcast %gather3A_688 : vector<16xi32> to vector<32xbf16>
      %mul3A_691 = arith.mulf %bitcast3A_689, %bitcast3A_690 : vector<32xbf16>
      %add3A_692 = arith.addf %add3A_680, %mul3A_691 : vector<32xbf16>
      %add3A_693 = arith.constant 1 : i32
      %add3A_694 = vector.broadcast %add3A_693 : i32 to vector<16xi32>
      %add3A_695 = arith.addi %and3A_686, %add3A_694 : vector<16xi32>
      %and3A_696 = arith.constant 63 : i32
      %and3A_697 = vector.broadcast %and3A_696 : i32 to vector<16xi32>
      %and3A_698 = arith.andi %add3A_695, %and3A_697 : vector<16xi32>
      %gather3A_699 = tpu.vector_load_idx %arg8[%add3A_110, %and3A_698] : memref<320x64xi32, #tpu.memory_space<vmem>>[vector<16xi32>, vector<16xi32>], vector<16xi32>,
      %gather3A_700 = tpu.vector_load_idx %arg9[%add3A_110, %and3A_698] : memref<320x64xi32, #tpu.memory_space<vmem>>[vector<16xi32>, vector<16xi32>], vector<16xi32>,
      %bitcast3A_701 = vector.bitcast %gather3A_699 : vector<16xi32> to vector<32xbf16>
      %bitcast3A_702 = vector.bitcast %gather3A_700 : vector<16xi32> to vector<32xbf16>
      %mul3A_703 = arith.mulf %bitcast3A_701, %bitcast3A_702 : vector<32xbf16>
      %add3A_704 = arith.addf %add3A_692, %mul3A_703 : vector<32xbf16>
      %add3A_705 = arith.constant 1 : i32
      %add3A_706 = vector.broadcast %add3A_705 : i32 to vector<16xi32>
      %add3A_707 = arith.addi %and3A_698, %add3A_706 : vector<16xi32>
      %and3A_708 = arith.constant 63 : i32
      %and3A_709 = vector.broadcast %and3A_708 : i32 to vector<16xi32>
      %and3A_710 = arith.andi %add3A_707, %and3A_709 : vector<16xi32>
      %gather3A_711 = tpu.vector_load_idx %arg8[%add3A_110, %and3A_710] : memref<320x64xi32, #tpu.memory_space<vmem>>[vector<16xi32>, vector<16xi32>], vector<16xi32>,
      %gather3A_712 = tpu.vector_load_idx %arg9[%add3A_110, %and3A_710] : memref<320x64xi32, #tpu.memory_space<vmem>>[vector<16xi32>, vector<16xi32>], vector<16xi32>,
      %bitcast3A_713 = vector.bitcast %gather3A_711 : vector<16xi32> to vector<32xbf16>
      %bitcast3A_714 = vector.bitcast %gather3A_712 : vector<16xi32> to vector<32xbf16>
      %mul3A_715 = arith.mulf %bitcast3A_713, %bitcast3A_714 : vector<32xbf16>
      %add3A_716 = arith.addf %add3A_704, %mul3A_715 : vector<32xbf16>
      %add3A_717 = arith.constant 1 : i32
      %add3A_718 = vector.broadcast %add3A_717 : i32 to vector<16xi32>
      %add3A_719 = arith.addi %and3A_710, %add3A_718 : vector<16xi32>
      %and3A_720 = arith.constant 63 : i32
      %and3A_721 = vector.broadcast %and3A_720 : i32 to vector<16xi32>
      %and3A_722 = arith.andi %add3A_719, %and3A_721 : vector<16xi32>
      %gather3A_723 = tpu.vector_load_idx %arg8[%add3A_110, %and3A_722] : memref<320x64xi32, #tpu.memory_space<vmem>>[vector<16xi32>, vector<16xi32>], vector<16xi32>,
      %gather3A_724 = tpu.vector_load_idx %arg9[%add3A_110, %and3A_722] : memref<320x64xi32, #tpu.memory_space<vmem>>[vector<16xi32>, vector<16xi32>], vector<16xi32>,
      %bitcast3A_725 = vector.bitcast %gather3A_723 : vector<16xi32> to vector<32xbf16>
      %bitcast3A_726 = vector.bitcast %gather3A_724 : vector<16xi32> to vector<32xbf16>
      %mul3A_727 = arith.mulf %bitcast3A_725, %bitcast3A_726 : vector<32xbf16>
      %add3A_728 = arith.addf %add3A_716, %mul3A_727 : vector<32xbf16>
      %add3A_729 = arith.constant 1 : i32
      %add3A_730 = vector.broadcast %add3A_729 : i32 to vector<16xi32>
      %add3A_731 = arith.addi %and3A_722, %add3A_730 : vector<16xi32>
      %and3A_732 = arith.constant 63 : i32
      %and3A_733 = vector.broadcast %and3A_732 : i32 to vector<16xi32>
      %and3A_734 = arith.andi %add3A_731, %and3A_733 : vector<16xi32>
      %gather3A_735 = tpu.vector_load_idx %arg8[%add3A_110, %and3A_734] : memref<320x64xi32, #tpu.memory_space<vmem>>[vector<16xi32>, vector<16xi32>], vector<16xi32>,
      %gather3A_736 = tpu.vector_load_idx %arg9[%add3A_110, %and3A_734] : memref<320x64xi32, #tpu.memory_space<vmem>>[vector<16xi32>, vector<16xi32>], vector<16xi32>,
      %bitcast3A_737 = vector.bitcast %gather3A_735 : vector<16xi32> to vector<32xbf16>
      %bitcast3A_738 = vector.bitcast %gather3A_736 : vector<16xi32> to vector<32xbf16>
      %mul3A_739 = arith.mulf %bitcast3A_737, %bitcast3A_738 : vector<32xbf16>
      %add3A_740 = arith.addf %add3A_728, %mul3A_739 : vector<32xbf16>
      %add3A_741 = arith.constant 1 : i32
      %add3A_742 = vector.broadcast %add3A_741 : i32 to vector<16xi32>
      %add3A_743 = arith.addi %and3A_734, %add3A_742 : vector<16xi32>
      %and3A_744 = arith.constant 63 : i32
      %and3A_745 = vector.broadcast %and3A_744 : i32 to vector<16xi32>
      %and3A_746 = arith.andi %add3A_743, %and3A_745 : vector<16xi32>
      %gather3A_747 = tpu.vector_load_idx %arg8[%add3A_110, %and3A_746] : memref<320x64xi32, #tpu.memory_space<vmem>>[vector<16xi32>, vector<16xi32>], vector<16xi32>,
      %gather3A_748 = tpu.vector_load_idx %arg9[%add3A_110, %and3A_746] : memref<320x64xi32, #tpu.memory_space<vmem>>[vector<16xi32>, vector<16xi32>], vector<16xi32>,
      %bitcast3A_749 = vector.bitcast %gather3A_747 : vector<16xi32> to vector<32xbf16>
      %bitcast3A_750 = vector.bitcast %gather3A_748 : vector<16xi32> to vector<32xbf16>
      %mul3A_751 = arith.mulf %bitcast3A_749, %bitcast3A_750 : vector<32xbf16>
      %add3A_752 = arith.addf %add3A_740, %mul3A_751 : vector<32xbf16>
      %add3A_753 = arith.constant 1 : i32
      %add3A_754 = vector.broadcast %add3A_753 : i32 to vector<16xi32>
      %add3A_755 = arith.addi %and3A_746, %add3A_754 : vector<16xi32>
      %and3A_756 = arith.constant 63 : i32
      %and3A_757 = vector.broadcast %and3A_756 : i32 to vector<16xi32>
      %and3A_758 = arith.andi %add3A_755, %and3A_757 : vector<16xi32>
      %gather3A_759 = tpu.vector_load_idx %arg8[%add3A_110, %and3A_758] : memref<320x64xi32, #tpu.memory_space<vmem>>[vector<16xi32>, vector<16xi32>], vector<16xi32>,
      %gather3A_760 = tpu.vector_load_idx %arg9[%add3A_110, %and3A_758] : memref<320x64xi32, #tpu.memory_space<vmem>>[vector<16xi32>, vector<16xi32>], vector<16xi32>,
      %bitcast3A_761 = vector.bitcast %gather3A_759 : vector<16xi32> to vector<32xbf16>
      %bitcast3A_762 = vector.bitcast %gather3A_760 : vector<16xi32> to vector<32xbf16>
      %mul3A_763 = arith.mulf %bitcast3A_761, %bitcast3A_762 : vector<32xbf16>
      %add3A_764 = arith.addf %add3A_752, %mul3A_763 : vector<32xbf16>
      %add3A_765 = arith.constant 1 : i32
      %add3A_766 = vector.broadcast %add3A_765 : i32 to vector<16xi32>
      %add3A_767 = arith.addi %and3A_758, %add3A_766 : vector<16xi32>
      %and3A_768 = arith.constant 63 : i32
      %and3A_769 = vector.broadcast %and3A_768 : i32 to vector<16xi32>
      %and3A_770 = arith.andi %add3A_767, %and3A_769 : vector<16xi32>
      %gather3A_771 = tpu.vector_load_idx %arg8[%add3A_110, %and3A_770] : memref<320x64xi32, #tpu.memory_space<vmem>>[vector<16xi32>, vector<16xi32>], vector<16xi32>,
      %gather3A_772 = tpu.vector_load_idx %arg9[%add3A_110, %and3A_770] : memref<320x64xi32, #tpu.memory_space<vmem>>[vector<16xi32>, vector<16xi32>], vector<16xi32>,
      %bitcast3A_773 = vector.bitcast %gather3A_771 : vector<16xi32> to vector<32xbf16>
      %bitcast3A_774 = vector.bitcast %gather3A_772 : vector<16xi32> to vector<32xbf16>
      %mul3A_775 = arith.mulf %bitcast3A_773, %bitcast3A_774 : vector<32xbf16>
      %add3A_776 = arith.addf %add3A_764, %mul3A_775 : vector<32xbf16>
      %add3A_777 = arith.constant 1 : i32
      %add3A_778 = vector.broadcast %add3A_777 : i32 to vector<16xi32>
      %add3A_779 = arith.addi %and3A_770, %add3A_778 : vector<16xi32>
      %and3A_780 = arith.constant 63 : i32
      %and3A_781 = vector.broadcast %and3A_780 : i32 to vector<16xi32>
      %and3A_782 = arith.andi %add3A_779, %and3A_781 : vector<16xi32>
      %gather3A_783 = tpu.vector_load_idx %arg8[%add3A_110, %and3A_782] : memref<320x64xi32, #tpu.memory_space<vmem>>[vector<16xi32>, vector<16xi32>], vector<16xi32>,
      %gather3A_784 = tpu.vector_load_idx %arg9[%add3A_110, %and3A_782] : memref<320x64xi32, #tpu.memory_space<vmem>>[vector<16xi32>, vector<16xi32>], vector<16xi32>,
      %bitcast3A_785 = vector.bitcast %gather3A_783 : vector<16xi32> to vector<32xbf16>
      %bitcast3A_786 = vector.bitcast %gather3A_784 : vector<16xi32> to vector<32xbf16>
      %mul3A_787 = arith.mulf %bitcast3A_785, %bitcast3A_786 : vector<32xbf16>
      %add3A_788 = arith.addf %add3A_776, %mul3A_787 : vector<32xbf16>
      %add3A_789 = arith.constant 1 : i32
      %add3A_790 = vector.broadcast %add3A_789 : i32 to vector<16xi32>
      %add3A_791 = arith.addi %and3A_782, %add3A_790 : vector<16xi32>
      %and3A_792 = arith.constant 63 : i32
      %and3A_793 = vector.broadcast %and3A_792 : i32 to vector<16xi32>
      %and3A_794 = arith.andi %add3A_791, %and3A_793 : vector<16xi32>
      %gather3A_795 = tpu.vector_load_idx %arg8[%add3A_110, %and3A_794] : memref<320x64xi32, #tpu.memory_space<vmem>>[vector<16xi32>, vector<16xi32>], vector<16xi32>,
      %gather3A_796 = tpu.vector_load_idx %arg9[%add3A_110, %and3A_794] : memref<320x64xi32, #tpu.memory_space<vmem>>[vector<16xi32>, vector<16xi32>], vector<16xi32>,
      %bitcast3A_797 = vector.bitcast %gather3A_795 : vector<16xi32> to vector<32xbf16>
      %bitcast3A_798 = vector.bitcast %gather3A_796 : vector<16xi32> to vector<32xbf16>
      %mul3A_799 = arith.mulf %bitcast3A_797, %bitcast3A_798 : vector<32xbf16>
      %add3A_800 = arith.addf %add3A_788, %mul3A_799 : vector<32xbf16>
      %add3A_801 = arith.constant 1 : i32
      %add3A_802 = vector.broadcast %add3A_801 : i32 to vector<16xi32>
      %add3A_803 = arith.addi %and3A_794, %add3A_802 : vector<16xi32>
      %and3A_804 = arith.constant 63 : i32
      %and3A_805 = vector.broadcast %and3A_804 : i32 to vector<16xi32>
      %and3A_806 = arith.andi %add3A_803, %and3A_805 : vector<16xi32>
      %gather3A_807 = tpu.vector_load_idx %arg8[%add3A_110, %and3A_806] : memref<320x64xi32, #tpu.memory_space<vmem>>[vector<16xi32>, vector<16xi32>], vector<16xi32>,
      %gather3A_808 = tpu.vector_load_idx %arg9[%add3A_110, %and3A_806] : memref<320x64xi32, #tpu.memory_space<vmem>>[vector<16xi32>, vector<16xi32>], vector<16xi32>,
      %bitcast3A_809 = vector.bitcast %gather3A_807 : vector<16xi32> to vector<32xbf16>
      %bitcast3A_810 = vector.bitcast %gather3A_808 : vector<16xi32> to vector<32xbf16>
      %mul3A_811 = arith.mulf %bitcast3A_809, %bitcast3A_810 : vector<32xbf16>
      %add3A_812 = arith.addf %add3A_800, %mul3A_811 : vector<32xbf16>
      %add3A_813 = arith.constant 1 : i32
      %add3A_814 = vector.broadcast %add3A_813 : i32 to vector<16xi32>
      %add3A_815 = arith.addi %and3A_806, %add3A_814 : vector<16xi32>
      %and3A_816 = arith.constant 63 : i32
      %and3A_817 = vector.broadcast %and3A_816 : i32 to vector<16xi32>
      %and3A_818 = arith.andi %add3A_815, %and3A_817 : vector<16xi32>
      %gather3A_819 = tpu.vector_load_idx %arg8[%add3A_110, %and3A_818] : memref<320x64xi32, #tpu.memory_space<vmem>>[vector<16xi32>, vector<16xi32>], vector<16xi32>,
      %gather3A_820 = tpu.vector_load_idx %arg9[%add3A_110, %and3A_818] : memref<320x64xi32, #tpu.memory_space<vmem>>[vector<16xi32>, vector<16xi32>], vector<16xi32>,
      %bitcast3A_821 = vector.bitcast %gather3A_819 : vector<16xi32> to vector<32xbf16>
      %bitcast3A_822 = vector.bitcast %gather3A_820 : vector<16xi32> to vector<32xbf16>
      %mul3A_823 = arith.mulf %bitcast3A_821, %bitcast3A_822 : vector<32xbf16>
      %add3A_824 = arith.addf %add3A_812, %mul3A_823 : vector<32xbf16>
      %add3A_825 = arith.constant 1 : i32
      %add3A_826 = vector.broadcast %add3A_825 : i32 to vector<16xi32>
      %add3A_827 = arith.addi %and3A_818, %add3A_826 : vector<16xi32>
      %and3A_828 = arith.constant 63 : i32
      %and3A_829 = vector.broadcast %and3A_828 : i32 to vector<16xi32>
      %and3A_830 = arith.andi %add3A_827, %and3A_829 : vector<16xi32>
      %gather3A_831 = tpu.vector_load_idx %arg8[%add3A_110, %and3A_830] : memref<320x64xi32, #tpu.memory_space<vmem>>[vector<16xi32>, vector<16xi32>], vector<16xi32>,
      %gather3A_832 = tpu.vector_load_idx %arg9[%add3A_110, %and3A_830] : memref<320x64xi32, #tpu.memory_space<vmem>>[vector<16xi32>, vector<16xi32>], vector<16xi32>,
      %bitcast3A_833 = vector.bitcast %gather3A_831 : vector<16xi32> to vector<32xbf16>
      %bitcast3A_834 = vector.bitcast %gather3A_832 : vector<16xi32> to vector<32xbf16>
      %mul3A_835 = arith.mulf %bitcast3A_833, %bitcast3A_834 : vector<32xbf16>
      %add3A_836 = arith.addf %add3A_824, %mul3A_835 : vector<32xbf16>
      %add3A_837 = arith.constant 1 : i32
      %add3A_838 = vector.broadcast %add3A_837 : i32 to vector<16xi32>
      %add3A_839 = arith.addi %and3A_830, %add3A_838 : vector<16xi32>
      %and3A_840 = arith.constant 63 : i32
      %and3A_841 = vector.broadcast %and3A_840 : i32 to vector<16xi32>
      %and3A_842 = arith.andi %add3A_839, %and3A_841 : vector<16xi32>
      %gather3A_843 = tpu.vector_load_idx %arg8[%add3A_110, %and3A_842] : memref<320x64xi32, #tpu.memory_space<vmem>>[vector<16xi32>, vector<16xi32>], vector<16xi32>,
      %gather3A_844 = tpu.vector_load_idx %arg9[%add3A_110, %and3A_842] : memref<320x64xi32, #tpu.memory_space<vmem>>[vector<16xi32>, vector<16xi32>], vector<16xi32>,
      %bitcast3A_845 = vector.bitcast %gather3A_843 : vector<16xi32> to vector<32xbf16>
      %bitcast3A_846 = vector.bitcast %gather3A_844 : vector<16xi32> to vector<32xbf16>
      %mul3A_847 = arith.mulf %bitcast3A_845, %bitcast3A_846 : vector<32xbf16>
      %add3A_848 = arith.addf %add3A_836, %mul3A_847 : vector<32xbf16>
      %add3A_849 = arith.constant 1 : i32
      %add3A_850 = vector.broadcast %add3A_849 : i32 to vector<16xi32>
      %add3A_851 = arith.addi %and3A_842, %add3A_850 : vector<16xi32>
      %and3A_852 = arith.constant 63 : i32
      %and3A_853 = vector.broadcast %and3A_852 : i32 to vector<16xi32>
      %and3A_854 = arith.andi %add3A_851, %and3A_853 : vector<16xi32>
      %gather3A_855 = tpu.vector_load_idx %arg8[%add3A_110, %and3A_854] : memref<320x64xi32, #tpu.memory_space<vmem>>[vector<16xi32>, vector<16xi32>], vector<16xi32>,
      %gather3A_856 = tpu.vector_load_idx %arg9[%add3A_110, %and3A_854] : memref<320x64xi32, #tpu.memory_space<vmem>>[vector<16xi32>, vector<16xi32>], vector<16xi32>,
      %bitcast3A_857 = vector.bitcast %gather3A_855 : vector<16xi32> to vector<32xbf16>
      %bitcast3A_858 = vector.bitcast %gather3A_856 : vector<16xi32> to vector<32xbf16>
      %mul3A_859 = arith.mulf %bitcast3A_857, %bitcast3A_858 : vector<32xbf16>
      %add3A_860 = arith.addf %add3A_848, %mul3A_859 : vector<32xbf16>
      %add3A_861 = arith.constant 1 : i32
      %add3A_862 = vector.broadcast %add3A_861 : i32 to vector<16xi32>
      %add3A_863 = arith.addi %and3A_854, %add3A_862 : vector<16xi32>
      %and3A_864 = arith.constant 63 : i32
      %and3A_865 = vector.broadcast %and3A_864 : i32 to vector<16xi32>
      %and3A_866 = arith.andi %add3A_863, %and3A_865 : vector<16xi32>
      %gather3A_867 = tpu.vector_load_idx %arg8[%add3A_110, %and3A_866] : memref<320x64xi32, #tpu.memory_space<vmem>>[vector<16xi32>, vector<16xi32>], vector<16xi32>,
      %gather3A_868 = tpu.vector_load_idx %arg9[%add3A_110, %and3A_866] : memref<320x64xi32, #tpu.memory_space<vmem>>[vector<16xi32>, vector<16xi32>], vector<16xi32>,
      %bitcast3A_869 = vector.bitcast %gather3A_867 : vector<16xi32> to vector<32xbf16>
      %bitcast3A_870 = vector.bitcast %gather3A_868 : vector<16xi32> to vector<32xbf16>
      %mul3A_871 = arith.mulf %bitcast3A_869, %bitcast3A_870 : vector<32xbf16>
      %add3A_872 = arith.addf %add3A_860, %mul3A_871 : vector<32xbf16>
      %add3A_873 = arith.constant 1 : i32
      %add3A_874 = vector.broadcast %add3A_873 : i32 to vector<16xi32>
      %add3A_875 = arith.addi %and3A_866, %add3A_874 : vector<16xi32>
      %and3A_876 = arith.constant 63 : i32
      %and3A_877 = vector.broadcast %and3A_876 : i32 to vector<16xi32>
      %and3A_878 = arith.andi %add3A_875, %and3A_877 : vector<16xi32>
      %bitcast3A_879 = vector.bitcast %add3A_872 : vector<32xbf16> to vector<16xi32>
      %shift_left3A = arith.constant 16 : i32
      %shift_left3A_880 = vector.broadcast %shift_left3A : i32 to vector<16xi32>
      %shift_left3A_881 = arith.shli %bitcast3A_879, %shift_left3A_880 : vector<16xi32>
      %bitcast3A_882 = vector.bitcast %shift_left3A_881 : vector<16xi32> to vector<16xf32>
      %and3A_883 = vector.broadcast %scan3A_72 : i32 to vector<16xi32>
      %and3A_884 = arith.andi %bitcast3A_879, %and3A_883 : vector<16xi32>
      %bitcast3A_885 = vector.bitcast %and3A_884 : vector<16xi32> to vector<16xf32>
      %add3A_886 = arith.addf %bitcast3A_882, %bitcast3A_885 : vector<16xf32>
      %neg3A = arith.constant 0.000000e+00 : f32
      %neg3A_887 = vector.broadcast %neg3A : f32 to vector<16xf32>
      %neg3A_888 = arith.subf %neg3A_887, %add3A_886 : vector<16xf32>
      %exp3A = math.exp %neg3A_888 : vector<16xf32>
      %add3A_889 = arith.constant 1.000000e+00 : f32
      %add3A_890 = vector.broadcast %add3A_889 : f32 to vector<16xf32>
      %add3A_891 = arith.addf %add3A_890, %exp3A : vector<16xf32>
      %div3A = arith.constant 1.000000e+00 : f32
      %div3A_892 = vector.broadcast %div3A : f32 to vector<16xf32>
      %div3A_893 = arith.divf %div3A_892, %add3A_891 : vector<16xf32>
      %mul3A_894 = arith.constant 80 : i32
      %mul3A_895 = arith.muli %scan3A_78, %mul3A_894 : i32
      %add3A_896 = arith.constant 0 : i32
      %add3A_897 = arith.addi %mul3A_895, %add3A_896 : i32
      %swap3A = arith.index_cast %add3A_897 : i32 to index
      %swap3A_898 = tpu.vector_load %arg10[%swap3A] {strides = array<i32>} : memref<10000xf32, #tpu.memory_space<vmem>>, vector<16xf32>,
      tpu.vector_store %arg10[%swap3A], %div3A_893 {strides = array<i32>} : memref<10000xf32, #tpu.memory_space<vmem>>, vector<16xf32>,
      %add3A_899 = arith.constant 16 : i32
      %add3A_900 = arith.addi %mul3A_106, %add3A_899 : i32
      %iota3A_901 = tpu.iota {dimensions = array<i32: 0>} : vector<16xi32>
      %add3A_902 = vector.broadcast %add3A_900 : i32 to vector<16xi32>
      %add3A_903 = arith.addi %add3A_902, %iota3A_901 : vector<16xi32>
      %iota3A_904 = tpu.iota {dimensions = array<i32: 0>} : vector<16xi32>
      %broadcast_in_dim3A_905 = arith.constant 0.000000e+00 : bf16
      %broadcast_in_dim3A_906 = vector.broadcast %broadcast_in_dim3A_905 : bf16 to vector<32xbf16>
      %gather3A_907 = tpu.vector_load_idx %arg8[%add3A_903, %iota3A_904] : memref<320x64xi32, #tpu.memory_space<vmem>>[vector<16xi32>, vector<16xi32>], vector<16xi32>,
      %gather3A_908 = tpu.vector_load_idx %arg9[%add3A_903, %iota3A_904] : memref<320x64xi32, #tpu.memory_space<vmem>>[vector<16xi32>, vector<16xi32>], vector<16xi32>,
      %bitcast3A_909 = vector.bitcast %gather3A_907 : vector<16xi32> to vector<32xbf16>
      %bitcast3A_910 = vector.bitcast %gather3A_908 : vector<16xi32> to vector<32xbf16>
      %mul3A_911 = arith.mulf %bitcast3A_909, %bitcast3A_910 : vector<32xbf16>
      %add3A_912 = arith.addf %broadcast_in_dim3A_906, %mul3A_911 : vector<32xbf16>
      %add3A_913 = arith.constant 1 : i32
      %add3A_914 = vector.broadcast %add3A_913 : i32 to vector<16xi32>
      %add3A_915 = arith.addi %iota3A_904, %add3A_914 : vector<16xi32>
      %and3A_916 = arith.constant 63 : i32
      %and3A_917 = vector.broadcast %and3A_916 : i32 to vector<16xi32>
      %and3A_918 = arith.andi %add3A_915, %and3A_917 : vector<16xi32>
      %gather3A_919 = tpu.vector_load_idx %arg8[%add3A_903, %and3A_918] : memref<320x64xi32, #tpu.memory_space<vmem>>[vector<16xi32>, vector<16xi32>], vector<16xi32>,
      %gather3A_920 = tpu.vector_load_idx %arg9[%add3A_903, %and3A_918] : memref<320x64xi32, #tpu.memory_space<vmem>>[vector<16xi32>, vector<16xi32>], vector<16xi32>,
      %bitcast3A_921 = vector.bitcast %gather3A_919 : vector<16xi32> to vector<32xbf16>
      %bitcast3A_922 = vector.bitcast %gather3A_920 : vector<16xi32> to vector<32xbf16>
      %mul3A_923 = arith.mulf %bitcast3A_921, %bitcast3A_922 : vector<32xbf16>
      %add3A_924 = arith.addf %add3A_912, %mul3A_923 : vector<32xbf16>
      %add3A_925 = arith.constant 1 : i32
      %add3A_926 = vector.broadcast %add3A_925 : i32 to vector<16xi32>
      %add3A_927 = arith.addi %and3A_918, %add3A_926 : vector<16xi32>
      %and3A_928 = arith.constant 63 : i32
      %and3A_929 = vector.broadcast %and3A_928 : i32 to vector<16xi32>
      %and3A_930 = arith.andi %add3A_927, %and3A_929 : vector<16xi32>
      %gather3A_931 = tpu.vector_load_idx %arg8[%add3A_903, %and3A_930] : memref<320x64xi32, #tpu.memory_space<vmem>>[vector<16xi32>, vector<16xi32>], vector<16xi32>,
      %gather3A_932 = tpu.vector_load_idx %arg9[%add3A_903, %and3A_930] : memref<320x64xi32, #tpu.memory_space<vmem>>[vector<16xi32>, vector<16xi32>], vector<16xi32>,
      %bitcast3A_933 = vector.bitcast %gather3A_931 : vector<16xi32> to vector<32xbf16>
      %bitcast3A_934 = vector.bitcast %gather3A_932 : vector<16xi32> to vector<32xbf16>
      %mul3A_935 = arith.mulf %bitcast3A_933, %bitcast3A_934 : vector<32xbf16>
      %add3A_936 = arith.addf %add3A_924, %mul3A_935 : vector<32xbf16>
      %add3A_937 = arith.constant 1 : i32
      %add3A_938 = vector.broadcast %add3A_937 : i32 to vector<16xi32>
      %add3A_939 = arith.addi %and3A_930, %add3A_938 : vector<16xi32>
      %and3A_940 = arith.constant 63 : i32
      %and3A_941 = vector.broadcast %and3A_940 : i32 to vector<16xi32>
      %and3A_942 = arith.andi %add3A_939, %and3A_941 : vector<16xi32>
      %gather3A_943 = tpu.vector_load_idx %arg8[%add3A_903, %and3A_942] : memref<320x64xi32, #tpu.memory_space<vmem>>[vector<16xi32>, vector<16xi32>], vector<16xi32>,
      %gather3A_944 = tpu.vector_load_idx %arg9[%add3A_903, %and3A_942] : memref<320x64xi32, #tpu.memory_space<vmem>>[vector<16xi32>, vector<16xi32>], vector<16xi32>,
      %bitcast3A_945 = vector.bitcast %gather3A_943 : vector<16xi32> to vector<32xbf16>
      %bitcast3A_946 = vector.bitcast %gather3A_944 : vector<16xi32> to vector<32xbf16>
      %mul3A_947 = arith.mulf %bitcast3A_945, %bitcast3A_946 : vector<32xbf16>
      %add3A_948 = arith.addf %add3A_936, %mul3A_947 : vector<32xbf16>
      %add3A_949 = arith.constant 1 : i32
      %add3A_950 = vector.broadcast %add3A_949 : i32 to vector<16xi32>
      %add3A_951 = arith.addi %and3A_942, %add3A_950 : vector<16xi32>
      %and3A_952 = arith.constant 63 : i32
      %and3A_953 = vector.broadcast %and3A_952 : i32 to vector<16xi32>
      %and3A_954 = arith.andi %add3A_951, %and3A_953 : vector<16xi32>
      %gather3A_955 = tpu.vector_load_idx %arg8[%add3A_903, %and3A_954] : memref<320x64xi32, #tpu.memory_space<vmem>>[vector<16xi32>, vector<16xi32>], vector<16xi32>,
      %gather3A_956 = tpu.vector_load_idx %arg9[%add3A_903, %and3A_954] : memref<320x64xi32, #tpu.memory_space<vmem>>[vector<16xi32>, vector<16xi32>], vector<16xi32>,
      %bitcast3A_957 = vector.bitcast %gather3A_955 : vector<16xi32> to vector<32xbf16>
      %bitcast3A_958 = vector.bitcast %gather3A_956 : vector<16xi32> to vector<32xbf16>
      %mul3A_959 = arith.mulf %bitcast3A_957, %bitcast3A_958 : vector<32xbf16>
      %add3A_960 = arith.addf %add3A_948, %mul3A_959 : vector<32xbf16>
      %add3A_961 = arith.constant 1 : i32
      %add3A_962 = vector.broadcast %add3A_961 : i32 to vector<16xi32>
      %add3A_963 = arith.addi %and3A_954, %add3A_962 : vector<16xi32>
      %and3A_964 = arith.constant 63 : i32
      %and3A_965 = vector.broadcast %and3A_964 : i32 to vector<16xi32>
      %and3A_966 = arith.andi %add3A_963, %and3A_965 : vector<16xi32>
      %gather3A_967 = tpu.vector_load_idx %arg8[%add3A_903, %and3A_966] : memref<320x64xi32, #tpu.memory_space<vmem>>[vector<16xi32>, vector<16xi32>], vector<16xi32>,
      %gather3A_968 = tpu.vector_load_idx %arg9[%add3A_903, %and3A_966] : memref<320x64xi32, #tpu.memory_space<vmem>>[vector<16xi32>, vector<16xi32>], vector<16xi32>,
      %bitcast3A_969 = vector.bitcast %gather3A_967 : vector<16xi32> to vector<32xbf16>
      %bitcast3A_970 = vector.bitcast %gather3A_968 : vector<16xi32> to vector<32xbf16>
      %mul3A_971 = arith.mulf %bitcast3A_969, %bitcast3A_970 : vector<32xbf16>
      %add3A_972 = arith.addf %add3A_960, %mul3A_971 : vector<32xbf16>
      %add3A_973 = arith.constant 1 : i32
      %add3A_974 = vector.broadcast %add3A_973 : i32 to vector<16xi32>
      %add3A_975 = arith.addi %and3A_966, %add3A_974 : vector<16xi32>
      %and3A_976 = arith.constant 63 : i32
      %and3A_977 = vector.broadcast %and3A_976 : i32 to vector<16xi32>
      %and3A_978 = arith.andi %add3A_975, %and3A_977 : vector<16xi32>
      %gather3A_979 = tpu.vector_load_idx %arg8[%add3A_903, %and3A_978] : memref<320x64xi32, #tpu.memory_space<vmem>>[vector<16xi32>, vector<16xi32>], vector<16xi32>,
      %gather3A_980 = tpu.vector_load_idx %arg9[%add3A_903, %and3A_978] : memref<320x64xi32, #tpu.memory_space<vmem>>[vector<16xi32>, vector<16xi32>], vector<16xi32>,
      %bitcast3A_981 = vector.bitcast %gather3A_979 : vector<16xi32> to vector<32xbf16>
      %bitcast3A_982 = vector.bitcast %gather3A_980 : vector<16xi32> to vector<32xbf16>
      %mul3A_983 = arith.mulf %bitcast3A_981, %bitcast3A_982 : vector<32xbf16>
      %add3A_984 = arith.addf %add3A_972, %mul3A_983 : vector<32xbf16>
      %add3A_985 = arith.constant 1 : i32
      %add3A_986 = vector.broadcast %add3A_985 : i32 to vector<16xi32>
      %add3A_987 = arith.addi %and3A_978, %add3A_986 : vector<16xi32>
      %and3A_988 = arith.constant 63 : i32
      %and3A_989 = vector.broadcast %and3A_988 : i32 to vector<16xi32>
      %and3A_990 = arith.andi %add3A_987, %and3A_989 : vector<16xi32>
      %gather3A_991 = tpu.vector_load_idx %arg8[%add3A_903, %and3A_990] : memref<320x64xi32, #tpu.memory_space<vmem>>[vector<16xi32>, vector<16xi32>], vector<16xi32>,
      %gather3A_992 = tpu.vector_load_idx %arg9[%add3A_903, %and3A_990] : memref<320x64xi32, #tpu.memory_space<vmem>>[vector<16xi32>, vector<16xi32>], vector<16xi32>,
      %bitcast3A_993 = vector.bitcast %gather3A_991 : vector<16xi32> to vector<32xbf16>
      %bitcast3A_994 = vector.bitcast %gather3A_992 : vector<16xi32> to vector<32xbf16>
      %mul3A_995 = arith.mulf %bitcast3A_993, %bitcast3A_994 : vector<32xbf16>
      %add3A_996 = arith.addf %add3A_984, %mul3A_995 : vector<32xbf16>
      %add3A_997 = arith.constant 1 : i32
      %add3A_998 = vector.broadcast %add3A_997 : i32 to vector<16xi32>
      %add3A_999 = arith.addi %and3A_990, %add3A_998 : vector<16xi32>
      %and3A_1000 = arith.constant 63 : i32
      %and3A_1001 = vector.broadcast %and3A_1000 : i32 to vector<16xi32>
      %and3A_1002 = arith.andi %add3A_999, %and3A_1001 : vector<16xi32>
      %gather3A_1003 = tpu.vector_load_idx %arg8[%add3A_903, %and3A_1002] : memref<320x64xi32, #tpu.memory_space<vmem>>[vector<16xi32>, vector<16xi32>], vector<16xi32>,
      %gather3A_1004 = tpu.vector_load_idx %arg9[%add3A_903, %and3A_1002] : memref<320x64xi32, #tpu.memory_space<vmem>>[vector<16xi32>, vector<16xi32>], vector<16xi32>,
      %bitcast3A_1005 = vector.bitcast %gather3A_1003 : vector<16xi32> to vector<32xbf16>
      %bitcast3A_1006 = vector.bitcast %gather3A_1004 : vector<16xi32> to vector<32xbf16>
      %mul3A_1007 = arith.mulf %bitcast3A_1005, %bitcast3A_1006 : vector<32xbf16>
      %add3A_1008 = arith.addf %add3A_996, %mul3A_1007 : vector<32xbf16>
      %add3A_1009 = arith.constant 1 : i32
      %add3A_1010 = vector.broadcast %add3A_1009 : i32 to vector<16xi32>
      %add3A_1011 = arith.addi %and3A_1002, %add3A_1010 : vector<16xi32>
      %and3A_1012 = arith.constant 63 : i32
      %and3A_1013 = vector.broadcast %and3A_1012 : i32 to vector<16xi32>
      %and3A_1014 = arith.andi %add3A_1011, %and3A_1013 : vector<16xi32>
      %gather3A_1015 = tpu.vector_load_idx %arg8[%add3A_903, %and3A_1014] : memref<320x64xi32, #tpu.memory_space<vmem>>[vector<16xi32>, vector<16xi32>], vector<16xi32>,
      %gather3A_1016 = tpu.vector_load_idx %arg9[%add3A_903, %and3A_1014] : memref<320x64xi32, #tpu.memory_space<vmem>>[vector<16xi32>, vector<16xi32>], vector<16xi32>,
      %bitcast3A_1017 = vector.bitcast %gather3A_1015 : vector<16xi32> to vector<32xbf16>
      %bitcast3A_1018 = vector.bitcast %gather3A_1016 : vector<16xi32> to vector<32xbf16>
      %mul3A_1019 = arith.mulf %bitcast3A_1017, %bitcast3A_1018 : vector<32xbf16>
      %add3A_1020 = arith.addf %add3A_1008, %mul3A_1019 : vector<32xbf16>
      %add3A_1021 = arith.constant 1 : i32
      %add3A_1022 = vector.broadcast %add3A_1021 : i32 to vector<16xi32>
      %add3A_1023 = arith.addi %and3A_1014, %add3A_1022 : vector<16xi32>
      %and3A_1024 = arith.constant 63 : i32
      %and3A_1025 = vector.broadcast %and3A_1024 : i32 to vector<16xi32>
      %and3A_1026 = arith.andi %add3A_1023, %and3A_1025 : vector<16xi32>
      %gather3A_1027 = tpu.vector_load_idx %arg8[%add3A_903, %and3A_1026] : memref<320x64xi32, #tpu.memory_space<vmem>>[vector<16xi32>, vector<16xi32>], vector<16xi32>,
      %gather3A_1028 = tpu.vector_load_idx %arg9[%add3A_903, %and3A_1026] : memref<320x64xi32, #tpu.memory_space<vmem>>[vector<16xi32>, vector<16xi32>], vector<16xi32>,
      %bitcast3A_1029 = vector.bitcast %gather3A_1027 : vector<16xi32> to vector<32xbf16>
      %bitcast3A_1030 = vector.bitcast %gather3A_1028 : vector<16xi32> to vector<32xbf16>
      %mul3A_1031 = arith.mulf %bitcast3A_1029, %bitcast3A_1030 : vector<32xbf16>
      %add3A_1032 = arith.addf %add3A_1020, %mul3A_1031 : vector<32xbf16>
      %add3A_1033 = arith.constant 1 : i32
      %add3A_1034 = vector.broadcast %add3A_1033 : i32 to vector<16xi32>
      %add3A_1035 = arith.addi %and3A_1026, %add3A_1034 : vector<16xi32>
      %and3A_1036 = arith.constant 63 : i32
      %and3A_1037 = vector.broadcast %and3A_1036 : i32 to vector<16xi32>
      %and3A_1038 = arith.andi %add3A_1035, %and3A_1037 : vector<16xi32>
      %gather3A_1039 = tpu.vector_load_idx %arg8[%add3A_903, %and3A_1038] : memref<320x64xi32, #tpu.memory_space<vmem>>[vector<16xi32>, vector<16xi32>], vector<16xi32>,
      %gather3A_1040 = tpu.vector_load_idx %arg9[%add3A_903, %and3A_1038] : memref<320x64xi32, #tpu.memory_space<vmem>>[vector<16xi32>, vector<16xi32>], vector<16xi32>,
      %bitcast3A_1041 = vector.bitcast %gather3A_1039 : vector<16xi32> to vector<32xbf16>
      %bitcast3A_1042 = vector.bitcast %gather3A_1040 : vector<16xi32> to vector<32xbf16>
      %mul3A_1043 = arith.mulf %bitcast3A_1041, %bitcast3A_1042 : vector<32xbf16>
      %add3A_1044 = arith.addf %add3A_1032, %mul3A_1043 : vector<32xbf16>
      %add3A_1045 = arith.constant 1 : i32
      %add3A_1046 = vector.broadcast %add3A_1045 : i32 to vector<16xi32>
      %add3A_1047 = arith.addi %and3A_1038, %add3A_1046 : vector<16xi32>
      %and3A_1048 = arith.constant 63 : i32
      %and3A_1049 = vector.broadcast %and3A_1048 : i32 to vector<16xi32>
      %and3A_1050 = arith.andi %add3A_1047, %and3A_1049 : vector<16xi32>
      %gather3A_1051 = tpu.vector_load_idx %arg8[%add3A_903, %and3A_1050] : memref<320x64xi32, #tpu.memory_space<vmem>>[vector<16xi32>, vector<16xi32>], vector<16xi32>,
      %gather3A_1052 = tpu.vector_load_idx %arg9[%add3A_903, %and3A_1050] : memref<320x64xi32, #tpu.memory_space<vmem>>[vector<16xi32>, vector<16xi32>], vector<16xi32>,
      %bitcast3A_1053 = vector.bitcast %gather3A_1051 : vector<16xi32> to vector<32xbf16>
      %bitcast3A_1054 = vector.bitcast %gather3A_1052 : vector<16xi32> to vector<32xbf16>
      %mul3A_1055 = arith.mulf %bitcast3A_1053, %bitcast3A_1054 : vector<32xbf16>
      %add3A_1056 = arith.addf %add3A_1044, %mul3A_1055 : vector<32xbf16>
      %add3A_1057 = arith.constant 1 : i32
      %add3A_1058 = vector.broadcast %add3A_1057 : i32 to vector<16xi32>
      %add3A_1059 = arith.addi %and3A_1050, %add3A_1058 : vector<16xi32>
      %and3A_1060 = arith.constant 63 : i32
      %and3A_1061 = vector.broadcast %and3A_1060 : i32 to vector<16xi32>
      %and3A_1062 = arith.andi %add3A_1059, %and3A_1061 : vector<16xi32>
      %gather3A_1063 = tpu.vector_load_idx %arg8[%add3A_903, %and3A_1062] : memref<320x64xi32, #tpu.memory_space<vmem>>[vector<16xi32>, vector<16xi32>], vector<16xi32>,
      %gather3A_1064 = tpu.vector_load_idx %arg9[%add3A_903, %and3A_1062] : memref<320x64xi32, #tpu.memory_space<vmem>>[vector<16xi32>, vector<16xi32>], vector<16xi32>,
      %bitcast3A_1065 = vector.bitcast %gather3A_1063 : vector<16xi32> to vector<32xbf16>
      %bitcast3A_1066 = vector.bitcast %gather3A_1064 : vector<16xi32> to vector<32xbf16>
      %mul3A_1067 = arith.mulf %bitcast3A_1065, %bitcast3A_1066 : vector<32xbf16>
      %add3A_1068 = arith.addf %add3A_1056, %mul3A_1067 : vector<32xbf16>
      %add3A_1069 = arith.constant 1 : i32
      %add3A_1070 = vector.broadcast %add3A_1069 : i32 to vector<16xi32>
      %add3A_1071 = arith.addi %and3A_1062, %add3A_1070 : vector<16xi32>
      %and3A_1072 = arith.constant 63 : i32
      %and3A_1073 = vector.broadcast %and3A_1072 : i32 to vector<16xi32>
      %and3A_1074 = arith.andi %add3A_1071, %and3A_1073 : vector<16xi32>
      %gather3A_1075 = tpu.vector_load_idx %arg8[%add3A_903, %and3A_1074] : memref<320x64xi32, #tpu.memory_space<vmem>>[vector<16xi32>, vector<16xi32>], vector<16xi32>,
      %gather3A_1076 = tpu.vector_load_idx %arg9[%add3A_903, %and3A_1074] : memref<320x64xi32, #tpu.memory_space<vmem>>[vector<16xi32>, vector<16xi32>], vector<16xi32>,
      %bitcast3A_1077 = vector.bitcast %gather3A_1075 : vector<16xi32> to vector<32xbf16>
      %bitcast3A_1078 = vector.bitcast %gather3A_1076 : vector<16xi32> to vector<32xbf16>
      %mul3A_1079 = arith.mulf %bitcast3A_1077, %bitcast3A_1078 : vector<32xbf16>
      %add3A_1080 = arith.addf %add3A_1068, %mul3A_1079 : vector<32xbf16>
      %add3A_1081 = arith.constant 1 : i32
      %add3A_1082 = vector.broadcast %add3A_1081 : i32 to vector<16xi32>
      %add3A_1083 = arith.addi %and3A_1074, %add3A_1082 : vector<16xi32>
      %and3A_1084 = arith.constant 63 : i32
      %and3A_1085 = vector.broadcast %and3A_1084 : i32 to vector<16xi32>
      %and3A_1086 = arith.andi %add3A_1083, %and3A_1085 : vector<16xi32>
      %gather3A_1087 = tpu.vector_load_idx %arg8[%add3A_903, %and3A_1086] : memref<320x64xi32, #tpu.memory_space<vmem>>[vector<16xi32>, vector<16xi32>], vector<16xi32>,
      %gather3A_1088 = tpu.vector_load_idx %arg9[%add3A_903, %and3A_1086] : memref<320x64xi32, #tpu.memory_space<vmem>>[vector<16xi32>, vector<16xi32>], vector<16xi32>,
      %bitcast3A_1089 = vector.bitcast %gather3A_1087 : vector<16xi32> to vector<32xbf16>
      %bitcast3A_1090 = vector.bitcast %gather3A_1088 : vector<16xi32> to vector<32xbf16>
      %mul3A_1091 = arith.mulf %bitcast3A_1089, %bitcast3A_1090 : vector<32xbf16>
      %add3A_1092 = arith.addf %add3A_1080, %mul3A_1091 : vector<32xbf16>
      %add3A_1093 = arith.constant 1 : i32
      %add3A_1094 = vector.broadcast %add3A_1093 : i32 to vector<16xi32>
      %add3A_1095 = arith.addi %and3A_1086, %add3A_1094 : vector<16xi32>
      %and3A_1096 = arith.constant 63 : i32
      %and3A_1097 = vector.broadcast %and3A_1096 : i32 to vector<16xi32>
      %and3A_1098 = arith.andi %add3A_1095, %and3A_1097 : vector<16xi32>
      %gather3A_1099 = tpu.vector_load_idx %arg8[%add3A_903, %and3A_1098] : memref<320x64xi32, #tpu.memory_space<vmem>>[vector<16xi32>, vector<16xi32>], vector<16xi32>,
      %gather3A_1100 = tpu.vector_load_idx %arg9[%add3A_903, %and3A_1098] : memref<320x64xi32, #tpu.memory_space<vmem>>[vector<16xi32>, vector<16xi32>], vector<16xi32>,
      %bitcast3A_1101 = vector.bitcast %gather3A_1099 : vector<16xi32> to vector<32xbf16>
      %bitcast3A_1102 = vector.bitcast %gather3A_1100 : vector<16xi32> to vector<32xbf16>
      %mul3A_1103 = arith.mulf %bitcast3A_1101, %bitcast3A_1102 : vector<32xbf16>
      %add3A_1104 = arith.addf %add3A_1092, %mul3A_1103 : vector<32xbf16>
      %add3A_1105 = arith.constant 1 : i32
      %add3A_1106 = vector.broadcast %add3A_1105 : i32 to vector<16xi32>
      %add3A_1107 = arith.addi %and3A_1098, %add3A_1106 : vector<16xi32>
      %and3A_1108 = arith.constant 63 : i32
      %and3A_1109 = vector.broadcast %and3A_1108 : i32 to vector<16xi32>
      %and3A_1110 = arith.andi %add3A_1107, %and3A_1109 : vector<16xi32>
      %gather3A_1111 = tpu.vector_load_idx %arg8[%add3A_903, %and3A_1110] : memref<320x64xi32, #tpu.memory_space<vmem>>[vector<16xi32>, vector<16xi32>], vector<16xi32>,
      %gather3A_1112 = tpu.vector_load_idx %arg9[%add3A_903, %and3A_1110] : memref<320x64xi32, #tpu.memory_space<vmem>>[vector<16xi32>, vector<16xi32>], vector<16xi32>,
      %bitcast3A_1113 = vector.bitcast %gather3A_1111 : vector<16xi32> to vector<32xbf16>
      %bitcast3A_1114 = vector.bitcast %gather3A_1112 : vector<16xi32> to vector<32xbf16>
      %mul3A_1115 = arith.mulf %bitcast3A_1113, %bitcast3A_1114 : vector<32xbf16>
      %add3A_1116 = arith.addf %add3A_1104, %mul3A_1115 : vector<32xbf16>
      %add3A_1117 = arith.constant 1 : i32
      %add3A_1118 = vector.broadcast %add3A_1117 : i32 to vector<16xi32>
      %add3A_1119 = arith.addi %and3A_1110, %add3A_1118 : vector<16xi32>
      %and3A_1120 = arith.constant 63 : i32
      %and3A_1121 = vector.broadcast %and3A_1120 : i32 to vector<16xi32>
      %and3A_1122 = arith.andi %add3A_1119, %and3A_1121 : vector<16xi32>
      %gather3A_1123 = tpu.vector_load_idx %arg8[%add3A_903, %and3A_1122] : memref<320x64xi32, #tpu.memory_space<vmem>>[vector<16xi32>, vector<16xi32>], vector<16xi32>,
      %gather3A_1124 = tpu.vector_load_idx %arg9[%add3A_903, %and3A_1122] : memref<320x64xi32, #tpu.memory_space<vmem>>[vector<16xi32>, vector<16xi32>], vector<16xi32>,
      %bitcast3A_1125 = vector.bitcast %gather3A_1123 : vector<16xi32> to vector<32xbf16>
      %bitcast3A_1126 = vector.bitcast %gather3A_1124 : vector<16xi32> to vector<32xbf16>
      %mul3A_1127 = arith.mulf %bitcast3A_1125, %bitcast3A_1126 : vector<32xbf16>
      %add3A_1128 = arith.addf %add3A_1116, %mul3A_1127 : vector<32xbf16>
      %add3A_1129 = arith.constant 1 : i32
      %add3A_1130 = vector.broadcast %add3A_1129 : i32 to vector<16xi32>
      %add3A_1131 = arith.addi %and3A_1122, %add3A_1130 : vector<16xi32>
      %and3A_1132 = arith.constant 63 : i32
      %and3A_1133 = vector.broadcast %and3A_1132 : i32 to vector<16xi32>
      %and3A_1134 = arith.andi %add3A_1131, %and3A_1133 : vector<16xi32>
      %gather3A_1135 = tpu.vector_load_idx %arg8[%add3A_903, %and3A_1134] : memref<320x64xi32, #tpu.memory_space<vmem>>[vector<16xi32>, vector<16xi32>], vector<16xi32>,
      %gather3A_1136 = tpu.vector_load_idx %arg9[%add3A_903, %and3A_1134] : memref<320x64xi32, #tpu.memory_space<vmem>>[vector<16xi32>, vector<16xi32>], vector<16xi32>,
      %bitcast3A_1137 = vector.bitcast %gather3A_1135 : vector<16xi32> to vector<32xbf16>
      %bitcast3A_1138 = vector.bitcast %gather3A_1136 : vector<16xi32> to vector<32xbf16>
      %mul3A_1139 = arith.mulf %bitcast3A_1137, %bitcast3A_1138 : vector<32xbf16>
      %add3A_1140 = arith.addf %add3A_1128, %mul3A_1139 : vector<32xbf16>
      %add3A_1141 = arith.constant 1 : i32
      %add3A_1142 = vector.broadcast %add3A_1141 : i32 to vector<16xi32>
      %add3A_1143 = arith.addi %and3A_1134, %add3A_1142 : vector<16xi32>
      %and3A_1144 = arith.constant 63 : i32
      %and3A_1145 = vector.broadcast %and3A_1144 : i32 to vector<16xi32>
      %and3A_1146 = arith.andi %add3A_1143, %and3A_1145 : vector<16xi32>
      %gather3A_1147 = tpu.vector_load_idx %arg8[%add3A_903, %and3A_1146] : memref<320x64xi32, #tpu.memory_space<vmem>>[vector<16xi32>, vector<16xi32>], vector<16xi32>,
      %gather3A_1148 = tpu.vector_load_idx %arg9[%add3A_903, %and3A_1146] : memref<320x64xi32, #tpu.memory_space<vmem>>[vector<16xi32>, vector<16xi32>], vector<16xi32>,
      %bitcast3A_1149 = vector.bitcast %gather3A_1147 : vector<16xi32> to vector<32xbf16>
      %bitcast3A_1150 = vector.bitcast %gather3A_1148 : vector<16xi32> to vector<32xbf16>
      %mul3A_1151 = arith.mulf %bitcast3A_1149, %bitcast3A_1150 : vector<32xbf16>
      %add3A_1152 = arith.addf %add3A_1140, %mul3A_1151 : vector<32xbf16>
      %add3A_1153 = arith.constant 1 : i32
      %add3A_1154 = vector.broadcast %add3A_1153 : i32 to vector<16xi32>
      %add3A_1155 = arith.addi %and3A_1146, %add3A_1154 : vector<16xi32>
      %and3A_1156 = arith.constant 63 : i32
      %and3A_1157 = vector.broadcast %and3A_1156 : i32 to vector<16xi32>
      %and3A_1158 = arith.andi %add3A_1155, %and3A_1157 : vector<16xi32>
      %gather3A_1159 = tpu.vector_load_idx %arg8[%add3A_903, %and3A_1158] : memref<320x64xi32, #tpu.memory_space<vmem>>[vector<16xi32>, vector<16xi32>], vector<16xi32>,
      %gather3A_1160 = tpu.vector_load_idx %arg9[%add3A_903, %and3A_1158] : memref<320x64xi32, #tpu.memory_space<vmem>>[vector<16xi32>, vector<16xi32>], vector<16xi32>,
      %bitcast3A_1161 = vector.bitcast %gather3A_1159 : vector<16xi32> to vector<32xbf16>
      %bitcast3A_1162 = vector.bitcast %gather3A_1160 : vector<16xi32> to vector<32xbf16>
      %mul3A_1163 = arith.mulf %bitcast3A_1161, %bitcast3A_1162 : vector<32xbf16>
      %add3A_1164 = arith.addf %add3A_1152, %mul3A_1163 : vector<32xbf16>
      %add3A_1165 = arith.constant 1 : i32
      %add3A_1166 = vector.broadcast %add3A_1165 : i32 to vector<16xi32>
      %add3A_1167 = arith.addi %and3A_1158, %add3A_1166 : vector<16xi32>
      %and3A_1168 = arith.constant 63 : i32
      %and3A_1169 = vector.broadcast %and3A_1168 : i32 to vector<16xi32>
      %and3A_1170 = arith.andi %add3A_1167, %and3A_1169 : vector<16xi32>
      %gather3A_1171 = tpu.vector_load_idx %arg8[%add3A_903, %and3A_1170] : memref<320x64xi32, #tpu.memory_space<vmem>>[vector<16xi32>, vector<16xi32>], vector<16xi32>,
      %gather3A_1172 = tpu.vector_load_idx %arg9[%add3A_903, %and3A_1170] : memref<320x64xi32, #tpu.memory_space<vmem>>[vector<16xi32>, vector<16xi32>], vector<16xi32>,
      %bitcast3A_1173 = vector.bitcast %gather3A_1171 : vector<16xi32> to vector<32xbf16>
      %bitcast3A_1174 = vector.bitcast %gather3A_1172 : vector<16xi32> to vector<32xbf16>
      %mul3A_1175 = arith.mulf %bitcast3A_1173, %bitcast3A_1174 : vector<32xbf16>
      %add3A_1176 = arith.addf %add3A_1164, %mul3A_1175 : vector<32xbf16>
      %add3A_1177 = arith.constant 1 : i32
      %add3A_1178 = vector.broadcast %add3A_1177 : i32 to vector<16xi32>
      %add3A_1179 = arith.addi %and3A_1170, %add3A_1178 : vector<16xi32>
      %and3A_1180 = arith.constant 63 : i32
      %and3A_1181 = vector.broadcast %and3A_1180 : i32 to vector<16xi32>
      %and3A_1182 = arith.andi %add3A_1179, %and3A_1181 : vector<16xi32>
      %gather3A_1183 = tpu.vector_load_idx %arg8[%add3A_903, %and3A_1182] : memref<320x64xi32, #tpu.memory_space<vmem>>[vector<16xi32>, vector<16xi32>], vector<16xi32>,
      %gather3A_1184 = tpu.vector_load_idx %arg9[%add3A_903, %and3A_1182] : memref<320x64xi32, #tpu.memory_space<vmem>>[vector<16xi32>, vector<16xi32>], vector<16xi32>,
      %bitcast3A_1185 = vector.bitcast %gather3A_1183 : vector<16xi32> to vector<32xbf16>
      %bitcast3A_1186 = vector.bitcast %gather3A_1184 : vector<16xi32> to vector<32xbf16>
      %mul3A_1187 = arith.mulf %bitcast3A_1185, %bitcast3A_1186 : vector<32xbf16>
      %add3A_1188 = arith.addf %add3A_1176, %mul3A_1187 : vector<32xbf16>
      %add3A_1189 = arith.constant 1 : i32
      %add3A_1190 = vector.broadcast %add3A_1189 : i32 to vector<16xi32>
      %add3A_1191 = arith.addi %and3A_1182, %add3A_1190 : vector<16xi32>
      %and3A_1192 = arith.constant 63 : i32
      %and3A_1193 = vector.broadcast %and3A_1192 : i32 to vector<16xi32>
      %and3A_1194 = arith.andi %add3A_1191, %and3A_1193 : vector<16xi32>
      %gather3A_1195 = tpu.vector_load_idx %arg8[%add3A_903, %and3A_1194] : memref<320x64xi32, #tpu.memory_space<vmem>>[vector<16xi32>, vector<16xi32>], vector<16xi32>,
      %gather3A_1196 = tpu.vector_load_idx %arg9[%add3A_903, %and3A_1194] : memref<320x64xi32, #tpu.memory_space<vmem>>[vector<16xi32>, vector<16xi32>], vector<16xi32>,
      %bitcast3A_1197 = vector.bitcast %gather3A_1195 : vector<16xi32> to vector<32xbf16>
      %bitcast3A_1198 = vector.bitcast %gather3A_1196 : vector<16xi32> to vector<32xbf16>
      %mul3A_1199 = arith.mulf %bitcast3A_1197, %bitcast3A_1198 : vector<32xbf16>
      %add3A_1200 = arith.addf %add3A_1188, %mul3A_1199 : vector<32xbf16>
      %add3A_1201 = arith.constant 1 : i32
      %add3A_1202 = vector.broadcast %add3A_1201 : i32 to vector<16xi32>
      %add3A_1203 = arith.addi %and3A_1194, %add3A_1202 : vector<16xi32>
      %and3A_1204 = arith.constant 63 : i32
      %and3A_1205 = vector.broadcast %and3A_1204 : i32 to vector<16xi32>
      %and3A_1206 = arith.andi %add3A_1203, %and3A_1205 : vector<16xi32>
      %gather3A_1207 = tpu.vector_load_idx %arg8[%add3A_903, %and3A_1206] : memref<320x64xi32, #tpu.memory_space<vmem>>[vector<16xi32>, vector<16xi32>], vector<16xi32>,
      %gather3A_1208 = tpu.vector_load_idx %arg9[%add3A_903, %and3A_1206] : memref<320x64xi32, #tpu.memory_space<vmem>>[vector<16xi32>, vector<16xi32>], vector<16xi32>,
      %bitcast3A_1209 = vector.bitcast %gather3A_1207 : vector<16xi32> to vector<32xbf16>
      %bitcast3A_1210 = vector.bitcast %gather3A_1208 : vector<16xi32> to vector<32xbf16>
      %mul3A_1211 = arith.mulf %bitcast3A_1209, %bitcast3A_1210 : vector<32xbf16>
      %add3A_1212 = arith.addf %add3A_1200, %mul3A_1211 : vector<32xbf16>
      %add3A_1213 = arith.constant 1 : i32
      %add3A_1214 = vector.broadcast %add3A_1213 : i32 to vector<16xi32>
      %add3A_1215 = arith.addi %and3A_1206, %add3A_1214 : vector<16xi32>
      %and3A_1216 = arith.constant 63 : i32
      %and3A_1217 = vector.broadcast %and3A_1216 : i32 to vector<16xi32>
      %and3A_1218 = arith.andi %add3A_1215, %and3A_1217 : vector<16xi32>
      %gather3A_1219 = tpu.vector_load_idx %arg8[%add3A_903, %and3A_1218] : memref<320x64xi32, #tpu.memory_space<vmem>>[vector<16xi32>, vector<16xi32>], vector<16xi32>,
      %gather3A_1220 = tpu.vector_load_idx %arg9[%add3A_903, %and3A_1218] : memref<320x64xi32, #tpu.memory_space<vmem>>[vector<16xi32>, vector<16xi32>], vector<16xi32>,
      %bitcast3A_1221 = vector.bitcast %gather3A_1219 : vector<16xi32> to vector<32xbf16>
      %bitcast3A_1222 = vector.bitcast %gather3A_1220 : vector<16xi32> to vector<32xbf16>
      %mul3A_1223 = arith.mulf %bitcast3A_1221, %bitcast3A_1222 : vector<32xbf16>
      %add3A_1224 = arith.addf %add3A_1212, %mul3A_1223 : vector<32xbf16>
      %add3A_1225 = arith.constant 1 : i32
      %add3A_1226 = vector.broadcast %add3A_1225 : i32 to vector<16xi32>
      %add3A_1227 = arith.addi %and3A_1218, %add3A_1226 : vector<16xi32>
      %and3A_1228 = arith.constant 63 : i32
      %and3A_1229 = vector.broadcast %and3A_1228 : i32 to vector<16xi32>
      %and3A_1230 = arith.andi %add3A_1227, %and3A_1229 : vector<16xi32>
      %gather3A_1231 = tpu.vector_load_idx %arg8[%add3A_903, %and3A_1230] : memref<320x64xi32, #tpu.memory_space<vmem>>[vector<16xi32>, vector<16xi32>], vector<16xi32>,
      %gather3A_1232 = tpu.vector_load_idx %arg9[%add3A_903, %and3A_1230] : memref<320x64xi32, #tpu.memory_space<vmem>>[vector<16xi32>, vector<16xi32>], vector<16xi32>,
      %bitcast3A_1233 = vector.bitcast %gather3A_1231 : vector<16xi32> to vector<32xbf16>
      %bitcast3A_1234 = vector.bitcast %gather3A_1232 : vector<16xi32> to vector<32xbf16>
      %mul3A_1235 = arith.mulf %bitcast3A_1233, %bitcast3A_1234 : vector<32xbf16>
      %add3A_1236 = arith.addf %add3A_1224, %mul3A_1235 : vector<32xbf16>
      %add3A_1237 = arith.constant 1 : i32
      %add3A_1238 = vector.broadcast %add3A_1237 : i32 to vector<16xi32>
      %add3A_1239 = arith.addi %and3A_1230, %add3A_1238 : vector<16xi32>
      %and3A_1240 = arith.constant 63 : i32
      %and3A_1241 = vector.broadcast %and3A_1240 : i32 to vector<16xi32>
      %and3A_1242 = arith.andi %add3A_1239, %and3A_1241 : vector<16xi32>
      %gather3A_1243 = tpu.vector_load_idx %arg8[%add3A_903, %and3A_1242] : memref<320x64xi32, #tpu.memory_space<vmem>>[vector<16xi32>, vector<16xi32>], vector<16xi32>,
      %gather3A_1244 = tpu.vector_load_idx %arg9[%add3A_903, %and3A_1242] : memref<320x64xi32, #tpu.memory_space<vmem>>[vector<16xi32>, vector<16xi32>], vector<16xi32>,
      %bitcast3A_1245 = vector.bitcast %gather3A_1243 : vector<16xi32> to vector<32xbf16>
      %bitcast3A_1246 = vector.bitcast %gather3A_1244 : vector<16xi32> to vector<32xbf16>
      %mul3A_1247 = arith.mulf %bitcast3A_1245, %bitcast3A_1246 : vector<32xbf16>
      %add3A_1248 = arith.addf %add3A_1236, %mul3A_1247 : vector<32xbf16>
      %add3A_1249 = arith.constant 1 : i32
      %add3A_1250 = vector.broadcast %add3A_1249 : i32 to vector<16xi32>
      %add3A_1251 = arith.addi %and3A_1242, %add3A_1250 : vector<16xi32>
      %and3A_1252 = arith.constant 63 : i32
      %and3A_1253 = vector.broadcast %and3A_1252 : i32 to vector<16xi32>
      %and3A_1254 = arith.andi %add3A_1251, %and3A_1253 : vector<16xi32>
      %gather3A_1255 = tpu.vector_load_idx %arg8[%add3A_903, %and3A_1254] : memref<320x64xi32, #tpu.memory_space<vmem>>[vector<16xi32>, vector<16xi32>], vector<16xi32>,
      %gather3A_1256 = tpu.vector_load_idx %arg9[%add3A_903, %and3A_1254] : memref<320x64xi32, #tpu.memory_space<vmem>>[vector<16xi32>, vector<16xi32>], vector<16xi32>,
      %bitcast3A_1257 = vector.bitcast %gather3A_1255 : vector<16xi32> to vector<32xbf16>
      %bitcast3A_1258 = vector.bitcast %gather3A_1256 : vector<16xi32> to vector<32xbf16>
      %mul3A_1259 = arith.mulf %bitcast3A_1257, %bitcast3A_1258 : vector<32xbf16>
      %add3A_1260 = arith.addf %add3A_1248, %mul3A_1259 : vector<32xbf16>
      %add3A_1261 = arith.constant 1 : i32
      %add3A_1262 = vector.broadcast %add3A_1261 : i32 to vector<16xi32>
      %add3A_1263 = arith.addi %and3A_1254, %add3A_1262 : vector<16xi32>
      %and3A_1264 = arith.constant 63 : i32
      %and3A_1265 = vector.broadcast %and3A_1264 : i32 to vector<16xi32>
      %and3A_1266 = arith.andi %add3A_1263, %and3A_1265 : vector<16xi32>
      %gather3A_1267 = tpu.vector_load_idx %arg8[%add3A_903, %and3A_1266] : memref<320x64xi32, #tpu.memory_space<vmem>>[vector<16xi32>, vector<16xi32>], vector<16xi32>,
      %gather3A_1268 = tpu.vector_load_idx %arg9[%add3A_903, %and3A_1266] : memref<320x64xi32, #tpu.memory_space<vmem>>[vector<16xi32>, vector<16xi32>], vector<16xi32>,
      %bitcast3A_1269 = vector.bitcast %gather3A_1267 : vector<16xi32> to vector<32xbf16>
      %bitcast3A_1270 = vector.bitcast %gather3A_1268 : vector<16xi32> to vector<32xbf16>
      %mul3A_1271 = arith.mulf %bitcast3A_1269, %bitcast3A_1270 : vector<32xbf16>
      %add3A_1272 = arith.addf %add3A_1260, %mul3A_1271 : vector<32xbf16>
      %add3A_1273 = arith.constant 1 : i32
      %add3A_1274 = vector.broadcast %add3A_1273 : i32 to vector<16xi32>
      %add3A_1275 = arith.addi %and3A_1266, %add3A_1274 : vector<16xi32>
      %and3A_1276 = arith.constant 63 : i32
      %and3A_1277 = vector.broadcast %and3A_1276 : i32 to vector<16xi32>
      %and3A_1278 = arith.andi %add3A_1275, %and3A_1277 : vector<16xi32>
      %gather3A_1279 = tpu.vector_load_idx %arg8[%add3A_903, %and3A_1278] : memref<320x64xi32, #tpu.memory_space<vmem>>[vector<16xi32>, vector<16xi32>], vector<16xi32>,
      %gather3A_1280 = tpu.vector_load_idx %arg9[%add3A_903, %and3A_1278] : memref<320x64xi32, #tpu.memory_space<vmem>>[vector<16xi32>, vector<16xi32>], vector<16xi32>,
      %bitcast3A_1281 = vector.bitcast %gather3A_1279 : vector<16xi32> to vector<32xbf16>
      %bitcast3A_1282 = vector.bitcast %gather3A_1280 : vector<16xi32> to vector<32xbf16>
      %mul3A_1283 = arith.mulf %bitcast3A_1281, %bitcast3A_1282 : vector<32xbf16>
      %add3A_1284 = arith.addf %add3A_1272, %mul3A_1283 : vector<32xbf16>
      %add3A_1285 = arith.constant 1 : i32
      %add3A_1286 = vector.broadcast %add3A_1285 : i32 to vector<16xi32>
      %add3A_1287 = arith.addi %and3A_1278, %add3A_1286 : vector<16xi32>
      %and3A_1288 = arith.constant 63 : i32
      %and3A_1289 = vector.broadcast %and3A_1288 : i32 to vector<16xi32>
      %and3A_1290 = arith.andi %add3A_1287, %and3A_1289 : vector<16xi32>
      %gather3A_1291 = tpu.vector_load_idx %arg8[%add3A_903, %and3A_1290] : memref<320x64xi32, #tpu.memory_space<vmem>>[vector<16xi32>, vector<16xi32>], vector<16xi32>,
      %gather3A_1292 = tpu.vector_load_idx %arg9[%add3A_903, %and3A_1290] : memref<320x64xi32, #tpu.memory_space<vmem>>[vector<16xi32>, vector<16xi32>], vector<16xi32>,
      %bitcast3A_1293 = vector.bitcast %gather3A_1291 : vector<16xi32> to vector<32xbf16>
      %bitcast3A_1294 = vector.bitcast %gather3A_1292 : vector<16xi32> to vector<32xbf16>
      %mul3A_1295 = arith.mulf %bitcast3A_1293, %bitcast3A_1294 : vector<32xbf16>
      %add3A_1296 = arith.addf %add3A_1284, %mul3A_1295 : vector<32xbf16>
      %add3A_1297 = arith.constant 1 : i32
      %add3A_1298 = vector.broadcast %add3A_1297 : i32 to vector<16xi32>
      %add3A_1299 = arith.addi %and3A_1290, %add3A_1298 : vector<16xi32>
      %and3A_1300 = arith.constant 63 : i32
      %and3A_1301 = vector.broadcast %and3A_1300 : i32 to vector<16xi32>
      %and3A_1302 = arith.andi %add3A_1299, %and3A_1301 : vector<16xi32>
      %gather3A_1303 = tpu.vector_load_idx %arg8[%add3A_903, %and3A_1302] : memref<320x64xi32, #tpu.memory_space<vmem>>[vector<16xi32>, vector<16xi32>], vector<16xi32>,
      %gather3A_1304 = tpu.vector_load_idx %arg9[%add3A_903, %and3A_1302] : memref<320x64xi32, #tpu.memory_space<vmem>>[vector<16xi32>, vector<16xi32>], vector<16xi32>,
      %bitcast3A_1305 = vector.bitcast %gather3A_1303 : vector<16xi32> to vector<32xbf16>
      %bitcast3A_1306 = vector.bitcast %gather3A_1304 : vector<16xi32> to vector<32xbf16>
      %mul3A_1307 = arith.mulf %bitcast3A_1305, %bitcast3A_1306 : vector<32xbf16>
      %add3A_1308 = arith.addf %add3A_1296, %mul3A_1307 : vector<32xbf16>
      %add3A_1309 = arith.constant 1 : i32
      %add3A_1310 = vector.broadcast %add3A_1309 : i32 to vector<16xi32>
      %add3A_1311 = arith.addi %and3A_1302, %add3A_1310 : vector<16xi32>
      %and3A_1312 = arith.constant 63 : i32
      %and3A_1313 = vector.broadcast %and3A_1312 : i32 to vector<16xi32>
      %and3A_1314 = arith.andi %add3A_1311, %and3A_1313 : vector<16xi32>
      %gather3A_1315 = tpu.vector_load_idx %arg8[%add3A_903, %and3A_1314] : memref<320x64xi32, #tpu.memory_space<vmem>>[vector<16xi32>, vector<16xi32>], vector<16xi32>,
      %gather3A_1316 = tpu.vector_load_idx %arg9[%add3A_903, %and3A_1314] : memref<320x64xi32, #tpu.memory_space<vmem>>[vector<16xi32>, vector<16xi32>], vector<16xi32>,
      %bitcast3A_1317 = vector.bitcast %gather3A_1315 : vector<16xi32> to vector<32xbf16>
      %bitcast3A_1318 = vector.bitcast %gather3A_1316 : vector<16xi32> to vector<32xbf16>
      %mul3A_1319 = arith.mulf %bitcast3A_1317, %bitcast3A_1318 : vector<32xbf16>
      %add3A_1320 = arith.addf %add3A_1308, %mul3A_1319 : vector<32xbf16>
      %add3A_1321 = arith.constant 1 : i32
      %add3A_1322 = vector.broadcast %add3A_1321 : i32 to vector<16xi32>
      %add3A_1323 = arith.addi %and3A_1314, %add3A_1322 : vector<16xi32>
      %and3A_1324 = arith.constant 63 : i32
      %and3A_1325 = vector.broadcast %and3A_1324 : i32 to vector<16xi32>
      %and3A_1326 = arith.andi %add3A_1323, %and3A_1325 : vector<16xi32>
      %gather3A_1327 = tpu.vector_load_idx %arg8[%add3A_903, %and3A_1326] : memref<320x64xi32, #tpu.memory_space<vmem>>[vector<16xi32>, vector<16xi32>], vector<16xi32>,
      %gather3A_1328 = tpu.vector_load_idx %arg9[%add3A_903, %and3A_1326] : memref<320x64xi32, #tpu.memory_space<vmem>>[vector<16xi32>, vector<16xi32>], vector<16xi32>,
      %bitcast3A_1329 = vector.bitcast %gather3A_1327 : vector<16xi32> to vector<32xbf16>
      %bitcast3A_1330 = vector.bitcast %gather3A_1328 : vector<16xi32> to vector<32xbf16>
      %mul3A_1331 = arith.mulf %bitcast3A_1329, %bitcast3A_1330 : vector<32xbf16>
      %add3A_1332 = arith.addf %add3A_1320, %mul3A_1331 : vector<32xbf16>
      %add3A_1333 = arith.constant 1 : i32
      %add3A_1334 = vector.broadcast %add3A_1333 : i32 to vector<16xi32>
      %add3A_1335 = arith.addi %and3A_1326, %add3A_1334 : vector<16xi32>
      %and3A_1336 = arith.constant 63 : i32
      %and3A_1337 = vector.broadcast %and3A_1336 : i32 to vector<16xi32>
      %and3A_1338 = arith.andi %add3A_1335, %and3A_1337 : vector<16xi32>
      %gather3A_1339 = tpu.vector_load_idx %arg8[%add3A_903, %and3A_1338] : memref<320x64xi32, #tpu.memory_space<vmem>>[vector<16xi32>, vector<16xi32>], vector<16xi32>,
      %gather3A_1340 = tpu.vector_load_idx %arg9[%add3A_903, %and3A_1338] : memref<320x64xi32, #tpu.memory_space<vmem>>[vector<16xi32>, vector<16xi32>], vector<16xi32>,
      %bitcast3A_1341 = vector.bitcast %gather3A_1339 : vector<16xi32> to vector<32xbf16>
      %bitcast3A_1342 = vector.bitcast %gather3A_1340 : vector<16xi32> to vector<32xbf16>
      %mul3A_1343 = arith.mulf %bitcast3A_1341, %bitcast3A_1342 : vector<32xbf16>
      %add3A_1344 = arith.addf %add3A_1332, %mul3A_1343 : vector<32xbf16>
      %add3A_1345 = arith.constant 1 : i32
      %add3A_1346 = vector.broadcast %add3A_1345 : i32 to vector<16xi32>
      %add3A_1347 = arith.addi %and3A_1338, %add3A_1346 : vector<16xi32>
      %and3A_1348 = arith.constant 63 : i32
      %and3A_1349 = vector.broadcast %and3A_1348 : i32 to vector<16xi32>
      %and3A_1350 = arith.andi %add3A_1347, %and3A_1349 : vector<16xi32>
      %gather3A_1351 = tpu.vector_load_idx %arg8[%add3A_903, %and3A_1350] : memref<320x64xi32, #tpu.memory_space<vmem>>[vector<16xi32>, vector<16xi32>], vector<16xi32>,
      %gather3A_1352 = tpu.vector_load_idx %arg9[%add3A_903, %and3A_1350] : memref<320x64xi32, #tpu.memory_space<vmem>>[vector<16xi32>, vector<16xi32>], vector<16xi32>,
      %bitcast3A_1353 = vector.bitcast %gather3A_1351 : vector<16xi32> to vector<32xbf16>
      %bitcast3A_1354 = vector.bitcast %gather3A_1352 : vector<16xi32> to vector<32xbf16>
      %mul3A_1355 = arith.mulf %bitcast3A_1353, %bitcast3A_1354 : vector<32xbf16>
      %add3A_1356 = arith.addf %add3A_1344, %mul3A_1355 : vector<32xbf16>
      %add3A_1357 = arith.constant 1 : i32
      %add3A_1358 = vector.broadcast %add3A_1357 : i32 to vector<16xi32>
      %add3A_1359 = arith.addi %and3A_1350, %add3A_1358 : vector<16xi32>
      %and3A_1360 = arith.constant 63 : i32
      %and3A_1361 = vector.broadcast %and3A_1360 : i32 to vector<16xi32>
      %and3A_1362 = arith.andi %add3A_1359, %and3A_1361 : vector<16xi32>
      %gather3A_1363 = tpu.vector_load_idx %arg8[%add3A_903, %and3A_1362] : memref<320x64xi32, #tpu.memory_space<vmem>>[vector<16xi32>, vector<16xi32>], vector<16xi32>,
      %gather3A_1364 = tpu.vector_load_idx %arg9[%add3A_903, %and3A_1362] : memref<320x64xi32, #tpu.memory_space<vmem>>[vector<16xi32>, vector<16xi32>], vector<16xi32>,
      %bitcast3A_1365 = vector.bitcast %gather3A_1363 : vector<16xi32> to vector<32xbf16>
      %bitcast3A_1366 = vector.bitcast %gather3A_1364 : vector<16xi32> to vector<32xbf16>
      %mul3A_1367 = arith.mulf %bitcast3A_1365, %bitcast3A_1366 : vector<32xbf16>
      %add3A_1368 = arith.addf %add3A_1356, %mul3A_1367 : vector<32xbf16>
      %add3A_1369 = arith.constant 1 : i32
      %add3A_1370 = vector.broadcast %add3A_1369 : i32 to vector<16xi32>
      %add3A_1371 = arith.addi %and3A_1362, %add3A_1370 : vector<16xi32>
      %and3A_1372 = arith.constant 63 : i32
      %and3A_1373 = vector.broadcast %and3A_1372 : i32 to vector<16xi32>
      %and3A_1374 = arith.andi %add3A_1371, %and3A_1373 : vector<16xi32>
      %gather3A_1375 = tpu.vector_load_idx %arg8[%add3A_903, %and3A_1374] : memref<320x64xi32, #tpu.memory_space<vmem>>[vector<16xi32>, vector<16xi32>], vector<16xi32>,
      %gather3A_1376 = tpu.vector_load_idx %arg9[%add3A_903, %and3A_1374] : memref<320x64xi32, #tpu.memory_space<vmem>>[vector<16xi32>, vector<16xi32>], vector<16xi32>,
      %bitcast3A_1377 = vector.bitcast %gather3A_1375 : vector<16xi32> to vector<32xbf16>
      %bitcast3A_1378 = vector.bitcast %gather3A_1376 : vector<16xi32> to vector<32xbf16>
      %mul3A_1379 = arith.mulf %bitcast3A_1377, %bitcast3A_1378 : vector<32xbf16>
      %add3A_1380 = arith.addf %add3A_1368, %mul3A_1379 : vector<32xbf16>
      %add3A_1381 = arith.constant 1 : i32
      %add3A_1382 = vector.broadcast %add3A_1381 : i32 to vector<16xi32>
      %add3A_1383 = arith.addi %and3A_1374, %add3A_1382 : vector<16xi32>
      %and3A_1384 = arith.constant 63 : i32
      %and3A_1385 = vector.broadcast %and3A_1384 : i32 to vector<16xi32>
      %and3A_1386 = arith.andi %add3A_1383, %and3A_1385 : vector<16xi32>
      %gather3A_1387 = tpu.vector_load_idx %arg8[%add3A_903, %and3A_1386] : memref<320x64xi32, #tpu.memory_space<vmem>>[vector<16xi32>, vector<16xi32>], vector<16xi32>,
      %gather3A_1388 = tpu.vector_load_idx %arg9[%add3A_903, %and3A_1386] : memref<320x64xi32, #tpu.memory_space<vmem>>[vector<16xi32>, vector<16xi32>], vector<16xi32>,
      %bitcast3A_1389 = vector.bitcast %gather3A_1387 : vector<16xi32> to vector<32xbf16>
      %bitcast3A_1390 = vector.bitcast %gather3A_1388 : vector<16xi32> to vector<32xbf16>
      %mul3A_1391 = arith.mulf %bitcast3A_1389, %bitcast3A_1390 : vector<32xbf16>
      %add3A_1392 = arith.addf %add3A_1380, %mul3A_1391 : vector<32xbf16>
      %add3A_1393 = arith.constant 1 : i32
      %add3A_1394 = vector.broadcast %add3A_1393 : i32 to vector<16xi32>
      %add3A_1395 = arith.addi %and3A_1386, %add3A_1394 : vector<16xi32>
      %and3A_1396 = arith.constant 63 : i32
      %and3A_1397 = vector.broadcast %and3A_1396 : i32 to vector<16xi32>
      %and3A_1398 = arith.andi %add3A_1395, %and3A_1397 : vector<16xi32>
      %gather3A_1399 = tpu.vector_load_idx %arg8[%add3A_903, %and3A_1398] : memref<320x64xi32, #tpu.memory_space<vmem>>[vector<16xi32>, vector<16xi32>], vector<16xi32>,
      %gather3A_1400 = tpu.vector_load_idx %arg9[%add3A_903, %and3A_1398] : memref<320x64xi32, #tpu.memory_space<vmem>>[vector<16xi32>, vector<16xi32>], vector<16xi32>,
      %bitcast3A_1401 = vector.bitcast %gather3A_1399 : vector<16xi32> to vector<32xbf16>
      %bitcast3A_1402 = vector.bitcast %gather3A_1400 : vector<16xi32> to vector<32xbf16>
      %mul3A_1403 = arith.mulf %bitcast3A_1401, %bitcast3A_1402 : vector<32xbf16>
      %add3A_1404 = arith.addf %add3A_1392, %mul3A_1403 : vector<32xbf16>
      %add3A_1405 = arith.constant 1 : i32
      %add3A_1406 = vector.broadcast %add3A_1405 : i32 to vector<16xi32>
      %add3A_1407 = arith.addi %and3A_1398, %add3A_1406 : vector<16xi32>
      %and3A_1408 = arith.constant 63 : i32
      %and3A_1409 = vector.broadcast %and3A_1408 : i32 to vector<16xi32>
      %and3A_1410 = arith.andi %add3A_1407, %and3A_1409 : vector<16xi32>
      %gather3A_1411 = tpu.vector_load_idx %arg8[%add3A_903, %and3A_1410] : memref<320x64xi32, #tpu.memory_space<vmem>>[vector<16xi32>, vector<16xi32>], vector<16xi32>,
      %gather3A_1412 = tpu.vector_load_idx %arg9[%add3A_903, %and3A_1410] : memref<320x64xi32, #tpu.memory_space<vmem>>[vector<16xi32>, vector<16xi32>], vector<16xi32>,
      %bitcast3A_1413 = vector.bitcast %gather3A_1411 : vector<16xi32> to vector<32xbf16>
      %bitcast3A_1414 = vector.bitcast %gather3A_1412 : vector<16xi32> to vector<32xbf16>
      %mul3A_1415 = arith.mulf %bitcast3A_1413, %bitcast3A_1414 : vector<32xbf16>
      %add3A_1416 = arith.addf %add3A_1404, %mul3A_1415 : vector<32xbf16>
      %add3A_1417 = arith.constant 1 : i32
      %add3A_1418 = vector.broadcast %add3A_1417 : i32 to vector<16xi32>
      %add3A_1419 = arith.addi %and3A_1410, %add3A_1418 : vector<16xi32>
      %and3A_1420 = arith.constant 63 : i32
      %and3A_1421 = vector.broadcast %and3A_1420 : i32 to vector<16xi32>
      %and3A_1422 = arith.andi %add3A_1419, %and3A_1421 : vector<16xi32>
      %gather3A_1423 = tpu.vector_load_idx %arg8[%add3A_903, %and3A_1422] : memref<320x64xi32, #tpu.memory_space<vmem>>[vector<16xi32>, vector<16xi32>], vector<16xi32>,
      %gather3A_1424 = tpu.vector_load_idx %arg9[%add3A_903, %and3A_1422] : memref<320x64xi32, #tpu.memory_space<vmem>>[vector<16xi32>, vector<16xi32>], vector<16xi32>,
      %bitcast3A_1425 = vector.bitcast %gather3A_1423 : vector<16xi32> to vector<32xbf16>
      %bitcast3A_1426 = vector.bitcast %gather3A_1424 : vector<16xi32> to vector<32xbf16>
      %mul3A_1427 = arith.mulf %bitcast3A_1425, %bitcast3A_1426 : vector<32xbf16>
      %add3A_1428 = arith.addf %add3A_1416, %mul3A_1427 : vector<32xbf16>
      %add3A_1429 = arith.constant 1 : i32
      %add3A_1430 = vector.broadcast %add3A_1429 : i32 to vector<16xi32>
      %add3A_1431 = arith.addi %and3A_1422, %add3A_1430 : vector<16xi32>
      %and3A_1432 = arith.constant 63 : i32
      %and3A_1433 = vector.broadcast %and3A_1432 : i32 to vector<16xi32>
      %and3A_1434 = arith.andi %add3A_1431, %and3A_1433 : vector<16xi32>
      %gather3A_1435 = tpu.vector_load_idx %arg8[%add3A_903, %and3A_1434] : memref<320x64xi32, #tpu.memory_space<vmem>>[vector<16xi32>, vector<16xi32>], vector<16xi32>,
      %gather3A_1436 = tpu.vector_load_idx %arg9[%add3A_903, %and3A_1434] : memref<320x64xi32, #tpu.memory_space<vmem>>[vector<16xi32>, vector<16xi32>], vector<16xi32>,
      %bitcast3A_1437 = vector.bitcast %gather3A_1435 : vector<16xi32> to vector<32xbf16>
      %bitcast3A_1438 = vector.bitcast %gather3A_1436 : vector<16xi32> to vector<32xbf16>
      %mul3A_1439 = arith.mulf %bitcast3A_1437, %bitcast3A_1438 : vector<32xbf16>
      %add3A_1440 = arith.addf %add3A_1428, %mul3A_1439 : vector<32xbf16>
      %add3A_1441 = arith.constant 1 : i32
      %add3A_1442 = vector.broadcast %add3A_1441 : i32 to vector<16xi32>
      %add3A_1443 = arith.addi %and3A_1434, %add3A_1442 : vector<16xi32>
      %and3A_1444 = arith.constant 63 : i32
      %and3A_1445 = vector.broadcast %and3A_1444 : i32 to vector<16xi32>
      %and3A_1446 = arith.andi %add3A_1443, %and3A_1445 : vector<16xi32>
      %gather3A_1447 = tpu.vector_load_idx %arg8[%add3A_903, %and3A_1446] : memref<320x64xi32, #tpu.memory_space<vmem>>[vector<16xi32>, vector<16xi32>], vector<16xi32>,
      %gather3A_1448 = tpu.vector_load_idx %arg9[%add3A_903, %and3A_1446] : memref<320x64xi32, #tpu.memory_space<vmem>>[vector<16xi32>, vector<16xi32>], vector<16xi32>,
      %bitcast3A_1449 = vector.bitcast %gather3A_1447 : vector<16xi32> to vector<32xbf16>
      %bitcast3A_1450 = vector.bitcast %gather3A_1448 : vector<16xi32> to vector<32xbf16>
      %mul3A_1451 = arith.mulf %bitcast3A_1449, %bitcast3A_1450 : vector<32xbf16>
      %add3A_1452 = arith.addf %add3A_1440, %mul3A_1451 : vector<32xbf16>
      %add3A_1453 = arith.constant 1 : i32
      %add3A_1454 = vector.broadcast %add3A_1453 : i32 to vector<16xi32>
      %add3A_1455 = arith.addi %and3A_1446, %add3A_1454 : vector<16xi32>
      %and3A_1456 = arith.constant 63 : i32
      %and3A_1457 = vector.broadcast %and3A_1456 : i32 to vector<16xi32>
      %and3A_1458 = arith.andi %add3A_1455, %and3A_1457 : vector<16xi32>
      %gather3A_1459 = tpu.vector_load_idx %arg8[%add3A_903, %and3A_1458] : memref<320x64xi32, #tpu.memory_space<vmem>>[vector<16xi32>, vector<16xi32>], vector<16xi32>,
      %gather3A_1460 = tpu.vector_load_idx %arg9[%add3A_903, %and3A_1458] : memref<320x64xi32, #tpu.memory_space<vmem>>[vector<16xi32>, vector<16xi32>], vector<16xi32>,
      %bitcast3A_1461 = vector.bitcast %gather3A_1459 : vector<16xi32> to vector<32xbf16>
      %bitcast3A_1462 = vector.bitcast %gather3A_1460 : vector<16xi32> to vector<32xbf16>
      %mul3A_1463 = arith.mulf %bitcast3A_1461, %bitcast3A_1462 : vector<32xbf16>
      %add3A_1464 = arith.addf %add3A_1452, %mul3A_1463 : vector<32xbf16>
      %add3A_1465 = arith.constant 1 : i32
      %add3A_1466 = vector.broadcast %add3A_1465 : i32 to vector<16xi32>
      %add3A_1467 = arith.addi %and3A_1458, %add3A_1466 : vector<16xi32>
      %and3A_1468 = arith.constant 63 : i32
      %and3A_1469 = vector.broadcast %and3A_1468 : i32 to vector<16xi32>
      %and3A_1470 = arith.andi %add3A_1467, %and3A_1469 : vector<16xi32>
      %gather3A_1471 = tpu.vector_load_idx %arg8[%add3A_903, %and3A_1470] : memref<320x64xi32, #tpu.memory_space<vmem>>[vector<16xi32>, vector<16xi32>], vector<16xi32>,
      %gather3A_1472 = tpu.vector_load_idx %arg9[%add3A_903, %and3A_1470] : memref<320x64xi32, #tpu.memory_space<vmem>>[vector<16xi32>, vector<16xi32>], vector<16xi32>,
      %bitcast3A_1473 = vector.bitcast %gather3A_1471 : vector<16xi32> to vector<32xbf16>
      %bitcast3A_1474 = vector.bitcast %gather3A_1472 : vector<16xi32> to vector<32xbf16>
      %mul3A_1475 = arith.mulf %bitcast3A_1473, %bitcast3A_1474 : vector<32xbf16>
      %add3A_1476 = arith.addf %add3A_1464, %mul3A_1475 : vector<32xbf16>
      %add3A_1477 = arith.constant 1 : i32
      %add3A_1478 = vector.broadcast %add3A_1477 : i32 to vector<16xi32>
      %add3A_1479 = arith.addi %and3A_1470, %add3A_1478 : vector<16xi32>
      %and3A_1480 = arith.constant 63 : i32
      %and3A_1481 = vector.broadcast %and3A_1480 : i32 to vector<16xi32>
      %and3A_1482 = arith.andi %add3A_1479, %and3A_1481 : vector<16xi32>
      %gather3A_1483 = tpu.vector_load_idx %arg8[%add3A_903, %and3A_1482] : memref<320x64xi32, #tpu.memory_space<vmem>>[vector<16xi32>, vector<16xi32>], vector<16xi32>,
      %gather3A_1484 = tpu.vector_load_idx %arg9[%add3A_903, %and3A_1482] : memref<320x64xi32, #tpu.memory_space<vmem>>[vector<16xi32>, vector<16xi32>], vector<16xi32>,
      %bitcast3A_1485 = vector.bitcast %gather3A_1483 : vector<16xi32> to vector<32xbf16>
      %bitcast3A_1486 = vector.bitcast %gather3A_1484 : vector<16xi32> to vector<32xbf16>
      %mul3A_1487 = arith.mulf %bitcast3A_1485, %bitcast3A_1486 : vector<32xbf16>
      %add3A_1488 = arith.addf %add3A_1476, %mul3A_1487 : vector<32xbf16>
      %add3A_1489 = arith.constant 1 : i32
      %add3A_1490 = vector.broadcast %add3A_1489 : i32 to vector<16xi32>
      %add3A_1491 = arith.addi %and3A_1482, %add3A_1490 : vector<16xi32>
      %and3A_1492 = arith.constant 63 : i32
      %and3A_1493 = vector.broadcast %and3A_1492 : i32 to vector<16xi32>
      %and3A_1494 = arith.andi %add3A_1491, %and3A_1493 : vector<16xi32>
      %gather3A_1495 = tpu.vector_load_idx %arg8[%add3A_903, %and3A_1494] : memref<320x64xi32, #tpu.memory_space<vmem>>[vector<16xi32>, vector<16xi32>], vector<16xi32>,
      %gather3A_1496 = tpu.vector_load_idx %arg9[%add3A_903, %and3A_1494] : memref<320x64xi32, #tpu.memory_space<vmem>>[vector<16xi32>, vector<16xi32>], vector<16xi32>,
      %bitcast3A_1497 = vector.bitcast %gather3A_1495 : vector<16xi32> to vector<32xbf16>
      %bitcast3A_1498 = vector.bitcast %gather3A_1496 : vector<16xi32> to vector<32xbf16>
      %mul3A_1499 = arith.mulf %bitcast3A_1497, %bitcast3A_1498 : vector<32xbf16>
      %add3A_1500 = arith.addf %add3A_1488, %mul3A_1499 : vector<32xbf16>
      %add3A_1501 = arith.constant 1 : i32
      %add3A_1502 = vector.broadcast %add3A_1501 : i32 to vector<16xi32>
      %add3A_1503 = arith.addi %and3A_1494, %add3A_1502 : vector<16xi32>
      %and3A_1504 = arith.constant 63 : i32
      %and3A_1505 = vector.broadcast %and3A_1504 : i32 to vector<16xi32>
      %and3A_1506 = arith.andi %add3A_1503, %and3A_1505 : vector<16xi32>
      %gather3A_1507 = tpu.vector_load_idx %arg8[%add3A_903, %and3A_1506] : memref<320x64xi32, #tpu.memory_space<vmem>>[vector<16xi32>, vector<16xi32>], vector<16xi32>,
      %gather3A_1508 = tpu.vector_load_idx %arg9[%add3A_903, %and3A_1506] : memref<320x64xi32, #tpu.memory_space<vmem>>[vector<16xi32>, vector<16xi32>], vector<16xi32>,
      %bitcast3A_1509 = vector.bitcast %gather3A_1507 : vector<16xi32> to vector<32xbf16>
      %bitcast3A_1510 = vector.bitcast %gather3A_1508 : vector<16xi32> to vector<32xbf16>
      %mul3A_1511 = arith.mulf %bitcast3A_1509, %bitcast3A_1510 : vector<32xbf16>
      %add3A_1512 = arith.addf %add3A_1500, %mul3A_1511 : vector<32xbf16>
      %add3A_1513 = arith.constant 1 : i32
      %add3A_1514 = vector.broadcast %add3A_1513 : i32 to vector<16xi32>
      %add3A_1515 = arith.addi %and3A_1506, %add3A_1514 : vector<16xi32>
      %and3A_1516 = arith.constant 63 : i32
      %and3A_1517 = vector.broadcast %and3A_1516 : i32 to vector<16xi32>
      %and3A_1518 = arith.andi %add3A_1515, %and3A_1517 : vector<16xi32>
      %gather3A_1519 = tpu.vector_load_idx %arg8[%add3A_903, %and3A_1518] : memref<320x64xi32, #tpu.memory_space<vmem>>[vector<16xi32>, vector<16xi32>], vector<16xi32>,
      %gather3A_1520 = tpu.vector_load_idx %arg9[%add3A_903, %and3A_1518] : memref<320x64xi32, #tpu.memory_space<vmem>>[vector<16xi32>, vector<16xi32>], vector<16xi32>,
      %bitcast3A_1521 = vector.bitcast %gather3A_1519 : vector<16xi32> to vector<32xbf16>
      %bitcast3A_1522 = vector.bitcast %gather3A_1520 : vector<16xi32> to vector<32xbf16>
      %mul3A_1523 = arith.mulf %bitcast3A_1521, %bitcast3A_1522 : vector<32xbf16>
      %add3A_1524 = arith.addf %add3A_1512, %mul3A_1523 : vector<32xbf16>
      %add3A_1525 = arith.constant 1 : i32
      %add3A_1526 = vector.broadcast %add3A_1525 : i32 to vector<16xi32>
      %add3A_1527 = arith.addi %and3A_1518, %add3A_1526 : vector<16xi32>
      %and3A_1528 = arith.constant 63 : i32
      %and3A_1529 = vector.broadcast %and3A_1528 : i32 to vector<16xi32>
      %and3A_1530 = arith.andi %add3A_1527, %and3A_1529 : vector<16xi32>
      %gather3A_1531 = tpu.vector_load_idx %arg8[%add3A_903, %and3A_1530] : memref<320x64xi32, #tpu.memory_space<vmem>>[vector<16xi32>, vector<16xi32>], vector<16xi32>,
      %gather3A_1532 = tpu.vector_load_idx %arg9[%add3A_903, %and3A_1530] : memref<320x64xi32, #tpu.memory_space<vmem>>[vector<16xi32>, vector<16xi32>], vector<16xi32>,
      %bitcast3A_1533 = vector.bitcast %gather3A_1531 : vector<16xi32> to vector<32xbf16>
      %bitcast3A_1534 = vector.bitcast %gather3A_1532 : vector<16xi32> to vector<32xbf16>
      %mul3A_1535 = arith.mulf %bitcast3A_1533, %bitcast3A_1534 : vector<32xbf16>
      %add3A_1536 = arith.addf %add3A_1524, %mul3A_1535 : vector<32xbf16>
      %add3A_1537 = arith.constant 1 : i32
      %add3A_1538 = vector.broadcast %add3A_1537 : i32 to vector<16xi32>
      %add3A_1539 = arith.addi %and3A_1530, %add3A_1538 : vector<16xi32>
      %and3A_1540 = arith.constant 63 : i32
      %and3A_1541 = vector.broadcast %and3A_1540 : i32 to vector<16xi32>
      %and3A_1542 = arith.andi %add3A_1539, %and3A_1541 : vector<16xi32>
      %gather3A_1543 = tpu.vector_load_idx %arg8[%add3A_903, %and3A_1542] : memref<320x64xi32, #tpu.memory_space<vmem>>[vector<16xi32>, vector<16xi32>], vector<16xi32>,
      %gather3A_1544 = tpu.vector_load_idx %arg9[%add3A_903, %and3A_1542] : memref<320x64xi32, #tpu.memory_space<vmem>>[vector<16xi32>, vector<16xi32>], vector<16xi32>,
      %bitcast3A_1545 = vector.bitcast %gather3A_1543 : vector<16xi32> to vector<32xbf16>
      %bitcast3A_1546 = vector.bitcast %gather3A_1544 : vector<16xi32> to vector<32xbf16>
      %mul3A_1547 = arith.mulf %bitcast3A_1545, %bitcast3A_1546 : vector<32xbf16>
      %add3A_1548 = arith.addf %add3A_1536, %mul3A_1547 : vector<32xbf16>
      %add3A_1549 = arith.constant 1 : i32
      %add3A_1550 = vector.broadcast %add3A_1549 : i32 to vector<16xi32>
      %add3A_1551 = arith.addi %and3A_1542, %add3A_1550 : vector<16xi32>
      %and3A_1552 = arith.constant 63 : i32
      %and3A_1553 = vector.broadcast %and3A_1552 : i32 to vector<16xi32>
      %and3A_1554 = arith.andi %add3A_1551, %and3A_1553 : vector<16xi32>
      %gather3A_1555 = tpu.vector_load_idx %arg8[%add3A_903, %and3A_1554] : memref<320x64xi32, #tpu.memory_space<vmem>>[vector<16xi32>, vector<16xi32>], vector<16xi32>,
      %gather3A_1556 = tpu.vector_load_idx %arg9[%add3A_903, %and3A_1554] : memref<320x64xi32, #tpu.memory_space<vmem>>[vector<16xi32>, vector<16xi32>], vector<16xi32>,
      %bitcast3A_1557 = vector.bitcast %gather3A_1555 : vector<16xi32> to vector<32xbf16>
      %bitcast3A_1558 = vector.bitcast %gather3A_1556 : vector<16xi32> to vector<32xbf16>
      %mul3A_1559 = arith.mulf %bitcast3A_1557, %bitcast3A_1558 : vector<32xbf16>
      %add3A_1560 = arith.addf %add3A_1548, %mul3A_1559 : vector<32xbf16>
      %add3A_1561 = arith.constant 1 : i32
      %add3A_1562 = vector.broadcast %add3A_1561 : i32 to vector<16xi32>
      %add3A_1563 = arith.addi %and3A_1554, %add3A_1562 : vector<16xi32>
      %and3A_1564 = arith.constant 63 : i32
      %and3A_1565 = vector.broadcast %and3A_1564 : i32 to vector<16xi32>
      %and3A_1566 = arith.andi %add3A_1563, %and3A_1565 : vector<16xi32>
      %gather3A_1567 = tpu.vector_load_idx %arg8[%add3A_903, %and3A_1566] : memref<320x64xi32, #tpu.memory_space<vmem>>[vector<16xi32>, vector<16xi32>], vector<16xi32>,
      %gather3A_1568 = tpu.vector_load_idx %arg9[%add3A_903, %and3A_1566] : memref<320x64xi32, #tpu.memory_space<vmem>>[vector<16xi32>, vector<16xi32>], vector<16xi32>,
      %bitcast3A_1569 = vector.bitcast %gather3A_1567 : vector<16xi32> to vector<32xbf16>
      %bitcast3A_1570 = vector.bitcast %gather3A_1568 : vector<16xi32> to vector<32xbf16>
      %mul3A_1571 = arith.mulf %bitcast3A_1569, %bitcast3A_1570 : vector<32xbf16>
      %add3A_1572 = arith.addf %add3A_1560, %mul3A_1571 : vector<32xbf16>
      %add3A_1573 = arith.constant 1 : i32
      %add3A_1574 = vector.broadcast %add3A_1573 : i32 to vector<16xi32>
      %add3A_1575 = arith.addi %and3A_1566, %add3A_1574 : vector<16xi32>
      %and3A_1576 = arith.constant 63 : i32
      %and3A_1577 = vector.broadcast %and3A_1576 : i32 to vector<16xi32>
      %and3A_1578 = arith.andi %add3A_1575, %and3A_1577 : vector<16xi32>
      %gather3A_1579 = tpu.vector_load_idx %arg8[%add3A_903, %and3A_1578] : memref<320x64xi32, #tpu.memory_space<vmem>>[vector<16xi32>, vector<16xi32>], vector<16xi32>,
      %gather3A_1580 = tpu.vector_load_idx %arg9[%add3A_903, %and3A_1578] : memref<320x64xi32, #tpu.memory_space<vmem>>[vector<16xi32>, vector<16xi32>], vector<16xi32>,
      %bitcast3A_1581 = vector.bitcast %gather3A_1579 : vector<16xi32> to vector<32xbf16>
      %bitcast3A_1582 = vector.bitcast %gather3A_1580 : vector<16xi32> to vector<32xbf16>
      %mul3A_1583 = arith.mulf %bitcast3A_1581, %bitcast3A_1582 : vector<32xbf16>
      %add3A_1584 = arith.addf %add3A_1572, %mul3A_1583 : vector<32xbf16>
      %add3A_1585 = arith.constant 1 : i32
      %add3A_1586 = vector.broadcast %add3A_1585 : i32 to vector<16xi32>
      %add3A_1587 = arith.addi %and3A_1578, %add3A_1586 : vector<16xi32>
      %and3A_1588 = arith.constant 63 : i32
      %and3A_1589 = vector.broadcast %and3A_1588 : i32 to vector<16xi32>
      %and3A_1590 = arith.andi %add3A_1587, %and3A_1589 : vector<16xi32>
      %gather3A_1591 = tpu.vector_load_idx %arg8[%add3A_903, %and3A_1590] : memref<320x64xi32, #tpu.memory_space<vmem>>[vector<16xi32>, vector<16xi32>], vector<16xi32>,
      %gather3A_1592 = tpu.vector_load_idx %arg9[%add3A_903, %and3A_1590] : memref<320x64xi32, #tpu.memory_space<vmem>>[vector<16xi32>, vector<16xi32>], vector<16xi32>,
      %bitcast3A_1593 = vector.bitcast %gather3A_1591 : vector<16xi32> to vector<32xbf16>
      %bitcast3A_1594 = vector.bitcast %gather3A_1592 : vector<16xi32> to vector<32xbf16>
      %mul3A_1595 = arith.mulf %bitcast3A_1593, %bitcast3A_1594 : vector<32xbf16>
      %add3A_1596 = arith.addf %add3A_1584, %mul3A_1595 : vector<32xbf16>
      %add3A_1597 = arith.constant 1 : i32
      %add3A_1598 = vector.broadcast %add3A_1597 : i32 to vector<16xi32>
      %add3A_1599 = arith.addi %and3A_1590, %add3A_1598 : vector<16xi32>
      %and3A_1600 = arith.constant 63 : i32
      %and3A_1601 = vector.broadcast %and3A_1600 : i32 to vector<16xi32>
      %and3A_1602 = arith.andi %add3A_1599, %and3A_1601 : vector<16xi32>
      %gather3A_1603 = tpu.vector_load_idx %arg8[%add3A_903, %and3A_1602] : memref<320x64xi32, #tpu.memory_space<vmem>>[vector<16xi32>, vector<16xi32>], vector<16xi32>,
      %gather3A_1604 = tpu.vector_load_idx %arg9[%add3A_903, %and3A_1602] : memref<320x64xi32, #tpu.memory_space<vmem>>[vector<16xi32>, vector<16xi32>], vector<16xi32>,
      %bitcast3A_1605 = vector.bitcast %gather3A_1603 : vector<16xi32> to vector<32xbf16>
      %bitcast3A_1606 = vector.bitcast %gather3A_1604 : vector<16xi32> to vector<32xbf16>
      %mul3A_1607 = arith.mulf %bitcast3A_1605, %bitcast3A_1606 : vector<32xbf16>
      %add3A_1608 = arith.addf %add3A_1596, %mul3A_1607 : vector<32xbf16>
      %add3A_1609 = arith.constant 1 : i32
      %add3A_1610 = vector.broadcast %add3A_1609 : i32 to vector<16xi32>
      %add3A_1611 = arith.addi %and3A_1602, %add3A_1610 : vector<16xi32>
      %and3A_1612 = arith.constant 63 : i32
      %and3A_1613 = vector.broadcast %and3A_1612 : i32 to vector<16xi32>
      %and3A_1614 = arith.andi %add3A_1611, %and3A_1613 : vector<16xi32>
      %gather3A_1615 = tpu.vector_load_idx %arg8[%add3A_903, %and3A_1614] : memref<320x64xi32, #tpu.memory_space<vmem>>[vector<16xi32>, vector<16xi32>], vector<16xi32>,
      %gather3A_1616 = tpu.vector_load_idx %arg9[%add3A_903, %and3A_1614] : memref<320x64xi32, #tpu.memory_space<vmem>>[vector<16xi32>, vector<16xi32>], vector<16xi32>,
      %bitcast3A_1617 = vector.bitcast %gather3A_1615 : vector<16xi32> to vector<32xbf16>
      %bitcast3A_1618 = vector.bitcast %gather3A_1616 : vector<16xi32> to vector<32xbf16>
      %mul3A_1619 = arith.mulf %bitcast3A_1617, %bitcast3A_1618 : vector<32xbf16>
      %add3A_1620 = arith.addf %add3A_1608, %mul3A_1619 : vector<32xbf16>
      %add3A_1621 = arith.constant 1 : i32
      %add3A_1622 = vector.broadcast %add3A_1621 : i32 to vector<16xi32>
      %add3A_1623 = arith.addi %and3A_1614, %add3A_1622 : vector<16xi32>
      %and3A_1624 = arith.constant 63 : i32
      %and3A_1625 = vector.broadcast %and3A_1624 : i32 to vector<16xi32>
      %and3A_1626 = arith.andi %add3A_1623, %and3A_1625 : vector<16xi32>
      %gather3A_1627 = tpu.vector_load_idx %arg8[%add3A_903, %and3A_1626] : memref<320x64xi32, #tpu.memory_space<vmem>>[vector<16xi32>, vector<16xi32>], vector<16xi32>,
      %gather3A_1628 = tpu.vector_load_idx %arg9[%add3A_903, %and3A_1626] : memref<320x64xi32, #tpu.memory_space<vmem>>[vector<16xi32>, vector<16xi32>], vector<16xi32>,
      %bitcast3A_1629 = vector.bitcast %gather3A_1627 : vector<16xi32> to vector<32xbf16>
      %bitcast3A_1630 = vector.bitcast %gather3A_1628 : vector<16xi32> to vector<32xbf16>
      %mul3A_1631 = arith.mulf %bitcast3A_1629, %bitcast3A_1630 : vector<32xbf16>
      %add3A_1632 = arith.addf %add3A_1620, %mul3A_1631 : vector<32xbf16>
      %add3A_1633 = arith.constant 1 : i32
      %add3A_1634 = vector.broadcast %add3A_1633 : i32 to vector<16xi32>
      %add3A_1635 = arith.addi %and3A_1626, %add3A_1634 : vector<16xi32>
      %and3A_1636 = arith.constant 63 : i32
      %and3A_1637 = vector.broadcast %and3A_1636 : i32 to vector<16xi32>
      %and3A_1638 = arith.andi %add3A_1635, %and3A_1637 : vector<16xi32>
      %gather3A_1639 = tpu.vector_load_idx %arg8[%add3A_903, %and3A_1638] : memref<320x64xi32, #tpu.memory_space<vmem>>[vector<16xi32>, vector<16xi32>], vector<16xi32>,
      %gather3A_1640 = tpu.vector_load_idx %arg9[%add3A_903, %and3A_1638] : memref<320x64xi32, #tpu.memory_space<vmem>>[vector<16xi32>, vector<16xi32>], vector<16xi32>,
      %bitcast3A_1641 = vector.bitcast %gather3A_1639 : vector<16xi32> to vector<32xbf16>
      %bitcast3A_1642 = vector.bitcast %gather3A_1640 : vector<16xi32> to vector<32xbf16>
      %mul3A_1643 = arith.mulf %bitcast3A_1641, %bitcast3A_1642 : vector<32xbf16>
      %add3A_1644 = arith.addf %add3A_1632, %mul3A_1643 : vector<32xbf16>
      %add3A_1645 = arith.constant 1 : i32
      %add3A_1646 = vector.broadcast %add3A_1645 : i32 to vector<16xi32>
      %add3A_1647 = arith.addi %and3A_1638, %add3A_1646 : vector<16xi32>
      %and3A_1648 = arith.constant 63 : i32
      %and3A_1649 = vector.broadcast %and3A_1648 : i32 to vector<16xi32>
      %and3A_1650 = arith.andi %add3A_1647, %and3A_1649 : vector<16xi32>
      %gather3A_1651 = tpu.vector_load_idx %arg8[%add3A_903, %and3A_1650] : memref<320x64xi32, #tpu.memory_space<vmem>>[vector<16xi32>, vector<16xi32>], vector<16xi32>,
      %gather3A_1652 = tpu.vector_load_idx %arg9[%add3A_903, %and3A_1650] : memref<320x64xi32, #tpu.memory_space<vmem>>[vector<16xi32>, vector<16xi32>], vector<16xi32>,
      %bitcast3A_1653 = vector.bitcast %gather3A_1651 : vector<16xi32> to vector<32xbf16>
      %bitcast3A_1654 = vector.bitcast %gather3A_1652 : vector<16xi32> to vector<32xbf16>
      %mul3A_1655 = arith.mulf %bitcast3A_1653, %bitcast3A_1654 : vector<32xbf16>
      %add3A_1656 = arith.addf %add3A_1644, %mul3A_1655 : vector<32xbf16>
      %add3A_1657 = arith.constant 1 : i32
      %add3A_1658 = vector.broadcast %add3A_1657 : i32 to vector<16xi32>
      %add3A_1659 = arith.addi %and3A_1650, %add3A_1658 : vector<16xi32>
      %and3A_1660 = arith.constant 63 : i32
      %and3A_1661 = vector.broadcast %and3A_1660 : i32 to vector<16xi32>
      %and3A_1662 = arith.andi %add3A_1659, %and3A_1661 : vector<16xi32>
      %gather3A_1663 = tpu.vector_load_idx %arg8[%add3A_903, %and3A_1662] : memref<320x64xi32, #tpu.memory_space<vmem>>[vector<16xi32>, vector<16xi32>], vector<16xi32>,
      %gather3A_1664 = tpu.vector_load_idx %arg9[%add3A_903, %and3A_1662] : memref<320x64xi32, #tpu.memory_space<vmem>>[vector<16xi32>, vector<16xi32>], vector<16xi32>,
      %bitcast3A_1665 = vector.bitcast %gather3A_1663 : vector<16xi32> to vector<32xbf16>
      %bitcast3A_1666 = vector.bitcast %gather3A_1664 : vector<16xi32> to vector<32xbf16>
      %mul3A_1667 = arith.mulf %bitcast3A_1665, %bitcast3A_1666 : vector<32xbf16>
      %add3A_1668 = arith.addf %add3A_1656, %mul3A_1667 : vector<32xbf16>
      %add3A_1669 = arith.constant 1 : i32
      %add3A_1670 = vector.broadcast %add3A_1669 : i32 to vector<16xi32>
      %add3A_1671 = arith.addi %and3A_1662, %add3A_1670 : vector<16xi32>
      %and3A_1672 = arith.constant 63 : i32
      %and3A_1673 = vector.broadcast %and3A_1672 : i32 to vector<16xi32>
      %and3A_1674 = arith.andi %add3A_1671, %and3A_1673 : vector<16xi32>
      %bitcast3A_1675 = vector.bitcast %add3A_1668 : vector<32xbf16> to vector<16xi32>
      %shift_left3A_1676 = arith.constant 16 : i32
      %shift_left3A_1677 = vector.broadcast %shift_left3A_1676 : i32 to vector<16xi32>
      %shift_left3A_1678 = arith.shli %bitcast3A_1675, %shift_left3A_1677 : vector<16xi32>
      %bitcast3A_1679 = vector.bitcast %shift_left3A_1678 : vector<16xi32> to vector<16xf32>
      %and3A_1680 = vector.broadcast %scan3A_72 : i32 to vector<16xi32>
      %and3A_1681 = arith.andi %bitcast3A_1675, %and3A_1680 : vector<16xi32>
      %bitcast3A_1682 = vector.bitcast %and3A_1681 : vector<16xi32> to vector<16xf32>
      %add3A_1683 = arith.addf %bitcast3A_1679, %bitcast3A_1682 : vector<16xf32>
      %neg3A_1684 = arith.constant 0.000000e+00 : f32
      %neg3A_1685 = vector.broadcast %neg3A_1684 : f32 to vector<16xf32>
      %neg3A_1686 = arith.subf %neg3A_1685, %add3A_1683 : vector<16xf32>
      %exp3A_1687 = math.exp %neg3A_1686 : vector<16xf32>
      %add3A_1688 = arith.constant 1.000000e+00 : f32
      %add3A_1689 = vector.broadcast %add3A_1688 : f32 to vector<16xf32>
      %add3A_1690 = arith.addf %add3A_1689, %exp3A_1687 : vector<16xf32>
      %div3A_1691 = arith.constant 1.000000e+00 : f32
      %div3A_1692 = vector.broadcast %div3A_1691 : f32 to vector<16xf32>
      %div3A_1693 = arith.divf %div3A_1692, %add3A_1690 : vector<16xf32>
      %mul3A_1694 = arith.constant 80 : i32
      %mul3A_1695 = arith.muli %scan3A_78, %mul3A_1694 : i32
      %add3A_1696 = arith.constant 16 : i32
      %add3A_1697 = arith.addi %mul3A_1695, %add3A_1696 : i32
      %swap3A_1698 = arith.index_cast %add3A_1697 : i32 to index
      %swap3A_1699 = tpu.vector_load %arg10[%swap3A_1698] {strides = array<i32>} : memref<10000xf32, #tpu.memory_space<vmem>>, vector<16xf32>,
      tpu.vector_store %arg10[%swap3A_1698], %div3A_1693 {strides = array<i32>} : memref<10000xf32, #tpu.memory_space<vmem>>, vector<16xf32>,
      %add3A_1700 = arith.constant 32 : i32
      %add3A_1701 = arith.addi %mul3A_106, %add3A_1700 : i32
      %iota3A_1702 = tpu.iota {dimensions = array<i32: 0>} : vector<16xi32>
      %add3A_1703 = vector.broadcast %add3A_1701 : i32 to vector<16xi32>
      %add3A_1704 = arith.addi %add3A_1703, %iota3A_1702 : vector<16xi32>
      %iota3A_1705 = tpu.iota {dimensions = array<i32: 0>} : vector<16xi32>
      %broadcast_in_dim3A_1706 = arith.constant 0.000000e+00 : bf16
      %broadcast_in_dim3A_1707 = vector.broadcast %broadcast_in_dim3A_1706 : bf16 to vector<32xbf16>
      %gather3A_1708 = tpu.vector_load_idx %arg8[%add3A_1704, %iota3A_1705] : memref<320x64xi32, #tpu.memory_space<vmem>>[vector<16xi32>, vector<16xi32>], vector<16xi32>,
      %gather3A_1709 = tpu.vector_load_idx %arg9[%add3A_1704, %iota3A_1705] : memref<320x64xi32, #tpu.memory_space<vmem>>[vector<16xi32>, vector<16xi32>], vector<16xi32>,
      %bitcast3A_1710 = vector.bitcast %gather3A_1708 : vector<16xi32> to vector<32xbf16>
      %bitcast3A_1711 = vector.bitcast %gather3A_1709 : vector<16xi32> to vector<32xbf16>
      %mul3A_1712 = arith.mulf %bitcast3A_1710, %bitcast3A_1711 : vector<32xbf16>
      %add3A_1713 = arith.addf %broadcast_in_dim3A_1707, %mul3A_1712 : vector<32xbf16>
      %add3A_1714 = arith.constant 1 : i32
      %add3A_1715 = vector.broadcast %add3A_1714 : i32 to vector<16xi32>
      %add3A_1716 = arith.addi %iota3A_1705, %add3A_1715 : vector<16xi32>
      %and3A_1717 = arith.constant 63 : i32
      %and3A_1718 = vector.broadcast %and3A_1717 : i32 to vector<16xi32>
      %and3A_1719 = arith.andi %add3A_1716, %and3A_1718 : vector<16xi32>
      %gather3A_1720 = tpu.vector_load_idx %arg8[%add3A_1704, %and3A_1719] : memref<320x64xi32, #tpu.memory_space<vmem>>[vector<16xi32>, vector<16xi32>], vector<16xi32>,
      %gather3A_1721 = tpu.vector_load_idx %arg9[%add3A_1704, %and3A_1719] : memref<320x64xi32, #tpu.memory_space<vmem>>[vector<16xi32>, vector<16xi32>], vector<16xi32>,
      %bitcast3A_1722 = vector.bitcast %gather3A_1720 : vector<16xi32> to vector<32xbf16>
      %bitcast3A_1723 = vector.bitcast %gather3A_1721 : vector<16xi32> to vector<32xbf16>
      %mul3A_1724 = arith.mulf %bitcast3A_1722, %bitcast3A_1723 : vector<32xbf16>
      %add3A_1725 = arith.addf %add3A_1713, %mul3A_1724 : vector<32xbf16>
      %add3A_1726 = arith.constant 1 : i32
      %add3A_1727 = vector.broadcast %add3A_1726 : i32 to vector<16xi32>
      %add3A_1728 = arith.addi %and3A_1719, %add3A_1727 : vector<16xi32>
      %and3A_1729 = arith.constant 63 : i32
      %and3A_1730 = vector.broadcast %and3A_1729 : i32 to vector<16xi32>
      %and3A_1731 = arith.andi %add3A_1728, %and3A_1730 : vector<16xi32>
      %gather3A_1732 = tpu.vector_load_idx %arg8[%add3A_1704, %and3A_1731] : memref<320x64xi32, #tpu.memory_space<vmem>>[vector<16xi32>, vector<16xi32>], vector<16xi32>,
      %gather3A_1733 = tpu.vector_load_idx %arg9[%add3A_1704, %and3A_1731] : memref<320x64xi32, #tpu.memory_space<vmem>>[vector<16xi32>, vector<16xi32>], vector<16xi32>,
      %bitcast3A_1734 = vector.bitcast %gather3A_1732 : vector<16xi32> to vector<32xbf16>
      %bitcast3A_1735 = vector.bitcast %gather3A_1733 : vector<16xi32> to vector<32xbf16>
      %mul3A_1736 = arith.mulf %bitcast3A_1734, %bitcast3A_1735 : vector<32xbf16>
      %add3A_1737 = arith.addf %add3A_1725, %mul3A_1736 : vector<32xbf16>
      %add3A_1738 = arith.constant 1 : i32
      %add3A_1739 = vector.broadcast %add3A_1738 : i32 to vector<16xi32>
      %add3A_1740 = arith.addi %and3A_1731, %add3A_1739 : vector<16xi32>
      %and3A_1741 = arith.constant 63 : i32
      %and3A_1742 = vector.broadcast %and3A_1741 : i32 to vector<16xi32>
      %and3A_1743 = arith.andi %add3A_1740, %and3A_1742 : vector<16xi32>
      %gather3A_1744 = tpu.vector_load_idx %arg8[%add3A_1704, %and3A_1743] : memref<320x64xi32, #tpu.memory_space<vmem>>[vector<16xi32>, vector<16xi32>], vector<16xi32>,
      %gather3A_1745 = tpu.vector_load_idx %arg9[%add3A_1704, %and3A_1743] : memref<320x64xi32, #tpu.memory_space<vmem>>[vector<16xi32>, vector<16xi32>], vector<16xi32>,
      %bitcast3A_1746 = vector.bitcast %gather3A_1744 : vector<16xi32> to vector<32xbf16>
      %bitcast3A_1747 = vector.bitcast %gather3A_1745 : vector<16xi32> to vector<32xbf16>
      %mul3A_1748 = arith.mulf %bitcast3A_1746, %bitcast3A_1747 : vector<32xbf16>
      %add3A_1749 = arith.addf %add3A_1737, %mul3A_1748 : vector<32xbf16>
      %add3A_1750 = arith.constant 1 : i32
      %add3A_1751 = vector.broadcast %add3A_1750 : i32 to vector<16xi32>
      %add3A_1752 = arith.addi %and3A_1743, %add3A_1751 : vector<16xi32>
      %and3A_1753 = arith.constant 63 : i32
      %and3A_1754 = vector.broadcast %and3A_1753 : i32 to vector<16xi32>
      %and3A_1755 = arith.andi %add3A_1752, %and3A_1754 : vector<16xi32>
      %gather3A_1756 = tpu.vector_load_idx %arg8[%add3A_1704, %and3A_1755] : memref<320x64xi32, #tpu.memory_space<vmem>>[vector<16xi32>, vector<16xi32>], vector<16xi32>,
      %gather3A_1757 = tpu.vector_load_idx %arg9[%add3A_1704, %and3A_1755] : memref<320x64xi32, #tpu.memory_space<vmem>>[vector<16xi32>, vector<16xi32>], vector<16xi32>,
      %bitcast3A_1758 = vector.bitcast %gather3A_1756 : vector<16xi32> to vector<32xbf16>
      %bitcast3A_1759 = vector.bitcast %gather3A_1757 : vector<16xi32> to vector<32xbf16>
      %mul3A_1760 = arith.mulf %bitcast3A_1758, %bitcast3A_1759 : vector<32xbf16>
      %add3A_1761 = arith.addf %add3A_1749, %mul3A_1760 : vector<32xbf16>
      %add3A_1762 = arith.constant 1 : i32
      %add3A_1763 = vector.broadcast %add3A_1762 : i32 to vector<16xi32>
      %add3A_1764 = arith.addi %and3A_1755, %add3A_1763 : vector<16xi32>
      %and3A_1765 = arith.constant 63 : i32
      %and3A_1766 = vector.broadcast %and3A_1765 : i32 to vector<16xi32>
      %and3A_1767 = arith.andi %add3A_1764, %and3A_1766 : vector<16xi32>
      %gather3A_1768 = tpu.vector_load_idx %arg8[%add3A_1704, %and3A_1767] : memref<320x64xi32, #tpu.memory_space<vmem>>[vector<16xi32>, vector<16xi32>], vector<16xi32>,
      %gather3A_1769 = tpu.vector_load_idx %arg9[%add3A_1704, %and3A_1767] : memref<320x64xi32, #tpu.memory_space<vmem>>[vector<16xi32>, vector<16xi32>], vector<16xi32>,
      %bitcast3A_1770 = vector.bitcast %gather3A_1768 : vector<16xi32> to vector<32xbf16>
      %bitcast3A_1771 = vector.bitcast %gather3A_1769 : vector<16xi32> to vector<32xbf16>
      %mul3A_1772 = arith.mulf %bitcast3A_1770, %bitcast3A_1771 : vector<32xbf16>
      %add3A_1773 = arith.addf %add3A_1761, %mul3A_1772 : vector<32xbf16>
      %add3A_1774 = arith.constant 1 : i32
      %add3A_1775 = vector.broadcast %add3A_1774 : i32 to vector<16xi32>
      %add3A_1776 = arith.addi %and3A_1767, %add3A_1775 : vector<16xi32>
      %and3A_1777 = arith.constant 63 : i32
      %and3A_1778 = vector.broadcast %and3A_1777 : i32 to vector<16xi32>
      %and3A_1779 = arith.andi %add3A_1776, %and3A_1778 : vector<16xi32>
      %gather3A_1780 = tpu.vector_load_idx %arg8[%add3A_1704, %and3A_1779] : memref<320x64xi32, #tpu.memory_space<vmem>>[vector<16xi32>, vector<16xi32>], vector<16xi32>,
      %gather3A_1781 = tpu.vector_load_idx %arg9[%add3A_1704, %and3A_1779] : memref<320x64xi32, #tpu.memory_space<vmem>>[vector<16xi32>, vector<16xi32>], vector<16xi32>,
      %bitcast3A_1782 = vector.bitcast %gather3A_1780 : vector<16xi32> to vector<32xbf16>
      %bitcast3A_1783 = vector.bitcast %gather3A_1781 : vector<16xi32> to vector<32xbf16>
      %mul3A_1784 = arith.mulf %bitcast3A_1782, %bitcast3A_1783 : vector<32xbf16>
      %add3A_1785 = arith.addf %add3A_1773, %mul3A_1784 : vector<32xbf16>
      %add3A_1786 = arith.constant 1 : i32
      %add3A_1787 = vector.broadcast %add3A_1786 : i32 to vector<16xi32>
      %add3A_1788 = arith.addi %and3A_1779, %add3A_1787 : vector<16xi32>
      %and3A_1789 = arith.constant 63 : i32
      %and3A_1790 = vector.broadcast %and3A_1789 : i32 to vector<16xi32>
      %and3A_1791 = arith.andi %add3A_1788, %and3A_1790 : vector<16xi32>
      %gather3A_1792 = tpu.vector_load_idx %arg8[%add3A_1704, %and3A_1791] : memref<320x64xi32, #tpu.memory_space<vmem>>[vector<16xi32>, vector<16xi32>], vector<16xi32>,
      %gather3A_1793 = tpu.vector_load_idx %arg9[%add3A_1704, %and3A_1791] : memref<320x64xi32, #tpu.memory_space<vmem>>[vector<16xi32>, vector<16xi32>], vector<16xi32>,
      %bitcast3A_1794 = vector.bitcast %gather3A_1792 : vector<16xi32> to vector<32xbf16>
      %bitcast3A_1795 = vector.bitcast %gather3A_1793 : vector<16xi32> to vector<32xbf16>
      %mul3A_1796 = arith.mulf %bitcast3A_1794, %bitcast3A_1795 : vector<32xbf16>
      %add3A_1797 = arith.addf %add3A_1785, %mul3A_1796 : vector<32xbf16>
      %add3A_1798 = arith.constant 1 : i32
      %add3A_1799 = vector.broadcast %add3A_1798 : i32 to vector<16xi32>
      %add3A_1800 = arith.addi %and3A_1791, %add3A_1799 : vector<16xi32>
      %and3A_1801 = arith.constant 63 : i32
      %and3A_1802 = vector.broadcast %and3A_1801 : i32 to vector<16xi32>
      %and3A_1803 = arith.andi %add3A_1800, %and3A_1802 : vector<16xi32>
      %gather3A_1804 = tpu.vector_load_idx %arg8[%add3A_1704, %and3A_1803] : memref<320x64xi32, #tpu.memory_space<vmem>>[vector<16xi32>, vector<16xi32>], vector<16xi32>,
      %gather3A_1805 = tpu.vector_load_idx %arg9[%add3A_1704, %and3A_1803] : memref<320x64xi32, #tpu.memory_space<vmem>>[vector<16xi32>, vector<16xi32>], vector<16xi32>,
      %bitcast3A_1806 = vector.bitcast %gather3A_1804 : vector<16xi32> to vector<32xbf16>
      %bitcast3A_1807 = vector.bitcast %gather3A_1805 : vector<16xi32> to vector<32xbf16>
      %mul3A_1808 = arith.mulf %bitcast3A_1806, %bitcast3A_1807 : vector<32xbf16>
      %add3A_1809 = arith.addf %add3A_1797, %mul3A_1808 : vector<32xbf16>
      %add3A_1810 = arith.constant 1 : i32
      %add3A_1811 = vector.broadcast %add3A_1810 : i32 to vector<16xi32>
      %add3A_1812 = arith.addi %and3A_1803, %add3A_1811 : vector<16xi32>
      %and3A_1813 = arith.constant 63 : i32
      %and3A_1814 = vector.broadcast %and3A_1813 : i32 to vector<16xi32>
      %and3A_1815 = arith.andi %add3A_1812, %and3A_1814 : vector<16xi32>
      %gather3A_1816 = tpu.vector_load_idx %arg8[%add3A_1704, %and3A_1815] : memref<320x64xi32, #tpu.memory_space<vmem>>[vector<16xi32>, vector<16xi32>], vector<16xi32>,
      %gather3A_1817 = tpu.vector_load_idx %arg9[%add3A_1704, %and3A_1815] : memref<320x64xi32, #tpu.memory_space<vmem>>[vector<16xi32>, vector<16xi32>], vector<16xi32>,
      %bitcast3A_1818 = vector.bitcast %gather3A_1816 : vector<16xi32> to vector<32xbf16>
      %bitcast3A_1819 = vector.bitcast %gather3A_1817 : vector<16xi32> to vector<32xbf16>
      %mul3A_1820 = arith.mulf %bitcast3A_1818, %bitcast3A_1819 : vector<32xbf16>
      %add3A_1821 = arith.addf %add3A_1809, %mul3A_1820 : vector<32xbf16>
      %add3A_1822 = arith.constant 1 : i32
      %add3A_1823 = vector.broadcast %add3A_1822 : i32 to vector<16xi32>
      %add3A_1824 = arith.addi %and3A_1815, %add3A_1823 : vector<16xi32>
      %and3A_1825 = arith.constant 63 : i32
      %and3A_1826 = vector.broadcast %and3A_1825 : i32 to vector<16xi32>
      %and3A_1827 = arith.andi %add3A_1824, %and3A_1826 : vector<16xi32>
      %gather3A_1828 = tpu.vector_load_idx %arg8[%add3A_1704, %and3A_1827] : memref<320x64xi32, #tpu.memory_space<vmem>>[vector<16xi32>, vector<16xi32>], vector<16xi32>,
      %gather3A_1829 = tpu.vector_load_idx %arg9[%add3A_1704, %and3A_1827] : memref<320x64xi32, #tpu.memory_space<vmem>>[vector<16xi32>, vector<16xi32>], vector<16xi32>,
      %bitcast3A_1830 = vector.bitcast %gather3A_1828 : vector<16xi32> to vector<32xbf16>
      %bitcast3A_1831 = vector.bitcast %gather3A_1829 : vector<16xi32> to vector<32xbf16>
      %mul3A_1832 = arith.mulf %bitcast3A_1830, %bitcast3A_1831 : vector<32xbf16>
      %add3A_1833 = arith.addf %add3A_1821, %mul3A_1832 : vector<32xbf16>
      %add3A_1834 = arith.constant 1 : i32
      %add3A_1835 = vector.broadcast %add3A_1834 : i32 to vector<16xi32>
      %add3A_1836 = arith.addi %and3A_1827, %add3A_1835 : vector<16xi32>
      %and3A_1837 = arith.constant 63 : i32
      %and3A_1838 = vector.broadcast %and3A_1837 : i32 to vector<16xi32>
      %and3A_1839 = arith.andi %add3A_1836, %and3A_1838 : vector<16xi32>
      %gather3A_1840 = tpu.vector_load_idx %arg8[%add3A_1704, %and3A_1839] : memref<320x64xi32, #tpu.memory_space<vmem>>[vector<16xi32>, vector<16xi32>], vector<16xi32>,
      %gather3A_1841 = tpu.vector_load_idx %arg9[%add3A_1704, %and3A_1839] : memref<320x64xi32, #tpu.memory_space<vmem>>[vector<16xi32>, vector<16xi32>], vector<16xi32>,
      %bitcast3A_1842 = vector.bitcast %gather3A_1840 : vector<16xi32> to vector<32xbf16>
      %bitcast3A_1843 = vector.bitcast %gather3A_1841 : vector<16xi32> to vector<32xbf16>
      %mul3A_1844 = arith.mulf %bitcast3A_1842, %bitcast3A_1843 : vector<32xbf16>
      %add3A_1845 = arith.addf %add3A_1833, %mul3A_1844 : vector<32xbf16>
      %add3A_1846 = arith.constant 1 : i32
      %add3A_1847 = vector.broadcast %add3A_1846 : i32 to vector<16xi32>
      %add3A_1848 = arith.addi %and3A_1839, %add3A_1847 : vector<16xi32>
      %and3A_1849 = arith.constant 63 : i32
      %and3A_1850 = vector.broadcast %and3A_1849 : i32 to vector<16xi32>
      %and3A_1851 = arith.andi %add3A_1848, %and3A_1850 : vector<16xi32>
      %gather3A_1852 = tpu.vector_load_idx %arg8[%add3A_1704, %and3A_1851] : memref<320x64xi32, #tpu.memory_space<vmem>>[vector<16xi32>, vector<16xi32>], vector<16xi32>,
      %gather3A_1853 = tpu.vector_load_idx %arg9[%add3A_1704, %and3A_1851] : memref<320x64xi32, #tpu.memory_space<vmem>>[vector<16xi32>, vector<16xi32>], vector<16xi32>,
      %bitcast3A_1854 = vector.bitcast %gather3A_1852 : vector<16xi32> to vector<32xbf16>
      %bitcast3A_1855 = vector.bitcast %gather3A_1853 : vector<16xi32> to vector<32xbf16>
      %mul3A_1856 = arith.mulf %bitcast3A_1854, %bitcast3A_1855 : vector<32xbf16>
      %add3A_1857 = arith.addf %add3A_1845, %mul3A_1856 : vector<32xbf16>
      %add3A_1858 = arith.constant 1 : i32
      %add3A_1859 = vector.broadcast %add3A_1858 : i32 to vector<16xi32>
      %add3A_1860 = arith.addi %and3A_1851, %add3A_1859 : vector<16xi32>
      %and3A_1861 = arith.constant 63 : i32
      %and3A_1862 = vector.broadcast %and3A_1861 : i32 to vector<16xi32>
      %and3A_1863 = arith.andi %add3A_1860, %and3A_1862 : vector<16xi32>
      %gather3A_1864 = tpu.vector_load_idx %arg8[%add3A_1704, %and3A_1863] : memref<320x64xi32, #tpu.memory_space<vmem>>[vector<16xi32>, vector<16xi32>], vector<16xi32>,
      %gather3A_1865 = tpu.vector_load_idx %arg9[%add3A_1704, %and3A_1863] : memref<320x64xi32, #tpu.memory_space<vmem>>[vector<16xi32>, vector<16xi32>], vector<16xi32>,
      %bitcast3A_1866 = vector.bitcast %gather3A_1864 : vector<16xi32> to vector<32xbf16>
      %bitcast3A_1867 = vector.bitcast %gather3A_1865 : vector<16xi32> to vector<32xbf16>
      %mul3A_1868 = arith.mulf %bitcast3A_1866, %bitcast3A_1867 : vector<32xbf16>
      %add3A_1869 = arith.addf %add3A_1857, %mul3A_1868 : vector<32xbf16>
      %add3A_1870 = arith.constant 1 : i32
      %add3A_1871 = vector.broadcast %add3A_1870 : i32 to vector<16xi32>
      %add3A_1872 = arith.addi %and3A_1863, %add3A_1871 : vector<16xi32>
      %and3A_1873 = arith.constant 63 : i32
      %and3A_1874 = vector.broadcast %and3A_1873 : i32 to vector<16xi32>
      %and3A_1875 = arith.andi %add3A_1872, %and3A_1874 : vector<16xi32>
      %gather3A_1876 = tpu.vector_load_idx %arg8[%add3A_1704, %and3A_1875] : memref<320x64xi32, #tpu.memory_space<vmem>>[vector<16xi32>, vector<16xi32>], vector<16xi32>,
      %gather3A_1877 = tpu.vector_load_idx %arg9[%add3A_1704, %and3A_1875] : memref<320x64xi32, #tpu.memory_space<vmem>>[vector<16xi32>, vector<16xi32>], vector<16xi32>,
      %bitcast3A_1878 = vector.bitcast %gather3A_1876 : vector<16xi32> to vector<32xbf16>
      %bitcast3A_1879 = vector.bitcast %gather3A_1877 : vector<16xi32> to vector<32xbf16>
      %mul3A_1880 = arith.mulf %bitcast3A_1878, %bitcast3A_1879 : vector<32xbf16>
      %add3A_1881 = arith.addf %add3A_1869, %mul3A_1880 : vector<32xbf16>
      %add3A_1882 = arith.constant 1 : i32
      %add3A_1883 = vector.broadcast %add3A_1882 : i32 to vector<16xi32>
      %add3A_1884 = arith.addi %and3A_1875, %add3A_1883 : vector<16xi32>
      %and3A_1885 = arith.constant 63 : i32
      %and3A_1886 = vector.broadcast %and3A_1885 : i32 to vector<16xi32>
      %and3A_1887 = arith.andi %add3A_1884, %and3A_1886 : vector<16xi32>
      %gather3A_1888 = tpu.vector_load_idx %arg8[%add3A_1704, %and3A_1887] : memref<320x64xi32, #tpu.memory_space<vmem>>[vector<16xi32>, vector<16xi32>], vector<16xi32>,
      %gather3A_1889 = tpu.vector_load_idx %arg9[%add3A_1704, %and3A_1887] : memref<320x64xi32, #tpu.memory_space<vmem>>[vector<16xi32>, vector<16xi32>], vector<16xi32>,
      %bitcast3A_1890 = vector.bitcast %gather3A_1888 : vector<16xi32> to vector<32xbf16>
      %bitcast3A_1891 = vector.bitcast %gather3A_1889 : vector<16xi32> to vector<32xbf16>
      %mul3A_1892 = arith.mulf %bitcast3A_1890, %bitcast3A_1891 : vector<32xbf16>
      %add3A_1893 = arith.addf %add3A_1881, %mul3A_1892 : vector<32xbf16>
      %add3A_1894 = arith.constant 1 : i32
      %add3A_1895 = vector.broadcast %add3A_1894 : i32 to vector<16xi32>
      %add3A_1896 = arith.addi %and3A_1887, %add3A_1895 : vector<16xi32>
      %and3A_1897 = arith.constant 63 : i32
      %and3A_1898 = vector.broadcast %and3A_1897 : i32 to vector<16xi32>
      %and3A_1899 = arith.andi %add3A_1896, %and3A_1898 : vector<16xi32>
      %gather3A_1900 = tpu.vector_load_idx %arg8[%add3A_1704, %and3A_1899] : memref<320x64xi32, #tpu.memory_space<vmem>>[vector<16xi32>, vector<16xi32>], vector<16xi32>,
      %gather3A_1901 = tpu.vector_load_idx %arg9[%add3A_1704, %and3A_1899] : memref<320x64xi32, #tpu.memory_space<vmem>>[vector<16xi32>, vector<16xi32>], vector<16xi32>,
      %bitcast3A_1902 = vector.bitcast %gather3A_1900 : vector<16xi32> to vector<32xbf16>
      %bitcast3A_1903 = vector.bitcast %gather3A_1901 : vector<16xi32> to vector<32xbf16>
      %mul3A_1904 = arith.mulf %bitcast3A_1902, %bitcast3A_1903 : vector<32xbf16>
      %add3A_1905 = arith.addf %add3A_1893, %mul3A_1904 : vector<32xbf16>
      %add3A_1906 = arith.constant 1 : i32
      %add3A_1907 = vector.broadcast %add3A_1906 : i32 to vector<16xi32>
      %add3A_1908 = arith.addi %and3A_1899, %add3A_1907 : vector<16xi32>
      %and3A_1909 = arith.constant 63 : i32
      %and3A_1910 = vector.broadcast %and3A_1909 : i32 to vector<16xi32>
      %and3A_1911 = arith.andi %add3A_1908, %and3A_1910 : vector<16xi32>
      %gather3A_1912 = tpu.vector_load_idx %arg8[%add3A_1704, %and3A_1911] : memref<320x64xi32, #tpu.memory_space<vmem>>[vector<16xi32>, vector<16xi32>], vector<16xi32>,
      %gather3A_1913 = tpu.vector_load_idx %arg9[%add3A_1704, %and3A_1911] : memref<320x64xi32, #tpu.memory_space<vmem>>[vector<16xi32>, vector<16xi32>], vector<16xi32>,
      %bitcast3A_1914 = vector.bitcast %gather3A_1912 : vector<16xi32> to vector<32xbf16>
      %bitcast3A_1915 = vector.bitcast %gather3A_1913 : vector<16xi32> to vector<32xbf16>
      %mul3A_1916 = arith.mulf %bitcast3A_1914, %bitcast3A_1915 : vector<32xbf16>
      %add3A_1917 = arith.addf %add3A_1905, %mul3A_1916 : vector<32xbf16>
      %add3A_1918 = arith.constant 1 : i32
      %add3A_1919 = vector.broadcast %add3A_1918 : i32 to vector<16xi32>
      %add3A_1920 = arith.addi %and3A_1911, %add3A_1919 : vector<16xi32>
      %and3A_1921 = arith.constant 63 : i32
      %and3A_1922 = vector.broadcast %and3A_1921 : i32 to vector<16xi32>
      %and3A_1923 = arith.andi %add3A_1920, %and3A_1922 : vector<16xi32>
      %gather3A_1924 = tpu.vector_load_idx %arg8[%add3A_1704, %and3A_1923] : memref<320x64xi32, #tpu.memory_space<vmem>>[vector<16xi32>, vector<16xi32>], vector<16xi32>,
      %gather3A_1925 = tpu.vector_load_idx %arg9[%add3A_1704, %and3A_1923] : memref<320x64xi32, #tpu.memory_space<vmem>>[vector<16xi32>, vector<16xi32>], vector<16xi32>,
      %bitcast3A_1926 = vector.bitcast %gather3A_1924 : vector<16xi32> to vector<32xbf16>
      %bitcast3A_1927 = vector.bitcast %gather3A_1925 : vector<16xi32> to vector<32xbf16>
      %mul3A_1928 = arith.mulf %bitcast3A_1926, %bitcast3A_1927 : vector<32xbf16>
      %add3A_1929 = arith.addf %add3A_1917, %mul3A_1928 : vector<32xbf16>
      %add3A_1930 = arith.constant 1 : i32
      %add3A_1931 = vector.broadcast %add3A_1930 : i32 to vector<16xi32>
      %add3A_1932 = arith.addi %and3A_1923, %add3A_1931 : vector<16xi32>
      %and3A_1933 = arith.constant 63 : i32
      %and3A_1934 = vector.broadcast %and3A_1933 : i32 to vector<16xi32>
      %and3A_1935 = arith.andi %add3A_1932, %and3A_1934 : vector<16xi32>
      %gather3A_1936 = tpu.vector_load_idx %arg8[%add3A_1704, %and3A_1935] : memref<320x64xi32, #tpu.memory_space<vmem>>[vector<16xi32>, vector<16xi32>], vector<16xi32>,
      %gather3A_1937 = tpu.vector_load_idx %arg9[%add3A_1704, %and3A_1935] : memref<320x64xi32, #tpu.memory_space<vmem>>[vector<16xi32>, vector<16xi32>], vector<16xi32>,
      %bitcast3A_1938 = vector.bitcast %gather3A_1936 : vector<16xi32> to vector<32xbf16>
      %bitcast3A_1939 = vector.bitcast %gather3A_1937 : vector<16xi32> to vector<32xbf16>
      %mul3A_1940 = arith.mulf %bitcast3A_1938, %bitcast3A_1939 : vector<32xbf16>
      %add3A_1941 = arith.addf %add3A_1929, %mul3A_1940 : vector<32xbf16>
      %add3A_1942 = arith.constant 1 : i32
      %add3A_1943 = vector.broadcast %add3A_1942 : i32 to vector<16xi32>
      %add3A_1944 = arith.addi %and3A_1935, %add3A_1943 : vector<16xi32>
      %and3A_1945 = arith.constant 63 : i32
      %and3A_1946 = vector.broadcast %and3A_1945 : i32 to vector<16xi32>
      %and3A_1947 = arith.andi %add3A_1944, %and3A_1946 : vector<16xi32>
      %gather3A_1948 = tpu.vector_load_idx %arg8[%add3A_1704, %and3A_1947] : memref<320x64xi32, #tpu.memory_space<vmem>>[vector<16xi32>, vector<16xi32>], vector<16xi32>,
      %gather3A_1949 = tpu.vector_load_idx %arg9[%add3A_1704, %and3A_1947] : memref<320x64xi32, #tpu.memory_space<vmem>>[vector<16xi32>, vector<16xi32>], vector<16xi32>,
      %bitcast3A_1950 = vector.bitcast %gather3A_1948 : vector<16xi32> to vector<32xbf16>
      %bitcast3A_1951 = vector.bitcast %gather3A_1949 : vector<16xi32> to vector<32xbf16>
      %mul3A_1952 = arith.mulf %bitcast3A_1950, %bitcast3A_1951 : vector<32xbf16>
      %add3A_1953 = arith.addf %add3A_1941, %mul3A_1952 : vector<32xbf16>
      %add3A_1954 = arith.constant 1 : i32
      %add3A_1955 = vector.broadcast %add3A_1954 : i32 to vector<16xi32>
      %add3A_1956 = arith.addi %and3A_1947, %add3A_1955 : vector<16xi32>
      %and3A_1957 = arith.constant 63 : i32
      %and3A_1958 = vector.broadcast %and3A_1957 : i32 to vector<16xi32>
      %and3A_1959 = arith.andi %add3A_1956, %and3A_1958 : vector<16xi32>
      %gather3A_1960 = tpu.vector_load_idx %arg8[%add3A_1704, %and3A_1959] : memref<320x64xi32, #tpu.memory_space<vmem>>[vector<16xi32>, vector<16xi32>], vector<16xi32>,
      %gather3A_1961 = tpu.vector_load_idx %arg9[%add3A_1704, %and3A_1959] : memref<320x64xi32, #tpu.memory_space<vmem>>[vector<16xi32>, vector<16xi32>], vector<16xi32>,
      %bitcast3A_1962 = vector.bitcast %gather3A_1960 : vector<16xi32> to vector<32xbf16>
      %bitcast3A_1963 = vector.bitcast %gather3A_1961 : vector<16xi32> to vector<32xbf16>
      %mul3A_1964 = arith.mulf %bitcast3A_1962, %bitcast3A_1963 : vector<32xbf16>
      %add3A_1965 = arith.addf %add3A_1953, %mul3A_1964 : vector<32xbf16>
      %add3A_1966 = arith.constant 1 : i32
      %add3A_1967 = vector.broadcast %add3A_1966 : i32 to vector<16xi32>
      %add3A_1968 = arith.addi %and3A_1959, %add3A_1967 : vector<16xi32>
      %and3A_1969 = arith.constant 63 : i32
      %and3A_1970 = vector.broadcast %and3A_1969 : i32 to vector<16xi32>
      %and3A_1971 = arith.andi %add3A_1968, %and3A_1970 : vector<16xi32>
      %gather3A_1972 = tpu.vector_load_idx %arg8[%add3A_1704, %and3A_1971] : memref<320x64xi32, #tpu.memory_space<vmem>>[vector<16xi32>, vector<16xi32>], vector<16xi32>,
      %gather3A_1973 = tpu.vector_load_idx %arg9[%add3A_1704, %and3A_1971] : memref<320x64xi32, #tpu.memory_space<vmem>>[vector<16xi32>, vector<16xi32>], vector<16xi32>,
      %bitcast3A_1974 = vector.bitcast %gather3A_1972 : vector<16xi32> to vector<32xbf16>
      %bitcast3A_1975 = vector.bitcast %gather3A_1973 : vector<16xi32> to vector<32xbf16>
      %mul3A_1976 = arith.mulf %bitcast3A_1974, %bitcast3A_1975 : vector<32xbf16>
      %add3A_1977 = arith.addf %add3A_1965, %mul3A_1976 : vector<32xbf16>
      %add3A_1978 = arith.constant 1 : i32
      %add3A_1979 = vector.broadcast %add3A_1978 : i32 to vector<16xi32>
      %add3A_1980 = arith.addi %and3A_1971, %add3A_1979 : vector<16xi32>
      %and3A_1981 = arith.constant 63 : i32
      %and3A_1982 = vector.broadcast %and3A_1981 : i32 to vector<16xi32>
      %and3A_1983 = arith.andi %add3A_1980, %and3A_1982 : vector<16xi32>
      %gather3A_1984 = tpu.vector_load_idx %arg8[%add3A_1704, %and3A_1983] : memref<320x64xi32, #tpu.memory_space<vmem>>[vector<16xi32>, vector<16xi32>], vector<16xi32>,
      %gather3A_1985 = tpu.vector_load_idx %arg9[%add3A_1704, %and3A_1983] : memref<320x64xi32, #tpu.memory_space<vmem>>[vector<16xi32>, vector<16xi32>], vector<16xi32>,
      %bitcast3A_1986 = vector.bitcast %gather3A_1984 : vector<16xi32> to vector<32xbf16>
      %bitcast3A_1987 = vector.bitcast %gather3A_1985 : vector<16xi32> to vector<32xbf16>
      %mul3A_1988 = arith.mulf %bitcast3A_1986, %bitcast3A_1987 : vector<32xbf16>
      %add3A_1989 = arith.addf %add3A_1977, %mul3A_1988 : vector<32xbf16>
      %add3A_1990 = arith.constant 1 : i32
      %add3A_1991 = vector.broadcast %add3A_1990 : i32 to vector<16xi32>
      %add3A_1992 = arith.addi %and3A_1983, %add3A_1991 : vector<16xi32>
      %and3A_1993 = arith.constant 63 : i32
      %and3A_1994 = vector.broadcast %and3A_1993 : i32 to vector<16xi32>
      %and3A_1995 = arith.andi %add3A_1992, %and3A_1994 : vector<16xi32>
      %gather3A_1996 = tpu.vector_load_idx %arg8[%add3A_1704, %and3A_1995] : memref<320x64xi32, #tpu.memory_space<vmem>>[vector<16xi32>, vector<16xi32>], vector<16xi32>,
      %gather3A_1997 = tpu.vector_load_idx %arg9[%add3A_1704, %and3A_1995] : memref<320x64xi32, #tpu.memory_space<vmem>>[vector<16xi32>, vector<16xi32>], vector<16xi32>,
      %bitcast3A_1998 = vector.bitcast %gather3A_1996 : vector<16xi32> to vector<32xbf16>
      %bitcast3A_1999 = vector.bitcast %gather3A_1997 : vector<16xi32> to vector<32xbf16>
      %mul3A_2000 = arith.mulf %bitcast3A_1998, %bitcast3A_1999 : vector<32xbf16>
      %add3A_2001 = arith.addf %add3A_1989, %mul3A_2000 : vector<32xbf16>
      %add3A_2002 = arith.constant 1 : i32
      %add3A_2003 = vector.broadcast %add3A_2002 : i32 to vector<16xi32>
      %add3A_2004 = arith.addi %and3A_1995, %add3A_2003 : vector<16xi32>
      %and3A_2005 = arith.constant 63 : i32
      %and3A_2006 = vector.broadcast %and3A_2005 : i32 to vector<16xi32>
      %and3A_2007 = arith.andi %add3A_2004, %and3A_2006 : vector<16xi32>
      %gather3A_2008 = tpu.vector_load_idx %arg8[%add3A_1704, %and3A_2007] : memref<320x64xi32, #tpu.memory_space<vmem>>[vector<16xi32>, vector<16xi32>], vector<16xi32>,
      %gather3A_2009 = tpu.vector_load_idx %arg9[%add3A_1704, %and3A_2007] : memref<320x64xi32, #tpu.memory_space<vmem>>[vector<16xi32>, vector<16xi32>], vector<16xi32>,
      %bitcast3A_2010 = vector.bitcast %gather3A_2008 : vector<16xi32> to vector<32xbf16>
      %bitcast3A_2011 = vector.bitcast %gather3A_2009 : vector<16xi32> to vector<32xbf16>
      %mul3A_2012 = arith.mulf %bitcast3A_2010, %bitcast3A_2011 : vector<32xbf16>
      %add3A_2013 = arith.addf %add3A_2001, %mul3A_2012 : vector<32xbf16>
      %add3A_2014 = arith.constant 1 : i32
      %add3A_2015 = vector.broadcast %add3A_2014 : i32 to vector<16xi32>
      %add3A_2016 = arith.addi %and3A_2007, %add3A_2015 : vector<16xi32>
      %and3A_2017 = arith.constant 63 : i32
      %and3A_2018 = vector.broadcast %and3A_2017 : i32 to vector<16xi32>
      %and3A_2019 = arith.andi %add3A_2016, %and3A_2018 : vector<16xi32>
      %gather3A_2020 = tpu.vector_load_idx %arg8[%add3A_1704, %and3A_2019] : memref<320x64xi32, #tpu.memory_space<vmem>>[vector<16xi32>, vector<16xi32>], vector<16xi32>,
      %gather3A_2021 = tpu.vector_load_idx %arg9[%add3A_1704, %and3A_2019] : memref<320x64xi32, #tpu.memory_space<vmem>>[vector<16xi32>, vector<16xi32>], vector<16xi32>,
      %bitcast3A_2022 = vector.bitcast %gather3A_2020 : vector<16xi32> to vector<32xbf16>
      %bitcast3A_2023 = vector.bitcast %gather3A_2021 : vector<16xi32> to vector<32xbf16>
      %mul3A_2024 = arith.mulf %bitcast3A_2022, %bitcast3A_2023 : vector<32xbf16>
      %add3A_2025 = arith.addf %add3A_2013, %mul3A_2024 : vector<32xbf16>
      %add3A_2026 = arith.constant 1 : i32
      %add3A_2027 = vector.broadcast %add3A_2026 : i32 to vector<16xi32>
      %add3A_2028 = arith.addi %and3A_2019, %add3A_2027 : vector<16xi32>
      %and3A_2029 = arith.constant 63 : i32
      %and3A_2030 = vector.broadcast %and3A_2029 : i32 to vector<16xi32>
      %and3A_2031 = arith.andi %add3A_2028, %and3A_2030 : vector<16xi32>
      %gather3A_2032 = tpu.vector_load_idx %arg8[%add3A_1704, %and3A_2031] : memref<320x64xi32, #tpu.memory_space<vmem>>[vector<16xi32>, vector<16xi32>], vector<16xi32>,
      %gather3A_2033 = tpu.vector_load_idx %arg9[%add3A_1704, %and3A_2031] : memref<320x64xi32, #tpu.memory_space<vmem>>[vector<16xi32>, vector<16xi32>], vector<16xi32>,
      %bitcast3A_2034 = vector.bitcast %gather3A_2032 : vector<16xi32> to vector<32xbf16>
      %bitcast3A_2035 = vector.bitcast %gather3A_2033 : vector<16xi32> to vector<32xbf16>
      %mul3A_2036 = arith.mulf %bitcast3A_2034, %bitcast3A_2035 : vector<32xbf16>
      %add3A_2037 = arith.addf %add3A_2025, %mul3A_2036 : vector<32xbf16>
      %add3A_2038 = arith.constant 1 : i32
      %add3A_2039 = vector.broadcast %add3A_2038 : i32 to vector<16xi32>
      %add3A_2040 = arith.addi %and3A_2031, %add3A_2039 : vector<16xi32>
      %and3A_2041 = arith.constant 63 : i32
      %and3A_2042 = vector.broadcast %and3A_2041 : i32 to vector<16xi32>
      %and3A_2043 = arith.andi %add3A_2040, %and3A_2042 : vector<16xi32>
      %gather3A_2044 = tpu.vector_load_idx %arg8[%add3A_1704, %and3A_2043] : memref<320x64xi32, #tpu.memory_space<vmem>>[vector<16xi32>, vector<16xi32>], vector<16xi32>,
      %gather3A_2045 = tpu.vector_load_idx %arg9[%add3A_1704, %and3A_2043] : memref<320x64xi32, #tpu.memory_space<vmem>>[vector<16xi32>, vector<16xi32>], vector<16xi32>,
      %bitcast3A_2046 = vector.bitcast %gather3A_2044 : vector<16xi32> to vector<32xbf16>
      %bitcast3A_2047 = vector.bitcast %gather3A_2045 : vector<16xi32> to vector<32xbf16>
      %mul3A_2048 = arith.mulf %bitcast3A_2046, %bitcast3A_2047 : vector<32xbf16>
      %add3A_2049 = arith.addf %add3A_2037, %mul3A_2048 : vector<32xbf16>
      %add3A_2050 = arith.constant 1 : i32
      %add3A_2051 = vector.broadcast %add3A_2050 : i32 to vector<16xi32>
      %add3A_2052 = arith.addi %and3A_2043, %add3A_2051 : vector<16xi32>
      %and3A_2053 = arith.constant 63 : i32
      %and3A_2054 = vector.broadcast %and3A_2053 : i32 to vector<16xi32>
      %and3A_2055 = arith.andi %add3A_2052, %and3A_2054 : vector<16xi32>
      %gather3A_2056 = tpu.vector_load_idx %arg8[%add3A_1704, %and3A_2055] : memref<320x64xi32, #tpu.memory_space<vmem>>[vector<16xi32>, vector<16xi32>], vector<16xi32>,
      %gather3A_2057 = tpu.vector_load_idx %arg9[%add3A_1704, %and3A_2055] : memref<320x64xi32, #tpu.memory_space<vmem>>[vector<16xi32>, vector<16xi32>], vector<16xi32>,
      %bitcast3A_2058 = vector.bitcast %gather3A_2056 : vector<16xi32> to vector<32xbf16>
      %bitcast3A_2059 = vector.bitcast %gather3A_2057 : vector<16xi32> to vector<32xbf16>
      %mul3A_2060 = arith.mulf %bitcast3A_2058, %bitcast3A_2059 : vector<32xbf16>
      %add3A_2061 = arith.addf %add3A_2049, %mul3A_2060 : vector<32xbf16>
      %add3A_2062 = arith.constant 1 : i32
      %add3A_2063 = vector.broadcast %add3A_2062 : i32 to vector<16xi32>
      %add3A_2064 = arith.addi %and3A_2055, %add3A_2063 : vector<16xi32>
      %and3A_2065 = arith.constant 63 : i32
      %and3A_2066 = vector.broadcast %and3A_2065 : i32 to vector<16xi32>
      %and3A_2067 = arith.andi %add3A_2064, %and3A_2066 : vector<16xi32>
      %gather3A_2068 = tpu.vector_load_idx %arg8[%add3A_1704, %and3A_2067] : memref<320x64xi32, #tpu.memory_space<vmem>>[vector<16xi32>, vector<16xi32>], vector<16xi32>,
      %gather3A_2069 = tpu.vector_load_idx %arg9[%add3A_1704, %and3A_2067] : memref<320x64xi32, #tpu.memory_space<vmem>>[vector<16xi32>, vector<16xi32>], vector<16xi32>,
      %bitcast3A_2070 = vector.bitcast %gather3A_2068 : vector<16xi32> to vector<32xbf16>
      %bitcast3A_2071 = vector.bitcast %gather3A_2069 : vector<16xi32> to vector<32xbf16>
      %mul3A_2072 = arith.mulf %bitcast3A_2070, %bitcast3A_2071 : vector<32xbf16>
      %add3A_2073 = arith.addf %add3A_2061, %mul3A_2072 : vector<32xbf16>
      %add3A_2074 = arith.constant 1 : i32
      %add3A_2075 = vector.broadcast %add3A_2074 : i32 to vector<16xi32>
      %add3A_2076 = arith.addi %and3A_2067, %add3A_2075 : vector<16xi32>
      %and3A_2077 = arith.constant 63 : i32
      %and3A_2078 = vector.broadcast %and3A_2077 : i32 to vector<16xi32>
      %and3A_2079 = arith.andi %add3A_2076, %and3A_2078 : vector<16xi32>
      %gather3A_2080 = tpu.vector_load_idx %arg8[%add3A_1704, %and3A_2079] : memref<320x64xi32, #tpu.memory_space<vmem>>[vector<16xi32>, vector<16xi32>], vector<16xi32>,
      %gather3A_2081 = tpu.vector_load_idx %arg9[%add3A_1704, %and3A_2079] : memref<320x64xi32, #tpu.memory_space<vmem>>[vector<16xi32>, vector<16xi32>], vector<16xi32>,
      %bitcast3A_2082 = vector.bitcast %gather3A_2080 : vector<16xi32> to vector<32xbf16>
      %bitcast3A_2083 = vector.bitcast %gather3A_2081 : vector<16xi32> to vector<32xbf16>
      %mul3A_2084 = arith.mulf %bitcast3A_2082, %bitcast3A_2083 : vector<32xbf16>
      %add3A_2085 = arith.addf %add3A_2073, %mul3A_2084 : vector<32xbf16>
      %add3A_2086 = arith.constant 1 : i32
      %add3A_2087 = vector.broadcast %add3A_2086 : i32 to vector<16xi32>
      %add3A_2088 = arith.addi %and3A_2079, %add3A_2087 : vector<16xi32>
      %and3A_2089 = arith.constant 63 : i32
      %and3A_2090 = vector.broadcast %and3A_2089 : i32 to vector<16xi32>
      %and3A_2091 = arith.andi %add3A_2088, %and3A_2090 : vector<16xi32>
      %gather3A_2092 = tpu.vector_load_idx %arg8[%add3A_1704, %and3A_2091] : memref<320x64xi32, #tpu.memory_space<vmem>>[vector<16xi32>, vector<16xi32>], vector<16xi32>,
      %gather3A_2093 = tpu.vector_load_idx %arg9[%add3A_1704, %and3A_2091] : memref<320x64xi32, #tpu.memory_space<vmem>>[vector<16xi32>, vector<16xi32>], vector<16xi32>,
      %bitcast3A_2094 = vector.bitcast %gather3A_2092 : vector<16xi32> to vector<32xbf16>
      %bitcast3A_2095 = vector.bitcast %gather3A_2093 : vector<16xi32> to vector<32xbf16>
      %mul3A_2096 = arith.mulf %bitcast3A_2094, %bitcast3A_2095 : vector<32xbf16>
      %add3A_2097 = arith.addf %add3A_2085, %mul3A_2096 : vector<32xbf16>
      %add3A_2098 = arith.constant 1 : i32
      %add3A_2099 = vector.broadcast %add3A_2098 : i32 to vector<16xi32>
      %add3A_2100 = arith.addi %and3A_2091, %add3A_2099 : vector<16xi32>
      %and3A_2101 = arith.constant 63 : i32
      %and3A_2102 = vector.broadcast %and3A_2101 : i32 to vector<16xi32>
      %and3A_2103 = arith.andi %add3A_2100, %and3A_2102 : vector<16xi32>
      %gather3A_2104 = tpu.vector_load_idx %arg8[%add3A_1704, %and3A_2103] : memref<320x64xi32, #tpu.memory_space<vmem>>[vector<16xi32>, vector<16xi32>], vector<16xi32>,
      %gather3A_2105 = tpu.vector_load_idx %arg9[%add3A_1704, %and3A_2103] : memref<320x64xi32, #tpu.memory_space<vmem>>[vector<16xi32>, vector<16xi32>], vector<16xi32>,
      %bitcast3A_2106 = vector.bitcast %gather3A_2104 : vector<16xi32> to vector<32xbf16>
      %bitcast3A_2107 = vector.bitcast %gather3A_2105 : vector<16xi32> to vector<32xbf16>
      %mul3A_2108 = arith.mulf %bitcast3A_2106, %bitcast3A_2107 : vector<32xbf16>
      %add3A_2109 = arith.addf %add3A_2097, %mul3A_2108 : vector<32xbf16>
      %add3A_2110 = arith.constant 1 : i32
      %add3A_2111 = vector.broadcast %add3A_2110 : i32 to vector<16xi32>
      %add3A_2112 = arith.addi %and3A_2103, %add3A_2111 : vector<16xi32>
      %and3A_2113 = arith.constant 63 : i32
      %and3A_2114 = vector.broadcast %and3A_2113 : i32 to vector<16xi32>
      %and3A_2115 = arith.andi %add3A_2112, %and3A_2114 : vector<16xi32>
      %gather3A_2116 = tpu.vector_load_idx %arg8[%add3A_1704, %and3A_2115] : memref<320x64xi32, #tpu.memory_space<vmem>>[vector<16xi32>, vector<16xi32>], vector<16xi32>,
      %gather3A_2117 = tpu.vector_load_idx %arg9[%add3A_1704, %and3A_2115] : memref<320x64xi32, #tpu.memory_space<vmem>>[vector<16xi32>, vector<16xi32>], vector<16xi32>,
      %bitcast3A_2118 = vector.bitcast %gather3A_2116 : vector<16xi32> to vector<32xbf16>
      %bitcast3A_2119 = vector.bitcast %gather3A_2117 : vector<16xi32> to vector<32xbf16>
      %mul3A_2120 = arith.mulf %bitcast3A_2118, %bitcast3A_2119 : vector<32xbf16>
      %add3A_2121 = arith.addf %add3A_2109, %mul3A_2120 : vector<32xbf16>
      %add3A_2122 = arith.constant 1 : i32
      %add3A_2123 = vector.broadcast %add3A_2122 : i32 to vector<16xi32>
      %add3A_2124 = arith.addi %and3A_2115, %add3A_2123 : vector<16xi32>
      %and3A_2125 = arith.constant 63 : i32
      %and3A_2126 = vector.broadcast %and3A_2125 : i32 to vector<16xi32>
      %and3A_2127 = arith.andi %add3A_2124, %and3A_2126 : vector<16xi32>
      %gather3A_2128 = tpu.vector_load_idx %arg8[%add3A_1704, %and3A_2127] : memref<320x64xi32, #tpu.memory_space<vmem>>[vector<16xi32>, vector<16xi32>], vector<16xi32>,
      %gather3A_2129 = tpu.vector_load_idx %arg9[%add3A_1704, %and3A_2127] : memref<320x64xi32, #tpu.memory_space<vmem>>[vector<16xi32>, vector<16xi32>], vector<16xi32>,
      %bitcast3A_2130 = vector.bitcast %gather3A_2128 : vector<16xi32> to vector<32xbf16>
      %bitcast3A_2131 = vector.bitcast %gather3A_2129 : vector<16xi32> to vector<32xbf16>
      %mul3A_2132 = arith.mulf %bitcast3A_2130, %bitcast3A_2131 : vector<32xbf16>
      %add3A_2133 = arith.addf %add3A_2121, %mul3A_2132 : vector<32xbf16>
      %add3A_2134 = arith.constant 1 : i32
      %add3A_2135 = vector.broadcast %add3A_2134 : i32 to vector<16xi32>
      %add3A_2136 = arith.addi %and3A_2127, %add3A_2135 : vector<16xi32>
      %and3A_2137 = arith.constant 63 : i32
      %and3A_2138 = vector.broadcast %and3A_2137 : i32 to vector<16xi32>
      %and3A_2139 = arith.andi %add3A_2136, %and3A_2138 : vector<16xi32>
      %gather3A_2140 = tpu.vector_load_idx %arg8[%add3A_1704, %and3A_2139] : memref<320x64xi32, #tpu.memory_space<vmem>>[vector<16xi32>, vector<16xi32>], vector<16xi32>,
      %gather3A_2141 = tpu.vector_load_idx %arg9[%add3A_1704, %and3A_2139] : memref<320x64xi32, #tpu.memory_space<vmem>>[vector<16xi32>, vector<16xi32>], vector<16xi32>,
      %bitcast3A_2142 = vector.bitcast %gather3A_2140 : vector<16xi32> to vector<32xbf16>
      %bitcast3A_2143 = vector.bitcast %gather3A_2141 : vector<16xi32> to vector<32xbf16>
      %mul3A_2144 = arith.mulf %bitcast3A_2142, %bitcast3A_2143 : vector<32xbf16>
      %add3A_2145 = arith.addf %add3A_2133, %mul3A_2144 : vector<32xbf16>
      %add3A_2146 = arith.constant 1 : i32
      %add3A_2147 = vector.broadcast %add3A_2146 : i32 to vector<16xi32>
      %add3A_2148 = arith.addi %and3A_2139, %add3A_2147 : vector<16xi32>
      %and3A_2149 = arith.constant 63 : i32
      %and3A_2150 = vector.broadcast %and3A_2149 : i32 to vector<16xi32>
      %and3A_2151 = arith.andi %add3A_2148, %and3A_2150 : vector<16xi32>
      %gather3A_2152 = tpu.vector_load_idx %arg8[%add3A_1704, %and3A_2151] : memref<320x64xi32, #tpu.memory_space<vmem>>[vector<16xi32>, vector<16xi32>], vector<16xi32>,
      %gather3A_2153 = tpu.vector_load_idx %arg9[%add3A_1704, %and3A_2151] : memref<320x64xi32, #tpu.memory_space<vmem>>[vector<16xi32>, vector<16xi32>], vector<16xi32>,
      %bitcast3A_2154 = vector.bitcast %gather3A_2152 : vector<16xi32> to vector<32xbf16>
      %bitcast3A_2155 = vector.bitcast %gather3A_2153 : vector<16xi32> to vector<32xbf16>
      %mul3A_2156 = arith.mulf %bitcast3A_2154, %bitcast3A_2155 : vector<32xbf16>
      %add3A_2157 = arith.addf %add3A_2145, %mul3A_2156 : vector<32xbf16>
      %add3A_2158 = arith.constant 1 : i32
      %add3A_2159 = vector.broadcast %add3A_2158 : i32 to vector<16xi32>
      %add3A_2160 = arith.addi %and3A_2151, %add3A_2159 : vector<16xi32>
      %and3A_2161 = arith.constant 63 : i32
      %and3A_2162 = vector.broadcast %and3A_2161 : i32 to vector<16xi32>
      %and3A_2163 = arith.andi %add3A_2160, %and3A_2162 : vector<16xi32>
      %gather3A_2164 = tpu.vector_load_idx %arg8[%add3A_1704, %and3A_2163] : memref<320x64xi32, #tpu.memory_space<vmem>>[vector<16xi32>, vector<16xi32>], vector<16xi32>,
      %gather3A_2165 = tpu.vector_load_idx %arg9[%add3A_1704, %and3A_2163] : memref<320x64xi32, #tpu.memory_space<vmem>>[vector<16xi32>, vector<16xi32>], vector<16xi32>,
      %bitcast3A_2166 = vector.bitcast %gather3A_2164 : vector<16xi32> to vector<32xbf16>
      %bitcast3A_2167 = vector.bitcast %gather3A_2165 : vector<16xi32> to vector<32xbf16>
      %mul3A_2168 = arith.mulf %bitcast3A_2166, %bitcast3A_2167 : vector<32xbf16>
      %add3A_2169 = arith.addf %add3A_2157, %mul3A_2168 : vector<32xbf16>
      %add3A_2170 = arith.constant 1 : i32
      %add3A_2171 = vector.broadcast %add3A_2170 : i32 to vector<16xi32>
      %add3A_2172 = arith.addi %and3A_2163, %add3A_2171 : vector<16xi32>
      %and3A_2173 = arith.constant 63 : i32
      %and3A_2174 = vector.broadcast %and3A_2173 : i32 to vector<16xi32>
      %and3A_2175 = arith.andi %add3A_2172, %and3A_2174 : vector<16xi32>
      %gather3A_2176 = tpu.vector_load_idx %arg8[%add3A_1704, %and3A_2175] : memref<320x64xi32, #tpu.memory_space<vmem>>[vector<16xi32>, vector<16xi32>], vector<16xi32>,
      %gather3A_2177 = tpu.vector_load_idx %arg9[%add3A_1704, %and3A_2175] : memref<320x64xi32, #tpu.memory_space<vmem>>[vector<16xi32>, vector<16xi32>], vector<16xi32>,
      %bitcast3A_2178 = vector.bitcast %gather3A_2176 : vector<16xi32> to vector<32xbf16>
      %bitcast3A_2179 = vector.bitcast %gather3A_2177 : vector<16xi32> to vector<32xbf16>
      %mul3A_2180 = arith.mulf %bitcast3A_2178, %bitcast3A_2179 : vector<32xbf16>
      %add3A_2181 = arith.addf %add3A_2169, %mul3A_2180 : vector<32xbf16>
      %add3A_2182 = arith.constant 1 : i32
      %add3A_2183 = vector.broadcast %add3A_2182 : i32 to vector<16xi32>
      %add3A_2184 = arith.addi %and3A_2175, %add3A_2183 : vector<16xi32>
      %and3A_2185 = arith.constant 63 : i32
      %and3A_2186 = vector.broadcast %and3A_2185 : i32 to vector<16xi32>
      %and3A_2187 = arith.andi %add3A_2184, %and3A_2186 : vector<16xi32>
      %gather3A_2188 = tpu.vector_load_idx %arg8[%add3A_1704, %and3A_2187] : memref<320x64xi32, #tpu.memory_space<vmem>>[vector<16xi32>, vector<16xi32>], vector<16xi32>,
      %gather3A_2189 = tpu.vector_load_idx %arg9[%add3A_1704, %and3A_2187] : memref<320x64xi32, #tpu.memory_space<vmem>>[vector<16xi32>, vector<16xi32>], vector<16xi32>,
      %bitcast3A_2190 = vector.bitcast %gather3A_2188 : vector<16xi32> to vector<32xbf16>
      %bitcast3A_2191 = vector.bitcast %gather3A_2189 : vector<16xi32> to vector<32xbf16>
      %mul3A_2192 = arith.mulf %bitcast3A_2190, %bitcast3A_2191 : vector<32xbf16>
      %add3A_2193 = arith.addf %add3A_2181, %mul3A_2192 : vector<32xbf16>
      %add3A_2194 = arith.constant 1 : i32
      %add3A_2195 = vector.broadcast %add3A_2194 : i32 to vector<16xi32>
      %add3A_2196 = arith.addi %and3A_2187, %add3A_2195 : vector<16xi32>
      %and3A_2197 = arith.constant 63 : i32
      %and3A_2198 = vector.broadcast %and3A_2197 : i32 to vector<16xi32>
      %and3A_2199 = arith.andi %add3A_2196, %and3A_2198 : vector<16xi32>
      %gather3A_2200 = tpu.vector_load_idx %arg8[%add3A_1704, %and3A_2199] : memref<320x64xi32, #tpu.memory_space<vmem>>[vector<16xi32>, vector<16xi32>], vector<16xi32>,
      %gather3A_2201 = tpu.vector_load_idx %arg9[%add3A_1704, %and3A_2199] : memref<320x64xi32, #tpu.memory_space<vmem>>[vector<16xi32>, vector<16xi32>], vector<16xi32>,
      %bitcast3A_2202 = vector.bitcast %gather3A_2200 : vector<16xi32> to vector<32xbf16>
      %bitcast3A_2203 = vector.bitcast %gather3A_2201 : vector<16xi32> to vector<32xbf16>
      %mul3A_2204 = arith.mulf %bitcast3A_2202, %bitcast3A_2203 : vector<32xbf16>
      %add3A_2205 = arith.addf %add3A_2193, %mul3A_2204 : vector<32xbf16>
      %add3A_2206 = arith.constant 1 : i32
      %add3A_2207 = vector.broadcast %add3A_2206 : i32 to vector<16xi32>
      %add3A_2208 = arith.addi %and3A_2199, %add3A_2207 : vector<16xi32>
      %and3A_2209 = arith.constant 63 : i32
      %and3A_2210 = vector.broadcast %and3A_2209 : i32 to vector<16xi32>
      %and3A_2211 = arith.andi %add3A_2208, %and3A_2210 : vector<16xi32>
      %gather3A_2212 = tpu.vector_load_idx %arg8[%add3A_1704, %and3A_2211] : memref<320x64xi32, #tpu.memory_space<vmem>>[vector<16xi32>, vector<16xi32>], vector<16xi32>,
      %gather3A_2213 = tpu.vector_load_idx %arg9[%add3A_1704, %and3A_2211] : memref<320x64xi32, #tpu.memory_space<vmem>>[vector<16xi32>, vector<16xi32>], vector<16xi32>,
      %bitcast3A_2214 = vector.bitcast %gather3A_2212 : vector<16xi32> to vector<32xbf16>
      %bitcast3A_2215 = vector.bitcast %gather3A_2213 : vector<16xi32> to vector<32xbf16>
      %mul3A_2216 = arith.mulf %bitcast3A_2214, %bitcast3A_2215 : vector<32xbf16>
      %add3A_2217 = arith.addf %add3A_2205, %mul3A_2216 : vector<32xbf16>
      %add3A_2218 = arith.constant 1 : i32
      %add3A_2219 = vector.broadcast %add3A_2218 : i32 to vector<16xi32>
      %add3A_2220 = arith.addi %and3A_2211, %add3A_2219 : vector<16xi32>
      %and3A_2221 = arith.constant 63 : i32
      %and3A_2222 = vector.broadcast %and3A_2221 : i32 to vector<16xi32>
      %and3A_2223 = arith.andi %add3A_2220, %and3A_2222 : vector<16xi32>
      %gather3A_2224 = tpu.vector_load_idx %arg8[%add3A_1704, %and3A_2223] : memref<320x64xi32, #tpu.memory_space<vmem>>[vector<16xi32>, vector<16xi32>], vector<16xi32>,
      %gather3A_2225 = tpu.vector_load_idx %arg9[%add3A_1704, %and3A_2223] : memref<320x64xi32, #tpu.memory_space<vmem>>[vector<16xi32>, vector<16xi32>], vector<16xi32>,
      %bitcast3A_2226 = vector.bitcast %gather3A_2224 : vector<16xi32> to vector<32xbf16>
      %bitcast3A_2227 = vector.bitcast %gather3A_2225 : vector<16xi32> to vector<32xbf16>
      %mul3A_2228 = arith.mulf %bitcast3A_2226, %bitcast3A_2227 : vector<32xbf16>
      %add3A_2229 = arith.addf %add3A_2217, %mul3A_2228 : vector<32xbf16>
      %add3A_2230 = arith.constant 1 : i32
      %add3A_2231 = vector.broadcast %add3A_2230 : i32 to vector<16xi32>
      %add3A_2232 = arith.addi %and3A_2223, %add3A_2231 : vector<16xi32>
      %and3A_2233 = arith.constant 63 : i32
      %and3A_2234 = vector.broadcast %and3A_2233 : i32 to vector<16xi32>
      %and3A_2235 = arith.andi %add3A_2232, %and3A_2234 : vector<16xi32>
      %gather3A_2236 = tpu.vector_load_idx %arg8[%add3A_1704, %and3A_2235] : memref<320x64xi32, #tpu.memory_space<vmem>>[vector<16xi32>, vector<16xi32>], vector<16xi32>,
      %gather3A_2237 = tpu.vector_load_idx %arg9[%add3A_1704, %and3A_2235] : memref<320x64xi32, #tpu.memory_space<vmem>>[vector<16xi32>, vector<16xi32>], vector<16xi32>,
      %bitcast3A_2238 = vector.bitcast %gather3A_2236 : vector<16xi32> to vector<32xbf16>
      %bitcast3A_2239 = vector.bitcast %gather3A_2237 : vector<16xi32> to vector<32xbf16>
      %mul3A_2240 = arith.mulf %bitcast3A_2238, %bitcast3A_2239 : vector<32xbf16>
      %add3A_2241 = arith.addf %add3A_2229, %mul3A_2240 : vector<32xbf16>
      %add3A_2242 = arith.constant 1 : i32
      %add3A_2243 = vector.broadcast %add3A_2242 : i32 to vector<16xi32>
      %add3A_2244 = arith.addi %and3A_2235, %add3A_2243 : vector<16xi32>
      %and3A_2245 = arith.constant 63 : i32
      %and3A_2246 = vector.broadcast %and3A_2245 : i32 to vector<16xi32>
      %and3A_2247 = arith.andi %add3A_2244, %and3A_2246 : vector<16xi32>
      %gather3A_2248 = tpu.vector_load_idx %arg8[%add3A_1704, %and3A_2247] : memref<320x64xi32, #tpu.memory_space<vmem>>[vector<16xi32>, vector<16xi32>], vector<16xi32>,
      %gather3A_2249 = tpu.vector_load_idx %arg9[%add3A_1704, %and3A_2247] : memref<320x64xi32, #tpu.memory_space<vmem>>[vector<16xi32>, vector<16xi32>], vector<16xi32>,
      %bitcast3A_2250 = vector.bitcast %gather3A_2248 : vector<16xi32> to vector<32xbf16>
      %bitcast3A_2251 = vector.bitcast %gather3A_2249 : vector<16xi32> to vector<32xbf16>
      %mul3A_2252 = arith.mulf %bitcast3A_2250, %bitcast3A_2251 : vector<32xbf16>
      %add3A_2253 = arith.addf %add3A_2241, %mul3A_2252 : vector<32xbf16>
      %add3A_2254 = arith.constant 1 : i32
      %add3A_2255 = vector.broadcast %add3A_2254 : i32 to vector<16xi32>
      %add3A_2256 = arith.addi %and3A_2247, %add3A_2255 : vector<16xi32>
      %and3A_2257 = arith.constant 63 : i32
      %and3A_2258 = vector.broadcast %and3A_2257 : i32 to vector<16xi32>
      %and3A_2259 = arith.andi %add3A_2256, %and3A_2258 : vector<16xi32>
      %gather3A_2260 = tpu.vector_load_idx %arg8[%add3A_1704, %and3A_2259] : memref<320x64xi32, #tpu.memory_space<vmem>>[vector<16xi32>, vector<16xi32>], vector<16xi32>,
      %gather3A_2261 = tpu.vector_load_idx %arg9[%add3A_1704, %and3A_2259] : memref<320x64xi32, #tpu.memory_space<vmem>>[vector<16xi32>, vector<16xi32>], vector<16xi32>,
      %bitcast3A_2262 = vector.bitcast %gather3A_2260 : vector<16xi32> to vector<32xbf16>
      %bitcast3A_2263 = vector.bitcast %gather3A_2261 : vector<16xi32> to vector<32xbf16>
      %mul3A_2264 = arith.mulf %bitcast3A_2262, %bitcast3A_2263 : vector<32xbf16>
      %add3A_2265 = arith.addf %add3A_2253, %mul3A_2264 : vector<32xbf16>
      %add3A_2266 = arith.constant 1 : i32
      %add3A_2267 = vector.broadcast %add3A_2266 : i32 to vector<16xi32>
      %add3A_2268 = arith.addi %and3A_2259, %add3A_2267 : vector<16xi32>
      %and3A_2269 = arith.constant 63 : i32
      %and3A_2270 = vector.broadcast %and3A_2269 : i32 to vector<16xi32>
      %and3A_2271 = arith.andi %add3A_2268, %and3A_2270 : vector<16xi32>
      %gather3A_2272 = tpu.vector_load_idx %arg8[%add3A_1704, %and3A_2271] : memref<320x64xi32, #tpu.memory_space<vmem>>[vector<16xi32>, vector<16xi32>], vector<16xi32>,
      %gather3A_2273 = tpu.vector_load_idx %arg9[%add3A_1704, %and3A_2271] : memref<320x64xi32, #tpu.memory_space<vmem>>[vector<16xi32>, vector<16xi32>], vector<16xi32>,
      %bitcast3A_2274 = vector.bitcast %gather3A_2272 : vector<16xi32> to vector<32xbf16>
      %bitcast3A_2275 = vector.bitcast %gather3A_2273 : vector<16xi32> to vector<32xbf16>
      %mul3A_2276 = arith.mulf %bitcast3A_2274, %bitcast3A_2275 : vector<32xbf16>
      %add3A_2277 = arith.addf %add3A_2265, %mul3A_2276 : vector<32xbf16>
      %add3A_2278 = arith.constant 1 : i32
      %add3A_2279 = vector.broadcast %add3A_2278 : i32 to vector<16xi32>
      %add3A_2280 = arith.addi %and3A_2271, %add3A_2279 : vector<16xi32>
      %and3A_2281 = arith.constant 63 : i32
      %and3A_2282 = vector.broadcast %and3A_2281 : i32 to vector<16xi32>
      %and3A_2283 = arith.andi %add3A_2280, %and3A_2282 : vector<16xi32>
      %gather3A_2284 = tpu.vector_load_idx %arg8[%add3A_1704, %and3A_2283] : memref<320x64xi32, #tpu.memory_space<vmem>>[vector<16xi32>, vector<16xi32>], vector<16xi32>,
      %gather3A_2285 = tpu.vector_load_idx %arg9[%add3A_1704, %and3A_2283] : memref<320x64xi32, #tpu.memory_space<vmem>>[vector<16xi32>, vector<16xi32>], vector<16xi32>,
      %bitcast3A_2286 = vector.bitcast %gather3A_2284 : vector<16xi32> to vector<32xbf16>
      %bitcast3A_2287 = vector.bitcast %gather3A_2285 : vector<16xi32> to vector<32xbf16>
      %mul3A_2288 = arith.mulf %bitcast3A_2286, %bitcast3A_2287 : vector<32xbf16>
      %add3A_2289 = arith.addf %add3A_2277, %mul3A_2288 : vector<32xbf16>
      %add3A_2290 = arith.constant 1 : i32
      %add3A_2291 = vector.broadcast %add3A_2290 : i32 to vector<16xi32>
      %add3A_2292 = arith.addi %and3A_2283, %add3A_2291 : vector<16xi32>
      %and3A_2293 = arith.constant 63 : i32
      %and3A_2294 = vector.broadcast %and3A_2293 : i32 to vector<16xi32>
      %and3A_2295 = arith.andi %add3A_2292, %and3A_2294 : vector<16xi32>
      %gather3A_2296 = tpu.vector_load_idx %arg8[%add3A_1704, %and3A_2295] : memref<320x64xi32, #tpu.memory_space<vmem>>[vector<16xi32>, vector<16xi32>], vector<16xi32>,
      %gather3A_2297 = tpu.vector_load_idx %arg9[%add3A_1704, %and3A_2295] : memref<320x64xi32, #tpu.memory_space<vmem>>[vector<16xi32>, vector<16xi32>], vector<16xi32>,
      %bitcast3A_2298 = vector.bitcast %gather3A_2296 : vector<16xi32> to vector<32xbf16>
      %bitcast3A_2299 = vector.bitcast %gather3A_2297 : vector<16xi32> to vector<32xbf16>
      %mul3A_2300 = arith.mulf %bitcast3A_2298, %bitcast3A_2299 : vector<32xbf16>
      %add3A_2301 = arith.addf %add3A_2289, %mul3A_2300 : vector<32xbf16>
      %add3A_2302 = arith.constant 1 : i32
      %add3A_2303 = vector.broadcast %add3A_2302 : i32 to vector<16xi32>
      %add3A_2304 = arith.addi %and3A_2295, %add3A_2303 : vector<16xi32>
      %and3A_2305 = arith.constant 63 : i32
      %and3A_2306 = vector.broadcast %and3A_2305 : i32 to vector<16xi32>
      %and3A_2307 = arith.andi %add3A_2304, %and3A_2306 : vector<16xi32>
      %gather3A_2308 = tpu.vector_load_idx %arg8[%add3A_1704, %and3A_2307] : memref<320x64xi32, #tpu.memory_space<vmem>>[vector<16xi32>, vector<16xi32>], vector<16xi32>,
      %gather3A_2309 = tpu.vector_load_idx %arg9[%add3A_1704, %and3A_2307] : memref<320x64xi32, #tpu.memory_space<vmem>>[vector<16xi32>, vector<16xi32>], vector<16xi32>,
      %bitcast3A_2310 = vector.bitcast %gather3A_2308 : vector<16xi32> to vector<32xbf16>
      %bitcast3A_2311 = vector.bitcast %gather3A_2309 : vector<16xi32> to vector<32xbf16>
      %mul3A_2312 = arith.mulf %bitcast3A_2310, %bitcast3A_2311 : vector<32xbf16>
      %add3A_2313 = arith.addf %add3A_2301, %mul3A_2312 : vector<32xbf16>
      %add3A_2314 = arith.constant 1 : i32
      %add3A_2315 = vector.broadcast %add3A_2314 : i32 to vector<16xi32>
      %add3A_2316 = arith.addi %and3A_2307, %add3A_2315 : vector<16xi32>
      %and3A_2317 = arith.constant 63 : i32
      %and3A_2318 = vector.broadcast %and3A_2317 : i32 to vector<16xi32>
      %and3A_2319 = arith.andi %add3A_2316, %and3A_2318 : vector<16xi32>
      %gather3A_2320 = tpu.vector_load_idx %arg8[%add3A_1704, %and3A_2319] : memref<320x64xi32, #tpu.memory_space<vmem>>[vector<16xi32>, vector<16xi32>], vector<16xi32>,
      %gather3A_2321 = tpu.vector_load_idx %arg9[%add3A_1704, %and3A_2319] : memref<320x64xi32, #tpu.memory_space<vmem>>[vector<16xi32>, vector<16xi32>], vector<16xi32>,
      %bitcast3A_2322 = vector.bitcast %gather3A_2320 : vector<16xi32> to vector<32xbf16>
      %bitcast3A_2323 = vector.bitcast %gather3A_2321 : vector<16xi32> to vector<32xbf16>
      %mul3A_2324 = arith.mulf %bitcast3A_2322, %bitcast3A_2323 : vector<32xbf16>
      %add3A_2325 = arith.addf %add3A_2313, %mul3A_2324 : vector<32xbf16>
      %add3A_2326 = arith.constant 1 : i32
      %add3A_2327 = vector.broadcast %add3A_2326 : i32 to vector<16xi32>
      %add3A_2328 = arith.addi %and3A_2319, %add3A_2327 : vector<16xi32>
      %and3A_2329 = arith.constant 63 : i32
      %and3A_2330 = vector.broadcast %and3A_2329 : i32 to vector<16xi32>
      %and3A_2331 = arith.andi %add3A_2328, %and3A_2330 : vector<16xi32>
      %gather3A_2332 = tpu.vector_load_idx %arg8[%add3A_1704, %and3A_2331] : memref<320x64xi32, #tpu.memory_space<vmem>>[vector<16xi32>, vector<16xi32>], vector<16xi32>,
      %gather3A_2333 = tpu.vector_load_idx %arg9[%add3A_1704, %and3A_2331] : memref<320x64xi32, #tpu.memory_space<vmem>>[vector<16xi32>, vector<16xi32>], vector<16xi32>,
      %bitcast3A_2334 = vector.bitcast %gather3A_2332 : vector<16xi32> to vector<32xbf16>
      %bitcast3A_2335 = vector.bitcast %gather3A_2333 : vector<16xi32> to vector<32xbf16>
      %mul3A_2336 = arith.mulf %bitcast3A_2334, %bitcast3A_2335 : vector<32xbf16>
      %add3A_2337 = arith.addf %add3A_2325, %mul3A_2336 : vector<32xbf16>
      %add3A_2338 = arith.constant 1 : i32
      %add3A_2339 = vector.broadcast %add3A_2338 : i32 to vector<16xi32>
      %add3A_2340 = arith.addi %and3A_2331, %add3A_2339 : vector<16xi32>
      %and3A_2341 = arith.constant 63 : i32
      %and3A_2342 = vector.broadcast %and3A_2341 : i32 to vector<16xi32>
      %and3A_2343 = arith.andi %add3A_2340, %and3A_2342 : vector<16xi32>
      %gather3A_2344 = tpu.vector_load_idx %arg8[%add3A_1704, %and3A_2343] : memref<320x64xi32, #tpu.memory_space<vmem>>[vector<16xi32>, vector<16xi32>], vector<16xi32>,
      %gather3A_2345 = tpu.vector_load_idx %arg9[%add3A_1704, %and3A_2343] : memref<320x64xi32, #tpu.memory_space<vmem>>[vector<16xi32>, vector<16xi32>], vector<16xi32>,
      %bitcast3A_2346 = vector.bitcast %gather3A_2344 : vector<16xi32> to vector<32xbf16>
      %bitcast3A_2347 = vector.bitcast %gather3A_2345 : vector<16xi32> to vector<32xbf16>
      %mul3A_2348 = arith.mulf %bitcast3A_2346, %bitcast3A_2347 : vector<32xbf16>
      %add3A_2349 = arith.addf %add3A_2337, %mul3A_2348 : vector<32xbf16>
      %add3A_2350 = arith.constant 1 : i32
      %add3A_2351 = vector.broadcast %add3A_2350 : i32 to vector<16xi32>
      %add3A_2352 = arith.addi %and3A_2343, %add3A_2351 : vector<16xi32>
      %and3A_2353 = arith.constant 63 : i32
      %and3A_2354 = vector.broadcast %and3A_2353 : i32 to vector<16xi32>
      %and3A_2355 = arith.andi %add3A_2352, %and3A_2354 : vector<16xi32>
      %gather3A_2356 = tpu.vector_load_idx %arg8[%add3A_1704, %and3A_2355] : memref<320x64xi32, #tpu.memory_space<vmem>>[vector<16xi32>, vector<16xi32>], vector<16xi32>,
      %gather3A_2357 = tpu.vector_load_idx %arg9[%add3A_1704, %and3A_2355] : memref<320x64xi32, #tpu.memory_space<vmem>>[vector<16xi32>, vector<16xi32>], vector<16xi32>,
      %bitcast3A_2358 = vector.bitcast %gather3A_2356 : vector<16xi32> to vector<32xbf16>
      %bitcast3A_2359 = vector.bitcast %gather3A_2357 : vector<16xi32> to vector<32xbf16>
      %mul3A_2360 = arith.mulf %bitcast3A_2358, %bitcast3A_2359 : vector<32xbf16>
      %add3A_2361 = arith.addf %add3A_2349, %mul3A_2360 : vector<32xbf16>
      %add3A_2362 = arith.constant 1 : i32
      %add3A_2363 = vector.broadcast %add3A_2362 : i32 to vector<16xi32>
      %add3A_2364 = arith.addi %and3A_2355, %add3A_2363 : vector<16xi32>
      %and3A_2365 = arith.constant 63 : i32
      %and3A_2366 = vector.broadcast %and3A_2365 : i32 to vector<16xi32>
      %and3A_2367 = arith.andi %add3A_2364, %and3A_2366 : vector<16xi32>
      %gather3A_2368 = tpu.vector_load_idx %arg8[%add3A_1704, %and3A_2367] : memref<320x64xi32, #tpu.memory_space<vmem>>[vector<16xi32>, vector<16xi32>], vector<16xi32>,
      %gather3A_2369 = tpu.vector_load_idx %arg9[%add3A_1704, %and3A_2367] : memref<320x64xi32, #tpu.memory_space<vmem>>[vector<16xi32>, vector<16xi32>], vector<16xi32>,
      %bitcast3A_2370 = vector.bitcast %gather3A_2368 : vector<16xi32> to vector<32xbf16>
      %bitcast3A_2371 = vector.bitcast %gather3A_2369 : vector<16xi32> to vector<32xbf16>
      %mul3A_2372 = arith.mulf %bitcast3A_2370, %bitcast3A_2371 : vector<32xbf16>
      %add3A_2373 = arith.addf %add3A_2361, %mul3A_2372 : vector<32xbf16>
      %add3A_2374 = arith.constant 1 : i32
      %add3A_2375 = vector.broadcast %add3A_2374 : i32 to vector<16xi32>
      %add3A_2376 = arith.addi %and3A_2367, %add3A_2375 : vector<16xi32>
      %and3A_2377 = arith.constant 63 : i32
      %and3A_2378 = vector.broadcast %and3A_2377 : i32 to vector<16xi32>
      %and3A_2379 = arith.andi %add3A_2376, %and3A_2378 : vector<16xi32>
      %gather3A_2380 = tpu.vector_load_idx %arg8[%add3A_1704, %and3A_2379] : memref<320x64xi32, #tpu.memory_space<vmem>>[vector<16xi32>, vector<16xi32>], vector<16xi32>,
      %gather3A_2381 = tpu.vector_load_idx %arg9[%add3A_1704, %and3A_2379] : memref<320x64xi32, #tpu.memory_space<vmem>>[vector<16xi32>, vector<16xi32>], vector<16xi32>,
      %bitcast3A_2382 = vector.bitcast %gather3A_2380 : vector<16xi32> to vector<32xbf16>
      %bitcast3A_2383 = vector.bitcast %gather3A_2381 : vector<16xi32> to vector<32xbf16>
      %mul3A_2384 = arith.mulf %bitcast3A_2382, %bitcast3A_2383 : vector<32xbf16>
      %add3A_2385 = arith.addf %add3A_2373, %mul3A_2384 : vector<32xbf16>
      %add3A_2386 = arith.constant 1 : i32
      %add3A_2387 = vector.broadcast %add3A_2386 : i32 to vector<16xi32>
      %add3A_2388 = arith.addi %and3A_2379, %add3A_2387 : vector<16xi32>
      %and3A_2389 = arith.constant 63 : i32
      %and3A_2390 = vector.broadcast %and3A_2389 : i32 to vector<16xi32>
      %and3A_2391 = arith.andi %add3A_2388, %and3A_2390 : vector<16xi32>
      %gather3A_2392 = tpu.vector_load_idx %arg8[%add3A_1704, %and3A_2391] : memref<320x64xi32, #tpu.memory_space<vmem>>[vector<16xi32>, vector<16xi32>], vector<16xi32>,
      %gather3A_2393 = tpu.vector_load_idx %arg9[%add3A_1704, %and3A_2391] : memref<320x64xi32, #tpu.memory_space<vmem>>[vector<16xi32>, vector<16xi32>], vector<16xi32>,
      %bitcast3A_2394 = vector.bitcast %gather3A_2392 : vector<16xi32> to vector<32xbf16>
      %bitcast3A_2395 = vector.bitcast %gather3A_2393 : vector<16xi32> to vector<32xbf16>
      %mul3A_2396 = arith.mulf %bitcast3A_2394, %bitcast3A_2395 : vector<32xbf16>
      %add3A_2397 = arith.addf %add3A_2385, %mul3A_2396 : vector<32xbf16>
      %add3A_2398 = arith.constant 1 : i32
      %add3A_2399 = vector.broadcast %add3A_2398 : i32 to vector<16xi32>
      %add3A_2400 = arith.addi %and3A_2391, %add3A_2399 : vector<16xi32>
      %and3A_2401 = arith.constant 63 : i32
      %and3A_2402 = vector.broadcast %and3A_2401 : i32 to vector<16xi32>
      %and3A_2403 = arith.andi %add3A_2400, %and3A_2402 : vector<16xi32>
      %gather3A_2404 = tpu.vector_load_idx %arg8[%add3A_1704, %and3A_2403] : memref<320x64xi32, #tpu.memory_space<vmem>>[vector<16xi32>, vector<16xi32>], vector<16xi32>,
      %gather3A_2405 = tpu.vector_load_idx %arg9[%add3A_1704, %and3A_2403] : memref<320x64xi32, #tpu.memory_space<vmem>>[vector<16xi32>, vector<16xi32>], vector<16xi32>,
      %bitcast3A_2406 = vector.bitcast %gather3A_2404 : vector<16xi32> to vector<32xbf16>
      %bitcast3A_2407 = vector.bitcast %gather3A_2405 : vector<16xi32> to vector<32xbf16>
      %mul3A_2408 = arith.mulf %bitcast3A_2406, %bitcast3A_2407 : vector<32xbf16>
      %add3A_2409 = arith.addf %add3A_2397, %mul3A_2408 : vector<32xbf16>
      %add3A_2410 = arith.constant 1 : i32
      %add3A_2411 = vector.broadcast %add3A_2410 : i32 to vector<16xi32>
      %add3A_2412 = arith.addi %and3A_2403, %add3A_2411 : vector<16xi32>
      %and3A_2413 = arith.constant 63 : i32
      %and3A_2414 = vector.broadcast %and3A_2413 : i32 to vector<16xi32>
      %and3A_2415 = arith.andi %add3A_2412, %and3A_2414 : vector<16xi32>
      %gather3A_2416 = tpu.vector_load_idx %arg8[%add3A_1704, %and3A_2415] : memref<320x64xi32, #tpu.memory_space<vmem>>[vector<16xi32>, vector<16xi32>], vector<16xi32>,
      %gather3A_2417 = tpu.vector_load_idx %arg9[%add3A_1704, %and3A_2415] : memref<320x64xi32, #tpu.memory_space<vmem>>[vector<16xi32>, vector<16xi32>], vector<16xi32>,
      %bitcast3A_2418 = vector.bitcast %gather3A_2416 : vector<16xi32> to vector<32xbf16>
      %bitcast3A_2419 = vector.bitcast %gather3A_2417 : vector<16xi32> to vector<32xbf16>
      %mul3A_2420 = arith.mulf %bitcast3A_2418, %bitcast3A_2419 : vector<32xbf16>
      %add3A_2421 = arith.addf %add3A_2409, %mul3A_2420 : vector<32xbf16>
      %add3A_2422 = arith.constant 1 : i32
      %add3A_2423 = vector.broadcast %add3A_2422 : i32 to vector<16xi32>
      %add3A_2424 = arith.addi %and3A_2415, %add3A_2423 : vector<16xi32>
      %and3A_2425 = arith.constant 63 : i32
      %and3A_2426 = vector.broadcast %and3A_2425 : i32 to vector<16xi32>
      %and3A_2427 = arith.andi %add3A_2424, %and3A_2426 : vector<16xi32>
      %gather3A_2428 = tpu.vector_load_idx %arg8[%add3A_1704, %and3A_2427] : memref<320x64xi32, #tpu.memory_space<vmem>>[vector<16xi32>, vector<16xi32>], vector<16xi32>,
      %gather3A_2429 = tpu.vector_load_idx %arg9[%add3A_1704, %and3A_2427] : memref<320x64xi32, #tpu.memory_space<vmem>>[vector<16xi32>, vector<16xi32>], vector<16xi32>,
      %bitcast3A_2430 = vector.bitcast %gather3A_2428 : vector<16xi32> to vector<32xbf16>
      %bitcast3A_2431 = vector.bitcast %gather3A_2429 : vector<16xi32> to vector<32xbf16>
      %mul3A_2432 = arith.mulf %bitcast3A_2430, %bitcast3A_2431 : vector<32xbf16>
      %add3A_2433 = arith.addf %add3A_2421, %mul3A_2432 : vector<32xbf16>
      %add3A_2434 = arith.constant 1 : i32
      %add3A_2435 = vector.broadcast %add3A_2434 : i32 to vector<16xi32>
      %add3A_2436 = arith.addi %and3A_2427, %add3A_2435 : vector<16xi32>
      %and3A_2437 = arith.constant 63 : i32
      %and3A_2438 = vector.broadcast %and3A_2437 : i32 to vector<16xi32>
      %and3A_2439 = arith.andi %add3A_2436, %and3A_2438 : vector<16xi32>
      %gather3A_2440 = tpu.vector_load_idx %arg8[%add3A_1704, %and3A_2439] : memref<320x64xi32, #tpu.memory_space<vmem>>[vector<16xi32>, vector<16xi32>], vector<16xi32>,
      %gather3A_2441 = tpu.vector_load_idx %arg9[%add3A_1704, %and3A_2439] : memref<320x64xi32, #tpu.memory_space<vmem>>[vector<16xi32>, vector<16xi32>], vector<16xi32>,
      %bitcast3A_2442 = vector.bitcast %gather3A_2440 : vector<16xi32> to vector<32xbf16>
      %bitcast3A_2443 = vector.bitcast %gather3A_2441 : vector<16xi32> to vector<32xbf16>
      %mul3A_2444 = arith.mulf %bitcast3A_2442, %bitcast3A_2443 : vector<32xbf16>
      %add3A_2445 = arith.addf %add3A_2433, %mul3A_2444 : vector<32xbf16>
      %add3A_2446 = arith.constant 1 : i32
      %add3A_2447 = vector.broadcast %add3A_2446 : i32 to vector<16xi32>
      %add3A_2448 = arith.addi %and3A_2439, %add3A_2447 : vector<16xi32>
      %and3A_2449 = arith.constant 63 : i32
      %and3A_2450 = vector.broadcast %and3A_2449 : i32 to vector<16xi32>
      %and3A_2451 = arith.andi %add3A_2448, %and3A_2450 : vector<16xi32>
      %gather3A_2452 = tpu.vector_load_idx %arg8[%add3A_1704, %and3A_2451] : memref<320x64xi32, #tpu.memory_space<vmem>>[vector<16xi32>, vector<16xi32>], vector<16xi32>,
      %gather3A_2453 = tpu.vector_load_idx %arg9[%add3A_1704, %and3A_2451] : memref<320x64xi32, #tpu.memory_space<vmem>>[vector<16xi32>, vector<16xi32>], vector<16xi32>,
      %bitcast3A_2454 = vector.bitcast %gather3A_2452 : vector<16xi32> to vector<32xbf16>
      %bitcast3A_2455 = vector.bitcast %gather3A_2453 : vector<16xi32> to vector<32xbf16>
      %mul3A_2456 = arith.mulf %bitcast3A_2454, %bitcast3A_2455 : vector<32xbf16>
      %add3A_2457 = arith.addf %add3A_2445, %mul3A_2456 : vector<32xbf16>
      %add3A_2458 = arith.constant 1 : i32
      %add3A_2459 = vector.broadcast %add3A_2458 : i32 to vector<16xi32>
      %add3A_2460 = arith.addi %and3A_2451, %add3A_2459 : vector<16xi32>
      %and3A_2461 = arith.constant 63 : i32
      %and3A_2462 = vector.broadcast %and3A_2461 : i32 to vector<16xi32>
      %and3A_2463 = arith.andi %add3A_2460, %and3A_2462 : vector<16xi32>
      %gather3A_2464 = tpu.vector_load_idx %arg8[%add3A_1704, %and3A_2463] : memref<320x64xi32, #tpu.memory_space<vmem>>[vector<16xi32>, vector<16xi32>], vector<16xi32>,
      %gather3A_2465 = tpu.vector_load_idx %arg9[%add3A_1704, %and3A_2463] : memref<320x64xi32, #tpu.memory_space<vmem>>[vector<16xi32>, vector<16xi32>], vector<16xi32>,
      %bitcast3A_2466 = vector.bitcast %gather3A_2464 : vector<16xi32> to vector<32xbf16>
      %bitcast3A_2467 = vector.bitcast %gather3A_2465 : vector<16xi32> to vector<32xbf16>
      %mul3A_2468 = arith.mulf %bitcast3A_2466, %bitcast3A_2467 : vector<32xbf16>
      %add3A_2469 = arith.addf %add3A_2457, %mul3A_2468 : vector<32xbf16>
      %add3A_2470 = arith.constant 1 : i32
      %add3A_2471 = vector.broadcast %add3A_2470 : i32 to vector<16xi32>
      %add3A_2472 = arith.addi %and3A_2463, %add3A_2471 : vector<16xi32>
      %and3A_2473 = arith.constant 63 : i32
      %and3A_2474 = vector.broadcast %and3A_2473 : i32 to vector<16xi32>
      %and3A_2475 = arith.andi %add3A_2472, %and3A_2474 : vector<16xi32>
      %bitcast3A_2476 = vector.bitcast %add3A_2469 : vector<32xbf16> to vector<16xi32>
      %shift_left3A_2477 = arith.constant 16 : i32
      %shift_left3A_2478 = vector.broadcast %shift_left3A_2477 : i32 to vector<16xi32>
      %shift_left3A_2479 = arith.shli %bitcast3A_2476, %shift_left3A_2478 : vector<16xi32>
      %bitcast3A_2480 = vector.bitcast %shift_left3A_2479 : vector<16xi32> to vector<16xf32>
      %and3A_2481 = vector.broadcast %scan3A_72 : i32 to vector<16xi32>
      %and3A_2482 = arith.andi %bitcast3A_2476, %and3A_2481 : vector<16xi32>
      %bitcast3A_2483 = vector.bitcast %and3A_2482 : vector<16xi32> to vector<16xf32>
      %add3A_2484 = arith.addf %bitcast3A_2480, %bitcast3A_2483 : vector<16xf32>
      %neg3A_2485 = arith.constant 0.000000e+00 : f32
      %neg3A_2486 = vector.broadcast %neg3A_2485 : f32 to vector<16xf32>
      %neg3A_2487 = arith.subf %neg3A_2486, %add3A_2484 : vector<16xf32>
      %exp3A_2488 = math.exp %neg3A_2487 : vector<16xf32>
      %add3A_2489 = arith.constant 1.000000e+00 : f32
      %add3A_2490 = vector.broadcast %add3A_2489 : f32 to vector<16xf32>
      %add3A_2491 = arith.addf %add3A_2490, %exp3A_2488 : vector<16xf32>
      %div3A_2492 = arith.constant 1.000000e+00 : f32
      %div3A_2493 = vector.broadcast %div3A_2492 : f32 to vector<16xf32>
      %div3A_2494 = arith.divf %div3A_2493, %add3A_2491 : vector<16xf32>
      %mul3A_2495 = arith.constant 80 : i32
      %mul3A_2496 = arith.muli %scan3A_78, %mul3A_2495 : i32
      %add3A_2497 = arith.constant 32 : i32
      %add3A_2498 = arith.addi %mul3A_2496, %add3A_2497 : i32
      %swap3A_2499 = arith.index_cast %add3A_2498 : i32 to index
      %swap3A_2500 = tpu.vector_load %arg10[%swap3A_2499] {strides = array<i32>} : memref<10000xf32, #tpu.memory_space<vmem>>, vector<16xf32>,
      tpu.vector_store %arg10[%swap3A_2499], %div3A_2494 {strides = array<i32>} : memref<10000xf32, #tpu.memory_space<vmem>>, vector<16xf32>,
      %add3A_2501 = arith.constant 48 : i32
      %add3A_2502 = arith.addi %mul3A_106, %add3A_2501 : i32
      %iota3A_2503 = tpu.iota {dimensions = array<i32: 0>} : vector<16xi32>
      %add3A_2504 = vector.broadcast %add3A_2502 : i32 to vector<16xi32>
      %add3A_2505 = arith.addi %add3A_2504, %iota3A_2503 : vector<16xi32>
      %iota3A_2506 = tpu.iota {dimensions = array<i32: 0>} : vector<16xi32>
      %broadcast_in_dim3A_2507 = arith.constant 0.000000e+00 : bf16
      %broadcast_in_dim3A_2508 = vector.broadcast %broadcast_in_dim3A_2507 : bf16 to vector<32xbf16>
      %gather3A_2509 = tpu.vector_load_idx %arg8[%add3A_2505, %iota3A_2506] : memref<320x64xi32, #tpu.memory_space<vmem>>[vector<16xi32>, vector<16xi32>], vector<16xi32>,
      %gather3A_2510 = tpu.vector_load_idx %arg9[%add3A_2505, %iota3A_2506] : memref<320x64xi32, #tpu.memory_space<vmem>>[vector<16xi32>, vector<16xi32>], vector<16xi32>,
      %bitcast3A_2511 = vector.bitcast %gather3A_2509 : vector<16xi32> to vector<32xbf16>
      %bitcast3A_2512 = vector.bitcast %gather3A_2510 : vector<16xi32> to vector<32xbf16>
      %mul3A_2513 = arith.mulf %bitcast3A_2511, %bitcast3A_2512 : vector<32xbf16>
      %add3A_2514 = arith.addf %broadcast_in_dim3A_2508, %mul3A_2513 : vector<32xbf16>
      %add3A_2515 = arith.constant 1 : i32
      %add3A_2516 = vector.broadcast %add3A_2515 : i32 to vector<16xi32>
      %add3A_2517 = arith.addi %iota3A_2506, %add3A_2516 : vector<16xi32>
      %and3A_2518 = arith.constant 63 : i32
      %and3A_2519 = vector.broadcast %and3A_2518 : i32 to vector<16xi32>
      %and3A_2520 = arith.andi %add3A_2517, %and3A_2519 : vector<16xi32>
      %gather3A_2521 = tpu.vector_load_idx %arg8[%add3A_2505, %and3A_2520] : memref<320x64xi32, #tpu.memory_space<vmem>>[vector<16xi32>, vector<16xi32>], vector<16xi32>,
      %gather3A_2522 = tpu.vector_load_idx %arg9[%add3A_2505, %and3A_2520] : memref<320x64xi32, #tpu.memory_space<vmem>>[vector<16xi32>, vector<16xi32>], vector<16xi32>,
      %bitcast3A_2523 = vector.bitcast %gather3A_2521 : vector<16xi32> to vector<32xbf16>
      %bitcast3A_2524 = vector.bitcast %gather3A_2522 : vector<16xi32> to vector<32xbf16>
      %mul3A_2525 = arith.mulf %bitcast3A_2523, %bitcast3A_2524 : vector<32xbf16>
      %add3A_2526 = arith.addf %add3A_2514, %mul3A_2525 : vector<32xbf16>
      %add3A_2527 = arith.constant 1 : i32
      %add3A_2528 = vector.broadcast %add3A_2527 : i32 to vector<16xi32>
      %add3A_2529 = arith.addi %and3A_2520, %add3A_2528 : vector<16xi32>
      %and3A_2530 = arith.constant 63 : i32
      %and3A_2531 = vector.broadcast %and3A_2530 : i32 to vector<16xi32>
      %and3A_2532 = arith.andi %add3A_2529, %and3A_2531 : vector<16xi32>
      %gather3A_2533 = tpu.vector_load_idx %arg8[%add3A_2505, %and3A_2532] : memref<320x64xi32, #tpu.memory_space<vmem>>[vector<16xi32>, vector<16xi32>], vector<16xi32>,
      %gather3A_2534 = tpu.vector_load_idx %arg9[%add3A_2505, %and3A_2532] : memref<320x64xi32, #tpu.memory_space<vmem>>[vector<16xi32>, vector<16xi32>], vector<16xi32>,
      %bitcast3A_2535 = vector.bitcast %gather3A_2533 : vector<16xi32> to vector<32xbf16>
      %bitcast3A_2536 = vector.bitcast %gather3A_2534 : vector<16xi32> to vector<32xbf16>
      %mul3A_2537 = arith.mulf %bitcast3A_2535, %bitcast3A_2536 : vector<32xbf16>
      %add3A_2538 = arith.addf %add3A_2526, %mul3A_2537 : vector<32xbf16>
      %add3A_2539 = arith.constant 1 : i32
      %add3A_2540 = vector.broadcast %add3A_2539 : i32 to vector<16xi32>
      %add3A_2541 = arith.addi %and3A_2532, %add3A_2540 : vector<16xi32>
      %and3A_2542 = arith.constant 63 : i32
      %and3A_2543 = vector.broadcast %and3A_2542 : i32 to vector<16xi32>
      %and3A_2544 = arith.andi %add3A_2541, %and3A_2543 : vector<16xi32>
      %gather3A_2545 = tpu.vector_load_idx %arg8[%add3A_2505, %and3A_2544] : memref<320x64xi32, #tpu.memory_space<vmem>>[vector<16xi32>, vector<16xi32>], vector<16xi32>,
      %gather3A_2546 = tpu.vector_load_idx %arg9[%add3A_2505, %and3A_2544] : memref<320x64xi32, #tpu.memory_space<vmem>>[vector<16xi32>, vector<16xi32>], vector<16xi32>,
      %bitcast3A_2547 = vector.bitcast %gather3A_2545 : vector<16xi32> to vector<32xbf16>
      %bitcast3A_2548 = vector.bitcast %gather3A_2546 : vector<16xi32> to vector<32xbf16>
      %mul3A_2549 = arith.mulf %bitcast3A_2547, %bitcast3A_2548 : vector<32xbf16>
      %add3A_2550 = arith.addf %add3A_2538, %mul3A_2549 : vector<32xbf16>
      %add3A_2551 = arith.constant 1 : i32
      %add3A_2552 = vector.broadcast %add3A_2551 : i32 to vector<16xi32>
      %add3A_2553 = arith.addi %and3A_2544, %add3A_2552 : vector<16xi32>
      %and3A_2554 = arith.constant 63 : i32
      %and3A_2555 = vector.broadcast %and3A_2554 : i32 to vector<16xi32>
      %and3A_2556 = arith.andi %add3A_2553, %and3A_2555 : vector<16xi32>
      %gather3A_2557 = tpu.vector_load_idx %arg8[%add3A_2505, %and3A_2556] : memref<320x64xi32, #tpu.memory_space<vmem>>[vector<16xi32>, vector<16xi32>], vector<16xi32>,
      %gather3A_2558 = tpu.vector_load_idx %arg9[%add3A_2505, %and3A_2556] : memref<320x64xi32, #tpu.memory_space<vmem>>[vector<16xi32>, vector<16xi32>], vector<16xi32>,
      %bitcast3A_2559 = vector.bitcast %gather3A_2557 : vector<16xi32> to vector<32xbf16>
      %bitcast3A_2560 = vector.bitcast %gather3A_2558 : vector<16xi32> to vector<32xbf16>
      %mul3A_2561 = arith.mulf %bitcast3A_2559, %bitcast3A_2560 : vector<32xbf16>
      %add3A_2562 = arith.addf %add3A_2550, %mul3A_2561 : vector<32xbf16>
      %add3A_2563 = arith.constant 1 : i32
      %add3A_2564 = vector.broadcast %add3A_2563 : i32 to vector<16xi32>
      %add3A_2565 = arith.addi %and3A_2556, %add3A_2564 : vector<16xi32>
      %and3A_2566 = arith.constant 63 : i32
      %and3A_2567 = vector.broadcast %and3A_2566 : i32 to vector<16xi32>
      %and3A_2568 = arith.andi %add3A_2565, %and3A_2567 : vector<16xi32>
      %gather3A_2569 = tpu.vector_load_idx %arg8[%add3A_2505, %and3A_2568] : memref<320x64xi32, #tpu.memory_space<vmem>>[vector<16xi32>, vector<16xi32>], vector<16xi32>,
      %gather3A_2570 = tpu.vector_load_idx %arg9[%add3A_2505, %and3A_2568] : memref<320x64xi32, #tpu.memory_space<vmem>>[vector<16xi32>, vector<16xi32>], vector<16xi32>,
      %bitcast3A_2571 = vector.bitcast %gather3A_2569 : vector<16xi32> to vector<32xbf16>
      %bitcast3A_2572 = vector.bitcast %gather3A_2570 : vector<16xi32> to vector<32xbf16>
      %mul3A_2573 = arith.mulf %bitcast3A_2571, %bitcast3A_2572 : vector<32xbf16>
      %add3A_2574 = arith.addf %add3A_2562, %mul3A_2573 : vector<32xbf16>
      %add3A_2575 = arith.constant 1 : i32
      %add3A_2576 = vector.broadcast %add3A_2575 : i32 to vector<16xi32>
      %add3A_2577 = arith.addi %and3A_2568, %add3A_2576 : vector<16xi32>
      %and3A_2578 = arith.constant 63 : i32
      %and3A_2579 = vector.broadcast %and3A_2578 : i32 to vector<16xi32>
      %and3A_2580 = arith.andi %add3A_2577, %and3A_2579 : vector<16xi32>
      %gather3A_2581 = tpu.vector_load_idx %arg8[%add3A_2505, %and3A_2580] : memref<320x64xi32, #tpu.memory_space<vmem>>[vector<16xi32>, vector<16xi32>], vector<16xi32>,
      %gather3A_2582 = tpu.vector_load_idx %arg9[%add3A_2505, %and3A_2580] : memref<320x64xi32, #tpu.memory_space<vmem>>[vector<16xi32>, vector<16xi32>], vector<16xi32>,
      %bitcast3A_2583 = vector.bitcast %gather3A_2581 : vector<16xi32> to vector<32xbf16>
      %bitcast3A_2584 = vector.bitcast %gather3A_2582 : vector<16xi32> to vector<32xbf16>
      %mul3A_2585 = arith.mulf %bitcast3A_2583, %bitcast3A_2584 : vector<32xbf16>
      %add3A_2586 = arith.addf %add3A_2574, %mul3A_2585 : vector<32xbf16>
      %add3A_2587 = arith.constant 1 : i32
      %add3A_2588 = vector.broadcast %add3A_2587 : i32 to vector<16xi32>
      %add3A_2589 = arith.addi %and3A_2580, %add3A_2588 : vector<16xi32>
      %and3A_2590 = arith.constant 63 : i32
      %and3A_2591 = vector.broadcast %and3A_2590 : i32 to vector<16xi32>
      %and3A_2592 = arith.andi %add3A_2589, %and3A_2591 : vector<16xi32>
      %gather3A_2593 = tpu.vector_load_idx %arg8[%add3A_2505, %and3A_2592] : memref<320x64xi32, #tpu.memory_space<vmem>>[vector<16xi32>, vector<16xi32>], vector<16xi32>,
      %gather3A_2594 = tpu.vector_load_idx %arg9[%add3A_2505, %and3A_2592] : memref<320x64xi32, #tpu.memory_space<vmem>>[vector<16xi32>, vector<16xi32>], vector<16xi32>,
      %bitcast3A_2595 = vector.bitcast %gather3A_2593 : vector<16xi32> to vector<32xbf16>
      %bitcast3A_2596 = vector.bitcast %gather3A_2594 : vector<16xi32> to vector<32xbf16>
      %mul3A_2597 = arith.mulf %bitcast3A_2595, %bitcast3A_2596 : vector<32xbf16>
      %add3A_2598 = arith.addf %add3A_2586, %mul3A_2597 : vector<32xbf16>
      %add3A_2599 = arith.constant 1 : i32
      %add3A_2600 = vector.broadcast %add3A_2599 : i32 to vector<16xi32>
      %add3A_2601 = arith.addi %and3A_2592, %add3A_2600 : vector<16xi32>
      %and3A_2602 = arith.constant 63 : i32
      %and3A_2603 = vector.broadcast %and3A_2602 : i32 to vector<16xi32>
      %and3A_2604 = arith.andi %add3A_2601, %and3A_2603 : vector<16xi32>
      %gather3A_2605 = tpu.vector_load_idx %arg8[%add3A_2505, %and3A_2604] : memref<320x64xi32, #tpu.memory_space<vmem>>[vector<16xi32>, vector<16xi32>], vector<16xi32>,
      %gather3A_2606 = tpu.vector_load_idx %arg9[%add3A_2505, %and3A_2604] : memref<320x64xi32, #tpu.memory_space<vmem>>[vector<16xi32>, vector<16xi32>], vector<16xi32>,
      %bitcast3A_2607 = vector.bitcast %gather3A_2605 : vector<16xi32> to vector<32xbf16>
      %bitcast3A_2608 = vector.bitcast %gather3A_2606 : vector<16xi32> to vector<32xbf16>
      %mul3A_2609 = arith.mulf %bitcast3A_2607, %bitcast3A_2608 : vector<32xbf16>
      %add3A_2610 = arith.addf %add3A_2598, %mul3A_2609 : vector<32xbf16>
      %add3A_2611 = arith.constant 1 : i32
      %add3A_2612 = vector.broadcast %add3A_2611 : i32 to vector<16xi32>
      %add3A_2613 = arith.addi %and3A_2604, %add3A_2612 : vector<16xi32>
      %and3A_2614 = arith.constant 63 : i32
      %and3A_2615 = vector.broadcast %and3A_2614 : i32 to vector<16xi32>
      %and3A_2616 = arith.andi %add3A_2613, %and3A_2615 : vector<16xi32>
      %gather3A_2617 = tpu.vector_load_idx %arg8[%add3A_2505, %and3A_2616] : memref<320x64xi32, #tpu.memory_space<vmem>>[vector<16xi32>, vector<16xi32>], vector<16xi32>,
      %gather3A_2618 = tpu.vector_load_idx %arg9[%add3A_2505, %and3A_2616] : memref<320x64xi32, #tpu.memory_space<vmem>>[vector<16xi32>, vector<16xi32>], vector<16xi32>,
      %bitcast3A_2619 = vector.bitcast %gather3A_2617 : vector<16xi32> to vector<32xbf16>
      %bitcast3A_2620 = vector.bitcast %gather3A_2618 : vector<16xi32> to vector<32xbf16>
      %mul3A_2621 = arith.mulf %bitcast3A_2619, %bitcast3A_2620 : vector<32xbf16>
      %add3A_2622 = arith.addf %add3A_2610, %mul3A_2621 : vector<32xbf16>
      %add3A_2623 = arith.constant 1 : i32
      %add3A_2624 = vector.broadcast %add3A_2623 : i32 to vector<16xi32>
      %add3A_2625 = arith.addi %and3A_2616, %add3A_2624 : vector<16xi32>
      %and3A_2626 = arith.constant 63 : i32
      %and3A_2627 = vector.broadcast %and3A_2626 : i32 to vector<16xi32>
      %and3A_2628 = arith.andi %add3A_2625, %and3A_2627 : vector<16xi32>
      %gather3A_2629 = tpu.vector_load_idx %arg8[%add3A_2505, %and3A_2628] : memref<320x64xi32, #tpu.memory_space<vmem>>[vector<16xi32>, vector<16xi32>], vector<16xi32>,
      %gather3A_2630 = tpu.vector_load_idx %arg9[%add3A_2505, %and3A_2628] : memref<320x64xi32, #tpu.memory_space<vmem>>[vector<16xi32>, vector<16xi32>], vector<16xi32>,
      %bitcast3A_2631 = vector.bitcast %gather3A_2629 : vector<16xi32> to vector<32xbf16>
      %bitcast3A_2632 = vector.bitcast %gather3A_2630 : vector<16xi32> to vector<32xbf16>
      %mul3A_2633 = arith.mulf %bitcast3A_2631, %bitcast3A_2632 : vector<32xbf16>
      %add3A_2634 = arith.addf %add3A_2622, %mul3A_2633 : vector<32xbf16>
      %add3A_2635 = arith.constant 1 : i32
      %add3A_2636 = vector.broadcast %add3A_2635 : i32 to vector<16xi32>
      %add3A_2637 = arith.addi %and3A_2628, %add3A_2636 : vector<16xi32>
      %and3A_2638 = arith.constant 63 : i32
      %and3A_2639 = vector.broadcast %and3A_2638 : i32 to vector<16xi32>
      %and3A_2640 = arith.andi %add3A_2637, %and3A_2639 : vector<16xi32>
      %gather3A_2641 = tpu.vector_load_idx %arg8[%add3A_2505, %and3A_2640] : memref<320x64xi32, #tpu.memory_space<vmem>>[vector<16xi32>, vector<16xi32>], vector<16xi32>,
      %gather3A_2642 = tpu.vector_load_idx %arg9[%add3A_2505, %and3A_2640] : memref<320x64xi32, #tpu.memory_space<vmem>>[vector<16xi32>, vector<16xi32>], vector<16xi32>,
      %bitcast3A_2643 = vector.bitcast %gather3A_2641 : vector<16xi32> to vector<32xbf16>
      %bitcast3A_2644 = vector.bitcast %gather3A_2642 : vector<16xi32> to vector<32xbf16>
      %mul3A_2645 = arith.mulf %bitcast3A_2643, %bitcast3A_2644 : vector<32xbf16>
      %add3A_2646 = arith.addf %add3A_2634, %mul3A_2645 : vector<32xbf16>
      %add3A_2647 = arith.constant 1 : i32
      %add3A_2648 = vector.broadcast %add3A_2647 : i32 to vector<16xi32>
      %add3A_2649 = arith.addi %and3A_2640, %add3A_2648 : vector<16xi32>
      %and3A_2650 = arith.constant 63 : i32
      %and3A_2651 = vector.broadcast %and3A_2650 : i32 to vector<16xi32>
      %and3A_2652 = arith.andi %add3A_2649, %and3A_2651 : vector<16xi32>
      %gather3A_2653 = tpu.vector_load_idx %arg8[%add3A_2505, %and3A_2652] : memref<320x64xi32, #tpu.memory_space<vmem>>[vector<16xi32>, vector<16xi32>], vector<16xi32>,
      %gather3A_2654 = tpu.vector_load_idx %arg9[%add3A_2505, %and3A_2652] : memref<320x64xi32, #tpu.memory_space<vmem>>[vector<16xi32>, vector<16xi32>], vector<16xi32>,
      %bitcast3A_2655 = vector.bitcast %gather3A_2653 : vector<16xi32> to vector<32xbf16>
      %bitcast3A_2656 = vector.bitcast %gather3A_2654 : vector<16xi32> to vector<32xbf16>
      %mul3A_2657 = arith.mulf %bitcast3A_2655, %bitcast3A_2656 : vector<32xbf16>
      %add3A_2658 = arith.addf %add3A_2646, %mul3A_2657 : vector<32xbf16>
      %add3A_2659 = arith.constant 1 : i32
      %add3A_2660 = vector.broadcast %add3A_2659 : i32 to vector<16xi32>
      %add3A_2661 = arith.addi %and3A_2652, %add3A_2660 : vector<16xi32>
      %and3A_2662 = arith.constant 63 : i32
      %and3A_2663 = vector.broadcast %and3A_2662 : i32 to vector<16xi32>
      %and3A_2664 = arith.andi %add3A_2661, %and3A_2663 : vector<16xi32>
      %gather3A_2665 = tpu.vector_load_idx %arg8[%add3A_2505, %and3A_2664] : memref<320x64xi32, #tpu.memory_space<vmem>>[vector<16xi32>, vector<16xi32>], vector<16xi32>,
      %gather3A_2666 = tpu.vector_load_idx %arg9[%add3A_2505, %and3A_2664] : memref<320x64xi32, #tpu.memory_space<vmem>>[vector<16xi32>, vector<16xi32>], vector<16xi32>,
      %bitcast3A_2667 = vector.bitcast %gather3A_2665 : vector<16xi32> to vector<32xbf16>
      %bitcast3A_2668 = vector.bitcast %gather3A_2666 : vector<16xi32> to vector<32xbf16>
      %mul3A_2669 = arith.mulf %bitcast3A_2667, %bitcast3A_2668 : vector<32xbf16>
      %add3A_2670 = arith.addf %add3A_2658, %mul3A_2669 : vector<32xbf16>
      %add3A_2671 = arith.constant 1 : i32
      %add3A_2672 = vector.broadcast %add3A_2671 : i32 to vector<16xi32>
      %add3A_2673 = arith.addi %and3A_2664, %add3A_2672 : vector<16xi32>
      %and3A_2674 = arith.constant 63 : i32
      %and3A_2675 = vector.broadcast %and3A_2674 : i32 to vector<16xi32>
      %and3A_2676 = arith.andi %add3A_2673, %and3A_2675 : vector<16xi32>
      %gather3A_2677 = tpu.vector_load_idx %arg8[%add3A_2505, %and3A_2676] : memref<320x64xi32, #tpu.memory_space<vmem>>[vector<16xi32>, vector<16xi32>], vector<16xi32>,
      %gather3A_2678 = tpu.vector_load_idx %arg9[%add3A_2505, %and3A_2676] : memref<320x64xi32, #tpu.memory_space<vmem>>[vector<16xi32>, vector<16xi32>], vector<16xi32>,
      %bitcast3A_2679 = vector.bitcast %gather3A_2677 : vector<16xi32> to vector<32xbf16>
      %bitcast3A_2680 = vector.bitcast %gather3A_2678 : vector<16xi32> to vector<32xbf16>
      %mul3A_2681 = arith.mulf %bitcast3A_2679, %bitcast3A_2680 : vector<32xbf16>
      %add3A_2682 = arith.addf %add3A_2670, %mul3A_2681 : vector<32xbf16>
      %add3A_2683 = arith.constant 1 : i32
      %add3A_2684 = vector.broadcast %add3A_2683 : i32 to vector<16xi32>
      %add3A_2685 = arith.addi %and3A_2676, %add3A_2684 : vector<16xi32>
      %and3A_2686 = arith.constant 63 : i32
      %and3A_2687 = vector.broadcast %and3A_2686 : i32 to vector<16xi32>
      %and3A_2688 = arith.andi %add3A_2685, %and3A_2687 : vector<16xi32>
      %gather3A_2689 = tpu.vector_load_idx %arg8[%add3A_2505, %and3A_2688] : memref<320x64xi32, #tpu.memory_space<vmem>>[vector<16xi32>, vector<16xi32>], vector<16xi32>,
      %gather3A_2690 = tpu.vector_load_idx %arg9[%add3A_2505, %and3A_2688] : memref<320x64xi32, #tpu.memory_space<vmem>>[vector<16xi32>, vector<16xi32>], vector<16xi32>,
      %bitcast3A_2691 = vector.bitcast %gather3A_2689 : vector<16xi32> to vector<32xbf16>
      %bitcast3A_2692 = vector.bitcast %gather3A_2690 : vector<16xi32> to vector<32xbf16>
      %mul3A_2693 = arith.mulf %bitcast3A_2691, %bitcast3A_2692 : vector<32xbf16>
      %add3A_2694 = arith.addf %add3A_2682, %mul3A_2693 : vector<32xbf16>
      %add3A_2695 = arith.constant 1 : i32
      %add3A_2696 = vector.broadcast %add3A_2695 : i32 to vector<16xi32>
      %add3A_2697 = arith.addi %and3A_2688, %add3A_2696 : vector<16xi32>
      %and3A_2698 = arith.constant 63 : i32
      %and3A_2699 = vector.broadcast %and3A_2698 : i32 to vector<16xi32>
      %and3A_2700 = arith.andi %add3A_2697, %and3A_2699 : vector<16xi32>
      %gather3A_2701 = tpu.vector_load_idx %arg8[%add3A_2505, %and3A_2700] : memref<320x64xi32, #tpu.memory_space<vmem>>[vector<16xi32>, vector<16xi32>], vector<16xi32>,
      %gather3A_2702 = tpu.vector_load_idx %arg9[%add3A_2505, %and3A_2700] : memref<320x64xi32, #tpu.memory_space<vmem>>[vector<16xi32>, vector<16xi32>], vector<16xi32>,
      %bitcast3A_2703 = vector.bitcast %gather3A_2701 : vector<16xi32> to vector<32xbf16>
      %bitcast3A_2704 = vector.bitcast %gather3A_2702 : vector<16xi32> to vector<32xbf16>
      %mul3A_2705 = arith.mulf %bitcast3A_2703, %bitcast3A_2704 : vector<32xbf16>
      %add3A_2706 = arith.addf %add3A_2694, %mul3A_2705 : vector<32xbf16>
      %add3A_2707 = arith.constant 1 : i32
      %add3A_2708 = vector.broadcast %add3A_2707 : i32 to vector<16xi32>
      %add3A_2709 = arith.addi %and3A_2700, %add3A_2708 : vector<16xi32>
      %and3A_2710 = arith.constant 63 : i32
      %and3A_2711 = vector.broadcast %and3A_2710 : i32 to vector<16xi32>
      %and3A_2712 = arith.andi %add3A_2709, %and3A_2711 : vector<16xi32>
      %gather3A_2713 = tpu.vector_load_idx %arg8[%add3A_2505, %and3A_2712] : memref<320x64xi32, #tpu.memory_space<vmem>>[vector<16xi32>, vector<16xi32>], vector<16xi32>,
      %gather3A_2714 = tpu.vector_load_idx %arg9[%add3A_2505, %and3A_2712] : memref<320x64xi32, #tpu.memory_space<vmem>>[vector<16xi32>, vector<16xi32>], vector<16xi32>,
      %bitcast3A_2715 = vector.bitcast %gather3A_2713 : vector<16xi32> to vector<32xbf16>
      %bitcast3A_2716 = vector.bitcast %gather3A_2714 : vector<16xi32> to vector<32xbf16>
      %mul3A_2717 = arith.mulf %bitcast3A_2715, %bitcast3A_2716 : vector<32xbf16>
      %add3A_2718 = arith.addf %add3A_2706, %mul3A_2717 : vector<32xbf16>
      %add3A_2719 = arith.constant 1 : i32
      %add3A_2720 = vector.broadcast %add3A_2719 : i32 to vector<16xi32>
      %add3A_2721 = arith.addi %and3A_2712, %add3A_2720 : vector<16xi32>
      %and3A_2722 = arith.constant 63 : i32
      %and3A_2723 = vector.broadcast %and3A_2722 : i32 to vector<16xi32>
      %and3A_2724 = arith.andi %add3A_2721, %and3A_2723 : vector<16xi32>
      %gather3A_2725 = tpu.vector_load_idx %arg8[%add3A_2505, %and3A_2724] : memref<320x64xi32, #tpu.memory_space<vmem>>[vector<16xi32>, vector<16xi32>], vector<16xi32>,
      %gather3A_2726 = tpu.vector_load_idx %arg9[%add3A_2505, %and3A_2724] : memref<320x64xi32, #tpu.memory_space<vmem>>[vector<16xi32>, vector<16xi32>], vector<16xi32>,
      %bitcast3A_2727 = vector.bitcast %gather3A_2725 : vector<16xi32> to vector<32xbf16>
      %bitcast3A_2728 = vector.bitcast %gather3A_2726 : vector<16xi32> to vector<32xbf16>
      %mul3A_2729 = arith.mulf %bitcast3A_2727, %bitcast3A_2728 : vector<32xbf16>
      %add3A_2730 = arith.addf %add3A_2718, %mul3A_2729 : vector<32xbf16>
      %add3A_2731 = arith.constant 1 : i32
      %add3A_2732 = vector.broadcast %add3A_2731 : i32 to vector<16xi32>
      %add3A_2733 = arith.addi %and3A_2724, %add3A_2732 : vector<16xi32>
      %and3A_2734 = arith.constant 63 : i32
      %and3A_2735 = vector.broadcast %and3A_2734 : i32 to vector<16xi32>
      %and3A_2736 = arith.andi %add3A_2733, %and3A_2735 : vector<16xi32>
      %gather3A_2737 = tpu.vector_load_idx %arg8[%add3A_2505, %and3A_2736] : memref<320x64xi32, #tpu.memory_space<vmem>>[vector<16xi32>, vector<16xi32>], vector<16xi32>,
      %gather3A_2738 = tpu.vector_load_idx %arg9[%add3A_2505, %and3A_2736] : memref<320x64xi32, #tpu.memory_space<vmem>>[vector<16xi32>, vector<16xi32>], vector<16xi32>,
      %bitcast3A_2739 = vector.bitcast %gather3A_2737 : vector<16xi32> to vector<32xbf16>
      %bitcast3A_2740 = vector.bitcast %gather3A_2738 : vector<16xi32> to vector<32xbf16>
      %mul3A_2741 = arith.mulf %bitcast3A_2739, %bitcast3A_2740 : vector<32xbf16>
      %add3A_2742 = arith.addf %add3A_2730, %mul3A_2741 : vector<32xbf16>
      %add3A_2743 = arith.constant 1 : i32
      %add3A_2744 = vector.broadcast %add3A_2743 : i32 to vector<16xi32>
      %add3A_2745 = arith.addi %and3A_2736, %add3A_2744 : vector<16xi32>
      %and3A_2746 = arith.constant 63 : i32
      %and3A_2747 = vector.broadcast %and3A_2746 : i32 to vector<16xi32>
      %and3A_2748 = arith.andi %add3A_2745, %and3A_2747 : vector<16xi32>
      %gather3A_2749 = tpu.vector_load_idx %arg8[%add3A_2505, %and3A_2748] : memref<320x64xi32, #tpu.memory_space<vmem>>[vector<16xi32>, vector<16xi32>], vector<16xi32>,
      %gather3A_2750 = tpu.vector_load_idx %arg9[%add3A_2505, %and3A_2748] : memref<320x64xi32, #tpu.memory_space<vmem>>[vector<16xi32>, vector<16xi32>], vector<16xi32>,
      %bitcast3A_2751 = vector.bitcast %gather3A_2749 : vector<16xi32> to vector<32xbf16>
      %bitcast3A_2752 = vector.bitcast %gather3A_2750 : vector<16xi32> to vector<32xbf16>
      %mul3A_2753 = arith.mulf %bitcast3A_2751, %bitcast3A_2752 : vector<32xbf16>
      %add3A_2754 = arith.addf %add3A_2742, %mul3A_2753 : vector<32xbf16>
      %add3A_2755 = arith.constant 1 : i32
      %add3A_2756 = vector.broadcast %add3A_2755 : i32 to vector<16xi32>
      %add3A_2757 = arith.addi %and3A_2748, %add3A_2756 : vector<16xi32>
      %and3A_2758 = arith.constant 63 : i32
      %and3A_2759 = vector.broadcast %and3A_2758 : i32 to vector<16xi32>
      %and3A_2760 = arith.andi %add3A_2757, %and3A_2759 : vector<16xi32>
      %gather3A_2761 = tpu.vector_load_idx %arg8[%add3A_2505, %and3A_2760] : memref<320x64xi32, #tpu.memory_space<vmem>>[vector<16xi32>, vector<16xi32>], vector<16xi32>,
      %gather3A_2762 = tpu.vector_load_idx %arg9[%add3A_2505, %and3A_2760] : memref<320x64xi32, #tpu.memory_space<vmem>>[vector<16xi32>, vector<16xi32>], vector<16xi32>,
      %bitcast3A_2763 = vector.bitcast %gather3A_2761 : vector<16xi32> to vector<32xbf16>
      %bitcast3A_2764 = vector.bitcast %gather3A_2762 : vector<16xi32> to vector<32xbf16>
      %mul3A_2765 = arith.mulf %bitcast3A_2763, %bitcast3A_2764 : vector<32xbf16>
      %add3A_2766 = arith.addf %add3A_2754, %mul3A_2765 : vector<32xbf16>
      %add3A_2767 = arith.constant 1 : i32
      %add3A_2768 = vector.broadcast %add3A_2767 : i32 to vector<16xi32>
      %add3A_2769 = arith.addi %and3A_2760, %add3A_2768 : vector<16xi32>
      %and3A_2770 = arith.constant 63 : i32
      %and3A_2771 = vector.broadcast %and3A_2770 : i32 to vector<16xi32>
      %and3A_2772 = arith.andi %add3A_2769, %and3A_2771 : vector<16xi32>
      %gather3A_2773 = tpu.vector_load_idx %arg8[%add3A_2505, %and3A_2772] : memref<320x64xi32, #tpu.memory_space<vmem>>[vector<16xi32>, vector<16xi32>], vector<16xi32>,
      %gather3A_2774 = tpu.vector_load_idx %arg9[%add3A_2505, %and3A_2772] : memref<320x64xi32, #tpu.memory_space<vmem>>[vector<16xi32>, vector<16xi32>], vector<16xi32>,
      %bitcast3A_2775 = vector.bitcast %gather3A_2773 : vector<16xi32> to vector<32xbf16>
      %bitcast3A_2776 = vector.bitcast %gather3A_2774 : vector<16xi32> to vector<32xbf16>
      %mul3A_2777 = arith.mulf %bitcast3A_2775, %bitcast3A_2776 : vector<32xbf16>
      %add3A_2778 = arith.addf %add3A_2766, %mul3A_2777 : vector<32xbf16>
      %add3A_2779 = arith.constant 1 : i32
      %add3A_2780 = vector.broadcast %add3A_2779 : i32 to vector<16xi32>
      %add3A_2781 = arith.addi %and3A_2772, %add3A_2780 : vector<16xi32>
      %and3A_2782 = arith.constant 63 : i32
      %and3A_2783 = vector.broadcast %and3A_2782 : i32 to vector<16xi32>
      %and3A_2784 = arith.andi %add3A_2781, %and3A_2783 : vector<16xi32>
      %gather3A_2785 = tpu.vector_load_idx %arg8[%add3A_2505, %and3A_2784] : memref<320x64xi32, #tpu.memory_space<vmem>>[vector<16xi32>, vector<16xi32>], vector<16xi32>,
      %gather3A_2786 = tpu.vector_load_idx %arg9[%add3A_2505, %and3A_2784] : memref<320x64xi32, #tpu.memory_space<vmem>>[vector<16xi32>, vector<16xi32>], vector<16xi32>,
      %bitcast3A_2787 = vector.bitcast %gather3A_2785 : vector<16xi32> to vector<32xbf16>
      %bitcast3A_2788 = vector.bitcast %gather3A_2786 : vector<16xi32> to vector<32xbf16>
      %mul3A_2789 = arith.mulf %bitcast3A_2787, %bitcast3A_2788 : vector<32xbf16>
      %add3A_2790 = arith.addf %add3A_2778, %mul3A_2789 : vector<32xbf16>
      %add3A_2791 = arith.constant 1 : i32
      %add3A_2792 = vector.broadcast %add3A_2791 : i32 to vector<16xi32>
      %add3A_2793 = arith.addi %and3A_2784, %add3A_2792 : vector<16xi32>
      %and3A_2794 = arith.constant 63 : i32
      %and3A_2795 = vector.broadcast %and3A_2794 : i32 to vector<16xi32>
      %and3A_2796 = arith.andi %add3A_2793, %and3A_2795 : vector<16xi32>
      %gather3A_2797 = tpu.vector_load_idx %arg8[%add3A_2505, %and3A_2796] : memref<320x64xi32, #tpu.memory_space<vmem>>[vector<16xi32>, vector<16xi32>], vector<16xi32>,
      %gather3A_2798 = tpu.vector_load_idx %arg9[%add3A_2505, %and3A_2796] : memref<320x64xi32, #tpu.memory_space<vmem>>[vector<16xi32>, vector<16xi32>], vector<16xi32>,
      %bitcast3A_2799 = vector.bitcast %gather3A_2797 : vector<16xi32> to vector<32xbf16>
      %bitcast3A_2800 = vector.bitcast %gather3A_2798 : vector<16xi32> to vector<32xbf16>
      %mul3A_2801 = arith.mulf %bitcast3A_2799, %bitcast3A_2800 : vector<32xbf16>
      %add3A_2802 = arith.addf %add3A_2790, %mul3A_2801 : vector<32xbf16>
      %add3A_2803 = arith.constant 1 : i32
      %add3A_2804 = vector.broadcast %add3A_2803 : i32 to vector<16xi32>
      %add3A_2805 = arith.addi %and3A_2796, %add3A_2804 : vector<16xi32>
      %and3A_2806 = arith.constant 63 : i32
      %and3A_2807 = vector.broadcast %and3A_2806 : i32 to vector<16xi32>
      %and3A_2808 = arith.andi %add3A_2805, %and3A_2807 : vector<16xi32>
      %gather3A_2809 = tpu.vector_load_idx %arg8[%add3A_2505, %and3A_2808] : memref<320x64xi32, #tpu.memory_space<vmem>>[vector<16xi32>, vector<16xi32>], vector<16xi32>,
      %gather3A_2810 = tpu.vector_load_idx %arg9[%add3A_2505, %and3A_2808] : memref<320x64xi32, #tpu.memory_space<vmem>>[vector<16xi32>, vector<16xi32>], vector<16xi32>,
      %bitcast3A_2811 = vector.bitcast %gather3A_2809 : vector<16xi32> to vector<32xbf16>
      %bitcast3A_2812 = vector.bitcast %gather3A_2810 : vector<16xi32> to vector<32xbf16>
      %mul3A_2813 = arith.mulf %bitcast3A_2811, %bitcast3A_2812 : vector<32xbf16>
      %add3A_2814 = arith.addf %add3A_2802, %mul3A_2813 : vector<32xbf16>
      %add3A_2815 = arith.constant 1 : i32
      %add3A_2816 = vector.broadcast %add3A_2815 : i32 to vector<16xi32>
      %add3A_2817 = arith.addi %and3A_2808, %add3A_2816 : vector<16xi32>
      %and3A_2818 = arith.constant 63 : i32
      %and3A_2819 = vector.broadcast %and3A_2818 : i32 to vector<16xi32>
      %and3A_2820 = arith.andi %add3A_2817, %and3A_2819 : vector<16xi32>
      %gather3A_2821 = tpu.vector_load_idx %arg8[%add3A_2505, %and3A_2820] : memref<320x64xi32, #tpu.memory_space<vmem>>[vector<16xi32>, vector<16xi32>], vector<16xi32>,
      %gather3A_2822 = tpu.vector_load_idx %arg9[%add3A_2505, %and3A_2820] : memref<320x64xi32, #tpu.memory_space<vmem>>[vector<16xi32>, vector<16xi32>], vector<16xi32>,
      %bitcast3A_2823 = vector.bitcast %gather3A_2821 : vector<16xi32> to vector<32xbf16>
      %bitcast3A_2824 = vector.bitcast %gather3A_2822 : vector<16xi32> to vector<32xbf16>
      %mul3A_2825 = arith.mulf %bitcast3A_2823, %bitcast3A_2824 : vector<32xbf16>
      %add3A_2826 = arith.addf %add3A_2814, %mul3A_2825 : vector<32xbf16>
      %add3A_2827 = arith.constant 1 : i32
      %add3A_2828 = vector.broadcast %add3A_2827 : i32 to vector<16xi32>
      %add3A_2829 = arith.addi %and3A_2820, %add3A_2828 : vector<16xi32>
      %and3A_2830 = arith.constant 63 : i32
      %and3A_2831 = vector.broadcast %and3A_2830 : i32 to vector<16xi32>
      %and3A_2832 = arith.andi %add3A_2829, %and3A_2831 : vector<16xi32>
      %gather3A_2833 = tpu.vector_load_idx %arg8[%add3A_2505, %and3A_2832] : memref<320x64xi32, #tpu.memory_space<vmem>>[vector<16xi32>, vector<16xi32>], vector<16xi32>,
      %gather3A_2834 = tpu.vector_load_idx %arg9[%add3A_2505, %and3A_2832] : memref<320x64xi32, #tpu.memory_space<vmem>>[vector<16xi32>, vector<16xi32>], vector<16xi32>,
      %bitcast3A_2835 = vector.bitcast %gather3A_2833 : vector<16xi32> to vector<32xbf16>
      %bitcast3A_2836 = vector.bitcast %gather3A_2834 : vector<16xi32> to vector<32xbf16>
      %mul3A_2837 = arith.mulf %bitcast3A_2835, %bitcast3A_2836 : vector<32xbf16>
      %add3A_2838 = arith.addf %add3A_2826, %mul3A_2837 : vector<32xbf16>
      %add3A_2839 = arith.constant 1 : i32
      %add3A_2840 = vector.broadcast %add3A_2839 : i32 to vector<16xi32>
      %add3A_2841 = arith.addi %and3A_2832, %add3A_2840 : vector<16xi32>
      %and3A_2842 = arith.constant 63 : i32
      %and3A_2843 = vector.broadcast %and3A_2842 : i32 to vector<16xi32>
      %and3A_2844 = arith.andi %add3A_2841, %and3A_2843 : vector<16xi32>
      %gather3A_2845 = tpu.vector_load_idx %arg8[%add3A_2505, %and3A_2844] : memref<320x64xi32, #tpu.memory_space<vmem>>[vector<16xi32>, vector<16xi32>], vector<16xi32>,
      %gather3A_2846 = tpu.vector_load_idx %arg9[%add3A_2505, %and3A_2844] : memref<320x64xi32, #tpu.memory_space<vmem>>[vector<16xi32>, vector<16xi32>], vector<16xi32>,
      %bitcast3A_2847 = vector.bitcast %gather3A_2845 : vector<16xi32> to vector<32xbf16>
      %bitcast3A_2848 = vector.bitcast %gather3A_2846 : vector<16xi32> to vector<32xbf16>
      %mul3A_2849 = arith.mulf %bitcast3A_2847, %bitcast3A_2848 : vector<32xbf16>
      %add3A_2850 = arith.addf %add3A_2838, %mul3A_2849 : vector<32xbf16>
      %add3A_2851 = arith.constant 1 : i32
      %add3A_2852 = vector.broadcast %add3A_2851 : i32 to vector<16xi32>
      %add3A_2853 = arith.addi %and3A_2844, %add3A_2852 : vector<16xi32>
      %and3A_2854 = arith.constant 63 : i32
      %and3A_2855 = vector.broadcast %and3A_2854 : i32 to vector<16xi32>
      %and3A_2856 = arith.andi %add3A_2853, %and3A_2855 : vector<16xi32>
      %gather3A_2857 = tpu.vector_load_idx %arg8[%add3A_2505, %and3A_2856] : memref<320x64xi32, #tpu.memory_space<vmem>>[vector<16xi32>, vector<16xi32>], vector<16xi32>,
      %gather3A_2858 = tpu.vector_load_idx %arg9[%add3A_2505, %and3A_2856] : memref<320x64xi32, #tpu.memory_space<vmem>>[vector<16xi32>, vector<16xi32>], vector<16xi32>,
      %bitcast3A_2859 = vector.bitcast %gather3A_2857 : vector<16xi32> to vector<32xbf16>
      %bitcast3A_2860 = vector.bitcast %gather3A_2858 : vector<16xi32> to vector<32xbf16>
      %mul3A_2861 = arith.mulf %bitcast3A_2859, %bitcast3A_2860 : vector<32xbf16>
      %add3A_2862 = arith.addf %add3A_2850, %mul3A_2861 : vector<32xbf16>
      %add3A_2863 = arith.constant 1 : i32
      %add3A_2864 = vector.broadcast %add3A_2863 : i32 to vector<16xi32>
      %add3A_2865 = arith.addi %and3A_2856, %add3A_2864 : vector<16xi32>
      %and3A_2866 = arith.constant 63 : i32
      %and3A_2867 = vector.broadcast %and3A_2866 : i32 to vector<16xi32>
      %and3A_2868 = arith.andi %add3A_2865, %and3A_2867 : vector<16xi32>
      %gather3A_2869 = tpu.vector_load_idx %arg8[%add3A_2505, %and3A_2868] : memref<320x64xi32, #tpu.memory_space<vmem>>[vector<16xi32>, vector<16xi32>], vector<16xi32>,
      %gather3A_2870 = tpu.vector_load_idx %arg9[%add3A_2505, %and3A_2868] : memref<320x64xi32, #tpu.memory_space<vmem>>[vector<16xi32>, vector<16xi32>], vector<16xi32>,
      %bitcast3A_2871 = vector.bitcast %gather3A_2869 : vector<16xi32> to vector<32xbf16>
      %bitcast3A_2872 = vector.bitcast %gather3A_2870 : vector<16xi32> to vector<32xbf16>
      %mul3A_2873 = arith.mulf %bitcast3A_2871, %bitcast3A_2872 : vector<32xbf16>
      %add3A_2874 = arith.addf %add3A_2862, %mul3A_2873 : vector<32xbf16>
      %add3A_2875 = arith.constant 1 : i32
      %add3A_2876 = vector.broadcast %add3A_2875 : i32 to vector<16xi32>
      %add3A_2877 = arith.addi %and3A_2868, %add3A_2876 : vector<16xi32>
      %and3A_2878 = arith.constant 63 : i32
      %and3A_2879 = vector.broadcast %and3A_2878 : i32 to vector<16xi32>
      %and3A_2880 = arith.andi %add3A_2877, %and3A_2879 : vector<16xi32>
      %gather3A_2881 = tpu.vector_load_idx %arg8[%add3A_2505, %and3A_2880] : memref<320x64xi32, #tpu.memory_space<vmem>>[vector<16xi32>, vector<16xi32>], vector<16xi32>,
      %gather3A_2882 = tpu.vector_load_idx %arg9[%add3A_2505, %and3A_2880] : memref<320x64xi32, #tpu.memory_space<vmem>>[vector<16xi32>, vector<16xi32>], vector<16xi32>,
      %bitcast3A_2883 = vector.bitcast %gather3A_2881 : vector<16xi32> to vector<32xbf16>
      %bitcast3A_2884 = vector.bitcast %gather3A_2882 : vector<16xi32> to vector<32xbf16>
      %mul3A_2885 = arith.mulf %bitcast3A_2883, %bitcast3A_2884 : vector<32xbf16>
      %add3A_2886 = arith.addf %add3A_2874, %mul3A_2885 : vector<32xbf16>
      %add3A_2887 = arith.constant 1 : i32
      %add3A_2888 = vector.broadcast %add3A_2887 : i32 to vector<16xi32>
      %add3A_2889 = arith.addi %and3A_2880, %add3A_2888 : vector<16xi32>
      %and3A_2890 = arith.constant 63 : i32
      %and3A_2891 = vector.broadcast %and3A_2890 : i32 to vector<16xi32>
      %and3A_2892 = arith.andi %add3A_2889, %and3A_2891 : vector<16xi32>
      %gather3A_2893 = tpu.vector_load_idx %arg8[%add3A_2505, %and3A_2892] : memref<320x64xi32, #tpu.memory_space<vmem>>[vector<16xi32>, vector<16xi32>], vector<16xi32>,
      %gather3A_2894 = tpu.vector_load_idx %arg9[%add3A_2505, %and3A_2892] : memref<320x64xi32, #tpu.memory_space<vmem>>[vector<16xi32>, vector<16xi32>], vector<16xi32>,
      %bitcast3A_2895 = vector.bitcast %gather3A_2893 : vector<16xi32> to vector<32xbf16>
      %bitcast3A_2896 = vector.bitcast %gather3A_2894 : vector<16xi32> to vector<32xbf16>
      %mul3A_2897 = arith.mulf %bitcast3A_2895, %bitcast3A_2896 : vector<32xbf16>
      %add3A_2898 = arith.addf %add3A_2886, %mul3A_2897 : vector<32xbf16>
      %add3A_2899 = arith.constant 1 : i32
      %add3A_2900 = vector.broadcast %add3A_2899 : i32 to vector<16xi32>
      %add3A_2901 = arith.addi %and3A_2892, %add3A_2900 : vector<16xi32>
      %and3A_2902 = arith.constant 63 : i32
      %and3A_2903 = vector.broadcast %and3A_2902 : i32 to vector<16xi32>
      %and3A_2904 = arith.andi %add3A_2901, %and3A_2903 : vector<16xi32>
      %gather3A_2905 = tpu.vector_load_idx %arg8[%add3A_2505, %and3A_2904] : memref<320x64xi32, #tpu.memory_space<vmem>>[vector<16xi32>, vector<16xi32>], vector<16xi32>,
      %gather3A_2906 = tpu.vector_load_idx %arg9[%add3A_2505, %and3A_2904] : memref<320x64xi32, #tpu.memory_space<vmem>>[vector<16xi32>, vector<16xi32>], vector<16xi32>,
      %bitcast3A_2907 = vector.bitcast %gather3A_2905 : vector<16xi32> to vector<32xbf16>
      %bitcast3A_2908 = vector.bitcast %gather3A_2906 : vector<16xi32> to vector<32xbf16>
      %mul3A_2909 = arith.mulf %bitcast3A_2907, %bitcast3A_2908 : vector<32xbf16>
      %add3A_2910 = arith.addf %add3A_2898, %mul3A_2909 : vector<32xbf16>
      %add3A_2911 = arith.constant 1 : i32
      %add3A_2912 = vector.broadcast %add3A_2911 : i32 to vector<16xi32>
      %add3A_2913 = arith.addi %and3A_2904, %add3A_2912 : vector<16xi32>
      %and3A_2914 = arith.constant 63 : i32
      %and3A_2915 = vector.broadcast %and3A_2914 : i32 to vector<16xi32>
      %and3A_2916 = arith.andi %add3A_2913, %and3A_2915 : vector<16xi32>
      %gather3A_2917 = tpu.vector_load_idx %arg8[%add3A_2505, %and3A_2916] : memref<320x64xi32, #tpu.memory_space<vmem>>[vector<16xi32>, vector<16xi32>], vector<16xi32>,
      %gather3A_2918 = tpu.vector_load_idx %arg9[%add3A_2505, %and3A_2916] : memref<320x64xi32, #tpu.memory_space<vmem>>[vector<16xi32>, vector<16xi32>], vector<16xi32>,
      %bitcast3A_2919 = vector.bitcast %gather3A_2917 : vector<16xi32> to vector<32xbf16>
      %bitcast3A_2920 = vector.bitcast %gather3A_2918 : vector<16xi32> to vector<32xbf16>
      %mul3A_2921 = arith.mulf %bitcast3A_2919, %bitcast3A_2920 : vector<32xbf16>
      %add3A_2922 = arith.addf %add3A_2910, %mul3A_2921 : vector<32xbf16>
      %add3A_2923 = arith.constant 1 : i32
      %add3A_2924 = vector.broadcast %add3A_2923 : i32 to vector<16xi32>
      %add3A_2925 = arith.addi %and3A_2916, %add3A_2924 : vector<16xi32>
      %and3A_2926 = arith.constant 63 : i32
      %and3A_2927 = vector.broadcast %and3A_2926 : i32 to vector<16xi32>
      %and3A_2928 = arith.andi %add3A_2925, %and3A_2927 : vector<16xi32>
      %gather3A_2929 = tpu.vector_load_idx %arg8[%add3A_2505, %and3A_2928] : memref<320x64xi32, #tpu.memory_space<vmem>>[vector<16xi32>, vector<16xi32>], vector<16xi32>,
      %gather3A_2930 = tpu.vector_load_idx %arg9[%add3A_2505, %and3A_2928] : memref<320x64xi32, #tpu.memory_space<vmem>>[vector<16xi32>, vector<16xi32>], vector<16xi32>,
      %bitcast3A_2931 = vector.bitcast %gather3A_2929 : vector<16xi32> to vector<32xbf16>
      %bitcast3A_2932 = vector.bitcast %gather3A_2930 : vector<16xi32> to vector<32xbf16>
      %mul3A_2933 = arith.mulf %bitcast3A_2931, %bitcast3A_2932 : vector<32xbf16>
      %add3A_2934 = arith.addf %add3A_2922, %mul3A_2933 : vector<32xbf16>
      %add3A_2935 = arith.constant 1 : i32
      %add3A_2936 = vector.broadcast %add3A_2935 : i32 to vector<16xi32>
      %add3A_2937 = arith.addi %and3A_2928, %add3A_2936 : vector<16xi32>
      %and3A_2938 = arith.constant 63 : i32
      %and3A_2939 = vector.broadcast %and3A_2938 : i32 to vector<16xi32>
      %and3A_2940 = arith.andi %add3A_2937, %and3A_2939 : vector<16xi32>
      %gather3A_2941 = tpu.vector_load_idx %arg8[%add3A_2505, %and3A_2940] : memref<320x64xi32, #tpu.memory_space<vmem>>[vector<16xi32>, vector<16xi32>], vector<16xi32>,
      %gather3A_2942 = tpu.vector_load_idx %arg9[%add3A_2505, %and3A_2940] : memref<320x64xi32, #tpu.memory_space<vmem>>[vector<16xi32>, vector<16xi32>], vector<16xi32>,
      %bitcast3A_2943 = vector.bitcast %gather3A_2941 : vector<16xi32> to vector<32xbf16>
      %bitcast3A_2944 = vector.bitcast %gather3A_2942 : vector<16xi32> to vector<32xbf16>
      %mul3A_2945 = arith.mulf %bitcast3A_2943, %bitcast3A_2944 : vector<32xbf16>
      %add3A_2946 = arith.addf %add3A_2934, %mul3A_2945 : vector<32xbf16>
      %add3A_2947 = arith.constant 1 : i32
      %add3A_2948 = vector.broadcast %add3A_2947 : i32 to vector<16xi32>
      %add3A_2949 = arith.addi %and3A_2940, %add3A_2948 : vector<16xi32>
      %and3A_2950 = arith.constant 63 : i32
      %and3A_2951 = vector.broadcast %and3A_2950 : i32 to vector<16xi32>
      %and3A_2952 = arith.andi %add3A_2949, %and3A_2951 : vector<16xi32>
      %gather3A_2953 = tpu.vector_load_idx %arg8[%add3A_2505, %and3A_2952] : memref<320x64xi32, #tpu.memory_space<vmem>>[vector<16xi32>, vector<16xi32>], vector<16xi32>,
      %gather3A_2954 = tpu.vector_load_idx %arg9[%add3A_2505, %and3A_2952] : memref<320x64xi32, #tpu.memory_space<vmem>>[vector<16xi32>, vector<16xi32>], vector<16xi32>,
      %bitcast3A_2955 = vector.bitcast %gather3A_2953 : vector<16xi32> to vector<32xbf16>
      %bitcast3A_2956 = vector.bitcast %gather3A_2954 : vector<16xi32> to vector<32xbf16>
      %mul3A_2957 = arith.mulf %bitcast3A_2955, %bitcast3A_2956 : vector<32xbf16>
      %add3A_2958 = arith.addf %add3A_2946, %mul3A_2957 : vector<32xbf16>
      %add3A_2959 = arith.constant 1 : i32
      %add3A_2960 = vector.broadcast %add3A_2959 : i32 to vector<16xi32>
      %add3A_2961 = arith.addi %and3A_2952, %add3A_2960 : vector<16xi32>
      %and3A_2962 = arith.constant 63 : i32
      %and3A_2963 = vector.broadcast %and3A_2962 : i32 to vector<16xi32>
      %and3A_2964 = arith.andi %add3A_2961, %and3A_2963 : vector<16xi32>
      %gather3A_2965 = tpu.vector_load_idx %arg8[%add3A_2505, %and3A_2964] : memref<320x64xi32, #tpu.memory_space<vmem>>[vector<16xi32>, vector<16xi32>], vector<16xi32>,
      %gather3A_2966 = tpu.vector_load_idx %arg9[%add3A_2505, %and3A_2964] : memref<320x64xi32, #tpu.memory_space<vmem>>[vector<16xi32>, vector<16xi32>], vector<16xi32>,
      %bitcast3A_2967 = vector.bitcast %gather3A_2965 : vector<16xi32> to vector<32xbf16>
      %bitcast3A_2968 = vector.bitcast %gather3A_2966 : vector<16xi32> to vector<32xbf16>
      %mul3A_2969 = arith.mulf %bitcast3A_2967, %bitcast3A_2968 : vector<32xbf16>
      %add3A_2970 = arith.addf %add3A_2958, %mul3A_2969 : vector<32xbf16>
      %add3A_2971 = arith.constant 1 : i32
      %add3A_2972 = vector.broadcast %add3A_2971 : i32 to vector<16xi32>
      %add3A_2973 = arith.addi %and3A_2964, %add3A_2972 : vector<16xi32>
      %and3A_2974 = arith.constant 63 : i32
      %and3A_2975 = vector.broadcast %and3A_2974 : i32 to vector<16xi32>
      %and3A_2976 = arith.andi %add3A_2973, %and3A_2975 : vector<16xi32>
      %gather3A_2977 = tpu.vector_load_idx %arg8[%add3A_2505, %and3A_2976] : memref<320x64xi32, #tpu.memory_space<vmem>>[vector<16xi32>, vector<16xi32>], vector<16xi32>,
      %gather3A_2978 = tpu.vector_load_idx %arg9[%add3A_2505, %and3A_2976] : memref<320x64xi32, #tpu.memory_space<vmem>>[vector<16xi32>, vector<16xi32>], vector<16xi32>,
      %bitcast3A_2979 = vector.bitcast %gather3A_2977 : vector<16xi32> to vector<32xbf16>
      %bitcast3A_2980 = vector.bitcast %gather3A_2978 : vector<16xi32> to vector<32xbf16>
      %mul3A_2981 = arith.mulf %bitcast3A_2979, %bitcast3A_2980 : vector<32xbf16>
      %add3A_2982 = arith.addf %add3A_2970, %mul3A_2981 : vector<32xbf16>
      %add3A_2983 = arith.constant 1 : i32
      %add3A_2984 = vector.broadcast %add3A_2983 : i32 to vector<16xi32>
      %add3A_2985 = arith.addi %and3A_2976, %add3A_2984 : vector<16xi32>
      %and3A_2986 = arith.constant 63 : i32
      %and3A_2987 = vector.broadcast %and3A_2986 : i32 to vector<16xi32>
      %and3A_2988 = arith.andi %add3A_2985, %and3A_2987 : vector<16xi32>
      %gather3A_2989 = tpu.vector_load_idx %arg8[%add3A_2505, %and3A_2988] : memref<320x64xi32, #tpu.memory_space<vmem>>[vector<16xi32>, vector<16xi32>], vector<16xi32>,
      %gather3A_2990 = tpu.vector_load_idx %arg9[%add3A_2505, %and3A_2988] : memref<320x64xi32, #tpu.memory_space<vmem>>[vector<16xi32>, vector<16xi32>], vector<16xi32>,
      %bitcast3A_2991 = vector.bitcast %gather3A_2989 : vector<16xi32> to vector<32xbf16>
      %bitcast3A_2992 = vector.bitcast %gather3A_2990 : vector<16xi32> to vector<32xbf16>
      %mul3A_2993 = arith.mulf %bitcast3A_2991, %bitcast3A_2992 : vector<32xbf16>
      %add3A_2994 = arith.addf %add3A_2982, %mul3A_2993 : vector<32xbf16>
      %add3A_2995 = arith.constant 1 : i32
      %add3A_2996 = vector.broadcast %add3A_2995 : i32 to vector<16xi32>
      %add3A_2997 = arith.addi %and3A_2988, %add3A_2996 : vector<16xi32>
      %and3A_2998 = arith.constant 63 : i32
      %and3A_2999 = vector.broadcast %and3A_2998 : i32 to vector<16xi32>
      %and3A_3000 = arith.andi %add3A_2997, %and3A_2999 : vector<16xi32>
      %gather3A_3001 = tpu.vector_load_idx %arg8[%add3A_2505, %and3A_3000] : memref<320x64xi32, #tpu.memory_space<vmem>>[vector<16xi32>, vector<16xi32>], vector<16xi32>,
      %gather3A_3002 = tpu.vector_load_idx %arg9[%add3A_2505, %and3A_3000] : memref<320x64xi32, #tpu.memory_space<vmem>>[vector<16xi32>, vector<16xi32>], vector<16xi32>,
      %bitcast3A_3003 = vector.bitcast %gather3A_3001 : vector<16xi32> to vector<32xbf16>
      %bitcast3A_3004 = vector.bitcast %gather3A_3002 : vector<16xi32> to vector<32xbf16>
      %mul3A_3005 = arith.mulf %bitcast3A_3003, %bitcast3A_3004 : vector<32xbf16>
      %add3A_3006 = arith.addf %add3A_2994, %mul3A_3005 : vector<32xbf16>
      %add3A_3007 = arith.constant 1 : i32
      %add3A_3008 = vector.broadcast %add3A_3007 : i32 to vector<16xi32>
      %add3A_3009 = arith.addi %and3A_3000, %add3A_3008 : vector<16xi32>
      %and3A_3010 = arith.constant 63 : i32
      %and3A_3011 = vector.broadcast %and3A_3010 : i32 to vector<16xi32>
      %and3A_3012 = arith.andi %add3A_3009, %and3A_3011 : vector<16xi32>
      %gather3A_3013 = tpu.vector_load_idx %arg8[%add3A_2505, %and3A_3012] : memref<320x64xi32, #tpu.memory_space<vmem>>[vector<16xi32>, vector<16xi32>], vector<16xi32>,
      %gather3A_3014 = tpu.vector_load_idx %arg9[%add3A_2505, %and3A_3012] : memref<320x64xi32, #tpu.memory_space<vmem>>[vector<16xi32>, vector<16xi32>], vector<16xi32>,
      %bitcast3A_3015 = vector.bitcast %gather3A_3013 : vector<16xi32> to vector<32xbf16>
      %bitcast3A_3016 = vector.bitcast %gather3A_3014 : vector<16xi32> to vector<32xbf16>
      %mul3A_3017 = arith.mulf %bitcast3A_3015, %bitcast3A_3016 : vector<32xbf16>
      %add3A_3018 = arith.addf %add3A_3006, %mul3A_3017 : vector<32xbf16>
      %add3A_3019 = arith.constant 1 : i32
      %add3A_3020 = vector.broadcast %add3A_3019 : i32 to vector<16xi32>
      %add3A_3021 = arith.addi %and3A_3012, %add3A_3020 : vector<16xi32>
      %and3A_3022 = arith.constant 63 : i32
      %and3A_3023 = vector.broadcast %and3A_3022 : i32 to vector<16xi32>
      %and3A_3024 = arith.andi %add3A_3021, %and3A_3023 : vector<16xi32>
      %gather3A_3025 = tpu.vector_load_idx %arg8[%add3A_2505, %and3A_3024] : memref<320x64xi32, #tpu.memory_space<vmem>>[vector<16xi32>, vector<16xi32>], vector<16xi32>,
      %gather3A_3026 = tpu.vector_load_idx %arg9[%add3A_2505, %and3A_3024] : memref<320x64xi32, #tpu.memory_space<vmem>>[vector<16xi32>, vector<16xi32>], vector<16xi32>,
      %bitcast3A_3027 = vector.bitcast %gather3A_3025 : vector<16xi32> to vector<32xbf16>
      %bitcast3A_3028 = vector.bitcast %gather3A_3026 : vector<16xi32> to vector<32xbf16>
      %mul3A_3029 = arith.mulf %bitcast3A_3027, %bitcast3A_3028 : vector<32xbf16>
      %add3A_3030 = arith.addf %add3A_3018, %mul3A_3029 : vector<32xbf16>
      %add3A_3031 = arith.constant 1 : i32
      %add3A_3032 = vector.broadcast %add3A_3031 : i32 to vector<16xi32>
      %add3A_3033 = arith.addi %and3A_3024, %add3A_3032 : vector<16xi32>
      %and3A_3034 = arith.constant 63 : i32
      %and3A_3035 = vector.broadcast %and3A_3034 : i32 to vector<16xi32>
      %and3A_3036 = arith.andi %add3A_3033, %and3A_3035 : vector<16xi32>
      %gather3A_3037 = tpu.vector_load_idx %arg8[%add3A_2505, %and3A_3036] : memref<320x64xi32, #tpu.memory_space<vmem>>[vector<16xi32>, vector<16xi32>], vector<16xi32>,
      %gather3A_3038 = tpu.vector_load_idx %arg9[%add3A_2505, %and3A_3036] : memref<320x64xi32, #tpu.memory_space<vmem>>[vector<16xi32>, vector<16xi32>], vector<16xi32>,
      %bitcast3A_3039 = vector.bitcast %gather3A_3037 : vector<16xi32> to vector<32xbf16>
      %bitcast3A_3040 = vector.bitcast %gather3A_3038 : vector<16xi32> to vector<32xbf16>
      %mul3A_3041 = arith.mulf %bitcast3A_3039, %bitcast3A_3040 : vector<32xbf16>
      %add3A_3042 = arith.addf %add3A_3030, %mul3A_3041 : vector<32xbf16>
      %add3A_3043 = arith.constant 1 : i32
      %add3A_3044 = vector.broadcast %add3A_3043 : i32 to vector<16xi32>
      %add3A_3045 = arith.addi %and3A_3036, %add3A_3044 : vector<16xi32>
      %and3A_3046 = arith.constant 63 : i32
      %and3A_3047 = vector.broadcast %and3A_3046 : i32 to vector<16xi32>
      %and3A_3048 = arith.andi %add3A_3045, %and3A_3047 : vector<16xi32>
      %gather3A_3049 = tpu.vector_load_idx %arg8[%add3A_2505, %and3A_3048] : memref<320x64xi32, #tpu.memory_space<vmem>>[vector<16xi32>, vector<16xi32>], vector<16xi32>,
      %gather3A_3050 = tpu.vector_load_idx %arg9[%add3A_2505, %and3A_3048] : memref<320x64xi32, #tpu.memory_space<vmem>>[vector<16xi32>, vector<16xi32>], vector<16xi32>,
      %bitcast3A_3051 = vector.bitcast %gather3A_3049 : vector<16xi32> to vector<32xbf16>
      %bitcast3A_3052 = vector.bitcast %gather3A_3050 : vector<16xi32> to vector<32xbf16>
      %mul3A_3053 = arith.mulf %bitcast3A_3051, %bitcast3A_3052 : vector<32xbf16>
      %add3A_3054 = arith.addf %add3A_3042, %mul3A_3053 : vector<32xbf16>
      %add3A_3055 = arith.constant 1 : i32
      %add3A_3056 = vector.broadcast %add3A_3055 : i32 to vector<16xi32>
      %add3A_3057 = arith.addi %and3A_3048, %add3A_3056 : vector<16xi32>
      %and3A_3058 = arith.constant 63 : i32
      %and3A_3059 = vector.broadcast %and3A_3058 : i32 to vector<16xi32>
      %and3A_3060 = arith.andi %add3A_3057, %and3A_3059 : vector<16xi32>
      %gather3A_3061 = tpu.vector_load_idx %arg8[%add3A_2505, %and3A_3060] : memref<320x64xi32, #tpu.memory_space<vmem>>[vector<16xi32>, vector<16xi32>], vector<16xi32>,
      %gather3A_3062 = tpu.vector_load_idx %arg9[%add3A_2505, %and3A_3060] : memref<320x64xi32, #tpu.memory_space<vmem>>[vector<16xi32>, vector<16xi32>], vector<16xi32>,
      %bitcast3A_3063 = vector.bitcast %gather3A_3061 : vector<16xi32> to vector<32xbf16>
      %bitcast3A_3064 = vector.bitcast %gather3A_3062 : vector<16xi32> to vector<32xbf16>
      %mul3A_3065 = arith.mulf %bitcast3A_3063, %bitcast3A_3064 : vector<32xbf16>
      %add3A_3066 = arith.addf %add3A_3054, %mul3A_3065 : vector<32xbf16>
      %add3A_3067 = arith.constant 1 : i32
      %add3A_3068 = vector.broadcast %add3A_3067 : i32 to vector<16xi32>
      %add3A_3069 = arith.addi %and3A_3060, %add3A_3068 : vector<16xi32>
      %and3A_3070 = arith.constant 63 : i32
      %and3A_3071 = vector.broadcast %and3A_3070 : i32 to vector<16xi32>
      %and3A_3072 = arith.andi %add3A_3069, %and3A_3071 : vector<16xi32>
      %gather3A_3073 = tpu.vector_load_idx %arg8[%add3A_2505, %and3A_3072] : memref<320x64xi32, #tpu.memory_space<vmem>>[vector<16xi32>, vector<16xi32>], vector<16xi32>,
      %gather3A_3074 = tpu.vector_load_idx %arg9[%add3A_2505, %and3A_3072] : memref<320x64xi32, #tpu.memory_space<vmem>>[vector<16xi32>, vector<16xi32>], vector<16xi32>,
      %bitcast3A_3075 = vector.bitcast %gather3A_3073 : vector<16xi32> to vector<32xbf16>
      %bitcast3A_3076 = vector.bitcast %gather3A_3074 : vector<16xi32> to vector<32xbf16>
      %mul3A_3077 = arith.mulf %bitcast3A_3075, %bitcast3A_3076 : vector<32xbf16>
      %add3A_3078 = arith.addf %add3A_3066, %mul3A_3077 : vector<32xbf16>
      %add3A_3079 = arith.constant 1 : i32
      %add3A_3080 = vector.broadcast %add3A_3079 : i32 to vector<16xi32>
      %add3A_3081 = arith.addi %and3A_3072, %add3A_3080 : vector<16xi32>
      %and3A_3082 = arith.constant 63 : i32
      %and3A_3083 = vector.broadcast %and3A_3082 : i32 to vector<16xi32>
      %and3A_3084 = arith.andi %add3A_3081, %and3A_3083 : vector<16xi32>
      %gather3A_3085 = tpu.vector_load_idx %arg8[%add3A_2505, %and3A_3084] : memref<320x64xi32, #tpu.memory_space<vmem>>[vector<16xi32>, vector<16xi32>], vector<16xi32>,
      %gather3A_3086 = tpu.vector_load_idx %arg9[%add3A_2505, %and3A_3084] : memref<320x64xi32, #tpu.memory_space<vmem>>[vector<16xi32>, vector<16xi32>], vector<16xi32>,
      %bitcast3A_3087 = vector.bitcast %gather3A_3085 : vector<16xi32> to vector<32xbf16>
      %bitcast3A_3088 = vector.bitcast %gather3A_3086 : vector<16xi32> to vector<32xbf16>
      %mul3A_3089 = arith.mulf %bitcast3A_3087, %bitcast3A_3088 : vector<32xbf16>
      %add3A_3090 = arith.addf %add3A_3078, %mul3A_3089 : vector<32xbf16>
      %add3A_3091 = arith.constant 1 : i32
      %add3A_3092 = vector.broadcast %add3A_3091 : i32 to vector<16xi32>
      %add3A_3093 = arith.addi %and3A_3084, %add3A_3092 : vector<16xi32>
      %and3A_3094 = arith.constant 63 : i32
      %and3A_3095 = vector.broadcast %and3A_3094 : i32 to vector<16xi32>
      %and3A_3096 = arith.andi %add3A_3093, %and3A_3095 : vector<16xi32>
      %gather3A_3097 = tpu.vector_load_idx %arg8[%add3A_2505, %and3A_3096] : memref<320x64xi32, #tpu.memory_space<vmem>>[vector<16xi32>, vector<16xi32>], vector<16xi32>,
      %gather3A_3098 = tpu.vector_load_idx %arg9[%add3A_2505, %and3A_3096] : memref<320x64xi32, #tpu.memory_space<vmem>>[vector<16xi32>, vector<16xi32>], vector<16xi32>,
      %bitcast3A_3099 = vector.bitcast %gather3A_3097 : vector<16xi32> to vector<32xbf16>
      %bitcast3A_3100 = vector.bitcast %gather3A_3098 : vector<16xi32> to vector<32xbf16>
      %mul3A_3101 = arith.mulf %bitcast3A_3099, %bitcast3A_3100 : vector<32xbf16>
      %add3A_3102 = arith.addf %add3A_3090, %mul3A_3101 : vector<32xbf16>
      %add3A_3103 = arith.constant 1 : i32
      %add3A_3104 = vector.broadcast %add3A_3103 : i32 to vector<16xi32>
      %add3A_3105 = arith.addi %and3A_3096, %add3A_3104 : vector<16xi32>
      %and3A_3106 = arith.constant 63 : i32
      %and3A_3107 = vector.broadcast %and3A_3106 : i32 to vector<16xi32>
      %and3A_3108 = arith.andi %add3A_3105, %and3A_3107 : vector<16xi32>
      %gather3A_3109 = tpu.vector_load_idx %arg8[%add3A_2505, %and3A_3108] : memref<320x64xi32, #tpu.memory_space<vmem>>[vector<16xi32>, vector<16xi32>], vector<16xi32>,
      %gather3A_3110 = tpu.vector_load_idx %arg9[%add3A_2505, %and3A_3108] : memref<320x64xi32, #tpu.memory_space<vmem>>[vector<16xi32>, vector<16xi32>], vector<16xi32>,
      %bitcast3A_3111 = vector.bitcast %gather3A_3109 : vector<16xi32> to vector<32xbf16>
      %bitcast3A_3112 = vector.bitcast %gather3A_3110 : vector<16xi32> to vector<32xbf16>
      %mul3A_3113 = arith.mulf %bitcast3A_3111, %bitcast3A_3112 : vector<32xbf16>
      %add3A_3114 = arith.addf %add3A_3102, %mul3A_3113 : vector<32xbf16>
      %add3A_3115 = arith.constant 1 : i32
      %add3A_3116 = vector.broadcast %add3A_3115 : i32 to vector<16xi32>
      %add3A_3117 = arith.addi %and3A_3108, %add3A_3116 : vector<16xi32>
      %and3A_3118 = arith.constant 63 : i32
      %and3A_3119 = vector.broadcast %and3A_3118 : i32 to vector<16xi32>
      %and3A_3120 = arith.andi %add3A_3117, %and3A_3119 : vector<16xi32>
      %gather3A_3121 = tpu.vector_load_idx %arg8[%add3A_2505, %and3A_3120] : memref<320x64xi32, #tpu.memory_space<vmem>>[vector<16xi32>, vector<16xi32>], vector<16xi32>,
      %gather3A_3122 = tpu.vector_load_idx %arg9[%add3A_2505, %and3A_3120] : memref<320x64xi32, #tpu.memory_space<vmem>>[vector<16xi32>, vector<16xi32>], vector<16xi32>,
      %bitcast3A_3123 = vector.bitcast %gather3A_3121 : vector<16xi32> to vector<32xbf16>
      %bitcast3A_3124 = vector.bitcast %gather3A_3122 : vector<16xi32> to vector<32xbf16>
      %mul3A_3125 = arith.mulf %bitcast3A_3123, %bitcast3A_3124 : vector<32xbf16>
      %add3A_3126 = arith.addf %add3A_3114, %mul3A_3125 : vector<32xbf16>
      %add3A_3127 = arith.constant 1 : i32
      %add3A_3128 = vector.broadcast %add3A_3127 : i32 to vector<16xi32>
      %add3A_3129 = arith.addi %and3A_3120, %add3A_3128 : vector<16xi32>
      %and3A_3130 = arith.constant 63 : i32
      %and3A_3131 = vector.broadcast %and3A_3130 : i32 to vector<16xi32>
      %and3A_3132 = arith.andi %add3A_3129, %and3A_3131 : vector<16xi32>
      %gather3A_3133 = tpu.vector_load_idx %arg8[%add3A_2505, %and3A_3132] : memref<320x64xi32, #tpu.memory_space<vmem>>[vector<16xi32>, vector<16xi32>], vector<16xi32>,
      %gather3A_3134 = tpu.vector_load_idx %arg9[%add3A_2505, %and3A_3132] : memref<320x64xi32, #tpu.memory_space<vmem>>[vector<16xi32>, vector<16xi32>], vector<16xi32>,
      %bitcast3A_3135 = vector.bitcast %gather3A_3133 : vector<16xi32> to vector<32xbf16>
      %bitcast3A_3136 = vector.bitcast %gather3A_3134 : vector<16xi32> to vector<32xbf16>
      %mul3A_3137 = arith.mulf %bitcast3A_3135, %bitcast3A_3136 : vector<32xbf16>
      %add3A_3138 = arith.addf %add3A_3126, %mul3A_3137 : vector<32xbf16>
      %add3A_3139 = arith.constant 1 : i32
      %add3A_3140 = vector.broadcast %add3A_3139 : i32 to vector<16xi32>
      %add3A_3141 = arith.addi %and3A_3132, %add3A_3140 : vector<16xi32>
      %and3A_3142 = arith.constant 63 : i32
      %and3A_3143 = vector.broadcast %and3A_3142 : i32 to vector<16xi32>
      %and3A_3144 = arith.andi %add3A_3141, %and3A_3143 : vector<16xi32>
      %gather3A_3145 = tpu.vector_load_idx %arg8[%add3A_2505, %and3A_3144] : memref<320x64xi32, #tpu.memory_space<vmem>>[vector<16xi32>, vector<16xi32>], vector<16xi32>,
      %gather3A_3146 = tpu.vector_load_idx %arg9[%add3A_2505, %and3A_3144] : memref<320x64xi32, #tpu.memory_space<vmem>>[vector<16xi32>, vector<16xi32>], vector<16xi32>,
      %bitcast3A_3147 = vector.bitcast %gather3A_3145 : vector<16xi32> to vector<32xbf16>
      %bitcast3A_3148 = vector.bitcast %gather3A_3146 : vector<16xi32> to vector<32xbf16>
      %mul3A_3149 = arith.mulf %bitcast3A_3147, %bitcast3A_3148 : vector<32xbf16>
      %add3A_3150 = arith.addf %add3A_3138, %mul3A_3149 : vector<32xbf16>
      %add3A_3151 = arith.constant 1 : i32
      %add3A_3152 = vector.broadcast %add3A_3151 : i32 to vector<16xi32>
      %add3A_3153 = arith.addi %and3A_3144, %add3A_3152 : vector<16xi32>
      %and3A_3154 = arith.constant 63 : i32
      %and3A_3155 = vector.broadcast %and3A_3154 : i32 to vector<16xi32>
      %and3A_3156 = arith.andi %add3A_3153, %and3A_3155 : vector<16xi32>
      %gather3A_3157 = tpu.vector_load_idx %arg8[%add3A_2505, %and3A_3156] : memref<320x64xi32, #tpu.memory_space<vmem>>[vector<16xi32>, vector<16xi32>], vector<16xi32>,
      %gather3A_3158 = tpu.vector_load_idx %arg9[%add3A_2505, %and3A_3156] : memref<320x64xi32, #tpu.memory_space<vmem>>[vector<16xi32>, vector<16xi32>], vector<16xi32>,
      %bitcast3A_3159 = vector.bitcast %gather3A_3157 : vector<16xi32> to vector<32xbf16>
      %bitcast3A_3160 = vector.bitcast %gather3A_3158 : vector<16xi32> to vector<32xbf16>
      %mul3A_3161 = arith.mulf %bitcast3A_3159, %bitcast3A_3160 : vector<32xbf16>
      %add3A_3162 = arith.addf %add3A_3150, %mul3A_3161 : vector<32xbf16>
      %add3A_3163 = arith.constant 1 : i32
      %add3A_3164 = vector.broadcast %add3A_3163 : i32 to vector<16xi32>
      %add3A_3165 = arith.addi %and3A_3156, %add3A_3164 : vector<16xi32>
      %and3A_3166 = arith.constant 63 : i32
      %and3A_3167 = vector.broadcast %and3A_3166 : i32 to vector<16xi32>
      %and3A_3168 = arith.andi %add3A_3165, %and3A_3167 : vector<16xi32>
      %gather3A_3169 = tpu.vector_load_idx %arg8[%add3A_2505, %and3A_3168] : memref<320x64xi32, #tpu.memory_space<vmem>>[vector<16xi32>, vector<16xi32>], vector<16xi32>,
      %gather3A_3170 = tpu.vector_load_idx %arg9[%add3A_2505, %and3A_3168] : memref<320x64xi32, #tpu.memory_space<vmem>>[vector<16xi32>, vector<16xi32>], vector<16xi32>,
      %bitcast3A_3171 = vector.bitcast %gather3A_3169 : vector<16xi32> to vector<32xbf16>
      %bitcast3A_3172 = vector.bitcast %gather3A_3170 : vector<16xi32> to vector<32xbf16>
      %mul3A_3173 = arith.mulf %bitcast3A_3171, %bitcast3A_3172 : vector<32xbf16>
      %add3A_3174 = arith.addf %add3A_3162, %mul3A_3173 : vector<32xbf16>
      %add3A_3175 = arith.constant 1 : i32
      %add3A_3176 = vector.broadcast %add3A_3175 : i32 to vector<16xi32>
      %add3A_3177 = arith.addi %and3A_3168, %add3A_3176 : vector<16xi32>
      %and3A_3178 = arith.constant 63 : i32
      %and3A_3179 = vector.broadcast %and3A_3178 : i32 to vector<16xi32>
      %and3A_3180 = arith.andi %add3A_3177, %and3A_3179 : vector<16xi32>
      %gather3A_3181 = tpu.vector_load_idx %arg8[%add3A_2505, %and3A_3180] : memref<320x64xi32, #tpu.memory_space<vmem>>[vector<16xi32>, vector<16xi32>], vector<16xi32>,
      %gather3A_3182 = tpu.vector_load_idx %arg9[%add3A_2505, %and3A_3180] : memref<320x64xi32, #tpu.memory_space<vmem>>[vector<16xi32>, vector<16xi32>], vector<16xi32>,
      %bitcast3A_3183 = vector.bitcast %gather3A_3181 : vector<16xi32> to vector<32xbf16>
      %bitcast3A_3184 = vector.bitcast %gather3A_3182 : vector<16xi32> to vector<32xbf16>
      %mul3A_3185 = arith.mulf %bitcast3A_3183, %bitcast3A_3184 : vector<32xbf16>
      %add3A_3186 = arith.addf %add3A_3174, %mul3A_3185 : vector<32xbf16>
      %add3A_3187 = arith.constant 1 : i32
      %add3A_3188 = vector.broadcast %add3A_3187 : i32 to vector<16xi32>
      %add3A_3189 = arith.addi %and3A_3180, %add3A_3188 : vector<16xi32>
      %and3A_3190 = arith.constant 63 : i32
      %and3A_3191 = vector.broadcast %and3A_3190 : i32 to vector<16xi32>
      %and3A_3192 = arith.andi %add3A_3189, %and3A_3191 : vector<16xi32>
      %gather3A_3193 = tpu.vector_load_idx %arg8[%add3A_2505, %and3A_3192] : memref<320x64xi32, #tpu.memory_space<vmem>>[vector<16xi32>, vector<16xi32>], vector<16xi32>,
      %gather3A_3194 = tpu.vector_load_idx %arg9[%add3A_2505, %and3A_3192] : memref<320x64xi32, #tpu.memory_space<vmem>>[vector<16xi32>, vector<16xi32>], vector<16xi32>,
      %bitcast3A_3195 = vector.bitcast %gather3A_3193 : vector<16xi32> to vector<32xbf16>
      %bitcast3A_3196 = vector.bitcast %gather3A_3194 : vector<16xi32> to vector<32xbf16>
      %mul3A_3197 = arith.mulf %bitcast3A_3195, %bitcast3A_3196 : vector<32xbf16>
      %add3A_3198 = arith.addf %add3A_3186, %mul3A_3197 : vector<32xbf16>
      %add3A_3199 = arith.constant 1 : i32
      %add3A_3200 = vector.broadcast %add3A_3199 : i32 to vector<16xi32>
      %add3A_3201 = arith.addi %and3A_3192, %add3A_3200 : vector<16xi32>
      %and3A_3202 = arith.constant 63 : i32
      %and3A_3203 = vector.broadcast %and3A_3202 : i32 to vector<16xi32>
      %and3A_3204 = arith.andi %add3A_3201, %and3A_3203 : vector<16xi32>
      %gather3A_3205 = tpu.vector_load_idx %arg8[%add3A_2505, %and3A_3204] : memref<320x64xi32, #tpu.memory_space<vmem>>[vector<16xi32>, vector<16xi32>], vector<16xi32>,
      %gather3A_3206 = tpu.vector_load_idx %arg9[%add3A_2505, %and3A_3204] : memref<320x64xi32, #tpu.memory_space<vmem>>[vector<16xi32>, vector<16xi32>], vector<16xi32>,
      %bitcast3A_3207 = vector.bitcast %gather3A_3205 : vector<16xi32> to vector<32xbf16>
      %bitcast3A_3208 = vector.bitcast %gather3A_3206 : vector<16xi32> to vector<32xbf16>
      %mul3A_3209 = arith.mulf %bitcast3A_3207, %bitcast3A_3208 : vector<32xbf16>
      %add3A_3210 = arith.addf %add3A_3198, %mul3A_3209 : vector<32xbf16>
      %add3A_3211 = arith.constant 1 : i32
      %add3A_3212 = vector.broadcast %add3A_3211 : i32 to vector<16xi32>
      %add3A_3213 = arith.addi %and3A_3204, %add3A_3212 : vector<16xi32>
      %and3A_3214 = arith.constant 63 : i32
      %and3A_3215 = vector.broadcast %and3A_3214 : i32 to vector<16xi32>
      %and3A_3216 = arith.andi %add3A_3213, %and3A_3215 : vector<16xi32>
      %gather3A_3217 = tpu.vector_load_idx %arg8[%add3A_2505, %and3A_3216] : memref<320x64xi32, #tpu.memory_space<vmem>>[vector<16xi32>, vector<16xi32>], vector<16xi32>,
      %gather3A_3218 = tpu.vector_load_idx %arg9[%add3A_2505, %and3A_3216] : memref<320x64xi32, #tpu.memory_space<vmem>>[vector<16xi32>, vector<16xi32>], vector<16xi32>,
      %bitcast3A_3219 = vector.bitcast %gather3A_3217 : vector<16xi32> to vector<32xbf16>
      %bitcast3A_3220 = vector.bitcast %gather3A_3218 : vector<16xi32> to vector<32xbf16>
      %mul3A_3221 = arith.mulf %bitcast3A_3219, %bitcast3A_3220 : vector<32xbf16>
      %add3A_3222 = arith.addf %add3A_3210, %mul3A_3221 : vector<32xbf16>
      %add3A_3223 = arith.constant 1 : i32
      %add3A_3224 = vector.broadcast %add3A_3223 : i32 to vector<16xi32>
      %add3A_3225 = arith.addi %and3A_3216, %add3A_3224 : vector<16xi32>
      %and3A_3226 = arith.constant 63 : i32
      %and3A_3227 = vector.broadcast %and3A_3226 : i32 to vector<16xi32>
      %and3A_3228 = arith.andi %add3A_3225, %and3A_3227 : vector<16xi32>
      %gather3A_3229 = tpu.vector_load_idx %arg8[%add3A_2505, %and3A_3228] : memref<320x64xi32, #tpu.memory_space<vmem>>[vector<16xi32>, vector<16xi32>], vector<16xi32>,
      %gather3A_3230 = tpu.vector_load_idx %arg9[%add3A_2505, %and3A_3228] : memref<320x64xi32, #tpu.memory_space<vmem>>[vector<16xi32>, vector<16xi32>], vector<16xi32>,
      %bitcast3A_3231 = vector.bitcast %gather3A_3229 : vector<16xi32> to vector<32xbf16>
      %bitcast3A_3232 = vector.bitcast %gather3A_3230 : vector<16xi32> to vector<32xbf16>
      %mul3A_3233 = arith.mulf %bitcast3A_3231, %bitcast3A_3232 : vector<32xbf16>
      %add3A_3234 = arith.addf %add3A_3222, %mul3A_3233 : vector<32xbf16>
      %add3A_3235 = arith.constant 1 : i32
      %add3A_3236 = vector.broadcast %add3A_3235 : i32 to vector<16xi32>
      %add3A_3237 = arith.addi %and3A_3228, %add3A_3236 : vector<16xi32>
      %and3A_3238 = arith.constant 63 : i32
      %and3A_3239 = vector.broadcast %and3A_3238 : i32 to vector<16xi32>
      %and3A_3240 = arith.andi %add3A_3237, %and3A_3239 : vector<16xi32>
      %gather3A_3241 = tpu.vector_load_idx %arg8[%add3A_2505, %and3A_3240] : memref<320x64xi32, #tpu.memory_space<vmem>>[vector<16xi32>, vector<16xi32>], vector<16xi32>,
      %gather3A_3242 = tpu.vector_load_idx %arg9[%add3A_2505, %and3A_3240] : memref<320x64xi32, #tpu.memory_space<vmem>>[vector<16xi32>, vector<16xi32>], vector<16xi32>,
      %bitcast3A_3243 = vector.bitcast %gather3A_3241 : vector<16xi32> to vector<32xbf16>
      %bitcast3A_3244 = vector.bitcast %gather3A_3242 : vector<16xi32> to vector<32xbf16>
      %mul3A_3245 = arith.mulf %bitcast3A_3243, %bitcast3A_3244 : vector<32xbf16>
      %add3A_3246 = arith.addf %add3A_3234, %mul3A_3245 : vector<32xbf16>
      %add3A_3247 = arith.constant 1 : i32
      %add3A_3248 = vector.broadcast %add3A_3247 : i32 to vector<16xi32>
      %add3A_3249 = arith.addi %and3A_3240, %add3A_3248 : vector<16xi32>
      %and3A_3250 = arith.constant 63 : i32
      %and3A_3251 = vector.broadcast %and3A_3250 : i32 to vector<16xi32>
      %and3A_3252 = arith.andi %add3A_3249, %and3A_3251 : vector<16xi32>
      %gather3A_3253 = tpu.vector_load_idx %arg8[%add3A_2505, %and3A_3252] : memref<320x64xi32, #tpu.memory_space<vmem>>[vector<16xi32>, vector<16xi32>], vector<16xi32>,
      %gather3A_3254 = tpu.vector_load_idx %arg9[%add3A_2505, %and3A_3252] : memref<320x64xi32, #tpu.memory_space<vmem>>[vector<16xi32>, vector<16xi32>], vector<16xi32>,
      %bitcast3A_3255 = vector.bitcast %gather3A_3253 : vector<16xi32> to vector<32xbf16>
      %bitcast3A_3256 = vector.bitcast %gather3A_3254 : vector<16xi32> to vector<32xbf16>
      %mul3A_3257 = arith.mulf %bitcast3A_3255, %bitcast3A_3256 : vector<32xbf16>
      %add3A_3258 = arith.addf %add3A_3246, %mul3A_3257 : vector<32xbf16>
      %add3A_3259 = arith.constant 1 : i32
      %add3A_3260 = vector.broadcast %add3A_3259 : i32 to vector<16xi32>
      %add3A_3261 = arith.addi %and3A_3252, %add3A_3260 : vector<16xi32>
      %and3A_3262 = arith.constant 63 : i32
      %and3A_3263 = vector.broadcast %and3A_3262 : i32 to vector<16xi32>
      %and3A_3264 = arith.andi %add3A_3261, %and3A_3263 : vector<16xi32>
      %gather3A_3265 = tpu.vector_load_idx %arg8[%add3A_2505, %and3A_3264] : memref<320x64xi32, #tpu.memory_space<vmem>>[vector<16xi32>, vector<16xi32>], vector<16xi32>,
      %gather3A_3266 = tpu.vector_load_idx %arg9[%add3A_2505, %and3A_3264] : memref<320x64xi32, #tpu.memory_space<vmem>>[vector<16xi32>, vector<16xi32>], vector<16xi32>,
      %bitcast3A_3267 = vector.bitcast %gather3A_3265 : vector<16xi32> to vector<32xbf16>
      %bitcast3A_3268 = vector.bitcast %gather3A_3266 : vector<16xi32> to vector<32xbf16>
      %mul3A_3269 = arith.mulf %bitcast3A_3267, %bitcast3A_3268 : vector<32xbf16>
      %add3A_3270 = arith.addf %add3A_3258, %mul3A_3269 : vector<32xbf16>
      %add3A_3271 = arith.constant 1 : i32
      %add3A_3272 = vector.broadcast %add3A_3271 : i32 to vector<16xi32>
      %add3A_3273 = arith.addi %and3A_3264, %add3A_3272 : vector<16xi32>
      %and3A_3274 = arith.constant 63 : i32
      %and3A_3275 = vector.broadcast %and3A_3274 : i32 to vector<16xi32>
      %and3A_3276 = arith.andi %add3A_3273, %and3A_3275 : vector<16xi32>
      %bitcast3A_3277 = vector.bitcast %add3A_3270 : vector<32xbf16> to vector<16xi32>
      %shift_left3A_3278 = arith.constant 16 : i32
      %shift_left3A_3279 = vector.broadcast %shift_left3A_3278 : i32 to vector<16xi32>
      %shift_left3A_3280 = arith.shli %bitcast3A_3277, %shift_left3A_3279 : vector<16xi32>
      %bitcast3A_3281 = vector.bitcast %shift_left3A_3280 : vector<16xi32> to vector<16xf32>
      %and3A_3282 = vector.broadcast %scan3A_72 : i32 to vector<16xi32>
      %and3A_3283 = arith.andi %bitcast3A_3277, %and3A_3282 : vector<16xi32>
      %bitcast3A_3284 = vector.bitcast %and3A_3283 : vector<16xi32> to vector<16xf32>
      %add3A_3285 = arith.addf %bitcast3A_3281, %bitcast3A_3284 : vector<16xf32>
      %neg3A_3286 = arith.constant 0.000000e+00 : f32
      %neg3A_3287 = vector.broadcast %neg3A_3286 : f32 to vector<16xf32>
      %neg3A_3288 = arith.subf %neg3A_3287, %add3A_3285 : vector<16xf32>
      %exp3A_3289 = math.exp %neg3A_3288 : vector<16xf32>
      %add3A_3290 = arith.constant 1.000000e+00 : f32
      %add3A_3291 = vector.broadcast %add3A_3290 : f32 to vector<16xf32>
      %add3A_3292 = arith.addf %add3A_3291, %exp3A_3289 : vector<16xf32>
      %div3A_3293 = arith.constant 1.000000e+00 : f32
      %div3A_3294 = vector.broadcast %div3A_3293 : f32 to vector<16xf32>
      %div3A_3295 = arith.divf %div3A_3294, %add3A_3292 : vector<16xf32>
      %mul3A_3296 = arith.constant 80 : i32
      %mul3A_3297 = arith.muli %scan3A_78, %mul3A_3296 : i32
      %add3A_3298 = arith.constant 48 : i32
      %add3A_3299 = arith.addi %mul3A_3297, %add3A_3298 : i32
      %swap3A_3300 = arith.index_cast %add3A_3299 : i32 to index
      %swap3A_3301 = tpu.vector_load %arg10[%swap3A_3300] {strides = array<i32>} : memref<10000xf32, #tpu.memory_space<vmem>>, vector<16xf32>,
      tpu.vector_store %arg10[%swap3A_3300], %div3A_3295 {strides = array<i32>} : memref<10000xf32, #tpu.memory_space<vmem>>, vector<16xf32>,
      %add3A_3302 = arith.constant 64 : i32
      %add3A_3303 = arith.addi %mul3A_106, %add3A_3302 : i32
      %iota3A_3304 = tpu.iota {dimensions = array<i32: 0>} : vector<16xi32>
      %add3A_3305 = vector.broadcast %add3A_3303 : i32 to vector<16xi32>
      %add3A_3306 = arith.addi %add3A_3305, %iota3A_3304 : vector<16xi32>
      %iota3A_3307 = tpu.iota {dimensions = array<i32: 0>} : vector<16xi32>
      %broadcast_in_dim3A_3308 = arith.constant 0.000000e+00 : bf16
      %broadcast_in_dim3A_3309 = vector.broadcast %broadcast_in_dim3A_3308 : bf16 to vector<32xbf16>
      %gather3A_3310 = tpu.vector_load_idx %arg8[%add3A_3306, %iota3A_3307] : memref<320x64xi32, #tpu.memory_space<vmem>>[vector<16xi32>, vector<16xi32>], vector<16xi32>,
      %gather3A_3311 = tpu.vector_load_idx %arg9[%add3A_3306, %iota3A_3307] : memref<320x64xi32, #tpu.memory_space<vmem>>[vector<16xi32>, vector<16xi32>], vector<16xi32>,
      %bitcast3A_3312 = vector.bitcast %gather3A_3310 : vector<16xi32> to vector<32xbf16>
      %bitcast3A_3313 = vector.bitcast %gather3A_3311 : vector<16xi32> to vector<32xbf16>
      %mul3A_3314 = arith.mulf %bitcast3A_3312, %bitcast3A_3313 : vector<32xbf16>
      %add3A_3315 = arith.addf %broadcast_in_dim3A_3309, %mul3A_3314 : vector<32xbf16>
      %add3A_3316 = arith.constant 1 : i32
      %add3A_3317 = vector.broadcast %add3A_3316 : i32 to vector<16xi32>
      %add3A_3318 = arith.addi %iota3A_3307, %add3A_3317 : vector<16xi32>
      %and3A_3319 = arith.constant 63 : i32
      %and3A_3320 = vector.broadcast %and3A_3319 : i32 to vector<16xi32>
      %and3A_3321 = arith.andi %add3A_3318, %and3A_3320 : vector<16xi32>
      %gather3A_3322 = tpu.vector_load_idx %arg8[%add3A_3306, %and3A_3321] : memref<320x64xi32, #tpu.memory_space<vmem>>[vector<16xi32>, vector<16xi32>], vector<16xi32>,
      %gather3A_3323 = tpu.vector_load_idx %arg9[%add3A_3306, %and3A_3321] : memref<320x64xi32, #tpu.memory_space<vmem>>[vector<16xi32>, vector<16xi32>], vector<16xi32>,
      %bitcast3A_3324 = vector.bitcast %gather3A_3322 : vector<16xi32> to vector<32xbf16>
      %bitcast3A_3325 = vector.bitcast %gather3A_3323 : vector<16xi32> to vector<32xbf16>
      %mul3A_3326 = arith.mulf %bitcast3A_3324, %bitcast3A_3325 : vector<32xbf16>
      %add3A_3327 = arith.addf %add3A_3315, %mul3A_3326 : vector<32xbf16>
      %add3A_3328 = arith.constant 1 : i32
      %add3A_3329 = vector.broadcast %add3A_3328 : i32 to vector<16xi32>
      %add3A_3330 = arith.addi %and3A_3321, %add3A_3329 : vector<16xi32>
      %and3A_3331 = arith.constant 63 : i32
      %and3A_3332 = vector.broadcast %and3A_3331 : i32 to vector<16xi32>
      %and3A_3333 = arith.andi %add3A_3330, %and3A_3332 : vector<16xi32>
      %gather3A_3334 = tpu.vector_load_idx %arg8[%add3A_3306, %and3A_3333] : memref<320x64xi32, #tpu.memory_space<vmem>>[vector<16xi32>, vector<16xi32>], vector<16xi32>,
      %gather3A_3335 = tpu.vector_load_idx %arg9[%add3A_3306, %and3A_3333] : memref<320x64xi32, #tpu.memory_space<vmem>>[vector<16xi32>, vector<16xi32>], vector<16xi32>,
      %bitcast3A_3336 = vector.bitcast %gather3A_3334 : vector<16xi32> to vector<32xbf16>
      %bitcast3A_3337 = vector.bitcast %gather3A_3335 : vector<16xi32> to vector<32xbf16>
      %mul3A_3338 = arith.mulf %bitcast3A_3336, %bitcast3A_3337 : vector<32xbf16>
      %add3A_3339 = arith.addf %add3A_3327, %mul3A_3338 : vector<32xbf16>
      %add3A_3340 = arith.constant 1 : i32
      %add3A_3341 = vector.broadcast %add3A_3340 : i32 to vector<16xi32>
      %add3A_3342 = arith.addi %and3A_3333, %add3A_3341 : vector<16xi32>
      %and3A_3343 = arith.constant 63 : i32
      %and3A_3344 = vector.broadcast %and3A_3343 : i32 to vector<16xi32>
      %and3A_3345 = arith.andi %add3A_3342, %and3A_3344 : vector<16xi32>
      %gather3A_3346 = tpu.vector_load_idx %arg8[%add3A_3306, %and3A_3345] : memref<320x64xi32, #tpu.memory_space<vmem>>[vector<16xi32>, vector<16xi32>], vector<16xi32>,
      %gather3A_3347 = tpu.vector_load_idx %arg9[%add3A_3306, %and3A_3345] : memref<320x64xi32, #tpu.memory_space<vmem>>[vector<16xi32>, vector<16xi32>], vector<16xi32>,
      %bitcast3A_3348 = vector.bitcast %gather3A_3346 : vector<16xi32> to vector<32xbf16>
      %bitcast3A_3349 = vector.bitcast %gather3A_3347 : vector<16xi32> to vector<32xbf16>
      %mul3A_3350 = arith.mulf %bitcast3A_3348, %bitcast3A_3349 : vector<32xbf16>
      %add3A_3351 = arith.addf %add3A_3339, %mul3A_3350 : vector<32xbf16>
      %add3A_3352 = arith.constant 1 : i32
      %add3A_3353 = vector.broadcast %add3A_3352 : i32 to vector<16xi32>
      %add3A_3354 = arith.addi %and3A_3345, %add3A_3353 : vector<16xi32>
      %and3A_3355 = arith.constant 63 : i32
      %and3A_3356 = vector.broadcast %and3A_3355 : i32 to vector<16xi32>
      %and3A_3357 = arith.andi %add3A_3354, %and3A_3356 : vector<16xi32>
      %gather3A_3358 = tpu.vector_load_idx %arg8[%add3A_3306, %and3A_3357] : memref<320x64xi32, #tpu.memory_space<vmem>>[vector<16xi32>, vector<16xi32>], vector<16xi32>,
      %gather3A_3359 = tpu.vector_load_idx %arg9[%add3A_3306, %and3A_3357] : memref<320x64xi32, #tpu.memory_space<vmem>>[vector<16xi32>, vector<16xi32>], vector<16xi32>,
      %bitcast3A_3360 = vector.bitcast %gather3A_3358 : vector<16xi32> to vector<32xbf16>
      %bitcast3A_3361 = vector.bitcast %gather3A_3359 : vector<16xi32> to vector<32xbf16>
      %mul3A_3362 = arith.mulf %bitcast3A_3360, %bitcast3A_3361 : vector<32xbf16>
      %add3A_3363 = arith.addf %add3A_3351, %mul3A_3362 : vector<32xbf16>
      %add3A_3364 = arith.constant 1 : i32
      %add3A_3365 = vector.broadcast %add3A_3364 : i32 to vector<16xi32>
      %add3A_3366 = arith.addi %and3A_3357, %add3A_3365 : vector<16xi32>
      %and3A_3367 = arith.constant 63 : i32
      %and3A_3368 = vector.broadcast %and3A_3367 : i32 to vector<16xi32>
      %and3A_3369 = arith.andi %add3A_3366, %and3A_3368 : vector<16xi32>
      %gather3A_3370 = tpu.vector_load_idx %arg8[%add3A_3306, %and3A_3369] : memref<320x64xi32, #tpu.memory_space<vmem>>[vector<16xi32>, vector<16xi32>], vector<16xi32>,
      %gather3A_3371 = tpu.vector_load_idx %arg9[%add3A_3306, %and3A_3369] : memref<320x64xi32, #tpu.memory_space<vmem>>[vector<16xi32>, vector<16xi32>], vector<16xi32>,
      %bitcast3A_3372 = vector.bitcast %gather3A_3370 : vector<16xi32> to vector<32xbf16>
      %bitcast3A_3373 = vector.bitcast %gather3A_3371 : vector<16xi32> to vector<32xbf16>
      %mul3A_3374 = arith.mulf %bitcast3A_3372, %bitcast3A_3373 : vector<32xbf16>
      %add3A_3375 = arith.addf %add3A_3363, %mul3A_3374 : vector<32xbf16>
      %add3A_3376 = arith.constant 1 : i32
      %add3A_3377 = vector.broadcast %add3A_3376 : i32 to vector<16xi32>
      %add3A_3378 = arith.addi %and3A_3369, %add3A_3377 : vector<16xi32>
      %and3A_3379 = arith.constant 63 : i32
      %and3A_3380 = vector.broadcast %and3A_3379 : i32 to vector<16xi32>
      %and3A_3381 = arith.andi %add3A_3378, %and3A_3380 : vector<16xi32>
      %gather3A_3382 = tpu.vector_load_idx %arg8[%add3A_3306, %and3A_3381] : memref<320x64xi32, #tpu.memory_space<vmem>>[vector<16xi32>, vector<16xi32>], vector<16xi32>,
      %gather3A_3383 = tpu.vector_load_idx %arg9[%add3A_3306, %and3A_3381] : memref<320x64xi32, #tpu.memory_space<vmem>>[vector<16xi32>, vector<16xi32>], vector<16xi32>,
      %bitcast3A_3384 = vector.bitcast %gather3A_3382 : vector<16xi32> to vector<32xbf16>
      %bitcast3A_3385 = vector.bitcast %gather3A_3383 : vector<16xi32> to vector<32xbf16>
      %mul3A_3386 = arith.mulf %bitcast3A_3384, %bitcast3A_3385 : vector<32xbf16>
      %add3A_3387 = arith.addf %add3A_3375, %mul3A_3386 : vector<32xbf16>
      %add3A_3388 = arith.constant 1 : i32
      %add3A_3389 = vector.broadcast %add3A_3388 : i32 to vector<16xi32>
      %add3A_3390 = arith.addi %and3A_3381, %add3A_3389 : vector<16xi32>
      %and3A_3391 = arith.constant 63 : i32
      %and3A_3392 = vector.broadcast %and3A_3391 : i32 to vector<16xi32>
      %and3A_3393 = arith.andi %add3A_3390, %and3A_3392 : vector<16xi32>
      %gather3A_3394 = tpu.vector_load_idx %arg8[%add3A_3306, %and3A_3393] : memref<320x64xi32, #tpu.memory_space<vmem>>[vector<16xi32>, vector<16xi32>], vector<16xi32>,
      %gather3A_3395 = tpu.vector_load_idx %arg9[%add3A_3306, %and3A_3393] : memref<320x64xi32, #tpu.memory_space<vmem>>[vector<16xi32>, vector<16xi32>], vector<16xi32>,
      %bitcast3A_3396 = vector.bitcast %gather3A_3394 : vector<16xi32> to vector<32xbf16>
      %bitcast3A_3397 = vector.bitcast %gather3A_3395 : vector<16xi32> to vector<32xbf16>
      %mul3A_3398 = arith.mulf %bitcast3A_3396, %bitcast3A_3397 : vector<32xbf16>
      %add3A_3399 = arith.addf %add3A_3387, %mul3A_3398 : vector<32xbf16>
      %add3A_3400 = arith.constant 1 : i32
      %add3A_3401 = vector.broadcast %add3A_3400 : i32 to vector<16xi32>
      %add3A_3402 = arith.addi %and3A_3393, %add3A_3401 : vector<16xi32>
      %and3A_3403 = arith.constant 63 : i32
      %and3A_3404 = vector.broadcast %and3A_3403 : i32 to vector<16xi32>
      %and3A_3405 = arith.andi %add3A_3402, %and3A_3404 : vector<16xi32>
      %gather3A_3406 = tpu.vector_load_idx %arg8[%add3A_3306, %and3A_3405] : memref<320x64xi32, #tpu.memory_space<vmem>>[vector<16xi32>, vector<16xi32>], vector<16xi32>,
      %gather3A_3407 = tpu.vector_load_idx %arg9[%add3A_3306, %and3A_3405] : memref<320x64xi32, #tpu.memory_space<vmem>>[vector<16xi32>, vector<16xi32>], vector<16xi32>,
      %bitcast3A_3408 = vector.bitcast %gather3A_3406 : vector<16xi32> to vector<32xbf16>
      %bitcast3A_3409 = vector.bitcast %gather3A_3407 : vector<16xi32> to vector<32xbf16>
      %mul3A_3410 = arith.mulf %bitcast3A_3408, %bitcast3A_3409 : vector<32xbf16>
      %add3A_3411 = arith.addf %add3A_3399, %mul3A_3410 : vector<32xbf16>
      %add3A_3412 = arith.constant 1 : i32
      %add3A_3413 = vector.broadcast %add3A_3412 : i32 to vector<16xi32>
      %add3A_3414 = arith.addi %and3A_3405, %add3A_3413 : vector<16xi32>
      %and3A_3415 = arith.constant 63 : i32
      %and3A_3416 = vector.broadcast %and3A_3415 : i32 to vector<16xi32>
      %and3A_3417 = arith.andi %add3A_3414, %and3A_3416 : vector<16xi32>
      %gather3A_3418 = tpu.vector_load_idx %arg8[%add3A_3306, %and3A_3417] : memref<320x64xi32, #tpu.memory_space<vmem>>[vector<16xi32>, vector<16xi32>], vector<16xi32>,
      %gather3A_3419 = tpu.vector_load_idx %arg9[%add3A_3306, %and3A_3417] : memref<320x64xi32, #tpu.memory_space<vmem>>[vector<16xi32>, vector<16xi32>], vector<16xi32>,
      %bitcast3A_3420 = vector.bitcast %gather3A_3418 : vector<16xi32> to vector<32xbf16>
      %bitcast3A_3421 = vector.bitcast %gather3A_3419 : vector<16xi32> to vector<32xbf16>
      %mul3A_3422 = arith.mulf %bitcast3A_3420, %bitcast3A_3421 : vector<32xbf16>
      %add3A_3423 = arith.addf %add3A_3411, %mul3A_3422 : vector<32xbf16>
      %add3A_3424 = arith.constant 1 : i32
      %add3A_3425 = vector.broadcast %add3A_3424 : i32 to vector<16xi32>
      %add3A_3426 = arith.addi %and3A_3417, %add3A_3425 : vector<16xi32>
      %and3A_3427 = arith.constant 63 : i32
      %and3A_3428 = vector.broadcast %and3A_3427 : i32 to vector<16xi32>
      %and3A_3429 = arith.andi %add3A_3426, %and3A_3428 : vector<16xi32>
      %gather3A_3430 = tpu.vector_load_idx %arg8[%add3A_3306, %and3A_3429] : memref<320x64xi32, #tpu.memory_space<vmem>>[vector<16xi32>, vector<16xi32>], vector<16xi32>,
      %gather3A_3431 = tpu.vector_load_idx %arg9[%add3A_3306, %and3A_3429] : memref<320x64xi32, #tpu.memory_space<vmem>>[vector<16xi32>, vector<16xi32>], vector<16xi32>,
      %bitcast3A_3432 = vector.bitcast %gather3A_3430 : vector<16xi32> to vector<32xbf16>
      %bitcast3A_3433 = vector.bitcast %gather3A_3431 : vector<16xi32> to vector<32xbf16>
      %mul3A_3434 = arith.mulf %bitcast3A_3432, %bitcast3A_3433 : vector<32xbf16>
      %add3A_3435 = arith.addf %add3A_3423, %mul3A_3434 : vector<32xbf16>
      %add3A_3436 = arith.constant 1 : i32
      %add3A_3437 = vector.broadcast %add3A_3436 : i32 to vector<16xi32>
      %add3A_3438 = arith.addi %and3A_3429, %add3A_3437 : vector<16xi32>
      %and3A_3439 = arith.constant 63 : i32
      %and3A_3440 = vector.broadcast %and3A_3439 : i32 to vector<16xi32>
      %and3A_3441 = arith.andi %add3A_3438, %and3A_3440 : vector<16xi32>
      %gather3A_3442 = tpu.vector_load_idx %arg8[%add3A_3306, %and3A_3441] : memref<320x64xi32, #tpu.memory_space<vmem>>[vector<16xi32>, vector<16xi32>], vector<16xi32>,
      %gather3A_3443 = tpu.vector_load_idx %arg9[%add3A_3306, %and3A_3441] : memref<320x64xi32, #tpu.memory_space<vmem>>[vector<16xi32>, vector<16xi32>], vector<16xi32>,
      %bitcast3A_3444 = vector.bitcast %gather3A_3442 : vector<16xi32> to vector<32xbf16>
      %bitcast3A_3445 = vector.bitcast %gather3A_3443 : vector<16xi32> to vector<32xbf16>
      %mul3A_3446 = arith.mulf %bitcast3A_3444, %bitcast3A_3445 : vector<32xbf16>
      %add3A_3447 = arith.addf %add3A_3435, %mul3A_3446 : vector<32xbf16>
      %add3A_3448 = arith.constant 1 : i32
      %add3A_3449 = vector.broadcast %add3A_3448 : i32 to vector<16xi32>
      %add3A_3450 = arith.addi %and3A_3441, %add3A_3449 : vector<16xi32>
      %and3A_3451 = arith.constant 63 : i32
      %and3A_3452 = vector.broadcast %and3A_3451 : i32 to vector<16xi32>
      %and3A_3453 = arith.andi %add3A_3450, %and3A_3452 : vector<16xi32>
      %gather3A_3454 = tpu.vector_load_idx %arg8[%add3A_3306, %and3A_3453] : memref<320x64xi32, #tpu.memory_space<vmem>>[vector<16xi32>, vector<16xi32>], vector<16xi32>,
      %gather3A_3455 = tpu.vector_load_idx %arg9[%add3A_3306, %and3A_3453] : memref<320x64xi32, #tpu.memory_space<vmem>>[vector<16xi32>, vector<16xi32>], vector<16xi32>,
      %bitcast3A_3456 = vector.bitcast %gather3A_3454 : vector<16xi32> to vector<32xbf16>
      %bitcast3A_3457 = vector.bitcast %gather3A_3455 : vector<16xi32> to vector<32xbf16>
      %mul3A_3458 = arith.mulf %bitcast3A_3456, %bitcast3A_3457 : vector<32xbf16>
      %add3A_3459 = arith.addf %add3A_3447, %mul3A_3458 : vector<32xbf16>
      %add3A_3460 = arith.constant 1 : i32
      %add3A_3461 = vector.broadcast %add3A_3460 : i32 to vector<16xi32>
      %add3A_3462 = arith.addi %and3A_3453, %add3A_3461 : vector<16xi32>
      %and3A_3463 = arith.constant 63 : i32
      %and3A_3464 = vector.broadcast %and3A_3463 : i32 to vector<16xi32>
      %and3A_3465 = arith.andi %add3A_3462, %and3A_3464 : vector<16xi32>
      %gather3A_3466 = tpu.vector_load_idx %arg8[%add3A_3306, %and3A_3465] : memref<320x64xi32, #tpu.memory_space<vmem>>[vector<16xi32>, vector<16xi32>], vector<16xi32>,
      %gather3A_3467 = tpu.vector_load_idx %arg9[%add3A_3306, %and3A_3465] : memref<320x64xi32, #tpu.memory_space<vmem>>[vector<16xi32>, vector<16xi32>], vector<16xi32>,
      %bitcast3A_3468 = vector.bitcast %gather3A_3466 : vector<16xi32> to vector<32xbf16>
      %bitcast3A_3469 = vector.bitcast %gather3A_3467 : vector<16xi32> to vector<32xbf16>
      %mul3A_3470 = arith.mulf %bitcast3A_3468, %bitcast3A_3469 : vector<32xbf16>
      %add3A_3471 = arith.addf %add3A_3459, %mul3A_3470 : vector<32xbf16>
      %add3A_3472 = arith.constant 1 : i32
      %add3A_3473 = vector.broadcast %add3A_3472 : i32 to vector<16xi32>
      %add3A_3474 = arith.addi %and3A_3465, %add3A_3473 : vector<16xi32>
      %and3A_3475 = arith.constant 63 : i32
      %and3A_3476 = vector.broadcast %and3A_3475 : i32 to vector<16xi32>
      %and3A_3477 = arith.andi %add3A_3474, %and3A_3476 : vector<16xi32>
      %gather3A_3478 = tpu.vector_load_idx %arg8[%add3A_3306, %and3A_3477] : memref<320x64xi32, #tpu.memory_space<vmem>>[vector<16xi32>, vector<16xi32>], vector<16xi32>,
      %gather3A_3479 = tpu.vector_load_idx %arg9[%add3A_3306, %and3A_3477] : memref<320x64xi32, #tpu.memory_space<vmem>>[vector<16xi32>, vector<16xi32>], vector<16xi32>,
      %bitcast3A_3480 = vector.bitcast %gather3A_3478 : vector<16xi32> to vector<32xbf16>
      %bitcast3A_3481 = vector.bitcast %gather3A_3479 : vector<16xi32> to vector<32xbf16>
      %mul3A_3482 = arith.mulf %bitcast3A_3480, %bitcast3A_3481 : vector<32xbf16>
      %add3A_3483 = arith.addf %add3A_3471, %mul3A_3482 : vector<32xbf16>
      %add3A_3484 = arith.constant 1 : i32
      %add3A_3485 = vector.broadcast %add3A_3484 : i32 to vector<16xi32>
      %add3A_3486 = arith.addi %and3A_3477, %add3A_3485 : vector<16xi32>
      %and3A_3487 = arith.constant 63 : i32
      %and3A_3488 = vector.broadcast %and3A_3487 : i32 to vector<16xi32>
      %and3A_3489 = arith.andi %add3A_3486, %and3A_3488 : vector<16xi32>
      %gather3A_3490 = tpu.vector_load_idx %arg8[%add3A_3306, %and3A_3489] : memref<320x64xi32, #tpu.memory_space<vmem>>[vector<16xi32>, vector<16xi32>], vector<16xi32>,
      %gather3A_3491 = tpu.vector_load_idx %arg9[%add3A_3306, %and3A_3489] : memref<320x64xi32, #tpu.memory_space<vmem>>[vector<16xi32>, vector<16xi32>], vector<16xi32>,
      %bitcast3A_3492 = vector.bitcast %gather3A_3490 : vector<16xi32> to vector<32xbf16>
      %bitcast3A_3493 = vector.bitcast %gather3A_3491 : vector<16xi32> to vector<32xbf16>
      %mul3A_3494 = arith.mulf %bitcast3A_3492, %bitcast3A_3493 : vector<32xbf16>
      %add3A_3495 = arith.addf %add3A_3483, %mul3A_3494 : vector<32xbf16>
      %add3A_3496 = arith.constant 1 : i32
      %add3A_3497 = vector.broadcast %add3A_3496 : i32 to vector<16xi32>
      %add3A_3498 = arith.addi %and3A_3489, %add3A_3497 : vector<16xi32>
      %and3A_3499 = arith.constant 63 : i32
      %and3A_3500 = vector.broadcast %and3A_3499 : i32 to vector<16xi32>
      %and3A_3501 = arith.andi %add3A_3498, %and3A_3500 : vector<16xi32>
      %gather3A_3502 = tpu.vector_load_idx %arg8[%add3A_3306, %and3A_3501] : memref<320x64xi32, #tpu.memory_space<vmem>>[vector<16xi32>, vector<16xi32>], vector<16xi32>,
      %gather3A_3503 = tpu.vector_load_idx %arg9[%add3A_3306, %and3A_3501] : memref<320x64xi32, #tpu.memory_space<vmem>>[vector<16xi32>, vector<16xi32>], vector<16xi32>,
      %bitcast3A_3504 = vector.bitcast %gather3A_3502 : vector<16xi32> to vector<32xbf16>
      %bitcast3A_3505 = vector.bitcast %gather3A_3503 : vector<16xi32> to vector<32xbf16>
      %mul3A_3506 = arith.mulf %bitcast3A_3504, %bitcast3A_3505 : vector<32xbf16>
      %add3A_3507 = arith.addf %add3A_3495, %mul3A_3506 : vector<32xbf16>
      %add3A_3508 = arith.constant 1 : i32
      %add3A_3509 = vector.broadcast %add3A_3508 : i32 to vector<16xi32>
      %add3A_3510 = arith.addi %and3A_3501, %add3A_3509 : vector<16xi32>
      %and3A_3511 = arith.constant 63 : i32
      %and3A_3512 = vector.broadcast %and3A_3511 : i32 to vector<16xi32>
      %and3A_3513 = arith.andi %add3A_3510, %and3A_3512 : vector<16xi32>
      %gather3A_3514 = tpu.vector_load_idx %arg8[%add3A_3306, %and3A_3513] : memref<320x64xi32, #tpu.memory_space<vmem>>[vector<16xi32>, vector<16xi32>], vector<16xi32>,
      %gather3A_3515 = tpu.vector_load_idx %arg9[%add3A_3306, %and3A_3513] : memref<320x64xi32, #tpu.memory_space<vmem>>[vector<16xi32>, vector<16xi32>], vector<16xi32>,
      %bitcast3A_3516 = vector.bitcast %gather3A_3514 : vector<16xi32> to vector<32xbf16>
      %bitcast3A_3517 = vector.bitcast %gather3A_3515 : vector<16xi32> to vector<32xbf16>
      %mul3A_3518 = arith.mulf %bitcast3A_3516, %bitcast3A_3517 : vector<32xbf16>
      %add3A_3519 = arith.addf %add3A_3507, %mul3A_3518 : vector<32xbf16>
      %add3A_3520 = arith.constant 1 : i32
      %add3A_3521 = vector.broadcast %add3A_3520 : i32 to vector<16xi32>
      %add3A_3522 = arith.addi %and3A_3513, %add3A_3521 : vector<16xi32>
      %and3A_3523 = arith.constant 63 : i32
      %and3A_3524 = vector.broadcast %and3A_3523 : i32 to vector<16xi32>
      %and3A_3525 = arith.andi %add3A_3522, %and3A_3524 : vector<16xi32>
      %gather3A_3526 = tpu.vector_load_idx %arg8[%add3A_3306, %and3A_3525] : memref<320x64xi32, #tpu.memory_space<vmem>>[vector<16xi32>, vector<16xi32>], vector<16xi32>,
      %gather3A_3527 = tpu.vector_load_idx %arg9[%add3A_3306, %and3A_3525] : memref<320x64xi32, #tpu.memory_space<vmem>>[vector<16xi32>, vector<16xi32>], vector<16xi32>,
      %bitcast3A_3528 = vector.bitcast %gather3A_3526 : vector<16xi32> to vector<32xbf16>
      %bitcast3A_3529 = vector.bitcast %gather3A_3527 : vector<16xi32> to vector<32xbf16>
      %mul3A_3530 = arith.mulf %bitcast3A_3528, %bitcast3A_3529 : vector<32xbf16>
      %add3A_3531 = arith.addf %add3A_3519, %mul3A_3530 : vector<32xbf16>
      %add3A_3532 = arith.constant 1 : i32
      %add3A_3533 = vector.broadcast %add3A_3532 : i32 to vector<16xi32>
      %add3A_3534 = arith.addi %and3A_3525, %add3A_3533 : vector<16xi32>
      %and3A_3535 = arith.constant 63 : i32
      %and3A_3536 = vector.broadcast %and3A_3535 : i32 to vector<16xi32>
      %and3A_3537 = arith.andi %add3A_3534, %and3A_3536 : vector<16xi32>
      %gather3A_3538 = tpu.vector_load_idx %arg8[%add3A_3306, %and3A_3537] : memref<320x64xi32, #tpu.memory_space<vmem>>[vector<16xi32>, vector<16xi32>], vector<16xi32>,
      %gather3A_3539 = tpu.vector_load_idx %arg9[%add3A_3306, %and3A_3537] : memref<320x64xi32, #tpu.memory_space<vmem>>[vector<16xi32>, vector<16xi32>], vector<16xi32>,
      %bitcast3A_3540 = vector.bitcast %gather3A_3538 : vector<16xi32> to vector<32xbf16>
      %bitcast3A_3541 = vector.bitcast %gather3A_3539 : vector<16xi32> to vector<32xbf16>
      %mul3A_3542 = arith.mulf %bitcast3A_3540, %bitcast3A_3541 : vector<32xbf16>
      %add3A_3543 = arith.addf %add3A_3531, %mul3A_3542 : vector<32xbf16>
      %add3A_3544 = arith.constant 1 : i32
      %add3A_3545 = vector.broadcast %add3A_3544 : i32 to vector<16xi32>
      %add3A_3546 = arith.addi %and3A_3537, %add3A_3545 : vector<16xi32>
      %and3A_3547 = arith.constant 63 : i32
      %and3A_3548 = vector.broadcast %and3A_3547 : i32 to vector<16xi32>
      %and3A_3549 = arith.andi %add3A_3546, %and3A_3548 : vector<16xi32>
      %gather3A_3550 = tpu.vector_load_idx %arg8[%add3A_3306, %and3A_3549] : memref<320x64xi32, #tpu.memory_space<vmem>>[vector<16xi32>, vector<16xi32>], vector<16xi32>,
      %gather3A_3551 = tpu.vector_load_idx %arg9[%add3A_3306, %and3A_3549] : memref<320x64xi32, #tpu.memory_space<vmem>>[vector<16xi32>, vector<16xi32>], vector<16xi32>,
      %bitcast3A_3552 = vector.bitcast %gather3A_3550 : vector<16xi32> to vector<32xbf16>
      %bitcast3A_3553 = vector.bitcast %gather3A_3551 : vector<16xi32> to vector<32xbf16>
      %mul3A_3554 = arith.mulf %bitcast3A_3552, %bitcast3A_3553 : vector<32xbf16>
      %add3A_3555 = arith.addf %add3A_3543, %mul3A_3554 : vector<32xbf16>
      %add3A_3556 = arith.constant 1 : i32
      %add3A_3557 = vector.broadcast %add3A_3556 : i32 to vector<16xi32>
      %add3A_3558 = arith.addi %and3A_3549, %add3A_3557 : vector<16xi32>
      %and3A_3559 = arith.constant 63 : i32
      %and3A_3560 = vector.broadcast %and3A_3559 : i32 to vector<16xi32>
      %and3A_3561 = arith.andi %add3A_3558, %and3A_3560 : vector<16xi32>
      %gather3A_3562 = tpu.vector_load_idx %arg8[%add3A_3306, %and3A_3561] : memref<320x64xi32, #tpu.memory_space<vmem>>[vector<16xi32>, vector<16xi32>], vector<16xi32>,
      %gather3A_3563 = tpu.vector_load_idx %arg9[%add3A_3306, %and3A_3561] : memref<320x64xi32, #tpu.memory_space<vmem>>[vector<16xi32>, vector<16xi32>], vector<16xi32>,
      %bitcast3A_3564 = vector.bitcast %gather3A_3562 : vector<16xi32> to vector<32xbf16>
      %bitcast3A_3565 = vector.bitcast %gather3A_3563 : vector<16xi32> to vector<32xbf16>
      %mul3A_3566 = arith.mulf %bitcast3A_3564, %bitcast3A_3565 : vector<32xbf16>
      %add3A_3567 = arith.addf %add3A_3555, %mul3A_3566 : vector<32xbf16>
      %add3A_3568 = arith.constant 1 : i32
      %add3A_3569 = vector.broadcast %add3A_3568 : i32 to vector<16xi32>
      %add3A_3570 = arith.addi %and3A_3561, %add3A_3569 : vector<16xi32>
      %and3A_3571 = arith.constant 63 : i32
      %and3A_3572 = vector.broadcast %and3A_3571 : i32 to vector<16xi32>
      %and3A_3573 = arith.andi %add3A_3570, %and3A_3572 : vector<16xi32>
      %gather3A_3574 = tpu.vector_load_idx %arg8[%add3A_3306, %and3A_3573] : memref<320x64xi32, #tpu.memory_space<vmem>>[vector<16xi32>, vector<16xi32>], vector<16xi32>,
      %gather3A_3575 = tpu.vector_load_idx %arg9[%add3A_3306, %and3A_3573] : memref<320x64xi32, #tpu.memory_space<vmem>>[vector<16xi32>, vector<16xi32>], vector<16xi32>,
      %bitcast3A_3576 = vector.bitcast %gather3A_3574 : vector<16xi32> to vector<32xbf16>
      %bitcast3A_3577 = vector.bitcast %gather3A_3575 : vector<16xi32> to vector<32xbf16>
      %mul3A_3578 = arith.mulf %bitcast3A_3576, %bitcast3A_3577 : vector<32xbf16>
      %add3A_3579 = arith.addf %add3A_3567, %mul3A_3578 : vector<32xbf16>
      %add3A_3580 = arith.constant 1 : i32
      %add3A_3581 = vector.broadcast %add3A_3580 : i32 to vector<16xi32>
      %add3A_3582 = arith.addi %and3A_3573, %add3A_3581 : vector<16xi32>
      %and3A_3583 = arith.constant 63 : i32
      %and3A_3584 = vector.broadcast %and3A_3583 : i32 to vector<16xi32>
      %and3A_3585 = arith.andi %add3A_3582, %and3A_3584 : vector<16xi32>
      %gather3A_3586 = tpu.vector_load_idx %arg8[%add3A_3306, %and3A_3585] : memref<320x64xi32, #tpu.memory_space<vmem>>[vector<16xi32>, vector<16xi32>], vector<16xi32>,
      %gather3A_3587 = tpu.vector_load_idx %arg9[%add3A_3306, %and3A_3585] : memref<320x64xi32, #tpu.memory_space<vmem>>[vector<16xi32>, vector<16xi32>], vector<16xi32>,
      %bitcast3A_3588 = vector.bitcast %gather3A_3586 : vector<16xi32> to vector<32xbf16>
      %bitcast3A_3589 = vector.bitcast %gather3A_3587 : vector<16xi32> to vector<32xbf16>
      %mul3A_3590 = arith.mulf %bitcast3A_3588, %bitcast3A_3589 : vector<32xbf16>
      %add3A_3591 = arith.addf %add3A_3579, %mul3A_3590 : vector<32xbf16>
      %add3A_3592 = arith.constant 1 : i32
      %add3A_3593 = vector.broadcast %add3A_3592 : i32 to vector<16xi32>
      %add3A_3594 = arith.addi %and3A_3585, %add3A_3593 : vector<16xi32>
      %and3A_3595 = arith.constant 63 : i32
      %and3A_3596 = vector.broadcast %and3A_3595 : i32 to vector<16xi32>
      %and3A_3597 = arith.andi %add3A_3594, %and3A_3596 : vector<16xi32>
      %gather3A_3598 = tpu.vector_load_idx %arg8[%add3A_3306, %and3A_3597] : memref<320x64xi32, #tpu.memory_space<vmem>>[vector<16xi32>, vector<16xi32>], vector<16xi32>,
      %gather3A_3599 = tpu.vector_load_idx %arg9[%add3A_3306, %and3A_3597] : memref<320x64xi32, #tpu.memory_space<vmem>>[vector<16xi32>, vector<16xi32>], vector<16xi32>,
      %bitcast3A_3600 = vector.bitcast %gather3A_3598 : vector<16xi32> to vector<32xbf16>
      %bitcast3A_3601 = vector.bitcast %gather3A_3599 : vector<16xi32> to vector<32xbf16>
      %mul3A_3602 = arith.mulf %bitcast3A_3600, %bitcast3A_3601 : vector<32xbf16>
      %add3A_3603 = arith.addf %add3A_3591, %mul3A_3602 : vector<32xbf16>
      %add3A_3604 = arith.constant 1 : i32
      %add3A_3605 = vector.broadcast %add3A_3604 : i32 to vector<16xi32>
      %add3A_3606 = arith.addi %and3A_3597, %add3A_3605 : vector<16xi32>
      %and3A_3607 = arith.constant 63 : i32
      %and3A_3608 = vector.broadcast %and3A_3607 : i32 to vector<16xi32>
      %and3A_3609 = arith.andi %add3A_3606, %and3A_3608 : vector<16xi32>
      %gather3A_3610 = tpu.vector_load_idx %arg8[%add3A_3306, %and3A_3609] : memref<320x64xi32, #tpu.memory_space<vmem>>[vector<16xi32>, vector<16xi32>], vector<16xi32>,
      %gather3A_3611 = tpu.vector_load_idx %arg9[%add3A_3306, %and3A_3609] : memref<320x64xi32, #tpu.memory_space<vmem>>[vector<16xi32>, vector<16xi32>], vector<16xi32>,
      %bitcast3A_3612 = vector.bitcast %gather3A_3610 : vector<16xi32> to vector<32xbf16>
      %bitcast3A_3613 = vector.bitcast %gather3A_3611 : vector<16xi32> to vector<32xbf16>
      %mul3A_3614 = arith.mulf %bitcast3A_3612, %bitcast3A_3613 : vector<32xbf16>
      %add3A_3615 = arith.addf %add3A_3603, %mul3A_3614 : vector<32xbf16>
      %add3A_3616 = arith.constant 1 : i32
      %add3A_3617 = vector.broadcast %add3A_3616 : i32 to vector<16xi32>
      %add3A_3618 = arith.addi %and3A_3609, %add3A_3617 : vector<16xi32>
      %and3A_3619 = arith.constant 63 : i32
      %and3A_3620 = vector.broadcast %and3A_3619 : i32 to vector<16xi32>
      %and3A_3621 = arith.andi %add3A_3618, %and3A_3620 : vector<16xi32>
      %gather3A_3622 = tpu.vector_load_idx %arg8[%add3A_3306, %and3A_3621] : memref<320x64xi32, #tpu.memory_space<vmem>>[vector<16xi32>, vector<16xi32>], vector<16xi32>,
      %gather3A_3623 = tpu.vector_load_idx %arg9[%add3A_3306, %and3A_3621] : memref<320x64xi32, #tpu.memory_space<vmem>>[vector<16xi32>, vector<16xi32>], vector<16xi32>,
      %bitcast3A_3624 = vector.bitcast %gather3A_3622 : vector<16xi32> to vector<32xbf16>
      %bitcast3A_3625 = vector.bitcast %gather3A_3623 : vector<16xi32> to vector<32xbf16>
      %mul3A_3626 = arith.mulf %bitcast3A_3624, %bitcast3A_3625 : vector<32xbf16>
      %add3A_3627 = arith.addf %add3A_3615, %mul3A_3626 : vector<32xbf16>
      %add3A_3628 = arith.constant 1 : i32
      %add3A_3629 = vector.broadcast %add3A_3628 : i32 to vector<16xi32>
      %add3A_3630 = arith.addi %and3A_3621, %add3A_3629 : vector<16xi32>
      %and3A_3631 = arith.constant 63 : i32
      %and3A_3632 = vector.broadcast %and3A_3631 : i32 to vector<16xi32>
      %and3A_3633 = arith.andi %add3A_3630, %and3A_3632 : vector<16xi32>
      %gather3A_3634 = tpu.vector_load_idx %arg8[%add3A_3306, %and3A_3633] : memref<320x64xi32, #tpu.memory_space<vmem>>[vector<16xi32>, vector<16xi32>], vector<16xi32>,
      %gather3A_3635 = tpu.vector_load_idx %arg9[%add3A_3306, %and3A_3633] : memref<320x64xi32, #tpu.memory_space<vmem>>[vector<16xi32>, vector<16xi32>], vector<16xi32>,
      %bitcast3A_3636 = vector.bitcast %gather3A_3634 : vector<16xi32> to vector<32xbf16>
      %bitcast3A_3637 = vector.bitcast %gather3A_3635 : vector<16xi32> to vector<32xbf16>
      %mul3A_3638 = arith.mulf %bitcast3A_3636, %bitcast3A_3637 : vector<32xbf16>
      %add3A_3639 = arith.addf %add3A_3627, %mul3A_3638 : vector<32xbf16>
      %add3A_3640 = arith.constant 1 : i32
      %add3A_3641 = vector.broadcast %add3A_3640 : i32 to vector<16xi32>
      %add3A_3642 = arith.addi %and3A_3633, %add3A_3641 : vector<16xi32>
      %and3A_3643 = arith.constant 63 : i32
      %and3A_3644 = vector.broadcast %and3A_3643 : i32 to vector<16xi32>
      %and3A_3645 = arith.andi %add3A_3642, %and3A_3644 : vector<16xi32>
      %gather3A_3646 = tpu.vector_load_idx %arg8[%add3A_3306, %and3A_3645] : memref<320x64xi32, #tpu.memory_space<vmem>>[vector<16xi32>, vector<16xi32>], vector<16xi32>,
      %gather3A_3647 = tpu.vector_load_idx %arg9[%add3A_3306, %and3A_3645] : memref<320x64xi32, #tpu.memory_space<vmem>>[vector<16xi32>, vector<16xi32>], vector<16xi32>,
      %bitcast3A_3648 = vector.bitcast %gather3A_3646 : vector<16xi32> to vector<32xbf16>
      %bitcast3A_3649 = vector.bitcast %gather3A_3647 : vector<16xi32> to vector<32xbf16>
      %mul3A_3650 = arith.mulf %bitcast3A_3648, %bitcast3A_3649 : vector<32xbf16>
      %add3A_3651 = arith.addf %add3A_3639, %mul3A_3650 : vector<32xbf16>
      %add3A_3652 = arith.constant 1 : i32
      %add3A_3653 = vector.broadcast %add3A_3652 : i32 to vector<16xi32>
      %add3A_3654 = arith.addi %and3A_3645, %add3A_3653 : vector<16xi32>
      %and3A_3655 = arith.constant 63 : i32
      %and3A_3656 = vector.broadcast %and3A_3655 : i32 to vector<16xi32>
      %and3A_3657 = arith.andi %add3A_3654, %and3A_3656 : vector<16xi32>
      %gather3A_3658 = tpu.vector_load_idx %arg8[%add3A_3306, %and3A_3657] : memref<320x64xi32, #tpu.memory_space<vmem>>[vector<16xi32>, vector<16xi32>], vector<16xi32>,
      %gather3A_3659 = tpu.vector_load_idx %arg9[%add3A_3306, %and3A_3657] : memref<320x64xi32, #tpu.memory_space<vmem>>[vector<16xi32>, vector<16xi32>], vector<16xi32>,
      %bitcast3A_3660 = vector.bitcast %gather3A_3658 : vector<16xi32> to vector<32xbf16>
      %bitcast3A_3661 = vector.bitcast %gather3A_3659 : vector<16xi32> to vector<32xbf16>
      %mul3A_3662 = arith.mulf %bitcast3A_3660, %bitcast3A_3661 : vector<32xbf16>
      %add3A_3663 = arith.addf %add3A_3651, %mul3A_3662 : vector<32xbf16>
      %add3A_3664 = arith.constant 1 : i32
      %add3A_3665 = vector.broadcast %add3A_3664 : i32 to vector<16xi32>
      %add3A_3666 = arith.addi %and3A_3657, %add3A_3665 : vector<16xi32>
      %and3A_3667 = arith.constant 63 : i32
      %and3A_3668 = vector.broadcast %and3A_3667 : i32 to vector<16xi32>
      %and3A_3669 = arith.andi %add3A_3666, %and3A_3668 : vector<16xi32>
      %gather3A_3670 = tpu.vector_load_idx %arg8[%add3A_3306, %and3A_3669] : memref<320x64xi32, #tpu.memory_space<vmem>>[vector<16xi32>, vector<16xi32>], vector<16xi32>,
      %gather3A_3671 = tpu.vector_load_idx %arg9[%add3A_3306, %and3A_3669] : memref<320x64xi32, #tpu.memory_space<vmem>>[vector<16xi32>, vector<16xi32>], vector<16xi32>,
      %bitcast3A_3672 = vector.bitcast %gather3A_3670 : vector<16xi32> to vector<32xbf16>
      %bitcast3A_3673 = vector.bitcast %gather3A_3671 : vector<16xi32> to vector<32xbf16>
      %mul3A_3674 = arith.mulf %bitcast3A_3672, %bitcast3A_3673 : vector<32xbf16>
      %add3A_3675 = arith.addf %add3A_3663, %mul3A_3674 : vector<32xbf16>
      %add3A_3676 = arith.constant 1 : i32
      %add3A_3677 = vector.broadcast %add3A_3676 : i32 to vector<16xi32>
      %add3A_3678 = arith.addi %and3A_3669, %add3A_3677 : vector<16xi32>
      %and3A_3679 = arith.constant 63 : i32
      %and3A_3680 = vector.broadcast %and3A_3679 : i32 to vector<16xi32>
      %and3A_3681 = arith.andi %add3A_3678, %and3A_3680 : vector<16xi32>
      %gather3A_3682 = tpu.vector_load_idx %arg8[%add3A_3306, %and3A_3681] : memref<320x64xi32, #tpu.memory_space<vmem>>[vector<16xi32>, vector<16xi32>], vector<16xi32>,
      %gather3A_3683 = tpu.vector_load_idx %arg9[%add3A_3306, %and3A_3681] : memref<320x64xi32, #tpu.memory_space<vmem>>[vector<16xi32>, vector<16xi32>], vector<16xi32>,
      %bitcast3A_3684 = vector.bitcast %gather3A_3682 : vector<16xi32> to vector<32xbf16>
      %bitcast3A_3685 = vector.bitcast %gather3A_3683 : vector<16xi32> to vector<32xbf16>
      %mul3A_3686 = arith.mulf %bitcast3A_3684, %bitcast3A_3685 : vector<32xbf16>
      %add3A_3687 = arith.addf %add3A_3675, %mul3A_3686 : vector<32xbf16>
      %add3A_3688 = arith.constant 1 : i32
      %add3A_3689 = vector.broadcast %add3A_3688 : i32 to vector<16xi32>
      %add3A_3690 = arith.addi %and3A_3681, %add3A_3689 : vector<16xi32>
      %and3A_3691 = arith.constant 63 : i32
      %and3A_3692 = vector.broadcast %and3A_3691 : i32 to vector<16xi32>
      %and3A_3693 = arith.andi %add3A_3690, %and3A_3692 : vector<16xi32>
      %gather3A_3694 = tpu.vector_load_idx %arg8[%add3A_3306, %and3A_3693] : memref<320x64xi32, #tpu.memory_space<vmem>>[vector<16xi32>, vector<16xi32>], vector<16xi32>,
      %gather3A_3695 = tpu.vector_load_idx %arg9[%add3A_3306, %and3A_3693] : memref<320x64xi32, #tpu.memory_space<vmem>>[vector<16xi32>, vector<16xi32>], vector<16xi32>,
      %bitcast3A_3696 = vector.bitcast %gather3A_3694 : vector<16xi32> to vector<32xbf16>
      %bitcast3A_3697 = vector.bitcast %gather3A_3695 : vector<16xi32> to vector<32xbf16>
      %mul3A_3698 = arith.mulf %bitcast3A_3696, %bitcast3A_3697 : vector<32xbf16>
      %add3A_3699 = arith.addf %add3A_3687, %mul3A_3698 : vector<32xbf16>
      %add3A_3700 = arith.constant 1 : i32
      %add3A_3701 = vector.broadcast %add3A_3700 : i32 to vector<16xi32>
      %add3A_3702 = arith.addi %and3A_3693, %add3A_3701 : vector<16xi32>
      %and3A_3703 = arith.constant 63 : i32
      %and3A_3704 = vector.broadcast %and3A_3703 : i32 to vector<16xi32>
      %and3A_3705 = arith.andi %add3A_3702, %and3A_3704 : vector<16xi32>
      %gather3A_3706 = tpu.vector_load_idx %arg8[%add3A_3306, %and3A_3705] : memref<320x64xi32, #tpu.memory_space<vmem>>[vector<16xi32>, vector<16xi32>], vector<16xi32>,
      %gather3A_3707 = tpu.vector_load_idx %arg9[%add3A_3306, %and3A_3705] : memref<320x64xi32, #tpu.memory_space<vmem>>[vector<16xi32>, vector<16xi32>], vector<16xi32>,
      %bitcast3A_3708 = vector.bitcast %gather3A_3706 : vector<16xi32> to vector<32xbf16>
      %bitcast3A_3709 = vector.bitcast %gather3A_3707 : vector<16xi32> to vector<32xbf16>
      %mul3A_3710 = arith.mulf %bitcast3A_3708, %bitcast3A_3709 : vector<32xbf16>
      %add3A_3711 = arith.addf %add3A_3699, %mul3A_3710 : vector<32xbf16>
      %add3A_3712 = arith.constant 1 : i32
      %add3A_3713 = vector.broadcast %add3A_3712 : i32 to vector<16xi32>
      %add3A_3714 = arith.addi %and3A_3705, %add3A_3713 : vector<16xi32>
      %and3A_3715 = arith.constant 63 : i32
      %and3A_3716 = vector.broadcast %and3A_3715 : i32 to vector<16xi32>
      %and3A_3717 = arith.andi %add3A_3714, %and3A_3716 : vector<16xi32>
      %gather3A_3718 = tpu.vector_load_idx %arg8[%add3A_3306, %and3A_3717] : memref<320x64xi32, #tpu.memory_space<vmem>>[vector<16xi32>, vector<16xi32>], vector<16xi32>,
      %gather3A_3719 = tpu.vector_load_idx %arg9[%add3A_3306, %and3A_3717] : memref<320x64xi32, #tpu.memory_space<vmem>>[vector<16xi32>, vector<16xi32>], vector<16xi32>,
      %bitcast3A_3720 = vector.bitcast %gather3A_3718 : vector<16xi32> to vector<32xbf16>
      %bitcast3A_3721 = vector.bitcast %gather3A_3719 : vector<16xi32> to vector<32xbf16>
      %mul3A_3722 = arith.mulf %bitcast3A_3720, %bitcast3A_3721 : vector<32xbf16>
      %add3A_3723 = arith.addf %add3A_3711, %mul3A_3722 : vector<32xbf16>
      %add3A_3724 = arith.constant 1 : i32
      %add3A_3725 = vector.broadcast %add3A_3724 : i32 to vector<16xi32>
      %add3A_3726 = arith.addi %and3A_3717, %add3A_3725 : vector<16xi32>
      %and3A_3727 = arith.constant 63 : i32
      %and3A_3728 = vector.broadcast %and3A_3727 : i32 to vector<16xi32>
      %and3A_3729 = arith.andi %add3A_3726, %and3A_3728 : vector<16xi32>
      %gather3A_3730 = tpu.vector_load_idx %arg8[%add3A_3306, %and3A_3729] : memref<320x64xi32, #tpu.memory_space<vmem>>[vector<16xi32>, vector<16xi32>], vector<16xi32>,
      %gather3A_3731 = tpu.vector_load_idx %arg9[%add3A_3306, %and3A_3729] : memref<320x64xi32, #tpu.memory_space<vmem>>[vector<16xi32>, vector<16xi32>], vector<16xi32>,
      %bitcast3A_3732 = vector.bitcast %gather3A_3730 : vector<16xi32> to vector<32xbf16>
      %bitcast3A_3733 = vector.bitcast %gather3A_3731 : vector<16xi32> to vector<32xbf16>
      %mul3A_3734 = arith.mulf %bitcast3A_3732, %bitcast3A_3733 : vector<32xbf16>
      %add3A_3735 = arith.addf %add3A_3723, %mul3A_3734 : vector<32xbf16>
      %add3A_3736 = arith.constant 1 : i32
      %add3A_3737 = vector.broadcast %add3A_3736 : i32 to vector<16xi32>
      %add3A_3738 = arith.addi %and3A_3729, %add3A_3737 : vector<16xi32>
      %and3A_3739 = arith.constant 63 : i32
      %and3A_3740 = vector.broadcast %and3A_3739 : i32 to vector<16xi32>
      %and3A_3741 = arith.andi %add3A_3738, %and3A_3740 : vector<16xi32>
      %gather3A_3742 = tpu.vector_load_idx %arg8[%add3A_3306, %and3A_3741] : memref<320x64xi32, #tpu.memory_space<vmem>>[vector<16xi32>, vector<16xi32>], vector<16xi32>,
      %gather3A_3743 = tpu.vector_load_idx %arg9[%add3A_3306, %and3A_3741] : memref<320x64xi32, #tpu.memory_space<vmem>>[vector<16xi32>, vector<16xi32>], vector<16xi32>,
      %bitcast3A_3744 = vector.bitcast %gather3A_3742 : vector<16xi32> to vector<32xbf16>
      %bitcast3A_3745 = vector.bitcast %gather3A_3743 : vector<16xi32> to vector<32xbf16>
      %mul3A_3746 = arith.mulf %bitcast3A_3744, %bitcast3A_3745 : vector<32xbf16>
      %add3A_3747 = arith.addf %add3A_3735, %mul3A_3746 : vector<32xbf16>
      %add3A_3748 = arith.constant 1 : i32
      %add3A_3749 = vector.broadcast %add3A_3748 : i32 to vector<16xi32>
      %add3A_3750 = arith.addi %and3A_3741, %add3A_3749 : vector<16xi32>
      %and3A_3751 = arith.constant 63 : i32
      %and3A_3752 = vector.broadcast %and3A_3751 : i32 to vector<16xi32>
      %and3A_3753 = arith.andi %add3A_3750, %and3A_3752 : vector<16xi32>
      %gather3A_3754 = tpu.vector_load_idx %arg8[%add3A_3306, %and3A_3753] : memref<320x64xi32, #tpu.memory_space<vmem>>[vector<16xi32>, vector<16xi32>], vector<16xi32>,
      %gather3A_3755 = tpu.vector_load_idx %arg9[%add3A_3306, %and3A_3753] : memref<320x64xi32, #tpu.memory_space<vmem>>[vector<16xi32>, vector<16xi32>], vector<16xi32>,
      %bitcast3A_3756 = vector.bitcast %gather3A_3754 : vector<16xi32> to vector<32xbf16>
      %bitcast3A_3757 = vector.bitcast %gather3A_3755 : vector<16xi32> to vector<32xbf16>
      %mul3A_3758 = arith.mulf %bitcast3A_3756, %bitcast3A_3757 : vector<32xbf16>
      %add3A_3759 = arith.addf %add3A_3747, %mul3A_3758 : vector<32xbf16>
      %add3A_3760 = arith.constant 1 : i32
      %add3A_3761 = vector.broadcast %add3A_3760 : i32 to vector<16xi32>
      %add3A_3762 = arith.addi %and3A_3753, %add3A_3761 : vector<16xi32>
      %and3A_3763 = arith.constant 63 : i32
      %and3A_3764 = vector.broadcast %and3A_3763 : i32 to vector<16xi32>
      %and3A_3765 = arith.andi %add3A_3762, %and3A_3764 : vector<16xi32>
      %gather3A_3766 = tpu.vector_load_idx %arg8[%add3A_3306, %and3A_3765] : memref<320x64xi32, #tpu.memory_space<vmem>>[vector<16xi32>, vector<16xi32>], vector<16xi32>,
      %gather3A_3767 = tpu.vector_load_idx %arg9[%add3A_3306, %and3A_3765] : memref<320x64xi32, #tpu.memory_space<vmem>>[vector<16xi32>, vector<16xi32>], vector<16xi32>,
      %bitcast3A_3768 = vector.bitcast %gather3A_3766 : vector<16xi32> to vector<32xbf16>
      %bitcast3A_3769 = vector.bitcast %gather3A_3767 : vector<16xi32> to vector<32xbf16>
      %mul3A_3770 = arith.mulf %bitcast3A_3768, %bitcast3A_3769 : vector<32xbf16>
      %add3A_3771 = arith.addf %add3A_3759, %mul3A_3770 : vector<32xbf16>
      %add3A_3772 = arith.constant 1 : i32
      %add3A_3773 = vector.broadcast %add3A_3772 : i32 to vector<16xi32>
      %add3A_3774 = arith.addi %and3A_3765, %add3A_3773 : vector<16xi32>
      %and3A_3775 = arith.constant 63 : i32
      %and3A_3776 = vector.broadcast %and3A_3775 : i32 to vector<16xi32>
      %and3A_3777 = arith.andi %add3A_3774, %and3A_3776 : vector<16xi32>
      %gather3A_3778 = tpu.vector_load_idx %arg8[%add3A_3306, %and3A_3777] : memref<320x64xi32, #tpu.memory_space<vmem>>[vector<16xi32>, vector<16xi32>], vector<16xi32>,
      %gather3A_3779 = tpu.vector_load_idx %arg9[%add3A_3306, %and3A_3777] : memref<320x64xi32, #tpu.memory_space<vmem>>[vector<16xi32>, vector<16xi32>], vector<16xi32>,
      %bitcast3A_3780 = vector.bitcast %gather3A_3778 : vector<16xi32> to vector<32xbf16>
      %bitcast3A_3781 = vector.bitcast %gather3A_3779 : vector<16xi32> to vector<32xbf16>
      %mul3A_3782 = arith.mulf %bitcast3A_3780, %bitcast3A_3781 : vector<32xbf16>
      %add3A_3783 = arith.addf %add3A_3771, %mul3A_3782 : vector<32xbf16>
      %add3A_3784 = arith.constant 1 : i32
      %add3A_3785 = vector.broadcast %add3A_3784 : i32 to vector<16xi32>
      %add3A_3786 = arith.addi %and3A_3777, %add3A_3785 : vector<16xi32>
      %and3A_3787 = arith.constant 63 : i32
      %and3A_3788 = vector.broadcast %and3A_3787 : i32 to vector<16xi32>
      %and3A_3789 = arith.andi %add3A_3786, %and3A_3788 : vector<16xi32>
      %gather3A_3790 = tpu.vector_load_idx %arg8[%add3A_3306, %and3A_3789] : memref<320x64xi32, #tpu.memory_space<vmem>>[vector<16xi32>, vector<16xi32>], vector<16xi32>,
      %gather3A_3791 = tpu.vector_load_idx %arg9[%add3A_3306, %and3A_3789] : memref<320x64xi32, #tpu.memory_space<vmem>>[vector<16xi32>, vector<16xi32>], vector<16xi32>,
      %bitcast3A_3792 = vector.bitcast %gather3A_3790 : vector<16xi32> to vector<32xbf16>
      %bitcast3A_3793 = vector.bitcast %gather3A_3791 : vector<16xi32> to vector<32xbf16>
      %mul3A_3794 = arith.mulf %bitcast3A_3792, %bitcast3A_3793 : vector<32xbf16>
      %add3A_3795 = arith.addf %add3A_3783, %mul3A_3794 : vector<32xbf16>
      %add3A_3796 = arith.constant 1 : i32
      %add3A_3797 = vector.broadcast %add3A_3796 : i32 to vector<16xi32>
      %add3A_3798 = arith.addi %and3A_3789, %add3A_3797 : vector<16xi32>
      %and3A_3799 = arith.constant 63 : i32
      %and3A_3800 = vector.broadcast %and3A_3799 : i32 to vector<16xi32>
      %and3A_3801 = arith.andi %add3A_3798, %and3A_3800 : vector<16xi32>
      %gather3A_3802 = tpu.vector_load_idx %arg8[%add3A_3306, %and3A_3801] : memref<320x64xi32, #tpu.memory_space<vmem>>[vector<16xi32>, vector<16xi32>], vector<16xi32>,
      %gather3A_3803 = tpu.vector_load_idx %arg9[%add3A_3306, %and3A_3801] : memref<320x64xi32, #tpu.memory_space<vmem>>[vector<16xi32>, vector<16xi32>], vector<16xi32>,
      %bitcast3A_3804 = vector.bitcast %gather3A_3802 : vector<16xi32> to vector<32xbf16>
      %bitcast3A_3805 = vector.bitcast %gather3A_3803 : vector<16xi32> to vector<32xbf16>
      %mul3A_3806 = arith.mulf %bitcast3A_3804, %bitcast3A_3805 : vector<32xbf16>
      %add3A_3807 = arith.addf %add3A_3795, %mul3A_3806 : vector<32xbf16>
      %add3A_3808 = arith.constant 1 : i32
      %add3A_3809 = vector.broadcast %add3A_3808 : i32 to vector<16xi32>
      %add3A_3810 = arith.addi %and3A_3801, %add3A_3809 : vector<16xi32>
      %and3A_3811 = arith.constant 63 : i32
      %and3A_3812 = vector.broadcast %and3A_3811 : i32 to vector<16xi32>
      %and3A_3813 = arith.andi %add3A_3810, %and3A_3812 : vector<16xi32>
      %gather3A_3814 = tpu.vector_load_idx %arg8[%add3A_3306, %and3A_3813] : memref<320x64xi32, #tpu.memory_space<vmem>>[vector<16xi32>, vector<16xi32>], vector<16xi32>,
      %gather3A_3815 = tpu.vector_load_idx %arg9[%add3A_3306, %and3A_3813] : memref<320x64xi32, #tpu.memory_space<vmem>>[vector<16xi32>, vector<16xi32>], vector<16xi32>,
      %bitcast3A_3816 = vector.bitcast %gather3A_3814 : vector<16xi32> to vector<32xbf16>
      %bitcast3A_3817 = vector.bitcast %gather3A_3815 : vector<16xi32> to vector<32xbf16>
      %mul3A_3818 = arith.mulf %bitcast3A_3816, %bitcast3A_3817 : vector<32xbf16>
      %add3A_3819 = arith.addf %add3A_3807, %mul3A_3818 : vector<32xbf16>
      %add3A_3820 = arith.constant 1 : i32
      %add3A_3821 = vector.broadcast %add3A_3820 : i32 to vector<16xi32>
      %add3A_3822 = arith.addi %and3A_3813, %add3A_3821 : vector<16xi32>
      %and3A_3823 = arith.constant 63 : i32
      %and3A_3824 = vector.broadcast %and3A_3823 : i32 to vector<16xi32>
      %and3A_3825 = arith.andi %add3A_3822, %and3A_3824 : vector<16xi32>
      %gather3A_3826 = tpu.vector_load_idx %arg8[%add3A_3306, %and3A_3825] : memref<320x64xi32, #tpu.memory_space<vmem>>[vector<16xi32>, vector<16xi32>], vector<16xi32>,
      %gather3A_3827 = tpu.vector_load_idx %arg9[%add3A_3306, %and3A_3825] : memref<320x64xi32, #tpu.memory_space<vmem>>[vector<16xi32>, vector<16xi32>], vector<16xi32>,
      %bitcast3A_3828 = vector.bitcast %gather3A_3826 : vector<16xi32> to vector<32xbf16>
      %bitcast3A_3829 = vector.bitcast %gather3A_3827 : vector<16xi32> to vector<32xbf16>
      %mul3A_3830 = arith.mulf %bitcast3A_3828, %bitcast3A_3829 : vector<32xbf16>
      %add3A_3831 = arith.addf %add3A_3819, %mul3A_3830 : vector<32xbf16>
      %add3A_3832 = arith.constant 1 : i32
      %add3A_3833 = vector.broadcast %add3A_3832 : i32 to vector<16xi32>
      %add3A_3834 = arith.addi %and3A_3825, %add3A_3833 : vector<16xi32>
      %and3A_3835 = arith.constant 63 : i32
      %and3A_3836 = vector.broadcast %and3A_3835 : i32 to vector<16xi32>
      %and3A_3837 = arith.andi %add3A_3834, %and3A_3836 : vector<16xi32>
      %gather3A_3838 = tpu.vector_load_idx %arg8[%add3A_3306, %and3A_3837] : memref<320x64xi32, #tpu.memory_space<vmem>>[vector<16xi32>, vector<16xi32>], vector<16xi32>,
      %gather3A_3839 = tpu.vector_load_idx %arg9[%add3A_3306, %and3A_3837] : memref<320x64xi32, #tpu.memory_space<vmem>>[vector<16xi32>, vector<16xi32>], vector<16xi32>,
      %bitcast3A_3840 = vector.bitcast %gather3A_3838 : vector<16xi32> to vector<32xbf16>
      %bitcast3A_3841 = vector.bitcast %gather3A_3839 : vector<16xi32> to vector<32xbf16>
      %mul3A_3842 = arith.mulf %bitcast3A_3840, %bitcast3A_3841 : vector<32xbf16>
      %add3A_3843 = arith.addf %add3A_3831, %mul3A_3842 : vector<32xbf16>
      %add3A_3844 = arith.constant 1 : i32
      %add3A_3845 = vector.broadcast %add3A_3844 : i32 to vector<16xi32>
      %add3A_3846 = arith.addi %and3A_3837, %add3A_3845 : vector<16xi32>
      %and3A_3847 = arith.constant 63 : i32
      %and3A_3848 = vector.broadcast %and3A_3847 : i32 to vector<16xi32>
      %and3A_3849 = arith.andi %add3A_3846, %and3A_3848 : vector<16xi32>
      %gather3A_3850 = tpu.vector_load_idx %arg8[%add3A_3306, %and3A_3849] : memref<320x64xi32, #tpu.memory_space<vmem>>[vector<16xi32>, vector<16xi32>], vector<16xi32>,
      %gather3A_3851 = tpu.vector_load_idx %arg9[%add3A_3306, %and3A_3849] : memref<320x64xi32, #tpu.memory_space<vmem>>[vector<16xi32>, vector<16xi32>], vector<16xi32>,
      %bitcast3A_3852 = vector.bitcast %gather3A_3850 : vector<16xi32> to vector<32xbf16>
      %bitcast3A_3853 = vector.bitcast %gather3A_3851 : vector<16xi32> to vector<32xbf16>
      %mul3A_3854 = arith.mulf %bitcast3A_3852, %bitcast3A_3853 : vector<32xbf16>
      %add3A_3855 = arith.addf %add3A_3843, %mul3A_3854 : vector<32xbf16>
      %add3A_3856 = arith.constant 1 : i32
      %add3A_3857 = vector.broadcast %add3A_3856 : i32 to vector<16xi32>
      %add3A_3858 = arith.addi %and3A_3849, %add3A_3857 : vector<16xi32>
      %and3A_3859 = arith.constant 63 : i32
      %and3A_3860 = vector.broadcast %and3A_3859 : i32 to vector<16xi32>
      %and3A_3861 = arith.andi %add3A_3858, %and3A_3860 : vector<16xi32>
      %gather3A_3862 = tpu.vector_load_idx %arg8[%add3A_3306, %and3A_3861] : memref<320x64xi32, #tpu.memory_space<vmem>>[vector<16xi32>, vector<16xi32>], vector<16xi32>,
      %gather3A_3863 = tpu.vector_load_idx %arg9[%add3A_3306, %and3A_3861] : memref<320x64xi32, #tpu.memory_space<vmem>>[vector<16xi32>, vector<16xi32>], vector<16xi32>,
      %bitcast3A_3864 = vector.bitcast %gather3A_3862 : vector<16xi32> to vector<32xbf16>
      %bitcast3A_3865 = vector.bitcast %gather3A_3863 : vector<16xi32> to vector<32xbf16>
      %mul3A_3866 = arith.mulf %bitcast3A_3864, %bitcast3A_3865 : vector<32xbf16>
      %add3A_3867 = arith.addf %add3A_3855, %mul3A_3866 : vector<32xbf16>
      %add3A_3868 = arith.constant 1 : i32
      %add3A_3869 = vector.broadcast %add3A_3868 : i32 to vector<16xi32>
      %add3A_3870 = arith.addi %and3A_3861, %add3A_3869 : vector<16xi32>
      %and3A_3871 = arith.constant 63 : i32
      %and3A_3872 = vector.broadcast %and3A_3871 : i32 to vector<16xi32>
      %and3A_3873 = arith.andi %add3A_3870, %and3A_3872 : vector<16xi32>
      %gather3A_3874 = tpu.vector_load_idx %arg8[%add3A_3306, %and3A_3873] : memref<320x64xi32, #tpu.memory_space<vmem>>[vector<16xi32>, vector<16xi32>], vector<16xi32>,
      %gather3A_3875 = tpu.vector_load_idx %arg9[%add3A_3306, %and3A_3873] : memref<320x64xi32, #tpu.memory_space<vmem>>[vector<16xi32>, vector<16xi32>], vector<16xi32>,
      %bitcast3A_3876 = vector.bitcast %gather3A_3874 : vector<16xi32> to vector<32xbf16>
      %bitcast3A_3877 = vector.bitcast %gather3A_3875 : vector<16xi32> to vector<32xbf16>
      %mul3A_3878 = arith.mulf %bitcast3A_3876, %bitcast3A_3877 : vector<32xbf16>
      %add3A_3879 = arith.addf %add3A_3867, %mul3A_3878 : vector<32xbf16>
      %add3A_3880 = arith.constant 1 : i32
      %add3A_3881 = vector.broadcast %add3A_3880 : i32 to vector<16xi32>
      %add3A_3882 = arith.addi %and3A_3873, %add3A_3881 : vector<16xi32>
      %and3A_3883 = arith.constant 63 : i32
      %and3A_3884 = vector.broadcast %and3A_3883 : i32 to vector<16xi32>
      %and3A_3885 = arith.andi %add3A_3882, %and3A_3884 : vector<16xi32>
      %gather3A_3886 = tpu.vector_load_idx %arg8[%add3A_3306, %and3A_3885] : memref<320x64xi32, #tpu.memory_space<vmem>>[vector<16xi32>, vector<16xi32>], vector<16xi32>,
      %gather3A_3887 = tpu.vector_load_idx %arg9[%add3A_3306, %and3A_3885] : memref<320x64xi32, #tpu.memory_space<vmem>>[vector<16xi32>, vector<16xi32>], vector<16xi32>,
      %bitcast3A_3888 = vector.bitcast %gather3A_3886 : vector<16xi32> to vector<32xbf16>
      %bitcast3A_3889 = vector.bitcast %gather3A_3887 : vector<16xi32> to vector<32xbf16>
      %mul3A_3890 = arith.mulf %bitcast3A_3888, %bitcast3A_3889 : vector<32xbf16>
      %add3A_3891 = arith.addf %add3A_3879, %mul3A_3890 : vector<32xbf16>
      %add3A_3892 = arith.constant 1 : i32
      %add3A_3893 = vector.broadcast %add3A_3892 : i32 to vector<16xi32>
      %add3A_3894 = arith.addi %and3A_3885, %add3A_3893 : vector<16xi32>
      %and3A_3895 = arith.constant 63 : i32
      %and3A_3896 = vector.broadcast %and3A_3895 : i32 to vector<16xi32>
      %and3A_3897 = arith.andi %add3A_3894, %and3A_3896 : vector<16xi32>
      %gather3A_3898 = tpu.vector_load_idx %arg8[%add3A_3306, %and3A_3897] : memref<320x64xi32, #tpu.memory_space<vmem>>[vector<16xi32>, vector<16xi32>], vector<16xi32>,
      %gather3A_3899 = tpu.vector_load_idx %arg9[%add3A_3306, %and3A_3897] : memref<320x64xi32, #tpu.memory_space<vmem>>[vector<16xi32>, vector<16xi32>], vector<16xi32>,
      %bitcast3A_3900 = vector.bitcast %gather3A_3898 : vector<16xi32> to vector<32xbf16>
      %bitcast3A_3901 = vector.bitcast %gather3A_3899 : vector<16xi32> to vector<32xbf16>
      %mul3A_3902 = arith.mulf %bitcast3A_3900, %bitcast3A_3901 : vector<32xbf16>
      %add3A_3903 = arith.addf %add3A_3891, %mul3A_3902 : vector<32xbf16>
      %add3A_3904 = arith.constant 1 : i32
      %add3A_3905 = vector.broadcast %add3A_3904 : i32 to vector<16xi32>
      %add3A_3906 = arith.addi %and3A_3897, %add3A_3905 : vector<16xi32>
      %and3A_3907 = arith.constant 63 : i32
      %and3A_3908 = vector.broadcast %and3A_3907 : i32 to vector<16xi32>
      %and3A_3909 = arith.andi %add3A_3906, %and3A_3908 : vector<16xi32>
      %gather3A_3910 = tpu.vector_load_idx %arg8[%add3A_3306, %and3A_3909] : memref<320x64xi32, #tpu.memory_space<vmem>>[vector<16xi32>, vector<16xi32>], vector<16xi32>,
      %gather3A_3911 = tpu.vector_load_idx %arg9[%add3A_3306, %and3A_3909] : memref<320x64xi32, #tpu.memory_space<vmem>>[vector<16xi32>, vector<16xi32>], vector<16xi32>,
      %bitcast3A_3912 = vector.bitcast %gather3A_3910 : vector<16xi32> to vector<32xbf16>
      %bitcast3A_3913 = vector.bitcast %gather3A_3911 : vector<16xi32> to vector<32xbf16>
      %mul3A_3914 = arith.mulf %bitcast3A_3912, %bitcast3A_3913 : vector<32xbf16>
      %add3A_3915 = arith.addf %add3A_3903, %mul3A_3914 : vector<32xbf16>
      %add3A_3916 = arith.constant 1 : i32
      %add3A_3917 = vector.broadcast %add3A_3916 : i32 to vector<16xi32>
      %add3A_3918 = arith.addi %and3A_3909, %add3A_3917 : vector<16xi32>
      %and3A_3919 = arith.constant 63 : i32
      %and3A_3920 = vector.broadcast %and3A_3919 : i32 to vector<16xi32>
      %and3A_3921 = arith.andi %add3A_3918, %and3A_3920 : vector<16xi32>
      %gather3A_3922 = tpu.vector_load_idx %arg8[%add3A_3306, %and3A_3921] : memref<320x64xi32, #tpu.memory_space<vmem>>[vector<16xi32>, vector<16xi32>], vector<16xi32>,
      %gather3A_3923 = tpu.vector_load_idx %arg9[%add3A_3306, %and3A_3921] : memref<320x64xi32, #tpu.memory_space<vmem>>[vector<16xi32>, vector<16xi32>], vector<16xi32>,
      %bitcast3A_3924 = vector.bitcast %gather3A_3922 : vector<16xi32> to vector<32xbf16>
      %bitcast3A_3925 = vector.bitcast %gather3A_3923 : vector<16xi32> to vector<32xbf16>
      %mul3A_3926 = arith.mulf %bitcast3A_3924, %bitcast3A_3925 : vector<32xbf16>
      %add3A_3927 = arith.addf %add3A_3915, %mul3A_3926 : vector<32xbf16>
      %add3A_3928 = arith.constant 1 : i32
      %add3A_3929 = vector.broadcast %add3A_3928 : i32 to vector<16xi32>
      %add3A_3930 = arith.addi %and3A_3921, %add3A_3929 : vector<16xi32>
      %and3A_3931 = arith.constant 63 : i32
      %and3A_3932 = vector.broadcast %and3A_3931 : i32 to vector<16xi32>
      %and3A_3933 = arith.andi %add3A_3930, %and3A_3932 : vector<16xi32>
      %gather3A_3934 = tpu.vector_load_idx %arg8[%add3A_3306, %and3A_3933] : memref<320x64xi32, #tpu.memory_space<vmem>>[vector<16xi32>, vector<16xi32>], vector<16xi32>,
      %gather3A_3935 = tpu.vector_load_idx %arg9[%add3A_3306, %and3A_3933] : memref<320x64xi32, #tpu.memory_space<vmem>>[vector<16xi32>, vector<16xi32>], vector<16xi32>,
      %bitcast3A_3936 = vector.bitcast %gather3A_3934 : vector<16xi32> to vector<32xbf16>
      %bitcast3A_3937 = vector.bitcast %gather3A_3935 : vector<16xi32> to vector<32xbf16>
      %mul3A_3938 = arith.mulf %bitcast3A_3936, %bitcast3A_3937 : vector<32xbf16>
      %add3A_3939 = arith.addf %add3A_3927, %mul3A_3938 : vector<32xbf16>
      %add3A_3940 = arith.constant 1 : i32
      %add3A_3941 = vector.broadcast %add3A_3940 : i32 to vector<16xi32>
      %add3A_3942 = arith.addi %and3A_3933, %add3A_3941 : vector<16xi32>
      %and3A_3943 = arith.constant 63 : i32
      %and3A_3944 = vector.broadcast %and3A_3943 : i32 to vector<16xi32>
      %and3A_3945 = arith.andi %add3A_3942, %and3A_3944 : vector<16xi32>
      %gather3A_3946 = tpu.vector_load_idx %arg8[%add3A_3306, %and3A_3945] : memref<320x64xi32, #tpu.memory_space<vmem>>[vector<16xi32>, vector<16xi32>], vector<16xi32>,
      %gather3A_3947 = tpu.vector_load_idx %arg9[%add3A_3306, %and3A_3945] : memref<320x64xi32, #tpu.memory_space<vmem>>[vector<16xi32>, vector<16xi32>], vector<16xi32>,
      %bitcast3A_3948 = vector.bitcast %gather3A_3946 : vector<16xi32> to vector<32xbf16>
      %bitcast3A_3949 = vector.bitcast %gather3A_3947 : vector<16xi32> to vector<32xbf16>
      %mul3A_3950 = arith.mulf %bitcast3A_3948, %bitcast3A_3949 : vector<32xbf16>
      %add3A_3951 = arith.addf %add3A_3939, %mul3A_3950 : vector<32xbf16>
      %add3A_3952 = arith.constant 1 : i32
      %add3A_3953 = vector.broadcast %add3A_3952 : i32 to vector<16xi32>
      %add3A_3954 = arith.addi %and3A_3945, %add3A_3953 : vector<16xi32>
      %and3A_3955 = arith.constant 63 : i32
      %and3A_3956 = vector.broadcast %and3A_3955 : i32 to vector<16xi32>
      %and3A_3957 = arith.andi %add3A_3954, %and3A_3956 : vector<16xi32>
      %gather3A_3958 = tpu.vector_load_idx %arg8[%add3A_3306, %and3A_3957] : memref<320x64xi32, #tpu.memory_space<vmem>>[vector<16xi32>, vector<16xi32>], vector<16xi32>,
      %gather3A_3959 = tpu.vector_load_idx %arg9[%add3A_3306, %and3A_3957] : memref<320x64xi32, #tpu.memory_space<vmem>>[vector<16xi32>, vector<16xi32>], vector<16xi32>,
      %bitcast3A_3960 = vector.bitcast %gather3A_3958 : vector<16xi32> to vector<32xbf16>
      %bitcast3A_3961 = vector.bitcast %gather3A_3959 : vector<16xi32> to vector<32xbf16>
      %mul3A_3962 = arith.mulf %bitcast3A_3960, %bitcast3A_3961 : vector<32xbf16>
      %add3A_3963 = arith.addf %add3A_3951, %mul3A_3962 : vector<32xbf16>
      %add3A_3964 = arith.constant 1 : i32
      %add3A_3965 = vector.broadcast %add3A_3964 : i32 to vector<16xi32>
      %add3A_3966 = arith.addi %and3A_3957, %add3A_3965 : vector<16xi32>
      %and3A_3967 = arith.constant 63 : i32
      %and3A_3968 = vector.broadcast %and3A_3967 : i32 to vector<16xi32>
      %and3A_3969 = arith.andi %add3A_3966, %and3A_3968 : vector<16xi32>
      %gather3A_3970 = tpu.vector_load_idx %arg8[%add3A_3306, %and3A_3969] : memref<320x64xi32, #tpu.memory_space<vmem>>[vector<16xi32>, vector<16xi32>], vector<16xi32>,
      %gather3A_3971 = tpu.vector_load_idx %arg9[%add3A_3306, %and3A_3969] : memref<320x64xi32, #tpu.memory_space<vmem>>[vector<16xi32>, vector<16xi32>], vector<16xi32>,
      %bitcast3A_3972 = vector.bitcast %gather3A_3970 : vector<16xi32> to vector<32xbf16>
      %bitcast3A_3973 = vector.bitcast %gather3A_3971 : vector<16xi32> to vector<32xbf16>
      %mul3A_3974 = arith.mulf %bitcast3A_3972, %bitcast3A_3973 : vector<32xbf16>
      %add3A_3975 = arith.addf %add3A_3963, %mul3A_3974 : vector<32xbf16>
      %add3A_3976 = arith.constant 1 : i32
      %add3A_3977 = vector.broadcast %add3A_3976 : i32 to vector<16xi32>
      %add3A_3978 = arith.addi %and3A_3969, %add3A_3977 : vector<16xi32>
      %and3A_3979 = arith.constant 63 : i32
      %and3A_3980 = vector.broadcast %and3A_3979 : i32 to vector<16xi32>
      %and3A_3981 = arith.andi %add3A_3978, %and3A_3980 : vector<16xi32>
      %gather3A_3982 = tpu.vector_load_idx %arg8[%add3A_3306, %and3A_3981] : memref<320x64xi32, #tpu.memory_space<vmem>>[vector<16xi32>, vector<16xi32>], vector<16xi32>,
      %gather3A_3983 = tpu.vector_load_idx %arg9[%add3A_3306, %and3A_3981] : memref<320x64xi32, #tpu.memory_space<vmem>>[vector<16xi32>, vector<16xi32>], vector<16xi32>,
      %bitcast3A_3984 = vector.bitcast %gather3A_3982 : vector<16xi32> to vector<32xbf16>
      %bitcast3A_3985 = vector.bitcast %gather3A_3983 : vector<16xi32> to vector<32xbf16>
      %mul3A_3986 = arith.mulf %bitcast3A_3984, %bitcast3A_3985 : vector<32xbf16>
      %add3A_3987 = arith.addf %add3A_3975, %mul3A_3986 : vector<32xbf16>
      %add3A_3988 = arith.constant 1 : i32
      %add3A_3989 = vector.broadcast %add3A_3988 : i32 to vector<16xi32>
      %add3A_3990 = arith.addi %and3A_3981, %add3A_3989 : vector<16xi32>
      %and3A_3991 = arith.constant 63 : i32
      %and3A_3992 = vector.broadcast %and3A_3991 : i32 to vector<16xi32>
      %and3A_3993 = arith.andi %add3A_3990, %and3A_3992 : vector<16xi32>
      %gather3A_3994 = tpu.vector_load_idx %arg8[%add3A_3306, %and3A_3993] : memref<320x64xi32, #tpu.memory_space<vmem>>[vector<16xi32>, vector<16xi32>], vector<16xi32>,
      %gather3A_3995 = tpu.vector_load_idx %arg9[%add3A_3306, %and3A_3993] : memref<320x64xi32, #tpu.memory_space<vmem>>[vector<16xi32>, vector<16xi32>], vector<16xi32>,
      %bitcast3A_3996 = vector.bitcast %gather3A_3994 : vector<16xi32> to vector<32xbf16>
      %bitcast3A_3997 = vector.bitcast %gather3A_3995 : vector<16xi32> to vector<32xbf16>
      %mul3A_3998 = arith.mulf %bitcast3A_3996, %bitcast3A_3997 : vector<32xbf16>
      %add3A_3999 = arith.addf %add3A_3987, %mul3A_3998 : vector<32xbf16>
      %add3A_4000 = arith.constant 1 : i32
      %add3A_4001 = vector.broadcast %add3A_4000 : i32 to vector<16xi32>
      %add3A_4002 = arith.addi %and3A_3993, %add3A_4001 : vector<16xi32>
      %and3A_4003 = arith.constant 63 : i32
      %and3A_4004 = vector.broadcast %and3A_4003 : i32 to vector<16xi32>
      %and3A_4005 = arith.andi %add3A_4002, %and3A_4004 : vector<16xi32>
      %gather3A_4006 = tpu.vector_load_idx %arg8[%add3A_3306, %and3A_4005] : memref<320x64xi32, #tpu.memory_space<vmem>>[vector<16xi32>, vector<16xi32>], vector<16xi32>,
      %gather3A_4007 = tpu.vector_load_idx %arg9[%add3A_3306, %and3A_4005] : memref<320x64xi32, #tpu.memory_space<vmem>>[vector<16xi32>, vector<16xi32>], vector<16xi32>,
      %bitcast3A_4008 = vector.bitcast %gather3A_4006 : vector<16xi32> to vector<32xbf16>
      %bitcast3A_4009 = vector.bitcast %gather3A_4007 : vector<16xi32> to vector<32xbf16>
      %mul3A_4010 = arith.mulf %bitcast3A_4008, %bitcast3A_4009 : vector<32xbf16>
      %add3A_4011 = arith.addf %add3A_3999, %mul3A_4010 : vector<32xbf16>
      %add3A_4012 = arith.constant 1 : i32
      %add3A_4013 = vector.broadcast %add3A_4012 : i32 to vector<16xi32>
      %add3A_4014 = arith.addi %and3A_4005, %add3A_4013 : vector<16xi32>
      %and3A_4015 = arith.constant 63 : i32
      %and3A_4016 = vector.broadcast %and3A_4015 : i32 to vector<16xi32>
      %and3A_4017 = arith.andi %add3A_4014, %and3A_4016 : vector<16xi32>
      %gather3A_4018 = tpu.vector_load_idx %arg8[%add3A_3306, %and3A_4017] : memref<320x64xi32, #tpu.memory_space<vmem>>[vector<16xi32>, vector<16xi32>], vector<16xi32>,
      %gather3A_4019 = tpu.vector_load_idx %arg9[%add3A_3306, %and3A_4017] : memref<320x64xi32, #tpu.memory_space<vmem>>[vector<16xi32>, vector<16xi32>], vector<16xi32>,
      %bitcast3A_4020 = vector.bitcast %gather3A_4018 : vector<16xi32> to vector<32xbf16>
      %bitcast3A_4021 = vector.bitcast %gather3A_4019 : vector<16xi32> to vector<32xbf16>
      %mul3A_4022 = arith.mulf %bitcast3A_4020, %bitcast3A_4021 : vector<32xbf16>
      %add3A_4023 = arith.addf %add3A_4011, %mul3A_4022 : vector<32xbf16>
      %add3A_4024 = arith.constant 1 : i32
      %add3A_4025 = vector.broadcast %add3A_4024 : i32 to vector<16xi32>
      %add3A_4026 = arith.addi %and3A_4017, %add3A_4025 : vector<16xi32>
      %and3A_4027 = arith.constant 63 : i32
      %and3A_4028 = vector.broadcast %and3A_4027 : i32 to vector<16xi32>
      %and3A_4029 = arith.andi %add3A_4026, %and3A_4028 : vector<16xi32>
      %gather3A_4030 = tpu.vector_load_idx %arg8[%add3A_3306, %and3A_4029] : memref<320x64xi32, #tpu.memory_space<vmem>>[vector<16xi32>, vector<16xi32>], vector<16xi32>,
      %gather3A_4031 = tpu.vector_load_idx %arg9[%add3A_3306, %and3A_4029] : memref<320x64xi32, #tpu.memory_space<vmem>>[vector<16xi32>, vector<16xi32>], vector<16xi32>,
      %bitcast3A_4032 = vector.bitcast %gather3A_4030 : vector<16xi32> to vector<32xbf16>
      %bitcast3A_4033 = vector.bitcast %gather3A_4031 : vector<16xi32> to vector<32xbf16>
      %mul3A_4034 = arith.mulf %bitcast3A_4032, %bitcast3A_4033 : vector<32xbf16>
      %add3A_4035 = arith.addf %add3A_4023, %mul3A_4034 : vector<32xbf16>
      %add3A_4036 = arith.constant 1 : i32
      %add3A_4037 = vector.broadcast %add3A_4036 : i32 to vector<16xi32>
      %add3A_4038 = arith.addi %and3A_4029, %add3A_4037 : vector<16xi32>
      %and3A_4039 = arith.constant 63 : i32
      %and3A_4040 = vector.broadcast %and3A_4039 : i32 to vector<16xi32>
      %and3A_4041 = arith.andi %add3A_4038, %and3A_4040 : vector<16xi32>
      %gather3A_4042 = tpu.vector_load_idx %arg8[%add3A_3306, %and3A_4041] : memref<320x64xi32, #tpu.memory_space<vmem>>[vector<16xi32>, vector<16xi32>], vector<16xi32>,
      %gather3A_4043 = tpu.vector_load_idx %arg9[%add3A_3306, %and3A_4041] : memref<320x64xi32, #tpu.memory_space<vmem>>[vector<16xi32>, vector<16xi32>], vector<16xi32>,
      %bitcast3A_4044 = vector.bitcast %gather3A_4042 : vector<16xi32> to vector<32xbf16>
      %bitcast3A_4045 = vector.bitcast %gather3A_4043 : vector<16xi32> to vector<32xbf16>
      %mul3A_4046 = arith.mulf %bitcast3A_4044, %bitcast3A_4045 : vector<32xbf16>
      %add3A_4047 = arith.addf %add3A_4035, %mul3A_4046 : vector<32xbf16>
      %add3A_4048 = arith.constant 1 : i32
      %add3A_4049 = vector.broadcast %add3A_4048 : i32 to vector<16xi32>
      %add3A_4050 = arith.addi %and3A_4041, %add3A_4049 : vector<16xi32>
      %and3A_4051 = arith.constant 63 : i32
      %and3A_4052 = vector.broadcast %and3A_4051 : i32 to vector<16xi32>
      %and3A_4053 = arith.andi %add3A_4050, %and3A_4052 : vector<16xi32>
      %gather3A_4054 = tpu.vector_load_idx %arg8[%add3A_3306, %and3A_4053] : memref<320x64xi32, #tpu.memory_space<vmem>>[vector<16xi32>, vector<16xi32>], vector<16xi32>,
      %gather3A_4055 = tpu.vector_load_idx %arg9[%add3A_3306, %and3A_4053] : memref<320x64xi32, #tpu.memory_space<vmem>>[vector<16xi32>, vector<16xi32>], vector<16xi32>,
      %bitcast3A_4056 = vector.bitcast %gather3A_4054 : vector<16xi32> to vector<32xbf16>
      %bitcast3A_4057 = vector.bitcast %gather3A_4055 : vector<16xi32> to vector<32xbf16>
      %mul3A_4058 = arith.mulf %bitcast3A_4056, %bitcast3A_4057 : vector<32xbf16>
      %add3A_4059 = arith.addf %add3A_4047, %mul3A_4058 : vector<32xbf16>
      %add3A_4060 = arith.constant 1 : i32
      %add3A_4061 = vector.broadcast %add3A_4060 : i32 to vector<16xi32>
      %add3A_4062 = arith.addi %and3A_4053, %add3A_4061 : vector<16xi32>
      %and3A_4063 = arith.constant 63 : i32
      %and3A_4064 = vector.broadcast %and3A_4063 : i32 to vector<16xi32>
      %and3A_4065 = arith.andi %add3A_4062, %and3A_4064 : vector<16xi32>
      %gather3A_4066 = tpu.vector_load_idx %arg8[%add3A_3306, %and3A_4065] : memref<320x64xi32, #tpu.memory_space<vmem>>[vector<16xi32>, vector<16xi32>], vector<16xi32>,
      %gather3A_4067 = tpu.vector_load_idx %arg9[%add3A_3306, %and3A_4065] : memref<320x64xi32, #tpu.memory_space<vmem>>[vector<16xi32>, vector<16xi32>], vector<16xi32>,
      %bitcast3A_4068 = vector.bitcast %gather3A_4066 : vector<16xi32> to vector<32xbf16>
      %bitcast3A_4069 = vector.bitcast %gather3A_4067 : vector<16xi32> to vector<32xbf16>
      %mul3A_4070 = arith.mulf %bitcast3A_4068, %bitcast3A_4069 : vector<32xbf16>
      %add3A_4071 = arith.addf %add3A_4059, %mul3A_4070 : vector<32xbf16>
      %add3A_4072 = arith.constant 1 : i32
      %add3A_4073 = vector.broadcast %add3A_4072 : i32 to vector<16xi32>
      %add3A_4074 = arith.addi %and3A_4065, %add3A_4073 : vector<16xi32>
      %and3A_4075 = arith.constant 63 : i32
      %and3A_4076 = vector.broadcast %and3A_4075 : i32 to vector<16xi32>
      %and3A_4077 = arith.andi %add3A_4074, %and3A_4076 : vector<16xi32>
      %bitcast3A_4078 = vector.bitcast %add3A_4071 : vector<32xbf16> to vector<16xi32>
      %shift_left3A_4079 = arith.constant 16 : i32
      %shift_left3A_4080 = vector.broadcast %shift_left3A_4079 : i32 to vector<16xi32>
      %shift_left3A_4081 = arith.shli %bitcast3A_4078, %shift_left3A_4080 : vector<16xi32>
      %bitcast3A_4082 = vector.bitcast %shift_left3A_4081 : vector<16xi32> to vector<16xf32>
      %and3A_4083 = vector.broadcast %scan3A_72 : i32 to vector<16xi32>
      %and3A_4084 = arith.andi %bitcast3A_4078, %and3A_4083 : vector<16xi32>
      %bitcast3A_4085 = vector.bitcast %and3A_4084 : vector<16xi32> to vector<16xf32>
      %add3A_4086 = arith.addf %bitcast3A_4082, %bitcast3A_4085 : vector<16xf32>
      %neg3A_4087 = arith.constant 0.000000e+00 : f32
      %neg3A_4088 = vector.broadcast %neg3A_4087 : f32 to vector<16xf32>
      %neg3A_4089 = arith.subf %neg3A_4088, %add3A_4086 : vector<16xf32>
      %exp3A_4090 = math.exp %neg3A_4089 : vector<16xf32>
      %add3A_4091 = arith.constant 1.000000e+00 : f32
      %add3A_4092 = vector.broadcast %add3A_4091 : f32 to vector<16xf32>
      %add3A_4093 = arith.addf %add3A_4092, %exp3A_4090 : vector<16xf32>
      %div3A_4094 = arith.constant 1.000000e+00 : f32
      %div3A_4095 = vector.broadcast %div3A_4094 : f32 to vector<16xf32>
      %div3A_4096 = arith.divf %div3A_4095, %add3A_4093 : vector<16xf32>
      %mul3A_4097 = arith.constant 80 : i32
      %mul3A_4098 = arith.muli %scan3A_78, %mul3A_4097 : i32
      %add3A_4099 = arith.constant 64 : i32
      %add3A_4100 = arith.addi %mul3A_4098, %add3A_4099 : i32
      %swap3A_4101 = arith.index_cast %add3A_4100 : i32 to index
      %swap3A_4102 = tpu.vector_load %arg10[%swap3A_4101] {strides = array<i32>} : memref<10000xf32, #tpu.memory_space<vmem>>, vector<16xf32>,
      tpu.vector_store %arg10[%swap3A_4101], %div3A_4096 {strides = array<i32>} : memref<10000xf32, #tpu.memory_space<vmem>>, vector<16xf32>,
    }
    %scan3A_77 = arith.constant 125 : i32
    "tpu.region"() ({
      %run_scoped3A = tpu.sem_alloc : memref<!tpu.dma_semaphore, #tpu.memory_space<semaphore_mem>>
      %dma_start3A_78 = tpu.memref_slice %arg5[%multiple_of3A] : memref<320000xf32, #tpu.memory_space<hbm>> -> memref<10000xf32, #tpu.memory_space<hbm>>
      %dma_start3A_79 = tpu.memref_slice %arg5[%multiple_of3A] : memref<320000xf32, #tpu.memory_space<hbm>> -> memref<10000xf32, #tpu.memory_space<hbm>>
      tpu.enqueue_dma source(%arg10 : memref<10000xf32, #tpu.memory_space<vmem>>) target(%dma_start3A_79 : memref<10000xf32, #tpu.memory_space<hbm>>) target_semaphore(%run_scoped3A : memref<!tpu.dma_semaphore, #tpu.memory_space<semaphore_mem>>)
      %dma_wait3A = tpu.memref_slice %arg5[%multiple_of3A] : memref<320000xf32, #tpu.memory_space<hbm>> -> memref<10000xf32, #tpu.memory_space<hbm>>
      %dma_wait3A_80 = tpu.memref_slice %arg5[%multiple_of3A] : memref<320000xf32, #tpu.memory_space<hbm>> -> memref<10000xf32, #tpu.memory_space<hbm>>
      tpu.wait_dma2 semaphore(%run_scoped3A : memref<!tpu.dma_semaphore, #tpu.memory_space<semaphore_mem>>) src(%arg10 : memref<10000xf32, #tpu.memory_space<vmem>>) dst(%dma_wait3A_80 : memref<10000xf32, #tpu.memory_space<hbm>>)
      tpu.yield
    }) : () -> ()
    return
  }
}

module attributes {stable_mosaic.version = 14 : i64} {
  func.func @_normalize_body(%arg0: i32, %arg1: memref<2000x128xf32, #tpu.memory_space<vmem>>, %arg2: memref<2000x64xi32, #tpu.memory_space<vmem>>) attributes {dimension_semantics = [#tpu.dimension_semantics<arbitrary>], iteration_bounds = array<i64: 5>, scalar_prefetch = 0 : i64, scratch_operands = 0 : i64, tpu.core_type = #tpu.core_type<tc>, window_params = [{transform_indices = @transform_0, window_bounds = array<i64: 2000, 128>}, {transform_indices = @transform_1, window_bounds = array<i64: 2000, 64>}]} {
    %get3A = arith.constant 0 : index
    %get3A_0 = arith.constant 0 : index
    %get3A_1 = vector.load %arg1[%get3A, %get3A_0] : memref<2000x128xf32, #tpu.memory_space<vmem>>, vector<2000x128xf32>
    %mul3A = arith.mulf %get3A_1, %get3A_1 : vector<2000x128xf32>
    %reduce_sum3A = arith.constant dense<0.000000e+00> : vector<2000xf32>
    %reduce_sum3A_2 = vector.multi_reduction <add>, %mul3A, %reduce_sum3A [1] : vector<2000x128xf32> to vector<2000xf32>
    %broadcast_in_dim3A = vector.shape_cast %reduce_sum3A_2 : vector<2000xf32> to vector<2000x1xf32>
    %max3A = arith.constant 9.99999996E-13 : f32
    %max3A_3 = vector.broadcast %max3A : f32 to vector<2000x1xf32>
    %max3A_4 = arith.maximumf %broadcast_in_dim3A, %max3A_3 : vector<2000x1xf32>
    %rsqrt3A = math.rsqrt %max3A_4 : vector<2000x1xf32>
    %mul3A_5 = vector.broadcast %rsqrt3A : vector<2000x1xf32> to vector<2000x128xf32>
    %mul3A_6 = arith.mulf %get3A_1, %mul3A_5 : vector<2000x128xf32>
    %convert_element_type3A = arith.truncf %mul3A_6 : vector<2000x128xf32> to vector<2000x128xbf16>
    %slice3A = vector.extract_strided_slice %convert_element_type3A {offsets = [0, 0], sizes = [2000, 64], strides = [1, 1]} : vector<2000x128xbf16> to vector<2000x64xbf16>
    %bitcast_convert_type3A = tpu.bitcast %slice3A : vector<2000x64xbf16> -> vector<2000x64xi16>
    %convert_element_type3A_7 = arith.extui %bitcast_convert_type3A : vector<2000x64xi16> to vector<2000x64xi32>
    %slice3A_8 = vector.extract_strided_slice %convert_element_type3A {offsets = [0, 64], sizes = [2000, 64], strides = [1, 1]} : vector<2000x128xbf16> to vector<2000x64xbf16>
    %bitcast_convert_type3A_9 = tpu.bitcast %slice3A_8 : vector<2000x64xbf16> -> vector<2000x64xi16>
    %convert_element_type3A_10 = arith.extui %bitcast_convert_type3A_9 : vector<2000x64xi16> to vector<2000x64xi32>
    %shift_left3A = arith.constant 16 : i32
    %shift_left3A_11 = vector.broadcast %shift_left3A : i32 to vector<2000x64xi32>
    %shift_left3A_12 = arith.shli %convert_element_type3A_10, %shift_left3A_11 : vector<2000x64xi32>
    %or3A = arith.ori %convert_element_type3A_7, %shift_left3A_12 : vector<2000x64xi32>
    %bitcast_convert_type3A_13 = tpu.bitcast %or3A : vector<2000x64xi32> -> vector<2000x64xi32>
    %swap3A = arith.constant 0 : index
    %swap3A_14 = arith.constant 0 : index
    %swap3A_15 = vector.load %arg2[%swap3A, %swap3A_14] : memref<2000x64xi32, #tpu.memory_space<vmem>>, vector<2000x64xi32>
    tpu.vector_store %arg2[%swap3A, %swap3A_14], %bitcast_convert_type3A_13 {strides = array<i32>} : memref<2000x64xi32, #tpu.memory_space<vmem>>, vector<2000x64xi32>,
    return
  }
  func.func @transform_0(%arg0: i32) -> (i32, i32) {
    %c0_i32 = arith.constant 0 : i32
    %c0_i32_0 = arith.constant 0 : i32
    return %arg0, %c0_i32 : i32, i32
  }
  func.func @transform_1(%arg0: i32) -> (i32, i32) {
    %c0_i32 = arith.constant 0 : i32
    %c0_i32_0 = arith.constant 0 : i32
    return %arg0, %c0_i32 : i32, i32
  }
}

</mosaic_0001>

<sc_bundles>
// kernel: kernel.4.cloned.1.call-start
scs
__scs_entry_jumppad:
0x0: {  	(pc) =	sbr.rel $0x88, $3  }
0x1: {  	(tag) =	ssettag $0x0;
	lr =	simm.s32 $0x1  }
0x2: {  	[smem:$0x3F9F] =	sst lr;
	_ =	strace $0xD0000000  }
0x3: {  	_ = 	snop  }
0x4: {  	_ = 	snop  }
0x5: {  	_ = 	snop  }
0x6: {  	_ = 	snop  }
0x7: {  	_ = 	snop  }
__scs_overlays_trampoline_lowered:
0x8: {  	[smem:$0x3FAE] =	sst s0  }
0x9: {  	[smem:$0x3FAF] =	sst s1  }
0xa: {  	[smem:$0x3FB0] =	sst s2  }
0xb: {  	[smem:$0x3FB1] =	sst s3  }
0xc: {  	[smem:$0x3FB2] =	sst s4  }
0xd: {  	[smem:$0x3FB3] =	sst s5  }
0xe: {  	[smem:$0x3FB4] =	sst s6  }
0xf: {  	[smem:$0x3FB5] =	sst s7  }
0x10: {  	[smem:$0x3FB6] =	sst s8  }
0x11: {  	[smem:$0x3FB7] =	sst s9;
	s0 =	simm.s32 @!p0 $0x0  }
0x12: {  	s1 =	sld [smem:$0x3F9D];
	s0 =	simm.s32 @p0 $0x1  }
0x13: {  	[smem:$0x3FB8] =	sst s0;
	s0 =	simm.s32 @!p1 $0x0  }
0x14: {  	s2 =	sld [smem:$0x3F9C];
	s0 =	simm.s32 @p1 $0x1  }
0x15: {  	[smem:$0x3FB9] =	sst s0;
	s0 =	simm.s32 @!p2 $0x0  }
0x16: {  	s3 =	sld [smem:$0x3FDB];
	s0 =	simm.s32 @p2 $0x1  }
0x17: {  	s4 =	simm.s32 $0x1BF5;
	[smem:$0x3FBB] =	sst s0  }
0x18: {  	s0 =	sld [smem:$0x3F9E];
	_ =	swait.ge [sflag:s4], $0x0  }
0x19: {  	s7 =	sld [smem:$0x3F9F]  }
0x1a: {  	s8 =	sadd.s32 $0xFFFFE003, lr  }
0x1b: {  	s9 =	sadd.s32 $0xFFFFFEF7, lr;
	s5 =	simm.s32 $0xFFFFFFFF;
	p2 =	slt.u32 s8, $0xFFFFF086  }
0x1c: {  	p1 =	slt.u32 s9, $0xF7A;
	s5 =	simm.s32 @!p2 $0x0  }
0x1d: {  	s5 =	simm.s32 @p1 $0x1;
	p0 =	seq.s32 s7, s2  }
0x1e: {  	s7 =	smul.u32 @!p0 $0xF7A, s2;
	p2 =	seq.s32 @!p0 s5, $0x0  }
0x1f: {  	s9 =	smul.u32 $0xF7A, s1;
	s8 =	simm.s32 @!p0 $0x1BF5;
	p2 =	por !p2, p0  }
0x20: {  	[sflag:s8] =	ssyncset.s32 @!p0 $0xFFFFF086;
	s6 =	sadd.s32 @!p0 s3, s7;
	s7 =	simm.s32 @!p0 $0x108  }
0x21: {  	s3 =	sadd.s32 s3, s9;
	s6 =	sadd.s32 @!p0 $0x88, s6;
	s7 =	simm.s32 @p2 $0x1082  }
0x22: {  	[simem:s7], [sflag:s8] =	dma.local @!p0 [hbm:s6], $0xF7A  }
0x23: {  	s9 =	sor.u32 $0xD0000000, s2;
	s6 =	simm.s32 $0x108;
	_ =	swait.ge @!p0 [sflag:s8], $0x0  }
0x24: {  	s3 =	sadd.s32 $0x88, s3;
	s6 =	simm.s32 @!p1 $0x1082;
	[sflag:s4] =	ssyncset.s32 $0xFFFFF086  }
0x25: {  	[simem:s6], [sflag:s4] =	dma.local [hbm:s3], $0xF7A  }
0x26: {  	[smem:$0x3F9F] =	sst s1;
	(tag) =	ssettag s2;
	_ =	strace s9  }
0x27: {  	s1 =	sld [smem:$0x3FAF]  }
0x28: {  	s2 =	sld [smem:$0x3FB0]  }
0x29: {  	s4 =	sld [smem:$0x3FB2]  }
0x2a: {  	p0 =	seq.s32 s5, $0x0;
	s5 =	sld [smem:$0x3FB3]  }
0x2b: {  	s6 =	sld [smem:$0x3FB4]  }
0x2c: {  	s7 =	sld [smem:$0x3FB5]  }
0x2d: {  	s3 =	simm.s32 $0x108;
	s8 =	sld [smem:$0x3FB6]  }
0x2e: {  	s3 =	simm.s32 @!p0 $0x1082;
	s9 =	sld [smem:$0x3FB7]  }
0x2f: {  	lr =	sadd.s32 s0, s3;
	s0 =	sld [smem:$0x3FAE]  }
0x30: {  	s3 =	sld [smem:$0x3FB1]  }
0x31: {  	[smem:$0x3FBA] =	sst s10  }
0x32: {  	s10 =	sld [smem:$0x3FB8];
	_ =	sdelay $0x3  }
0x33: {  	p0 =	seq.s32 s10, $0x1;
	s10 =	sld [smem:$0x3FBA];
	_ =	sdelay $0x3  }
0x34: {  	[smem:$0x3FBA] =	sst s10  }
0x35: {  	s10 =	sld [smem:$0x3FB9];
	_ =	sdelay $0x3  }
0x36: {  	p1 =	seq.s32 s10, $0x1;
	s10 =	sld [smem:$0x3FBA];
	_ =	sdelay $0x3  }
0x37: {  	[smem:$0x3FBA] =	sst s10  }
0x38: {  	s10 =	sld [smem:$0x3FBB]  }
0x39: {  	_ = 	snop;
	(pc) =	sbr.ind lr, $3  }
0x3a: {  	_ = 	snop  }
0x3b: {  	_ = 	snop  }
0x3c: {  	p2 =	seq.s32 s10, $0x1;
	s10 =	sld [smem:$0x3FBA]  }
0x3d: {  	_ =	shalt  }
0x3e: {  	_ =	shalt  }
0x3f: {  	_ =	shalt  }
0x40: {  	_ =	shalt  }
0x41: {  	_ =	shalt  }
0x42: {  	_ =	shalt  }
0x43: {  	_ =	shalt  }
0x44: {  	_ =	shalt  }
0x45: {  	_ =	shalt  }
0x46: {  	_ =	shalt  }
0x47: {  	_ =	shalt  }
0x48: {  	_ =	shalt  }
0x49: {  	_ =	shalt  }
0x4a: {  	_ =	shalt  }
0x4b: {  	_ =	shalt  }
0x4c: {  	_ =	shalt  }
0x4d: {  	_ =	shalt  }
0x4e: {  	_ =	shalt  }
0x4f: {  	_ =	shalt  }
0x50: {  	_ =	shalt  }
0x51: {  	_ =	shalt  }
0x52: {  	_ =	shalt  }
0x53: {  	_ =	shalt  }
0x54: {  	_ =	shalt  }
0x55: {  	_ =	shalt  }
0x56: {  	_ =	shalt  }
0x57: {  	_ =	shalt  }
0x58: {  	_ =	shalt  }
0x59: {  	_ =	shalt  }
0x5a: {  	_ =	shalt  }
0x5b: {  	_ =	shalt  }
0x5c: {  	_ =	shalt  }
0x5d: {  	_ =	shalt  }
0x5e: {  	_ =	shalt  }
0x5f: {  	_ =	shalt  }
0x60: {  	_ =	shalt  }
0x61: {  	_ =	shalt  }
0x62: {  	_ =	shalt  }
0x63: {  	_ =	shalt  }
0x64: {  	_ =	shalt  }
0x65: {  	_ =	shalt  }
0x66: {  	_ =	shalt  }
0x67: {  	_ =	shalt  }
0x68: {  	_ =	shalt  }
0x69: {  	_ =	shalt  }
0x6a: {  	_ =	shalt  }
0x6b: {  	_ =	shalt  }
0x6c: {  	_ =	shalt  }
0x6d: {  	_ =	shalt  }
0x6e: {  	_ =	shalt  }
0x6f: {  	_ =	shalt  }
0x70: {  	_ =	shalt  }
0x71: {  	_ =	shalt  }
0x72: {  	_ =	shalt  }
0x73: {  	_ =	shalt  }
0x74: {  	_ =	shalt  }
0x75: {  	_ =	shalt  }
0x76: {  	_ =	shalt  }
0x77: {  	_ =	shalt  }
0x78: {  	_ =	shalt  }
0x79: {  	_ =	shalt  }
0x7a: {  	_ =	shalt  }
0x7b: {  	_ =	shalt  }
0x7c: {  	_ =	shalt  }
0x7d: {  	_ =	shalt  }
0x7e: {  	_ =	shalt  }
0x7f: {  	_ =	shalt  }
0x80: {  	_ =	shalt  }
0x81: {  	_ =	shalt  }
0x82: {  	_ =	shalt  }
0x83: {  	_ =	shalt  }
0x84: {  	_ =	shalt  }
0x85: {  	_ =	shalt  }
0x86: {  	_ =	shalt  }
0x87: {  	_ =	shalt  }
.Lfunc_end0:
.L_simem_size_0:
called_computation_lowered:
.L_overlay_start_0:
0x88: {  	s2 =	sld [smem:$0x3FD9]  }
0x89: {  	s3 =	sld [smem:$0x3FFE];
	_ =	sdelay $0x1  }
0x8a: {  	s1 =	srdreg.scid  }
0x8b: {  	s0 =	sand.u32 $0x1, s1  }
0x8c: {  	s17 =	sshll.u32 s0, $0xA;
	s2 =	sadd.s32 s3, s2  }
0x8d: {  	s2 =	sadd.s32 s2, s17  }
0x8e: {  	[smem:$0x3FC6] =	sst s2  }
0x8f: {  	_ = 	snop  }
0x90: {  	s2 =	sld [smem:$0x3FD0];
	(tm) =	ssettm $0x1  }
0x91: {  	s18 =	sld [smem:$0x3FFB];
	_ =	sdelay $0x3  }
0x92: {  	_ =	strace s18  }
0x93: {  	s3 =	sld [smem:$0x3FFC];
	_ =	sdelay $0x3  }
0x94: {  	_ =	strace s3  }
0x95: {  	s3 =	sld [smem:$0x3FFD];
	_ =	sdelay $0x3  }
0x96: {  	_ =	strace s3  }
0x97: {  	_ =	strace $0x8FFFFFFF  }
0x98: {  	s19 =	sld [smem:$0x3FDB];
	_ =	sdelay $0x1  }
0x99: {  	s4 =	simm.s32 $_scs_section_size  }
0x9a: {  	s5 =	simm.s32 $_size__tile_overlayer_lowered;
	s6 =	simm.s32 $_tile_overlayer_lowered  }
0x9b: {  	s22 =	simm.s32 $0x1BFF;
	s21 =	sshll.u32 s6, $0x1;
	s3 =	sadd.s32 s4, s19  }
0x9c: {  	s7 =	simm.s32 $0x0;
	s20 =	sshll.u32 s5, $0x1;
	s5 =	sadd.s32 s21, s3  }
0x9d: {  	[timem:s7], [sflag:s22] =	dma.local [hbm:s5], s20  }
0x9e: {  	_ =	swait.ge [sflag:s22], s20  }
0x9f: {  	s4 =	ssub.s32 $0x0, s20;
	[sflag:s22] =	ssyncset.done $0x0  }
0xa0: {  	[sflag:s22] =	ssyncadd.s32 s4;
	_ =	sdelay $0x1  }
0xa1: {  	s23 =	simm.s32 $0x1B8B  }
0xa2: {  	_ =	swait.ge [sflag:s23], $0x1  }
0xa3: {  	[sflag:s23] =	ssyncset.done $0x0  }
0xa4: {  	s25 =	simm.s32 $0x1B8E;
	s24 =	sld [smem:$0x3FFE];
	[sflag:s23] =	ssyncadd.s32 $0xFFFFFFFF  }
0xa5: {  	s26 =	simm.s32 $execute0_lowered;
	[smem:$0x3FD2] =	sst s25  }
0xa6: {  	s5 =	sshll.u32 s26, $0x1;
	_ =	strace $0x80000046;
	[dreg:$0x1] =	wrdreg $0xFFFFFFFF  }
0xa7: {  	s28 =	simm.s32 $_size_execute0_lowered;
	s3 =	sadd.s32 s3, s5;
	[dreg:$0x0] =	wrdreg $0x0  }
0xa8: {  	s5 =	sshll.u32 s28, $0x1;
	[dreg:$0x2] =	wrdreg s3  }
0xa9: {  	[dreg:$0x3] =	wrdreg s5  }
0xaa: {  	[dreg:$0x4] =	wrdreg $0xC0  }
0xab: {  	_ =	task [dreg:s7], $0x5FFFF  }
0xac: {  	[dreg:$0x1] =	wrdreg $0xFFFFFFFF  }
0xad: {  	[dreg:$0x0] =	wrdreg $0x60  }
0xae: {  	[dreg:$0x2] =	wrdreg s24  }
0xaf: {  	[dreg:$0x3] =	wrdreg s2  }
0xb0: {  	[dreg:$0x4] =	wrdreg $0x115300  }
0xb1: {  	[dreg:$0x5] =	wrdreg $0x9  }
0xb2: {  	_ =	task.clear_ibuf [dreg:s7], $0x6FFFF;
	_ =	strace $0x90000046  }
0xb3: {  	s29 =	simm.s32 $0x9;
	_ =	strace $0x80000048  }
0xb4: {  	_ =	swait.ge [sflag:s29], $0x1  }
0xb5: {  	[sflag:s29] =	ssyncadd.s32 $0xFFFFFFFF  }
0xb6: {  	_ =	strace $0x90000048  }
0xb7: {  	_ =	sfence  }
0xb8: {  	s30 =	sld [smem:$0x0];
	_ =	sdelay $0x2  }
0xb9: {  	s31 =	sshll.u32 s1, $0xD;
	s1 =	sshrl.u32 s1, $0x2  }
0xba: {  	s3 =	sand.u32 $0x4000, s31;
	s1 =	sadd.s32 s1, s30  }
0xbb: {  	s0 =	sor.u32 s3, s0;
	s1 =	sshll.u32 s1, $0x11  }
0xbc: {  	s0 =	sor.u32 s1, s0  }
0xbd: {  	s0 =	sadd.s32 $0x8F2B, s0  }
0xbe: {  	[sflag:s0] =	ssyncadd.remote.s32 $0x1  }
0xbf: {  	_ =	sfence.sel $0xFFFF  }
0xc0: {  	[dreg:$0x0] =	wrdreg $0xFFFFFFFF;
	(pc) =	sbr.abs _section_cstart, $3  }
0xc1: {  	[dreg:$0x1] =	wrdreg $0xFFFFFFFF  }
0xc2: {  	_ =	task.clear_ibuf [dreg:s7], $0x2FFFF;
	_ =	strace $0x9FFFFFFF  }
0xc3: {  	(tm) =	ssettm $0x7FFFFFFF  }
tec
execute0_lowered:
.L_overlay_start_1:
0x0: {  	(tag) =	ssettag $0x1  }
0x1: {  	v14 =	vlaneseq.u32  }
0x2: {  	v7 =	vimm.bf16 $0.0e+00;
	v0 =	vimm.s32 $0x34333231;
	v1 =	vimm.s32 $0x38373635  }
0x3: {  	vm0 =	vcmask $0x1F10;
	v47 =	vimm.s32 $0x3C3B3A39;
	v2 =	vimm.s32 $0x3F3E3D  }
0x4: {  	v38 =	vimm.s32 $0x35343332;
	v50 =	vimm.s32 $0x39383736;
	v39 =	vimm.s32 $0x3D3C3B3A  }
0x5: {  	v40 =	vimm.s32 $0x1003F3E;
	v41 =	vimm.s32 $0x36353433;
	v44 =	vimm.s32 $0x3A393837  }
0x6: {  	v45 =	vimm.s32 $0x3020100;
	v62 =	vimm.s32 $0x3F3E3D3C;
	v46 =	vimm.s32 $0x37363534  }
0x7: {  	vm1 =	vcmask $0x2F10;
	vm2 =	vcmask $0x3F30;
	v6 =	vmul.u32 $0x40, v14  }
0x8: {  	v16 =	vadd.s32 $0x1, v14;
	v60 =	vadd.s32 $0x2, v14;
	v18 =	vadd.s32 $0x3, v14  }
0x9: {  	v19 =	vadd.s32 $0x4, v14;
	v20 =	vadd.s32 $0x5, v14;
	v13 =	vadd.s32 $0x6, v14  }
0xa: {  	v22 =	vadd.s32 $0x7, v14;
	v23 =	vadd.s32 $0x8, v14;
	v15 =	vadd.s32 $0x9, v14  }
0xb: {  	v24 =	vadd.s32 $0xA, v14;
	v25 =	vadd.s32 $0xB, v14;
	v0 =	vunpack.c.0.s8.s32 v0  }
0xc: {  	v11 =	vunpack.c.0.s8.s32 v1;
	v12 =	vunpack.c.0.s8.s32 v47;
	v1 =	vunpack.c.0.s8.s32 v2  }
0xd: {  	v49 =	vunpack.c.0.s8.s32 v38;
	v5 =	vunpack.c.0.s8.s32 v50;
	v4 =	vadd.s32 $0x24, v14  }
0xe: {  	v3 =	vunpack.c.0.s8.s32 v39;
	v38 =	vunpack.c.0.s8.s32 v40;
	[tilespmem:$0x1FD90] =	vst v4;
	v4 =	vadd.s32 $0x25, v14  }
0xf: {  	v41 =	vunpack.c.0.s8.s32 v41;
	v52 =	vunpack.c.0.s8.s32 v44;
	v47 =	vimm.s32 $0x3B3A3938;
	[tilespmem:$0x1FDA0] =	vst v4  }
0x10: {  	v63 =	vunpack.c.0.s8.s32 v46;
	v0 =	vsel vm0, v11, v0;
	v39 =	vsel vm0, v1, v12;
	[tilespmem:$0x1FDB0] =	vst v3  }
0x11: {  	v61 =	vmovc v5;
	v2 =	vsel vm0, v5, v49;
	v5 =	vunpack.c.0.s8.s32 v47;
	[tilespmem:$0x1FDE0] =	vst v52;
	v47 =	vsel vm0, v52, v41  }
0x12: {  	v40 =	vsel vm0, v38, v3;
	v4 =	vunpack.c.0.s8.s32 v62;
	v49 =	vimm.s32 $0x201003F;
	[tilespmem:$0x1FDF0] =	vst v47  }
0x13: {  	v62 =	vimm.s32 $0x4030201;
	v0 =	vcombine.low v0, v39;
	v46 =	vcombine.low v2, v40;
	[tilespmem:$0x1FE00] =	vst v5  }
0x14: {  	v3 =	vunpack.c.0.s8.s32 v49;
	v2 =	vunpack.c.0.s8.s32 v62;
	v49 =	vimm.s32 $0x5040302;
	[tilespmem:$0x1FE30] =	vst v4  }
0x15: {  	s1 =	srdreg.scid;
	s0 =	stileid.u32;
	v27 =	vadd.s32 $0xC, v14;
	v28 =	vadd.s32 $0xD, v14;
	v44 =	vunpack.c.0.s8.s32 v49;
	[tilespmem:$0x1FDC0] =	vst v0  }
0x16: {  	s4 =	rddreg [dreg:$0x0];
	v29 =	vadd.s32 $0xE, v14;
	v30 =	vadd.s32 $0xF, v14;
	s5 =	sand.u32 $0x1, s1;
	s3 =	sshll.u32 s0, $0x1;
	[tilespmem:$0x1FDD0] =	vst v46;
	v2 =	vsel vm0, v2, v1  }
0x17: {  	s8 =	rddreg [dreg:$0x1];
	v31 =	vor.u32 $0x10, v14;
	s6 =	sor.u32 s5, s3;
	s3 =	simm.s32 $0x0;
	v52 =	vsel vm0, v5, v63;
	[tilespmem:$0x1FE10] =	vst v2;
	v5 =	vsel vm0, v44, v38  }
0x18: {  	v32 =	vadd.s32 $0x11, v14;
	v33 =	vadd.s32 $0x12, v14;
	v34 =	vadd.s32 $0x13, v14;
	[smem:$0x7FF] =	sst s3;
	[tilespmem:$0x1FE20] =	vst v5  }
0x19: {  	s2 =	rddreg [dreg:$0x2];
	v35 =	vadd.s32 $0x14, v14;
	v36 =	vadd.s32 $0x15, v14;
	v53 =	vunpack.c.0.s8.s32 v45;
	_ =	strace $0x80000047;
	[tilespmem:$0x1FED0] =	vst v11  }
0x1a: {  	v37 =	vadd.s32 $0x16, v14;
	v42 =	vadd.s32 $0x17, v14;
	v17 =	vadd.s32 $0x29, v14;
	[tilespmem:$0x1FEE0] =	vst v12  }
0x1b: {  	v26 =	vadd.s32 $0x2C, v14;
	v50 =	vsel vm0, v53, v4;
	v53 =	vimm.s32 $0x87654321;
	[tilespmem:$0x1FEF0] =	vst v61  }
0x1c: {  	v62 =	vimm.s32 $0x43218765;
	v63 =	vimm.s32 $0x98765432;
	v0 =	vunpack.c.l.s4.s8 v53;
	[tilespmem:$0x1FF00] =	vst v3  }
0x1d: {  	v46 =	vcombine.low v52, v50;
	v41 =	vunpack.c.l.s4.s8 v63;
	v50 =	vimm.s32 $0x32107654;
	[tilespmem:$0x1FF10] =	vst v6  }
0x1e: {  	v47 =	vimm.s32 $0xB0A0908;
	v53 =	vunpack.c.l.s4.s8 v50;
	v0 =	vunpack.c.0.s8.s32 v0;
	[tilespmem:$0x1FF20] =	vst v16  }
0x1f: {  	v63 =	vunpack.c.l.s4.s8 v62;
	v44 =	vimm.s32 $0x6050403;
	v52 =	vunpack.c.0.s8.s32 v41;
	[tilespmem:$0x1FF30] =	vst v60  }
0x20: {  	v41 =	vunpack.c.0.s8.s32 v53;
	v53 =	vimm.s32 $0xC0B0A09;
	[tilespmem:$0x1FF40] =	vst v18;
	v0 =	vand.u32 $0xF, v0  }
0x21: {  	[tilespmem:$0x1FF50] =	vst v22;
	v2 =	vand.u32 $0xF, v52;
	v52 =	vimm.s32 $0x54329876;
	v49 =	vcombine.low v39, v0  }
0x22: {  	[tilespmem:$0x1FF60] =	vst v23;
	v50 =	vcombine.low v40, v2;
	v45 =	vand.u32 $0xF, v41;
	v39 =	vunpack.c.0.s8.s32 v47  }
0x23: {  	[tilespmem:$0x1FF70] =	vst v19;
	v0 =	vunpack.c.0.s8.s32 v63;
	v40 =	vunpack.c.l.s4.s8 v52;
	v2 =	vsel vm1, v45, v4  }
0x24: {  	[tilespmem:$0x1FF80] =	vst v20;
	v63 =	vimm.s32 $0x6543A987;
	v45 =	vimm.s32 $0xD0C0B0A;
	v52 =	vsel vm2, v39, v2  }
0x25: {  	[tilespmem:$0x1FF90] =	vst v13;
	v0 =	vand.u32 $0xF, v0;
	v62 =	vunpack.c.0.s8.s32 v40;
	v40 =	vunpack.c.l.s4.s8 v63  }
0x26: {  	[tilespmem:$0x1FFA0] =	vst v15;
	v2 =	vunpack.c.0.s8.s32 v53;
	v63 =	vimm.s32 $0xA9876543;
	v0 =	vsel vm1, v0, v1  }
0x27: {  	[tilespmem:$0x1FFB0] =	vst v24;
	v1 =	vunpack.c.0.s8.s32 v45;
	v47 =	vand.u32 $0xF, v62;
	v62 =	vunpack.c.0.s8.s32 v40  }
0x28: {  	[tilespmem:$0x1FFC0] =	vst v17;
	v53 =	vsel vm2, v2, v0;
	v2 =	vimm.s32 $0x76543210;
	v0 =	vsel vm1, v47, v38  }
0x29: {  	[tilespmem:$0x1FFD0] =	vst v25;
	v2 =	vunpack.c.l.s4.s8 v2;
	v38 =	vand.u32 $0xF, v62;
	v62 =	vunpack.c.0.s8.s32 v44  }
0x2a: {  	s13 =	simm.s32 $0x50;
	[tilespmem:$0x1FFE0] =	vst v26;
	v45 =	vimm.s32 $0xE0D0C0B;
	v47 =	vunpack.c.l.s4.s8 v63;
	v40 =	vsel vm2, v1, v0  }
0x2b: {  	s14 =	simm.s32 $0x4E20;
	s15 =	simm.s32 $0x9E20;
	s17 =	simm.s32 $0x2760;
	[tilespmem:$0x1FFF0] =	vst v49;
	v0 =	vunpack.c.0.s8.s32 v45;
	v45 =	vunpack.c.0.s8.s32 v2;
	v44 =	vsel vm0, v62, v3  }
0x2c: {  	s18 =	simm.s32 $0xB220;
	v43 =	vadd.s32 $0x18, v14;
	v8 =	vadd.s32 $0x19, v14;
	v63 =	vimm.s32 $0x3E3D3C3B;
	[tilespmem:$0x1FE50] =	vst v44  }
0x2d: {  	s19 =	simm.s32 $0xA0;
	s20 =	simm.s32 $0x7620;
	s21 =	simm.s32 $0x27B0;
	v38 =	vsel vm1, v38, v3;
	v1 =	vunpack.c.0.s8.s32 v47;
	v62 =	vadd.s32 $0x2B, v14;
	[tilespmem:$0x1FE60] =	vst v45  }
0x2e: {  	s22 =	simm.s32 $0xC620;
	s23 =	simm.s32 $0xEE20;
	s7 =	smul.u32 $0x9C40, s0;
	v41 =	vsel vm2, v0, v38;
	v0 =	vunpack.c.0.s8.s32 v63;
	v63 =	vadd.s32 $0x2D, v14;
	[tilespmem:$0x1FE80] =	vst v62  }
0x2f: {  	s24 =	simm.s32 $0x0;
	v48 =	vadd.s32 $0x1A, v14;
	v51 =	vadd.s32 $0x1B, v14;
	v54 =	vadd.s32 $0x1C, v14;
	s31 =	sshll.u32 s0, $0x6;
	s5 =	ssub.s32 $0x2, s5;
	[tilespmem:$0x1FE90] =	vst v63  }
0x30: {  	v55 =	vadd.s32 $0x1D, v14;
	v56 =	vadd.s32 $0x1E, v14;
	s9 =	smul.u32 $0x4E2, s6;
	s29 =	sshrl.u32 s5, $0x1;
	s12 =	sadd.s32 s7, s2;
	v47 =	vand.u32 $0xF, v1;
	[tilespmem:$0x1FE40] =	vst v0  }
0x31: {  	v57 =	vadd.s32 $0x1F, v14;
	v58 =	vor.u32 $0x20, v14;
	s30 =	sshrl.u32 s7, $0x3;
	s11 =	ssub.s32 s5, s29;
	s5 =	sor.u32 $0x1C05, s31;
	v62 =	vadd.s32 $0x2F, v14;
	[tilespmem:$0x1FE70] =	vst v47  }
0x32: {  	v59 =	vadd.s32 $0x21, v14;
	v9 =	vadd.s32 $0x22, v14;
	s10 =	sadd.s32 s9, s4;
	s4 =	sadd.s32 s4, s30;
	s8 =	sadd.s32 s8, s9;
	v63 =	vor.u32 $0x30, v14;
	[tilespmem:$0x1FEB0] =	vst v62  }
0x33: {  	v10 =	vadd.s32 $0x23, v14;
	v21 =	vadd.s32 $0x28, v14;
	s9 =	smax.u32 s11, $0x1;
	s11 =	simm.s32 $0x5;
	s6 =	sadd.s32 $0x1D800, s10;
	v47 =	vadd.s32 $0x2E, v14;
	[tilespmem:$0x1FEC0] =	vst v63  }
0x34: {  	s7 =	sadd.s32 $0x13A00, s10;
	s10 =	sshrl.u32 s12, $0x3;
	s12 =	simm.s32 $0x2710;
	v39 =	vadd.s32 $0x2A, v14;
	v44 =	vadd.s32 $0x26, v14;
	v45 =	vadd.s32 $0x27, v14;
	v38 =	vmovc v3;
	[tilespmem:$0x1FEA0] =	vst v47  }
.LBB2_1:
0x35: {  	[spmem:s10], [sflag:s5] =	dma.local [hbm:s4], $0x1388  }
0x36: {  	_ =	swait.ge [sflag:s11], $0x1388  }
0x37: {  	[sflag:s11] =	ssyncset.done $0x0  }
0x38: {  	[sflag:s11] =	ssyncadd.s32 $0xFFFFEC78  }
0x39: {  	[tilespmem:s3], [sflag:$0x5] =	stream.linear.gather [hbm4b:s6+s3], $0x2710, $0x38;
	[tilespmem:$0x1B170] =	vst v63  }
0x3a: {  	_ =	swait.ge [sflag:s11], $0x2710  }
0x3b: {  	[sflag:s11] =	ssyncset.done $0x0  }
0x3c: {  	[sflag:s11] =	ssyncadd.s32 $0xFFFFD8F0  }
0x3d: {  	[tilespmem:s12], [sflag:$0x5] =	stream.linear.gather [hbm4b:s7+s3], $0x2710, $0x38;
	[tilespmem:$0x1B170] =	vst v63  }
0x3e: {  	_ =	swait.ge [sflag:s11], $0x2710  }
0x3f: {  	[sflag:s11] =	ssyncset.done $0x0  }
0x40: {  	[sflag:s11] =	ssyncadd.s32 $0xFFFFD8F0  }
0x41: {  	[bflag:$0x0] =	sbarrier.arrive $0xFFFF  }
0x42: {  	[tilespmem:s14], [sflag:$0x1] =	stream.indirect.gather [spmem:s2], $0x40, s3, s13, $0xb8;
	[tilespmem:$0x1B170] =	vst v63  }
0x43: {  	_ = 	snop  }
0x44: {  	[tilespmem:s15], [sflag:$0x1] =	stream.indirect.gather [spmem:s2], $0x40, s12, s13, $0xb8;
	[tilespmem:$0x1B170] =	vst v63  }
0x45: {  	s0 =	simm.s32 $0x6220  }
0x46: {  	[tilespmem:s0], [sflag:$0x2] =	stream.indirect.gather [spmem:s2], $0x40, s13, s13, $0xb8;
	[tilespmem:$0x1B170] =	vst v63  }
0x47: {  	_ = 	snop  }
0x48: {  	[tilespmem:s18], [sflag:$0x2] =	stream.indirect.gather [spmem:s2], $0x40, s17, s13, $0xb8;
	[tilespmem:$0x1B170] =	vst v63  }
0x49: {  	s25 =	simm.s32 $0x3  }
0x4a: {  	[tilespmem:s20], [sflag:$0x3] =	stream.indirect.gather [spmem:s2], $0x40, s19, s13, $0xb8;
	[tilespmem:$0x1B170] =	vst v63  }
0x4b: {  	s26 =	simm.s32 $0xF0;
	s28 =	simm.s32 $0x2800;
	s29 =	simm.s32 $0xEE40  }
0x4c: {  	[tilespmem:s22], [sflag:$0x3] =	stream.indirect.gather [spmem:s2], $0x40, s21, s13, $0xb8;
	[tilespmem:$0x1B170] =	vst v63  }
.LBB2_2:
0x4d: {  	s30 =	sadd.s32 $0xFFFFFFFD, s25  }
0x4e: {  	p0 =	sgt.u32 s30, $0x79  }
0x4f: {  	s31 =	sand.u32 @!p0 $0x3, s25  }
0x50: {  	s1 =	smul.u32 @!p0 $0x1400, s31  }
0x51: {  	s0 =	sand.u32 $0x3, s30  }
0x52: {  	s16 =	simm.s32 @!p0 $0x50;
	s31 =	sadd.s32 @!p0 $0x1, s31;
	s30 =	sadd.s32 @!p0 $0x4E20, s1  }
0x53: {  	[tilespmem:s30], [sflag:s31] =	stream.indirect.gather @!p0 [spmem:s2], $0x40, s26, s16, $0xb8;
	[tilespmem:$0x1B170] =	vst v63  }
0x54: {  	s1 =	sadd.s32 @!p0 $0x9E20, s1;
	s30 =	smul.u32 $0x50, s0;
	s0 =	sadd.s32 $0x1, s0  }
0x55: {  	[tilespmem:s1], [sflag:s31] =	stream.indirect.gather @!p0 [spmem:s2], $0x40, s28, s16, $0xb8;
	[tilespmem:$0x1B170] =	vst v63  }
0x56: {  	_ =	swait.ge [sflag:s0], $0x1400  }
0x57: {  	[sflag:s0] =	ssyncset.done $0x0  }
0x58: {  	v0 =	vmov s30;
	[sflag:s0] =	ssyncadd.s32 $0xFFFFEC00  }
0x59: {  	v0 =	vshll.u32 v0, $0x6;
	_ =	swait.ge [sflag:s0], $0x1400  }
0x5a: {  	v1 =	vor.u32 v6, v0;
	v3 =	vld [tilespmem:$0x1FF70]  }
0x5b: {  	v0 =	vor.u32 v14, v1;
	v5 =	vld [tilespmem:$0x1FF80]  }
0x5c: {  	v6 =	vld [tilespmem:$0x1FF90]  }
0x5d: {  	v2 =	vor.u32 v16, v1;
	v20 =	vld [tilespmem:$0x1FD90]  }
0x5e: {  	v62 =	vor.u32 v18, v1;
	[sflag:s0] =	ssyncset.done $0x0;
	v18 =	vld [tilespmem:$0x1FDC0]  }
0x5f: {  	v60 =	vor.u32 v60, v1;
	v16 =	vld [tilespmem:$0x1FDD0];
	[sflag:s0] =	ssyncadd.s32 $0xFFFFEC00  }
0x60: {  	v49 =	vmov v40;
	v40 =	vld.idx.msk [tilespmem:v0+s14+$0x0], $0xffff  }
0x61: {  	v0 =	vld.idx.msk [tilespmem:v0+s15+$0x0], $0xffff  }
0x62: {  	v63 =	vld.idx.msk [tilespmem:v2+s14+$0x0], $0xffff  }
0x63: {  	v2 =	vld.idx.msk [tilespmem:v2+s15+$0x0], $0xffff;
	v3 =	vor.u32 v3, v1  }
0x64: {  	v4 =	vld.idx.msk [tilespmem:v60+s14+$0x0], $0xffff  }
0x65: {  	v60 =	vld.idx.msk [tilespmem:v60+s15+$0x0], $0xffff;
	v5 =	vor.u32 v5, v1  }
0x66: {  	v47 =	vld.idx.msk [tilespmem:v62+s14+$0x0], $0xffff;
	v0 =	vmul.bf16 v0, v40  }
0x67: {  	v62 =	vld.idx.msk [tilespmem:v62+s15+$0x0], $0xffff;
	v6 =	vor.u32 v6, v1  }
0x68: {  	v2 =	vmul.bf16 v2, v63;
	v0 =	vadd.bf16 v7, v0;
	v63 =	vld.idx.msk [tilespmem:v3+s14+$0x0], $0xffff  }
0x69: {  	v3 =	vld.idx.msk [tilespmem:v3+s15+$0x0], $0xffff;
	v7 =	vor.u32 v22, v1  }
0x6a: {  	v40 =	vmul.bf16 v60, v4;
	v4 =	vld.idx.msk [tilespmem:v5+s14+$0x0], $0xffff;
	v0 =	vadd.bf16 v2, v0  }
0x6b: {  	v60 =	vor.u32 v23, v1;
	v5 =	vld.idx.msk [tilespmem:v5+s15+$0x0], $0xffff  }
0x6c: {  	v19 =	vmov v61;
	v47 =	vmul.bf16 v62, v47;
	v61 =	vld.idx.msk [tilespmem:v6+s14+$0x0], $0xffff;
	v0 =	vadd.bf16 v40, v0  }
0x6d: {  	v62 =	vor.u32 v15, v1;
	v6 =	vld.idx.msk [tilespmem:v6+s15+$0x0], $0xffff  }
0x6e: {  	v40 =	vmul.bf16 v3, v63;
	v3 =	vld.idx.msk [tilespmem:v7+s14+$0x0], $0xffff;
	v0 =	vadd.bf16 v47, v0  }
0x6f: {  	v7 =	vld.idx.msk [tilespmem:v7+s15+$0x0], $0xffff;
	v63 =	vor.u32 v24, v1  }
0x70: {  	v47 =	vmul.bf16 v5, v4;
	v4 =	vld.idx.msk [tilespmem:v60+s14+$0x0], $0xffff;
	v0 =	vadd.bf16 v40, v0  }
0x71: {  	v5 =	vld.idx.msk [tilespmem:v60+s15+$0x0], $0xffff;
	v60 =	vor.u32 v25, v1  }
0x72: {  	v40 =	vmul.bf16 v6, v61;
	v6 =	vld.idx.msk [tilespmem:v62+s14+$0x0], $0xffff;
	v0 =	vadd.bf16 v47, v0  }
0x73: {  	v61 =	vld.idx.msk [tilespmem:v62+s15+$0x0], $0xffff;
	v62 =	vor.u32 v27, v1  }
0x74: {  	v47 =	vmul.bf16 v7, v3;
	v3 =	vld.idx.msk [tilespmem:v63+s14+$0x0], $0xffff;
	v0 =	vadd.bf16 v40, v0  }
0x75: {  	v7 =	vld.idx.msk [tilespmem:v63+s15+$0x0], $0xffff;
	v63 =	vor.u32 v28, v1  }
0x76: {  	v40 =	vmul.bf16 v5, v4;
	v4 =	vld.idx.msk [tilespmem:v60+s14+$0x0], $0xffff;
	v0 =	vadd.bf16 v47, v0  }
0x77: {  	v5 =	vld.idx.msk [tilespmem:v60+s15+$0x0], $0xffff;
	v60 =	vor.u32 v29, v1  }
0x78: {  	v47 =	vmul.bf16 v61, v6;
	v6 =	vld.idx.msk [tilespmem:v62+s14+$0x0], $0xffff;
	v0 =	vadd.bf16 v40, v0  }
0x79: {  	v61 =	vld.idx.msk [tilespmem:v62+s15+$0x0], $0xffff;
	v62 =	vor.u32 v30, v1  }
0x7a: {  	v40 =	vmul.bf16 v7, v3;
	v3 =	vld.idx.msk [tilespmem:v63+s14+$0x0], $0xffff;
	v0 =	vadd.bf16 v47, v0  }
0x7b: {  	v7 =	vld.idx.msk [tilespmem:v63+s15+$0x0], $0xffff;
	v63 =	vor.u32 v31, v1  }
0x7c: {  	v47 =	vmul.bf16 v5, v4;
	v4 =	vld.idx.msk [tilespmem:v60+s14+$0x0], $0xffff;
	v0 =	vadd.bf16 v40, v0  }
0x7d: {  	v5 =	vld.idx.msk [tilespmem:v60+s15+$0x0], $0xffff;
	v60 =	vor.u32 v32, v1  }
0x7e: {  	v40 =	vmul.bf16 v61, v6;
	v6 =	vld.idx.msk [tilespmem:v62+s14+$0x0], $0xffff;
	v0 =	vadd.bf16 v47, v0  }
0x7f: {  	v61 =	vld.idx.msk [tilespmem:v62+s15+$0x0], $0xffff;
	v62 =	vor.u32 v33, v1  }
0x80: {  	v47 =	vmul.bf16 v7, v3;
	v3 =	vld.idx.msk [tilespmem:v63+s14+$0x0], $0xffff;
	v0 =	vadd.bf16 v40, v0  }
0x81: {  	v7 =	vld.idx.msk [tilespmem:v63+s15+$0x0], $0xffff;
	v63 =	vor.u32 v34, v1  }
0x82: {  	v40 =	vmul.bf16 v5, v4;
	v4 =	vld.idx.msk [tilespmem:v60+s14+$0x0], $0xffff;
	v0 =	vadd.bf16 v47, v0  }
0x83: {  	v5 =	vld.idx.msk [tilespmem:v60+s15+$0x0], $0xffff;
	v60 =	vor.u32 v35, v1  }
0x84: {  	v47 =	vmul.bf16 v61, v6;
	v6 =	vld.idx.msk [tilespmem:v62+s14+$0x0], $0xffff;
	v0 =	vadd.bf16 v40, v0  }
0x85: {  	v61 =	vld.idx.msk [tilespmem:v62+s15+$0x0], $0xffff;
	v62 =	vor.u32 v36, v1  }
0x86: {  	v40 =	vmul.bf16 v7, v3;
	v3 =	vld.idx.msk [tilespmem:v63+s14+$0x0], $0xffff;
	v0 =	vadd.bf16 v47, v0  }
0x87: {  	v7 =	vld.idx.msk [tilespmem:v63+s15+$0x0], $0xffff;
	v63 =	vor.u32 v37, v1  }
0x88: {  	v47 =	vmul.bf16 v5, v4;
	v4 =	vld.idx.msk [tilespmem:v60+s14+$0x0], $0xffff;
	v0 =	vadd.bf16 v40, v0  }
0x89: {  	v5 =	vld.idx.msk [tilespmem:v60+s15+$0x0], $0xffff;
	v60 =	vor.u32 v42, v1  }
0x8a: {  	v40 =	vmul.bf16 v61, v6;
	v6 =	vld.idx.msk [tilespmem:v62+s14+$0x0], $0xffff;
	v0 =	vadd.bf16 v47, v0  }
0x8b: {  	v61 =	vld.idx.msk [tilespmem:v62+s15+$0x0], $0xffff;
	v62 =	vor.u32 v43, v1  }
0x8c: {  	v47 =	vmul.bf16 v7, v3;
	v3 =	vld.idx.msk [tilespmem:v63+s14+$0x0], $0xffff;
	v0 =	vadd.bf16 v40, v0  }
0x8d: {  	v7 =	vld.idx.msk [tilespmem:v63+s15+$0x0], $0xffff;
	v63 =	vor.u32 v8, v1  }
0x8e: {  	v40 =	vmul.bf16 v5, v4;
	v4 =	vld.idx.msk [tilespmem:v60+s14+$0x0], $0xffff;
	v0 =	vadd.bf16 v47, v0  }
0x8f: {  	v5 =	vld.idx.msk [tilespmem:v60+s15+$0x0], $0xffff;
	v60 =	vor.u32 v48, v1  }
0x90: {  	v47 =	vmul.bf16 v61, v6;
	v6 =	vld.idx.msk [tilespmem:v62+s14+$0x0], $0xffff;
	v0 =	vadd.bf16 v40, v0  }
0x91: {  	v61 =	vld.idx.msk [tilespmem:v62+s15+$0x0], $0xffff;
	v62 =	vor.u32 v51, v1  }
0x92: {  	v40 =	vmul.bf16 v7, v3;
	v3 =	vld.idx.msk [tilespmem:v63+s14+$0x0], $0xffff;
	v0 =	vadd.bf16 v47, v0  }
0x93: {  	v7 =	vld.idx.msk [tilespmem:v63+s15+$0x0], $0xffff;
	v63 =	vor.u32 v54, v1  }
0x94: {  	v47 =	vmul.bf16 v5, v4;
	v4 =	vld.idx.msk [tilespmem:v60+s14+$0x0], $0xffff;
	v0 =	vadd.bf16 v40, v0  }
0x95: {  	v5 =	vld.idx.msk [tilespmem:v60+s15+$0x0], $0xffff;
	v60 =	vor.u32 v55, v1  }
0x96: {  	v40 =	vmul.bf16 v61, v6;
	v6 =	vld.idx.msk [tilespmem:v62+s14+$0x0], $0xffff;
	v0 =	vadd.bf16 v47, v0  }
0x97: {  	v61 =	vld.idx.msk [tilespmem:v62+s15+$0x0], $0xffff;
	v62 =	vor.u32 v56, v1  }
0x98: {  	v47 =	vmul.bf16 v7, v3;
	v3 =	vld.idx.msk [tilespmem:v63+s14+$0x0], $0xffff;
	v0 =	vadd.bf16 v40, v0  }
0x99: {  	v7 =	vld.idx.msk [tilespmem:v63+s15+$0x0], $0xffff  }
0x9a: {  	v40 =	vmul.bf16 v5, v4;
	v4 =	vld.idx.msk [tilespmem:v60+s14+$0x0], $0xffff;
	v0 =	vadd.bf16 v47, v0  }
0x9b: {  	v5 =	vld.idx.msk [tilespmem:v60+s15+$0x0], $0xffff  }
0x9c: {  	v63 =	vor.u32 v57, v1;
	v47 =	vmul.bf16 v61, v6;
	v6 =	vld.idx.msk [tilespmem:v62+s14+$0x0], $0xffff;
	v0 =	vadd.bf16 v40, v0  }
0x9d: {  	v61 =	vld.idx.msk [tilespmem:v62+s15+$0x0], $0xffff  }
0x9e: {  	v23 =	vld [tilespmem:$0x1FE80];
	v60 =	vor.u32 v58, v1;
	v40 =	vmul.bf16 v7, v3;
	v0 =	vadd.bf16 v47, v0  }
0x9f: {  	v22 =	vld [tilespmem:$0x1FE90]  }
0xa0: {  	v24 =	vld [tilespmem:$0x1FEA0];
	v47 =	vmul.bf16 v5, v4;
	v0 =	vadd.bf16 v40, v0  }
0xa1: {  	v62 =	vor.u32 v59, v1;
	v3 =	vld.idx.msk [tilespmem:v63+s14+$0x0], $0xffff  }
0xa2: {  	v7 =	vld.idx.msk [tilespmem:v63+s15+$0x0], $0xffff;
	v40 =	vmul.bf16 v61, v6;
	v0 =	vadd.bf16 v47, v0  }
0xa3: {  	v63 =	vor.u32 v9, v1;
	v4 =	vld.idx.msk [tilespmem:v60+s14+$0x0], $0xffff  }
0xa4: {  	v0 =	vadd.bf16 v40, v0;
	v40 =	vld [tilespmem:$0x1FDA0]  }
0xa5: {  	v5 =	vld.idx.msk [tilespmem:v60+s15+$0x0], $0xffff;
	v60 =	vor.u32 v10, v1  }
0xa6: {  	v6 =	vld.idx.msk [tilespmem:v62+s14+$0x0], $0xffff  }
0xa7: {  	v61 =	vld.idx.msk [tilespmem:v62+s15+$0x0], $0xffff;
	v62 =	vor.u32 v20, v1  }
0xa8: {  	v47 =	vmul.bf16 v7, v3;
	v3 =	vld.idx.msk [tilespmem:v63+s14+$0x0], $0xffff  }
0xa9: {  	v7 =	vld.idx.msk [tilespmem:v63+s15+$0x0], $0xffff;
	v63 =	vor.u32 v40, v1  }
0xaa: {  	v0 =	vadd.bf16 v47, v0;
	v47 =	vmul.bf16 v5, v4;
	v4 =	vld.idx.msk [tilespmem:v60+s14+$0x0], $0xffff  }
0xab: {  	v5 =	vld.idx.msk [tilespmem:v60+s15+$0x0], $0xffff;
	v60 =	vor.u32 v44, v1  }
0xac: {  	v0 =	vadd.bf16 v47, v0;
	v47 =	vmul.bf16 v61, v6;
	v6 =	vld.idx.msk [tilespmem:v62+s14+$0x0], $0xffff  }
0xad: {  	v61 =	vld.idx.msk [tilespmem:v62+s15+$0x0], $0xffff;
	v62 =	vor.u32 v45, v1  }
0xae: {  	v0 =	vadd.bf16 v47, v0;
	v47 =	vmul.bf16 v7, v3;
	v3 =	vld.idx.msk [tilespmem:v63+s14+$0x0], $0xffff  }
0xaf: {  	v7 =	vld.idx.msk [tilespmem:v63+s15+$0x0], $0xffff;
	v63 =	vor.u32 v21, v1  }
0xb0: {  	v0 =	vadd.bf16 v47, v0;
	v47 =	vmul.bf16 v5, v4;
	v4 =	vld.idx.msk [tilespmem:v60+s14+$0x0], $0xffff  }
0xb1: {  	v5 =	vld.idx.msk [tilespmem:v60+s15+$0x0], $0xffff;
	v60 =	vor.u32 v17, v1  }
0xb2: {  	v0 =	vadd.bf16 v47, v0;
	v47 =	vmul.bf16 v61, v6;
	v6 =	vld.idx.msk [tilespmem:v62+s14+$0x0], $0xffff  }
0xb3: {  	v61 =	vld.idx.msk [tilespmem:v62+s15+$0x0], $0xffff;
	v62 =	vor.u32 v39, v1  }
0xb4: {  	v0 =	vadd.bf16 v47, v0;
	v47 =	vmul.bf16 v7, v3;
	v3 =	vld.idx.msk [tilespmem:v63+s14+$0x0], $0xffff  }
0xb5: {  	v7 =	vld.idx.msk [tilespmem:v63+s15+$0x0], $0xffff;
	v63 =	vor.u32 v23, v1  }
0xb6: {  	v0 =	vadd.bf16 v47, v0;
	v47 =	vmul.bf16 v5, v4;
	v4 =	vld.idx.msk [tilespmem:v60+s14+$0x0], $0xffff  }
0xb7: {  	v5 =	vld.idx.msk [tilespmem:v60+s15+$0x0], $0xffff  }
0xb8: {  	v0 =	vadd.bf16 v47, v0;
	v47 =	vmul.bf16 v61, v6;
	v6 =	vld.idx.msk [tilespmem:v62+s14+$0x0], $0xffff  }
0xb9: {  	v61 =	vld.idx.msk [tilespmem:v62+s15+$0x0], $0xffff  }
0xba: {  	v60 =	vor.u32 v26, v1;
	v0 =	vadd.bf16 v47, v0;
	v47 =	vmul.bf16 v7, v3;
	v3 =	vld.idx.msk [tilespmem:v63+s14+$0x0], $0xffff  }
0xbb: {  	v7 =	vld.idx.msk [tilespmem:v63+s15+$0x0], $0xffff  }
0xbc: {  	v14 =	vld [tilespmem:$0x1FDF0];
	v0 =	vadd.bf16 v47, v0;
	v47 =	vmul.bf16 v5, v4  }
0xbd: {  	v25 =	vld [tilespmem:$0x1FEB0];
	v62 =	vor.u32 v22, v1  }
0xbe: {  	v17 =	vld [tilespmem:$0x1FEC0];
	v2 =	vmul.bf16 v61, v6;
	v0 =	vadd.bf16 v47, v0  }
0xbf: {  	v63 =	vor.u32 v24, v1;
	v4 =	vld.idx.msk [tilespmem:v60+s14+$0x0], $0xffff  }
0xc0: {  	v0 =	vadd.bf16 v2, v0;
	v2 =	vmul.bf16 v7, v3;
	v3 =	vld [tilespmem:$0x1FE40]  }
0xc1: {  	v5 =	vld.idx.msk [tilespmem:v60+s15+$0x0], $0xffff  }
0xc2: {  	v60 =	vor.u32 v25, v1;
	v6 =	vld.idx.msk [tilespmem:v62+s14+$0x0], $0xffff  }
0xc3: {  	v62 =	vld.idx.msk [tilespmem:v62+s15+$0x0], $0xffff  }
0xc4: {  	v13 =	vld.idx.msk [tilespmem:v63+s14+$0x0], $0xffff;
	v47 =	vmov v8;
	v8 =	vor.u32 v17, v1  }
0xc5: {  	v7 =	vld.idx.msk [tilespmem:v63+s15+$0x0], $0xffff;
	v15 =	vsel vm0, v38, v3  }
0xc6: {  	v61 =	vcombine.low v14, v15;
	v14 =	vld [tilespmem:$0x1FE10]  }
0xc7: {  	v0 =	vadd.bf16 v2, v0;
	v2 =	vmul.bf16 v5, v4;
	v4 =	vld.idx.msk [tilespmem:v60+s14+$0x0], $0xffff  }
0xc8: {  	v63 =	vor.u32 v18, v1;
	v60 =	vld.idx.msk [tilespmem:v60+s15+$0x0], $0xffff  }
0xc9: {  	v62 =	vmul.bf16 v62, v6;
	v0 =	vadd.bf16 v2, v0;
	v6 =	vld.idx.msk [tilespmem:v8+s14+$0x0], $0xffff  }
0xca: {  	v8 =	vld.idx.msk [tilespmem:v8+s15+$0x0], $0xffff;
	v2 =	vmul.bf16 v7, v13;
	v7 =	vsel vm0, v12, v11  }
0xcb: {  	v38 =	vmovc v9;
	v9 =	vor.u32 v16, v1;
	v0 =	vadd.bf16 v62, v0;
	v62 =	vcombine.low v7, v14;
	v7 =	vld [tilespmem:$0x1FDB0]  }
0xcc: {  	v14 =	vld [tilespmem:$0x1FE20]  }
0xcd: {  	v5 =	vld.idx.msk [tilespmem:v63+s14+$0x0], $0xffff  }
0xce: {  	v11 =	vld.idx.msk [tilespmem:v63+s15+$0x0], $0xffff  }
0xcf: {  	v26 =	vmovc v10;
	v10 =	vor.u32 v61, v1;
	v0 =	vadd.bf16 v2, v0;
	v2 =	vmul.bf16 v60, v4;
	v60 =	vld [tilespmem:$0x1FE50]  }
0xd0: {  	v4 =	vld.idx.msk [tilespmem:v9+s14+$0x0], $0xffff;
	v7 =	vsel vm0, v7, v19  }
0xd1: {  	v0 =	vadd.bf16 v2, v0;
	v2 =	vmul.bf16 v8, v6;
	v63 =	vcombine.low v7, v14;
	v7 =	vld [tilespmem:$0x1FDE0]  }
0xd2: {  	v9 =	vld.idx.msk [tilespmem:v9+s15+$0x0], $0xffff  }
0xd3: {  	v0 =	vadd.bf16 v2, v0;
	v2 =	vld [tilespmem:$0x1FE30]  }
0xd4: {  	v6 =	vld.idx.msk [tilespmem:v10+s14+$0x0], $0xffff  }
0xd5: {  	v12 =	vor.u32 v46, v1;
	v8 =	vld.idx.msk [tilespmem:v10+s15+$0x0], $0xffff  }
0xd6: {  	v13 =	vor.u32 v62, v1;
	v7 =	vsel vm0, v3, v7;
	v3 =	vmul.bf16 v11, v5;
	v11 =	vld [tilespmem:$0x1FE00]  }
0xd7: {  	v5 =	vld [tilespmem:$0x1FE60];
	_ =	sdelay $0x2  }
0xd8: {  	v60 =	vcombine.low v7, v60;
	v7 =	vld.idx.msk [tilespmem:v12+s14+$0x0], $0xffff;
	v0 =	vadd.bf16 v3, v0;
	v3 =	vmul.bf16 v9, v4  }
0xd9: {  	v10 =	vor.u32 v63, v1;
	v4 =	vld.idx.msk [tilespmem:v13+s14+$0x0], $0xffff;
	v2 =	vsel vm0, v2, v11  }
0xda: {  	v0 =	vadd.bf16 v3, v0;
	v3 =	vmul.bf16 v8, v6;
	v2 =	vcombine.low v2, v5;
	v5 =	vld [tilespmem:$0x1FFF0]  }
0xdb: {  	v11 =	vld.idx.msk [tilespmem:v12+s15+$0x0], $0xffff;
	v12 =	vor.u32 v60, v1  }
0xdc: {  	v3 =	vadd.bf16 v3, v0;
	v0 =	vld [tilespmem:$0x1FE70]  }
0xdd: {  	v9 =	vld.idx.msk [tilespmem:v13+s15+$0x0], $0xffff;
	v13 =	vor.u32 v2, v1  }
0xde: {  	v6 =	vld.idx.msk [tilespmem:v10+s14+$0x0], $0xffff  }
0xdf: {  	v8 =	vld.idx.msk [tilespmem:v10+s15+$0x0], $0xffff;
	v10 =	vor.u32 v5, v1  }
0xe0: {  	v7 =	vmul.bf16 v11, v7;
	v11 =	vld.idx.msk [tilespmem:v12+s14+$0x0], $0xffff  }
0xe1: {  	v14 =	vor.u32 v50, v1;
	v12 =	vld.idx.msk [tilespmem:v12+s15+$0x0], $0xffff;
	v0 =	vcombine.low v15, v0  }
0xe2: {  	v4 =	vmul.bf16 v9, v4;
	v3 =	vadd.bf16 v7, v3;
	v5 =	vld.idx.msk [tilespmem:v13+s14+$0x0], $0xffff  }
0xe3: {  	v7 =	vld.idx.msk [tilespmem:v13+s15+$0x0], $0xffff;
	v9 =	vor.u32 v0, v1  }
0xe4: {  	v3 =	vadd.bf16 v4, v3;
	v4 =	vmul.bf16 v8, v6;
	v6 =	vld.idx.msk [tilespmem:v10+s14+$0x0], $0xffff  }
0xe5: {  	v8 =	vld.idx.msk [tilespmem:v10+s15+$0x0], $0xffff;
	v10 =	vor.u32 v52, v1  }
0xe6: {  	v3 =	vadd.bf16 v4, v3;
	v4 =	vmul.bf16 v12, v11;
	v11 =	vld.idx.msk [tilespmem:v14+s14+$0x0], $0xffff  }
0xe7: {  	v13 =	vor.u32 v53, v1;
	v12 =	vld.idx.msk [tilespmem:v14+s15+$0x0], $0xffff  }
0xe8: {  	v3 =	vadd.bf16 v4, v3;
	v4 =	vmul.bf16 v7, v5;
	v5 =	vld.idx.msk [tilespmem:v9+s14+$0x0], $0xffff  }
0xe9: {  	v7 =	vld.idx.msk [tilespmem:v9+s15+$0x0], $0xffff;
	v9 =	vor.u32 v49, v1  }
0xea: {  	v3 =	vadd.bf16 v4, v3;
	v4 =	vmul.bf16 v8, v6;
	v6 =	vld.idx.msk [tilespmem:v10+s14+$0x0], $0xffff  }
0xeb: {  	v1 =	vor.u32 v41, v1;
	v8 =	vld.idx.msk [tilespmem:v10+s15+$0x0], $0xffff  }
0xec: {  	v10 =	vld.idx.msk [tilespmem:v13+s14+$0x0], $0xffff;
	v3 =	vadd.bf16 v4, v3;
	v4 =	vmul.bf16 v12, v11  }
0xed: {  	v11 =	vld.idx.msk [tilespmem:v13+s15+$0x0], $0xffff  }
0xee: {  	v3 =	vadd.bf16 v4, v3;
	v4 =	vmul.bf16 v7, v5;
	v5 =	vld.idx.msk [tilespmem:v9+s14+$0x0], $0xffff  }
0xef: {  	v7 =	vld.idx.msk [tilespmem:v9+s15+$0x0], $0xffff  }
0xf0: {  	v3 =	vadd.bf16 v4, v3;
	v4 =	vmul.bf16 v8, v6;
	v6 =	vld.idx.msk [tilespmem:v1+s14+$0x0], $0xffff  }
0xf1: {  	v1 =	vld.idx.msk [tilespmem:v1+s15+$0x0], $0xffff  }
0xf2: {  	v3 =	vadd.bf16 v4, v3;
	v4 =	vmul.bf16 v11, v10;
	_ =	sdelay $0x1  }
0xf3: {  	v3 =	vadd.bf16 v4, v3;
	v4 =	vmul.bf16 v7, v5;
	_ =	sdelay $0x1  }
0xf4: {  	v1 =	vmul.bf16 v1, v6;
	v3 =	vadd.bf16 v4, v3;
	_ =	sdelay $0x1  }
0xf5: {  	v1 =	vadd.bf16 v1, v3;
	_ =	sdelay $0x1  }
0xf6: {  	v3 =	vshll.u32 v1, $0x10;
	v1 =	vand.u32 $0xFFFF0000, v1  }
0xf7: {  	v1 =	vadd.f32 v1, v3;
	_ =	sdelay $0x1  }
0xf8: {  	v1 =	vsub.f32 $0.0e+00, v1;
	_ =	sdelay $0x1  }
0xf9: {  	v1 =	vmul.f32 $1.442695020e+00, v1;
	_ =	sdelay $0x1  }
0xfa: {  	(erf) = vpow2.f32 v1;
	_ =	sdelay $0x8  }
0xfb: {  	v1 =	vpop (erf)  }
0xfc: {  	v1 =	vadd.f32 $1.000000000e+00, v1;
	_ =	sdelay $0x1  }
0xfd: {  	(erf) = vrcp.f32 v1;
	_ =	sdelay $0x4  }
0xfe: {  	v3 =	vld [tilespmem:$0x1FF10];
	_ =	sdelay $0x1  }
0xff: {  	s31 =	sadd.s32 $0x10, s30  }
0x100: {  	v4 =	vld [tilespmem:$0x1FF20];
	v1 =	vmov s31  }
0x101: {  	v1 =	vshll.u32 v1, $0x6;
	v5 =	vpop (erf)  }
0x102: {  	v14 =	vlaneseq.u32;
	v1 =	vor.u32 v3, v1;
	[tilespmem:s29+$0xFFFFFFE0] =	vst v5;
	v5 =	vld [tilespmem:$0x1FF30]  }
0x103: {  	v3 =	vor.u32 v14, v1;
	_ =	sdelay $0x1  }
0x104: {  	v7 =	vld [tilespmem:$0x1FF40];
	v4 =	vor.u32 v4, v1  }
0x105: {  	v9 =	vld [tilespmem:$0x1FF70]  }
0x106: {  	v11 =	vld [tilespmem:$0x1FF80];
	v5 =	vor.u32 v5, v1  }
0x107: {  	v6 =	vld.idx.msk [tilespmem:v3+s14+$0x0], $0xffff  }
0x108: {  	v3 =	vld.idx.msk [tilespmem:v3+s15+$0x0], $0xffff  }
0x109: {  	v7 =	vor.u32 v7, v1;
	v8 =	vld.idx.msk [tilespmem:v4+s14+$0x0], $0xffff  }
0x10a: {  	v4 =	vld.idx.msk [tilespmem:v4+s15+$0x0], $0xffff  }
0x10b: {  	v10 =	vld.idx.msk [tilespmem:v5+s14+$0x0], $0xffff  }
0x10c: {  	v11 =	vor.u32 v11, v1;
	v5 =	vld.idx.msk [tilespmem:v5+s15+$0x0], $0xffff  }
0x10d: {  	v12 =	vld [tilespmem:$0x1FF90];
	v3 =	vmul.bf16 v3, v6  }
0x10e: {  	v13 =	vimm.bf16 $0.0e+00;
	v6 =	vld.idx.msk [tilespmem:v7+s14+$0x0], $0xffff  }
0x10f: {  	v9 =	vor.u32 v9, v1;
	v7 =	vld.idx.msk [tilespmem:v7+s15+$0x0], $0xffff;
	v4 =	vmul.bf16 v4, v8;
	v3 =	vadd.bf16 v13, v3  }
0x110: {  	v13 =	vld [tilespmem:$0x1FF50]  }
0x111: {  	v3 =	vadd.bf16 v4, v3;
	v4 =	vmul.bf16 v5, v10;
	v5 =	vld.idx.msk [tilespmem:v11+s14+$0x0], $0xffff  }
0x112: {  	v12 =	vor.u32 v12, v1;
	v10 =	vld.idx.msk [tilespmem:v11+s15+$0x0], $0xffff  }
0x113: {  	v11 =	vld [tilespmem:$0x1FF60]  }
0x114: {  	v8 =	vld.idx.msk [tilespmem:v9+s14+$0x0], $0xffff  }
0x115: {  	v9 =	vld.idx.msk [tilespmem:v9+s15+$0x0], $0xffff;
	v13 =	vor.u32 v13, v1;
	_ =	sdelay $0x1  }
0x116: {  	v3 =	vadd.bf16 v4, v3;
	v4 =	vmul.bf16 v7, v6;
	v6 =	vld.idx.msk [tilespmem:v12+s14+$0x0], $0xffff  }
0x117: {  	v7 =	vld.idx.msk [tilespmem:v12+s15+$0x0], $0xffff;
	v11 =	vor.u32 v11, v1  }
0x118: {  	v12 =	vld [tilespmem:$0x1FFA0]  }
0x119: {  	v3 =	vadd.bf16 v4, v3;
	v4 =	vmul.bf16 v9, v8;
	v8 =	vld.idx.msk [tilespmem:v13+s14+$0x0], $0xffff  }
0x11a: {  	v9 =	vld.idx.msk [tilespmem:v13+s15+$0x0], $0xffff  }
0x11b: {  	v13 =	vld [tilespmem:$0x1FFB0]  }
0x11c: {  	v3 =	vadd.bf16 v4, v3;
	v4 =	vmul.bf16 v10, v5;
	v5 =	vld.idx.msk [tilespmem:v11+s14+$0x0], $0xffff  }
0x11d: {  	v10 =	vld.idx.msk [tilespmem:v11+s15+$0x0], $0xffff  }
0x11e: {  	v11 =	vld [tilespmem:$0x1FFD0]  }
0x11f: {  	v12 =	vor.u32 v12, v1;
	_ =	sdelay $0x1  }
0x120: {  	v13 =	vor.u32 v13, v1;
	_ =	sdelay $0x1  }
0x121: {  	v11 =	vor.u32 v11, v1  }
0x122: {  	v3 =	vadd.bf16 v4, v3;
	v4 =	vmul.bf16 v7, v6;
	v6 =	vld.idx.msk [tilespmem:v12+s14+$0x0], $0xffff  }
0x123: {  	v7 =	vld.idx.msk [tilespmem:v12+s15+$0x0], $0xffff;
	v12 =	vor.u32 v27, v1  }
0x124: {  	v3 =	vadd.bf16 v4, v3;
	v4 =	vmul.bf16 v9, v8;
	v8 =	vld.idx.msk [tilespmem:v13+s14+$0x0], $0xffff  }
0x125: {  	v9 =	vld.idx.msk [tilespmem:v13+s15+$0x0], $0xffff;
	v13 =	vor.u32 v28, v1  }
0x126: {  	v3 =	vadd.bf16 v4, v3;
	v4 =	vmul.bf16 v10, v5;
	v5 =	vld.idx.msk [tilespmem:v11+s14+$0x0], $0xffff  }
0x127: {  	v10 =	vld.idx.msk [tilespmem:v11+s15+$0x0], $0xffff;
	v11 =	vor.u32 v29, v1  }
0x128: {  	v3 =	vadd.bf16 v4, v3;
	v4 =	vmul.bf16 v7, v6;
	v6 =	vld.idx.msk [tilespmem:v12+s14+$0x0], $0xffff  }
0x129: {  	v7 =	vld.idx.msk [tilespmem:v12+s15+$0x0], $0xffff;
	v12 =	vor.u32 v30, v1  }
0x12a: {  	v3 =	vadd.bf16 v4, v3;
	v4 =	vmul.bf16 v9, v8;
	v8 =	vld.idx.msk [tilespmem:v13+s14+$0x0], $0xffff  }
0x12b: {  	v9 =	vld.idx.msk [tilespmem:v13+s15+$0x0], $0xffff;
	v13 =	vor.u32 v31, v1  }
0x12c: {  	v3 =	vadd.bf16 v4, v3;
	v4 =	vmul.bf16 v10, v5;
	v5 =	vld.idx.msk [tilespmem:v11+s14+$0x0], $0xffff  }
0x12d: {  	v10 =	vld.idx.msk [tilespmem:v11+s15+$0x0], $0xffff;
	v11 =	vor.u32 v32, v1  }
0x12e: {  	v3 =	vadd.bf16 v4, v3;
	v4 =	vmul.bf16 v7, v6;
	v6 =	vld.idx.msk [tilespmem:v12+s14+$0x0], $0xffff  }
0x12f: {  	v7 =	vld.idx.msk [tilespmem:v12+s15+$0x0], $0xffff;
	v12 =	vor.u32 v33, v1  }
0x130: {  	v3 =	vadd.bf16 v4, v3;
	v4 =	vmul.bf16 v9, v8;
	v8 =	vld.idx.msk [tilespmem:v13+s14+$0x0], $0xffff  }
0x131: {  	v9 =	vld.idx.msk [tilespmem:v13+s15+$0x0], $0xffff;
	v13 =	vor.u32 v34, v1  }
0x132: {  	v3 =	vadd.bf16 v4, v3;
	v4 =	vmul.bf16 v10, v5;
	v5 =	vld.idx.msk [tilespmem:v11+s14+$0x0], $0xffff  }
0x133: {  	v10 =	vld.idx.msk [tilespmem:v11+s15+$0x0], $0xffff;
	v11 =	vor.u32 v35, v1  }
0x134: {  	v3 =	vadd.bf16 v4, v3;
	v4 =	vmul.bf16 v7, v6;
	v6 =	vld.idx.msk [tilespmem:v12+s14+$0x0], $0xffff  }
0x135: {  	v7 =	vld.idx.msk [tilespmem:v12+s15+$0x0], $0xffff;
	v12 =	vor.u32 v36, v1  }
0x136: {  	v3 =	vadd.bf16 v4, v3;
	v4 =	vmul.bf16 v9, v8;
	v8 =	vld.idx.msk [tilespmem:v13+s14+$0x0], $0xffff  }
0x137: {  	v9 =	vld.idx.msk [tilespmem:v13+s15+$0x0], $0xffff;
	v13 =	vor.u32 v37, v1  }
0x138: {  	v3 =	vadd.bf16 v4, v3;
	v4 =	vmul.bf16 v10, v5;
	v5 =	vld.idx.msk [tilespmem:v11+s14+$0x0], $0xffff  }
0x139: {  	v10 =	vld.idx.msk [tilespmem:v11+s15+$0x0], $0xffff;
	v11 =	vor.u32 v42, v1  }
0x13a: {  	v3 =	vadd.bf16 v4, v3;
	v4 =	vmul.bf16 v7, v6;
	v6 =	vld.idx.msk [tilespmem:v12+s14+$0x0], $0xffff  }
0x13b: {  	v7 =	vld.idx.msk [tilespmem:v12+s15+$0x0], $0xffff;
	v12 =	vor.u32 v43, v1  }
0x13c: {  	v3 =	vadd.bf16 v4, v3;
	v4 =	vmul.bf16 v9, v8;
	v8 =	vld.idx.msk [tilespmem:v13+s14+$0x0], $0xffff  }
0x13d: {  	v9 =	vld.idx.msk [tilespmem:v13+s15+$0x0], $0xffff;
	v13 =	vor.u32 v47, v1  }
0x13e: {  	v3 =	vadd.bf16 v4, v3;
	v4 =	vmul.bf16 v10, v5;
	v5 =	vld.idx.msk [tilespmem:v11+s14+$0x0], $0xffff  }
0x13f: {  	v10 =	vld.idx.msk [tilespmem:v11+s15+$0x0], $0xffff;
	v11 =	vor.u32 v48, v1  }
0x140: {  	v3 =	vadd.bf16 v4, v3;
	v4 =	vmul.bf16 v7, v6;
	v6 =	vld.idx.msk [tilespmem:v12+s14+$0x0], $0xffff  }
0x141: {  	v7 =	vld.idx.msk [tilespmem:v12+s15+$0x0], $0xffff;
	v12 =	vor.u32 v51, v1  }
0x142: {  	v3 =	vadd.bf16 v4, v3;
	v4 =	vmul.bf16 v9, v8;
	v8 =	vld.idx.msk [tilespmem:v13+s14+$0x0], $0xffff  }
0x143: {  	v9 =	vld.idx.msk [tilespmem:v13+s15+$0x0], $0xffff;
	v13 =	vor.u32 v54, v1  }
0x144: {  	v3 =	vadd.bf16 v4, v3;
	v4 =	vmul.bf16 v10, v5;
	v5 =	vld.idx.msk [tilespmem:v11+s14+$0x0], $0xffff  }
0x145: {  	v10 =	vld.idx.msk [tilespmem:v11+s15+$0x0], $0xffff;
	v11 =	vor.u32 v55, v1  }
0x146: {  	v3 =	vadd.bf16 v4, v3;
	v4 =	vmul.bf16 v7, v6;
	v6 =	vld.idx.msk [tilespmem:v12+s14+$0x0], $0xffff  }
0x147: {  	v7 =	vld.idx.msk [tilespmem:v12+s15+$0x0], $0xffff;
	v12 =	vor.u32 v56, v1  }
0x148: {  	v3 =	vadd.bf16 v4, v3;
	v4 =	vmul.bf16 v9, v8;
	v8 =	vld.idx.msk [tilespmem:v13+s14+$0x0], $0xffff  }
0x149: {  	v9 =	vld.idx.msk [tilespmem:v13+s15+$0x0], $0xffff;
	v13 =	vor.u32 v57, v1  }
0x14a: {  	v3 =	vadd.bf16 v4, v3;
	v4 =	vmul.bf16 v10, v5;
	v5 =	vld.idx.msk [tilespmem:v11+s14+$0x0], $0xffff  }
0x14b: {  	v10 =	vld.idx.msk [tilespmem:v11+s15+$0x0], $0xffff;
	v11 =	vor.u32 v58, v1  }
0x14c: {  	v3 =	vadd.bf16 v4, v3;
	v4 =	vmul.bf16 v7, v6;
	v6 =	vld.idx.msk [tilespmem:v12+s14+$0x0], $0xffff  }
0x14d: {  	v7 =	vld.idx.msk [tilespmem:v12+s15+$0x0], $0xffff;
	v12 =	vor.u32 v59, v1  }
0x14e: {  	v3 =	vadd.bf16 v4, v3;
	v4 =	vmul.bf16 v9, v8;
	v8 =	vld.idx.msk [tilespmem:v13+s14+$0x0], $0xffff  }
0x14f: {  	v9 =	vld.idx.msk [tilespmem:v13+s15+$0x0], $0xffff;
	v13 =	vor.u32 v38, v1  }
0x150: {  	v3 =	vadd.bf16 v4, v3;
	v4 =	vmul.bf16 v10, v5;
	v5 =	vld.idx.msk [tilespmem:v11+s14+$0x0], $0xffff  }
0x151: {  	v10 =	vld.idx.msk [tilespmem:v11+s15+$0x0], $0xffff;
	v11 =	vor.u32 v26, v1  }
0x152: {  	v3 =	vadd.bf16 v4, v3;
	v4 =	vmul.bf16 v7, v6;
	v6 =	vld.idx.msk [tilespmem:v12+s14+$0x0], $0xffff  }
0x153: {  	v7 =	vld.idx.msk [tilespmem:v12+s15+$0x0], $0xffff  }
0x154: {  	v3 =	vadd.bf16 v4, v3;
	v4 =	vmul.bf16 v9, v8;
	v8 =	vld.idx.msk [tilespmem:v13+s14+$0x0], $0xffff  }
0x155: {  	v9 =	vld.idx.msk [tilespmem:v13+s15+$0x0], $0xffff  }
0x156: {  	v12 =	vor.u32 v20, v1;
	v3 =	vadd.bf16 v4, v3;
	v4 =	vmul.bf16 v10, v5;
	v5 =	vld.idx.msk [tilespmem:v11+s14+$0x0], $0xffff  }
0x157: {  	v10 =	vld.idx.msk [tilespmem:v11+s15+$0x0], $0xffff;
	v11 =	vor.u32 v44, v1  }
0x158: {  	v3 =	vadd.bf16 v4, v3;
	v4 =	vmul.bf16 v7, v6;
	_ =	sdelay $0x1  }
0x159: {  	v3 =	vadd.bf16 v4, v3;
	v4 =	vmul.bf16 v9, v8  }
0x15a: {  	v13 =	vor.u32 v40, v1;
	v6 =	vld.idx.msk [tilespmem:v12+s14+$0x0], $0xffff  }
0x15b: {  	v3 =	vadd.bf16 v4, v3;
	v4 =	vmul.bf16 v10, v5;
	v5 =	vld.idx.msk [tilespmem:v11+s14+$0x0], $0xffff  }
0x15c: {  	v10 =	vld.idx.msk [tilespmem:v11+s15+$0x0], $0xffff  }
0x15d: {  	v11 =	vld [tilespmem:$0x1FFC0]  }
0x15e: {  	v7 =	vld.idx.msk [tilespmem:v12+s15+$0x0], $0xffff  }
0x15f: {  	v8 =	vld.idx.msk [tilespmem:v13+s14+$0x0], $0xffff  }
0x160: {  	v9 =	vld.idx.msk [tilespmem:v13+s15+$0x0], $0xffff  }
0x161: {  	v12 =	vor.u32 v45, v1  }
0x162: {  	v11 =	vor.u32 v11, v1  }
0x163: {  	v3 =	vadd.bf16 v4, v3;
	v4 =	vmul.bf16 v7, v6;
	_ =	sdelay $0x1  }
0x164: {  	v3 =	vadd.bf16 v4, v3;
	v4 =	vmul.bf16 v9, v8  }
0x165: {  	v13 =	vor.u32 v21, v1;
	v6 =	vld.idx.msk [tilespmem:v12+s14+$0x0], $0xffff  }
0x166: {  	v3 =	vadd.bf16 v4, v3;
	v4 =	vmul.bf16 v10, v5;
	v5 =	vld.idx.msk [tilespmem:v11+s14+$0x0], $0xffff  }
0x167: {  	v10 =	vld.idx.msk [tilespmem:v11+s15+$0x0], $0xffff  }
0x168: {  	v11 =	vld [tilespmem:$0x1FFE0]  }
0x169: {  	v7 =	vld.idx.msk [tilespmem:v12+s15+$0x0], $0xffff;
	v12 =	vor.u32 v39, v1  }
0x16a: {  	v8 =	vld.idx.msk [tilespmem:v13+s14+$0x0], $0xffff  }
0x16b: {  	v9 =	vld.idx.msk [tilespmem:v13+s15+$0x0], $0xffff;
	v13 =	vor.u32 v23, v1;
	_ =	sdelay $0x1  }
0x16c: {  	v11 =	vor.u32 v11, v1  }
0x16d: {  	v3 =	vadd.bf16 v4, v3;
	v4 =	vmul.bf16 v7, v6;
	v6 =	vld.idx.msk [tilespmem:v12+s14+$0x0], $0xffff  }
0x16e: {  	v7 =	vld.idx.msk [tilespmem:v12+s15+$0x0], $0xffff;
	v12 =	vor.u32 v22, v1  }
0x16f: {  	v3 =	vadd.bf16 v4, v3;
	v4 =	vmul.bf16 v9, v8;
	v8 =	vld.idx.msk [tilespmem:v13+s14+$0x0], $0xffff  }
0x170: {  	v9 =	vld.idx.msk [tilespmem:v13+s15+$0x0], $0xffff;
	v13 =	vor.u32 v24, v1  }
0x171: {  	v3 =	vadd.bf16 v4, v3;
	v4 =	vmul.bf16 v10, v5;
	v5 =	vld.idx.msk [tilespmem:v11+s14+$0x0], $0xffff  }
0x172: {  	v10 =	vld.idx.msk [tilespmem:v11+s15+$0x0], $0xffff;
	v11 =	vor.u32 v25, v1  }
0x173: {  	v3 =	vadd.bf16 v4, v3;
	v4 =	vmul.bf16 v7, v6;
	v6 =	vld.idx.msk [tilespmem:v12+s14+$0x0], $0xffff  }
0x174: {  	v7 =	vld.idx.msk [tilespmem:v12+s15+$0x0], $0xffff;
	v12 =	vor.u32 v17, v1  }
0x175: {  	v3 =	vadd.bf16 v4, v3;
	v4 =	vmul.bf16 v9, v8;
	v8 =	vld.idx.msk [tilespmem:v13+s14+$0x0], $0xffff  }
0x176: {  	v9 =	vld.idx.msk [tilespmem:v13+s15+$0x0], $0xffff;
	v13 =	vor.u32 v18, v1  }
0x177: {  	v3 =	vadd.bf16 v4, v3;
	v4 =	vmul.bf16 v10, v5;
	v5 =	vld.idx.msk [tilespmem:v11+s14+$0x0], $0xffff  }
0x178: {  	v10 =	vld.idx.msk [tilespmem:v11+s15+$0x0], $0xffff;
	v11 =	vor.u32 v16, v1  }
0x179: {  	v3 =	vadd.bf16 v4, v3;
	v4 =	vmul.bf16 v7, v6;
	v6 =	vld.idx.msk [tilespmem:v12+s14+$0x0], $0xffff  }
0x17a: {  	v7 =	vld.idx.msk [tilespmem:v12+s15+$0x0], $0xffff;
	v12 =	vor.u32 v61, v1  }
0x17b: {  	v3 =	vadd.bf16 v4, v3;
	v4 =	vmul.bf16 v9, v8;
	v8 =	vld.idx.msk [tilespmem:v13+s14+$0x0], $0xffff  }
0x17c: {  	v9 =	vld.idx.msk [tilespmem:v13+s15+$0x0], $0xffff  }
0x17d: {  	v3 =	vadd.bf16 v4, v3;
	v4 =	vmul.bf16 v10, v5;
	v5 =	vld.idx.msk [tilespmem:v11+s14+$0x0], $0xffff  }
0x17e: {  	v10 =	vld.idx.msk [tilespmem:v11+s15+$0x0], $0xffff  }
0x17f: {  	v13 =	vor.u32 v46, v1;
	v3 =	vadd.bf16 v4, v3;
	v4 =	vmul.bf16 v7, v6;
	v6 =	vld.idx.msk [tilespmem:v12+s14+$0x0], $0xffff  }
0x180: {  	v7 =	vld.idx.msk [tilespmem:v12+s15+$0x0], $0xffff;
	v12 =	vor.u32 v63, v1  }
0x181: {  	v3 =	vadd.bf16 v4, v3;
	v4 =	vmul.bf16 v9, v8;
	_ =	sdelay $0x1  }
0x182: {  	v3 =	vadd.bf16 v4, v3;
	v4 =	vmul.bf16 v10, v5  }
0x183: {  	v11 =	vor.u32 v62, v1;
	v8 =	vld.idx.msk [tilespmem:v13+s14+$0x0], $0xffff  }
0x184: {  	v3 =	vadd.bf16 v4, v3;
	v4 =	vmul.bf16 v7, v6;
	v6 =	vld.idx.msk [tilespmem:v12+s14+$0x0], $0xffff  }
0x185: {  	v7 =	vld.idx.msk [tilespmem:v12+s15+$0x0], $0xffff  }
0x186: {  	v12 =	vld [tilespmem:$0x1FFF0]  }
0x187: {  	v9 =	vld.idx.msk [tilespmem:v13+s15+$0x0], $0xffff;
	v13 =	vor.u32 v60, v1  }
0x188: {  	v5 =	vld.idx.msk [tilespmem:v11+s14+$0x0], $0xffff  }
0x189: {  	v10 =	vld.idx.msk [tilespmem:v11+s15+$0x0], $0xffff;
	v11 =	vor.u32 v2, v1;
	_ =	sdelay $0x1  }
0x18a: {  	v12 =	vor.u32 v12, v1  }
0x18b: {  	v3 =	vadd.bf16 v4, v3;
	v4 =	vmul.bf16 v9, v8;
	v8 =	vld.idx.msk [tilespmem:v13+s14+$0x0], $0xffff  }
0x18c: {  	v9 =	vld.idx.msk [tilespmem:v13+s15+$0x0], $0xffff;
	v13 =	vor.u32 v50, v1  }
0x18d: {  	v3 =	vadd.bf16 v4, v3;
	v4 =	vmul.bf16 v10, v5;
	v5 =	vld.idx.msk [tilespmem:v11+s14+$0x0], $0xffff  }
0x18e: {  	v10 =	vld.idx.msk [tilespmem:v11+s15+$0x0], $0xffff;
	v11 =	vor.u32 v0, v1  }
0x18f: {  	v3 =	vadd.bf16 v4, v3;
	v4 =	vmul.bf16 v7, v6;
	v6 =	vld.idx.msk [tilespmem:v12+s14+$0x0], $0xffff  }
0x190: {  	v7 =	vld.idx.msk [tilespmem:v12+s15+$0x0], $0xffff;
	v12 =	vor.u32 v52, v1  }
0x191: {  	v3 =	vadd.bf16 v4, v3;
	v4 =	vmul.bf16 v9, v8;
	v8 =	vld.idx.msk [tilespmem:v13+s14+$0x0], $0xffff  }
0x192: {  	v9 =	vld.idx.msk [tilespmem:v13+s15+$0x0], $0xffff;
	v13 =	vor.u32 v53, v1  }
0x193: {  	v3 =	vadd.bf16 v4, v3;
	v4 =	vmul.bf16 v10, v5;
	v5 =	vld.idx.msk [tilespmem:v11+s14+$0x0], $0xffff  }
0x194: {  	v10 =	vld.idx.msk [tilespmem:v11+s15+$0x0], $0xffff;
	v11 =	vor.u32 v49, v1  }
0x195: {  	v3 =	vadd.bf16 v4, v3;
	v4 =	vmul.bf16 v7, v6;
	v6 =	vld.idx.msk [tilespmem:v12+s14+$0x0], $0xffff  }
0x196: {  	v1 =	vor.u32 v41, v1;
	v7 =	vld.idx.msk [tilespmem:v12+s15+$0x0], $0xffff  }
0x197: {  	v3 =	vadd.bf16 v4, v3;
	v4 =	vmul.bf16 v9, v8;
	v8 =	vld.idx.msk [tilespmem:v13+s14+$0x0], $0xffff  }
0x198: {  	v9 =	vld.idx.msk [tilespmem:v13+s15+$0x0], $0xffff  }
0x199: {  	v3 =	vadd.bf16 v4, v3;
	v4 =	vmul.bf16 v10, v5;
	v5 =	vld.idx.msk [tilespmem:v11+s14+$0x0], $0xffff  }
0x19a: {  	v10 =	vld.idx.msk [tilespmem:v11+s15+$0x0], $0xffff  }
0x19b: {  	v3 =	vadd.bf16 v4, v3;
	v4 =	vmul.bf16 v7, v6;
	v6 =	vld.idx.msk [tilespmem:v1+s14+$0x0], $0xffff  }
0x19c: {  	v1 =	vld.idx.msk [tilespmem:v1+s15+$0x0], $0xffff  }
0x19d: {  	v3 =	vadd.bf16 v4, v3;
	v4 =	vmul.bf16 v9, v8;
	_ =	sdelay $0x1  }
0x19e: {  	v3 =	vadd.bf16 v4, v3;
	v4 =	vmul.bf16 v10, v5;
	_ =	sdelay $0x1  }
0x19f: {  	v1 =	vmul.bf16 v1, v6;
	v3 =	vadd.bf16 v4, v3;
	_ =	sdelay $0x1  }
0x1a0: {  	v1 =	vadd.bf16 v1, v3;
	_ =	sdelay $0x1  }
0x1a1: {  	v3 =	vshll.u32 v1, $0x10;
	v1 =	vand.u32 $0xFFFF0000, v1  }
0x1a2: {  	v1 =	vadd.f32 v1, v3;
	_ =	sdelay $0x1  }
0x1a3: {  	v1 =	vsub.f32 $0.0e+00, v1;
	_ =	sdelay $0x1  }
0x1a4: {  	v1 =	vmul.f32 $1.442695020e+00, v1;
	_ =	sdelay $0x1  }
0x1a5: {  	(erf) = vpow2.f32 v1;
	_ =	sdelay $0x8  }
0x1a6: {  	v1 =	vpop (erf)  }
0x1a7: {  	v1 =	vadd.f32 $1.000000000e+00, v1;
	_ =	sdelay $0x1  }
0x1a8: {  	(erf) = vrcp.f32 v1;
	_ =	sdelay $0x4  }
0x1a9: {  	v3 =	vld [tilespmem:$0x1FF10];
	_ =	sdelay $0x1  }
0x1aa: {  	s1 =	sadd.s32 $0x20, s30  }
0x1ab: {  	v4 =	vld [tilespmem:$0x1FF20];
	v1 =	vmov s1  }
0x1ac: {  	v1 =	vshll.u32 v1, $0x6;
	v5 =	vpop (erf)  }
0x1ad: {  	v1 =	vor.u32 v3, v1;
	[tilespmem:s29+$0xFFFFFFF0] =	vst v5;
	v5 =	vld [tilespmem:$0x1FF30]  }
0x1ae: {  	v3 =	vor.u32 v14, v1;
	_ =	sdelay $0x1  }
0x1af: {  	v7 =	vld [tilespmem:$0x1FF40];
	v4 =	vor.u32 v4, v1  }
0x1b0: {  	v11 =	vld [tilespmem:$0x1FF80]  }
0x1b1: {  	v9 =	vld [tilespmem:$0x1FF70];
	v5 =	vor.u32 v5, v1  }
0x1b2: {  	v6 =	vld.idx.msk [tilespmem:v3+s14+$0x0], $0xffff  }
0x1b3: {  	v3 =	vld.idx.msk [tilespmem:v3+s15+$0x0], $0xffff  }
0x1b4: {  	v7 =	vor.u32 v7, v1;
	v8 =	vld.idx.msk [tilespmem:v4+s14+$0x0], $0xffff  }
0x1b5: {  	v4 =	vld.idx.msk [tilespmem:v4+s15+$0x0], $0xffff  }
0x1b6: {  	v10 =	vld.idx.msk [tilespmem:v5+s14+$0x0], $0xffff  }
0x1b7: {  	v11 =	vor.u32 v11, v1;
	v5 =	vld.idx.msk [tilespmem:v5+s15+$0x0], $0xffff  }
0x1b8: {  	v12 =	vld [tilespmem:$0x1FF90];
	v3 =	vmul.bf16 v3, v6  }
0x1b9: {  	v13 =	vimm.bf16 $0.0e+00;
	v6 =	vld.idx.msk [tilespmem:v7+s14+$0x0], $0xffff  }
0x1ba: {  	v9 =	vor.u32 v9, v1;
	v7 =	vld.idx.msk [tilespmem:v7+s15+$0x0], $0xffff;
	v4 =	vmul.bf16 v4, v8;
	v3 =	vadd.bf16 v13, v3  }
0x1bb: {  	v13 =	vld [tilespmem:$0x1FF50]  }
0x1bc: {  	v3 =	vadd.bf16 v4, v3;
	v4 =	vmul.bf16 v5, v10;
	v5 =	vld.idx.msk [tilespmem:v11+s14+$0x0], $0xffff  }
0x1bd: {  	v12 =	vor.u32 v12, v1;
	v10 =	vld.idx.msk [tilespmem:v11+s15+$0x0], $0xffff  }
0x1be: {  	v11 =	vld [tilespmem:$0x1FF60]  }
0x1bf: {  	v8 =	vld.idx.msk [tilespmem:v9+s14+$0x0], $0xffff  }
0x1c0: {  	v9 =	vld.idx.msk [tilespmem:v9+s15+$0x0], $0xffff;
	v13 =	vor.u32 v13, v1;
	_ =	sdelay $0x1  }
0x1c1: {  	v3 =	vadd.bf16 v4, v3;
	v4 =	vmul.bf16 v7, v6;
	v6 =	vld.idx.msk [tilespmem:v12+s14+$0x0], $0xffff  }
0x1c2: {  	v7 =	vld.idx.msk [tilespmem:v12+s15+$0x0], $0xffff;
	v11 =	vor.u32 v11, v1  }
0x1c3: {  	v12 =	vld [tilespmem:$0x1FFA0]  }
0x1c4: {  	v3 =	vadd.bf16 v4, v3;
	v4 =	vmul.bf16 v9, v8;
	v8 =	vld.idx.msk [tilespmem:v13+s14+$0x0], $0xffff  }
0x1c5: {  	v9 =	vld.idx.msk [tilespmem:v13+s15+$0x0], $0xffff  }
0x1c6: {  	v13 =	vld [tilespmem:$0x1FFB0]  }
0x1c7: {  	v3 =	vadd.bf16 v4, v3;
	v4 =	vmul.bf16 v10, v5;
	v5 =	vld.idx.msk [tilespmem:v11+s14+$0x0], $0xffff  }
0x1c8: {  	v10 =	vld.idx.msk [tilespmem:v11+s15+$0x0], $0xffff  }
0x1c9: {  	v11 =	vld [tilespmem:$0x1FFD0]  }
0x1ca: {  	v12 =	vor.u32 v12, v1;
	_ =	sdelay $0x1  }
0x1cb: {  	v13 =	vor.u32 v13, v1;
	_ =	sdelay $0x1  }
0x1cc: {  	v11 =	vor.u32 v11, v1  }
0x1cd: {  	v3 =	vadd.bf16 v4, v3;
	v4 =	vmul.bf16 v7, v6;
	v6 =	vld.idx.msk [tilespmem:v12+s14+$0x0], $0xffff  }
0x1ce: {  	v7 =	vld.idx.msk [tilespmem:v12+s15+$0x0], $0xffff;
	v12 =	vor.u32 v27, v1  }
0x1cf: {  	v3 =	vadd.bf16 v4, v3;
	v4 =	vmul.bf16 v9, v8;
	v8 =	vld.idx.msk [tilespmem:v13+s14+$0x0], $0xffff  }
0x1d0: {  	v9 =	vld.idx.msk [tilespmem:v13+s15+$0x0], $0xffff;
	v13 =	vor.u32 v28, v1  }
0x1d1: {  	v3 =	vadd.bf16 v4, v3;
	v4 =	vmul.bf16 v10, v5;
	v5 =	vld.idx.msk [tilespmem:v11+s14+$0x0], $0xffff  }
0x1d2: {  	v10 =	vld.idx.msk [tilespmem:v11+s15+$0x0], $0xffff;
	v11 =	vor.u32 v29, v1  }
0x1d3: {  	v3 =	vadd.bf16 v4, v3;
	v4 =	vmul.bf16 v7, v6;
	v6 =	vld.idx.msk [tilespmem:v12+s14+$0x0], $0xffff  }
0x1d4: {  	v7 =	vld.idx.msk [tilespmem:v12+s15+$0x0], $0xffff;
	v12 =	vor.u32 v30, v1  }
0x1d5: {  	v3 =	vadd.bf16 v4, v3;
	v4 =	vmul.bf16 v9, v8;
	v8 =	vld.idx.msk [tilespmem:v13+s14+$0x0], $0xffff  }
0x1d6: {  	v9 =	vld.idx.msk [tilespmem:v13+s15+$0x0], $0xffff;
	v13 =	vor.u32 v31, v1  }
0x1d7: {  	v3 =	vadd.bf16 v4, v3;
	v4 =	vmul.bf16 v10, v5;
	v5 =	vld.idx.msk [tilespmem:v11+s14+$0x0], $0xffff  }
0x1d8: {  	v10 =	vld.idx.msk [tilespmem:v11+s15+$0x0], $0xffff;
	v11 =	vor.u32 v32, v1  }
0x1d9: {  	v3 =	vadd.bf16 v4, v3;
	v4 =	vmul.bf16 v7, v6;
	v6 =	vld.idx.msk [tilespmem:v12+s14+$0x0], $0xffff  }
0x1da: {  	v7 =	vld.idx.msk [tilespmem:v12+s15+$0x0], $0xffff;
	v12 =	vor.u32 v33, v1  }
0x1db: {  	v3 =	vadd.bf16 v4, v3;
	v4 =	vmul.bf16 v9, v8;
	v8 =	vld.idx.msk [tilespmem:v13+s14+$0x0], $0xffff  }
0x1dc: {  	v9 =	vld.idx.msk [tilespmem:v13+s15+$0x0], $0xffff;
	v13 =	vor.u32 v34, v1  }
0x1dd: {  	v3 =	vadd.bf16 v4, v3;
	v4 =	vmul.bf16 v10, v5;
	v5 =	vld.idx.msk [tilespmem:v11+s14+$0x0], $0xffff  }
0x1de: {  	v10 =	vld.idx.msk [tilespmem:v11+s15+$0x0], $0xffff;
	v11 =	vor.u32 v35, v1  }
0x1df: {  	v3 =	vadd.bf16 v4, v3;
	v4 =	vmul.bf16 v7, v6;
	v6 =	vld.idx.msk [tilespmem:v12+s14+$0x0], $0xffff  }
0x1e0: {  	v7 =	vld.idx.msk [tilespmem:v12+s15+$0x0], $0xffff;
	v12 =	vor.u32 v36, v1  }
0x1e1: {  	v3 =	vadd.bf16 v4, v3;
	v4 =	vmul.bf16 v9, v8;
	v8 =	vld.idx.msk [tilespmem:v13+s14+$0x0], $0xffff  }
0x1e2: {  	v9 =	vld.idx.msk [tilespmem:v13+s15+$0x0], $0xffff;
	v13 =	vor.u32 v37, v1  }
0x1e3: {  	v3 =	vadd.bf16 v4, v3;
	v4 =	vmul.bf16 v10, v5;
	v5 =	vld.idx.msk [tilespmem:v11+s14+$0x0], $0xffff  }
0x1e4: {  	v10 =	vld.idx.msk [tilespmem:v11+s15+$0x0], $0xffff;
	v11 =	vor.u32 v42, v1  }
0x1e5: {  	v3 =	vadd.bf16 v4, v3;
	v4 =	vmul.bf16 v7, v6;
	v6 =	vld.idx.msk [tilespmem:v12+s14+$0x0], $0xffff  }
0x1e6: {  	v7 =	vld.idx.msk [tilespmem:v12+s15+$0x0], $0xffff;
	v12 =	vor.u32 v43, v1  }
0x1e7: {  	v3 =	vadd.bf16 v4, v3;
	v4 =	vmul.bf16 v9, v8;
	v8 =	vld.idx.msk [tilespmem:v13+s14+$0x0], $0xffff  }
0x1e8: {  	v9 =	vld.idx.msk [tilespmem:v13+s15+$0x0], $0xffff;
	v13 =	vor.u32 v47, v1  }
0x1e9: {  	v3 =	vadd.bf16 v4, v3;
	v4 =	vmul.bf16 v10, v5;
	v5 =	vld.idx.msk [tilespmem:v11+s14+$0x0], $0xffff  }
0x1ea: {  	v10 =	vld.idx.msk [tilespmem:v11+s15+$0x0], $0xffff;
	v11 =	vor.u32 v48, v1  }
0x1eb: {  	v3 =	vadd.bf16 v4, v3;
	v4 =	vmul.bf16 v7, v6;
	v6 =	vld.idx.msk [tilespmem:v12+s14+$0x0], $0xffff  }
0x1ec: {  	v7 =	vld.idx.msk [tilespmem:v12+s15+$0x0], $0xffff;
	v12 =	vor.u32 v51, v1  }
0x1ed: {  	v3 =	vadd.bf16 v4, v3;
	v4 =	vmul.bf16 v9, v8;
	v8 =	vld.idx.msk [tilespmem:v13+s14+$0x0], $0xffff  }
0x1ee: {  	v9 =	vld.idx.msk [tilespmem:v13+s15+$0x0], $0xffff;
	v13 =	vor.u32 v54, v1  }
0x1ef: {  	v3 =	vadd.bf16 v4, v3;
	v4 =	vmul.bf16 v10, v5;
	v5 =	vld.idx.msk [tilespmem:v11+s14+$0x0], $0xffff  }
0x1f0: {  	v10 =	vld.idx.msk [tilespmem:v11+s15+$0x0], $0xffff;
	v11 =	vor.u32 v55, v1  }
0x1f1: {  	v3 =	vadd.bf16 v4, v3;
	v4 =	vmul.bf16 v7, v6;
	v6 =	vld.idx.msk [tilespmem:v12+s14+$0x0], $0xffff  }
0x1f2: {  	v7 =	vld.idx.msk [tilespmem:v12+s15+$0x0], $0xffff;
	v12 =	vor.u32 v56, v1  }
0x1f3: {  	v3 =	vadd.bf16 v4, v3;
	v4 =	vmul.bf16 v9, v8;
	v8 =	vld.idx.msk [tilespmem:v13+s14+$0x0], $0xffff  }
0x1f4: {  	v9 =	vld.idx.msk [tilespmem:v13+s15+$0x0], $0xffff;
	v13 =	vor.u32 v57, v1  }
0x1f5: {  	v3 =	vadd.bf16 v4, v3;
	v4 =	vmul.bf16 v10, v5;
	v5 =	vld.idx.msk [tilespmem:v11+s14+$0x0], $0xffff  }
0x1f6: {  	v10 =	vld.idx.msk [tilespmem:v11+s15+$0x0], $0xffff;
	v11 =	vor.u32 v58, v1  }
0x1f7: {  	v3 =	vadd.bf16 v4, v3;
	v4 =	vmul.bf16 v7, v6;
	v6 =	vld.idx.msk [tilespmem:v12+s14+$0x0], $0xffff  }
0x1f8: {  	v7 =	vld.idx.msk [tilespmem:v12+s15+$0x0], $0xffff;
	v12 =	vor.u32 v59, v1  }
0x1f9: {  	v3 =	vadd.bf16 v4, v3;
	v4 =	vmul.bf16 v9, v8;
	v8 =	vld.idx.msk [tilespmem:v13+s14+$0x0], $0xffff  }
0x1fa: {  	v9 =	vld.idx.msk [tilespmem:v13+s15+$0x0], $0xffff;
	v13 =	vor.u32 v38, v1  }
0x1fb: {  	v3 =	vadd.bf16 v4, v3;
	v4 =	vmul.bf16 v10, v5;
	v5 =	vld.idx.msk [tilespmem:v11+s14+$0x0], $0xffff  }
0x1fc: {  	v10 =	vld.idx.msk [tilespmem:v11+s15+$0x0], $0xffff;
	v11 =	vor.u32 v26, v1  }
0x1fd: {  	v3 =	vadd.bf16 v4, v3;
	v4 =	vmul.bf16 v7, v6;
	v6 =	vld.idx.msk [tilespmem:v12+s14+$0x0], $0xffff  }
0x1fe: {  	v7 =	vld.idx.msk [tilespmem:v12+s15+$0x0], $0xffff  }
0x1ff: {  	v3 =	vadd.bf16 v4, v3;
	v4 =	vmul.bf16 v9, v8;
	v8 =	vld.idx.msk [tilespmem:v13+s14+$0x0], $0xffff  }
0x200: {  	v9 =	vld.idx.msk [tilespmem:v13+s15+$0x0], $0xffff  }
0x201: {  	v12 =	vor.u32 v20, v1;
	v3 =	vadd.bf16 v4, v3;
	v4 =	vmul.bf16 v10, v5;
	v5 =	vld.idx.msk [tilespmem:v11+s14+$0x0], $0xffff  }
0x202: {  	v10 =	vld.idx.msk [tilespmem:v11+s15+$0x0], $0xffff;
	v11 =	vor.u32 v44, v1  }
0x203: {  	v3 =	vadd.bf16 v4, v3;
	v4 =	vmul.bf16 v7, v6;
	_ =	sdelay $0x1  }
0x204: {  	v3 =	vadd.bf16 v4, v3;
	v4 =	vmul.bf16 v9, v8  }
0x205: {  	v13 =	vor.u32 v40, v1;
	v6 =	vld.idx.msk [tilespmem:v12+s14+$0x0], $0xffff  }
0x206: {  	v3 =	vadd.bf16 v4, v3;
	v4 =	vmul.bf16 v10, v5;
	v5 =	vld.idx.msk [tilespmem:v11+s14+$0x0], $0xffff  }
0x207: {  	v10 =	vld.idx.msk [tilespmem:v11+s15+$0x0], $0xffff  }
0x208: {  	v11 =	vld [tilespmem:$0x1FFC0]  }
0x209: {  	v7 =	vld.idx.msk [tilespmem:v12+s15+$0x0], $0xffff  }
0x20a: {  	v8 =	vld.idx.msk [tilespmem:v13+s14+$0x0], $0xffff  }
0x20b: {  	v9 =	vld.idx.msk [tilespmem:v13+s15+$0x0], $0xffff  }
0x20c: {  	v12 =	vor.u32 v45, v1  }
0x20d: {  	v11 =	vor.u32 v11, v1  }
0x20e: {  	v3 =	vadd.bf16 v4, v3;
	v4 =	vmul.bf16 v7, v6;
	_ =	sdelay $0x1  }
0x20f: {  	v3 =	vadd.bf16 v4, v3;
	v4 =	vmul.bf16 v9, v8  }
0x210: {  	v13 =	vor.u32 v21, v1;
	v6 =	vld.idx.msk [tilespmem:v12+s14+$0x0], $0xffff  }
0x211: {  	v3 =	vadd.bf16 v4, v3;
	v4 =	vmul.bf16 v10, v5;
	v5 =	vld.idx.msk [tilespmem:v11+s14+$0x0], $0xffff  }
0x212: {  	v10 =	vld.idx.msk [tilespmem:v11+s15+$0x0], $0xffff  }
0x213: {  	v11 =	vld [tilespmem:$0x1FFE0]  }
0x214: {  	v7 =	vld.idx.msk [tilespmem:v12+s15+$0x0], $0xffff;
	v12 =	vor.u32 v39, v1  }
0x215: {  	v8 =	vld.idx.msk [tilespmem:v13+s14+$0x0], $0xffff  }
0x216: {  	v9 =	vld.idx.msk [tilespmem:v13+s15+$0x0], $0xffff;
	v13 =	vor.u32 v23, v1;
	_ =	sdelay $0x1  }
0x217: {  	v11 =	vor.u32 v11, v1  }
0x218: {  	v3 =	vadd.bf16 v4, v3;
	v4 =	vmul.bf16 v7, v6;
	v6 =	vld.idx.msk [tilespmem:v12+s14+$0x0], $0xffff  }
0x219: {  	v7 =	vld.idx.msk [tilespmem:v12+s15+$0x0], $0xffff;
	v12 =	vor.u32 v22, v1  }
0x21a: {  	v3 =	vadd.bf16 v4, v3;
	v4 =	vmul.bf16 v9, v8;
	v8 =	vld.idx.msk [tilespmem:v13+s14+$0x0], $0xffff  }
0x21b: {  	v9 =	vld.idx.msk [tilespmem:v13+s15+$0x0], $0xffff;
	v13 =	vor.u32 v24, v1  }
0x21c: {  	v3 =	vadd.bf16 v4, v3;
	v4 =	vmul.bf16 v10, v5;
	v5 =	vld.idx.msk [tilespmem:v11+s14+$0x0], $0xffff  }
0x21d: {  	v10 =	vld.idx.msk [tilespmem:v11+s15+$0x0], $0xffff;
	v11 =	vor.u32 v25, v1  }
0x21e: {  	v3 =	vadd.bf16 v4, v3;
	v4 =	vmul.bf16 v7, v6;
	v6 =	vld.idx.msk [tilespmem:v12+s14+$0x0], $0xffff  }
0x21f: {  	v7 =	vld.idx.msk [tilespmem:v12+s15+$0x0], $0xffff;
	v12 =	vor.u32 v17, v1  }
0x220: {  	v3 =	vadd.bf16 v4, v3;
	v4 =	vmul.bf16 v9, v8;
	v8 =	vld.idx.msk [tilespmem:v13+s14+$0x0], $0xffff  }
0x221: {  	v9 =	vld.idx.msk [tilespmem:v13+s15+$0x0], $0xffff;
	v13 =	vor.u32 v18, v1  }
0x222: {  	v3 =	vadd.bf16 v4, v3;
	v4 =	vmul.bf16 v10, v5;
	v5 =	vld.idx.msk [tilespmem:v11+s14+$0x0], $0xffff  }
0x223: {  	v10 =	vld.idx.msk [tilespmem:v11+s15+$0x0], $0xffff;
	v11 =	vor.u32 v16, v1  }
0x224: {  	v3 =	vadd.bf16 v4, v3;
	v4 =	vmul.bf16 v7, v6;
	v6 =	vld.idx.msk [tilespmem:v12+s14+$0x0], $0xffff  }
0x225: {  	v7 =	vld.idx.msk [tilespmem:v12+s15+$0x0], $0xffff;
	v12 =	vor.u32 v61, v1  }
0x226: {  	v3 =	vadd.bf16 v4, v3;
	v4 =	vmul.bf16 v9, v8;
	v8 =	vld.idx.msk [tilespmem:v13+s14+$0x0], $0xffff  }
0x227: {  	v9 =	vld.idx.msk [tilespmem:v13+s15+$0x0], $0xffff  }
0x228: {  	v3 =	vadd.bf16 v4, v3;
	v4 =	vmul.bf16 v10, v5;
	v5 =	vld.idx.msk [tilespmem:v11+s14+$0x0], $0xffff  }
0x229: {  	v10 =	vld.idx.msk [tilespmem:v11+s15+$0x0], $0xffff  }
0x22a: {  	v13 =	vor.u32 v46, v1;
	v3 =	vadd.bf16 v4, v3;
	v4 =	vmul.bf16 v7, v6;
	v6 =	vld.idx.msk [tilespmem:v12+s14+$0x0], $0xffff  }
0x22b: {  	v7 =	vld.idx.msk [tilespmem:v12+s15+$0x0], $0xffff;
	v12 =	vor.u32 v63, v1  }
0x22c: {  	v3 =	vadd.bf16 v4, v3;
	v4 =	vmul.bf16 v9, v8;
	_ =	sdelay $0x1  }
0x22d: {  	v3 =	vadd.bf16 v4, v3;
	v4 =	vmul.bf16 v10, v5  }
0x22e: {  	v11 =	vor.u32 v62, v1;
	v8 =	vld.idx.msk [tilespmem:v13+s14+$0x0], $0xffff  }
0x22f: {  	v3 =	vadd.bf16 v4, v3;
	v4 =	vmul.bf16 v7, v6;
	v6 =	vld.idx.msk [tilespmem:v12+s14+$0x0], $0xffff  }
0x230: {  	v7 =	vld.idx.msk [tilespmem:v12+s15+$0x0], $0xffff  }
0x231: {  	v12 =	vld [tilespmem:$0x1FFF0]  }
0x232: {  	v9 =	vld.idx.msk [tilespmem:v13+s15+$0x0], $0xffff;
	v13 =	vor.u32 v60, v1  }
0x233: {  	v5 =	vld.idx.msk [tilespmem:v11+s14+$0x0], $0xffff  }
0x234: {  	v10 =	vld.idx.msk [tilespmem:v11+s15+$0x0], $0xffff;
	v11 =	vor.u32 v2, v1;
	_ =	sdelay $0x1  }
0x235: {  	v12 =	vor.u32 v12, v1  }
0x236: {  	v3 =	vadd.bf16 v4, v3;
	v4 =	vmul.bf16 v9, v8;
	v8 =	vld.idx.msk [tilespmem:v13+s14+$0x0], $0xffff  }
0x237: {  	v9 =	vld.idx.msk [tilespmem:v13+s15+$0x0], $0xffff;
	v13 =	vor.u32 v50, v1  }
0x238: {  	v3 =	vadd.bf16 v4, v3;
	v4 =	vmul.bf16 v10, v5;
	v5 =	vld.idx.msk [tilespmem:v11+s14+$0x0], $0xffff  }
0x239: {  	v10 =	vld.idx.msk [tilespmem:v11+s15+$0x0], $0xffff;
	v11 =	vor.u32 v0, v1  }
0x23a: {  	v3 =	vadd.bf16 v4, v3;
	v4 =	vmul.bf16 v7, v6;
	v6 =	vld.idx.msk [tilespmem:v12+s14+$0x0], $0xffff  }
0x23b: {  	v7 =	vld.idx.msk [tilespmem:v12+s15+$0x0], $0xffff;
	v12 =	vor.u32 v52, v1  }
0x23c: {  	v3 =	vadd.bf16 v4, v3;
	v4 =	vmul.bf16 v9, v8;
	v8 =	vld.idx.msk [tilespmem:v13+s14+$0x0], $0xffff  }
0x23d: {  	v9 =	vld.idx.msk [tilespmem:v13+s15+$0x0], $0xffff;
	v13 =	vor.u32 v53, v1  }
0x23e: {  	v3 =	vadd.bf16 v4, v3;
	v4 =	vmul.bf16 v10, v5;
	v5 =	vld.idx.msk [tilespmem:v11+s14+$0x0], $0xffff  }
0x23f: {  	v10 =	vld.idx.msk [tilespmem:v11+s15+$0x0], $0xffff;
	v11 =	vor.u32 v49, v1  }
0x240: {  	v3 =	vadd.bf16 v4, v3;
	v4 =	vmul.bf16 v7, v6;
	v6 =	vld.idx.msk [tilespmem:v12+s14+$0x0], $0xffff  }
0x241: {  	v1 =	vor.u32 v41, v1;
	v7 =	vld.idx.msk [tilespmem:v12+s15+$0x0], $0xffff  }
0x242: {  	v3 =	vadd.bf16 v4, v3;
	v4 =	vmul.bf16 v9, v8;
	v8 =	vld.idx.msk [tilespmem:v13+s14+$0x0], $0xffff  }
0x243: {  	v9 =	vld.idx.msk [tilespmem:v13+s15+$0x0], $0xffff  }
0x244: {  	v3 =	vadd.bf16 v4, v3;
	v4 =	vmul.bf16 v10, v5;
	v5 =	vld.idx.msk [tilespmem:v11+s14+$0x0], $0xffff  }
0x245: {  	v10 =	vld.idx.msk [tilespmem:v11+s15+$0x0], $0xffff  }
0x246: {  	v3 =	vadd.bf16 v4, v3;
	v4 =	vmul.bf16 v7, v6;
	v6 =	vld.idx.msk [tilespmem:v1+s14+$0x0], $0xffff  }
0x247: {  	v1 =	vld.idx.msk [tilespmem:v1+s15+$0x0], $0xffff  }
0x248: {  	v3 =	vadd.bf16 v4, v3;
	v4 =	vmul.bf16 v9, v8;
	_ =	sdelay $0x1  }
0x249: {  	v3 =	vadd.bf16 v4, v3;
	v4 =	vmul.bf16 v10, v5;
	_ =	sdelay $0x1  }
0x24a: {  	v1 =	vmul.bf16 v1, v6;
	v3 =	vadd.bf16 v4, v3;
	_ =	sdelay $0x1  }
0x24b: {  	v1 =	vadd.bf16 v1, v3;
	_ =	sdelay $0x1  }
0x24c: {  	v3 =	vshll.u32 v1, $0x10;
	v1 =	vand.u32 $0xFFFF0000, v1  }
0x24d: {  	v1 =	vadd.f32 v1, v3;
	_ =	sdelay $0x1  }
0x24e: {  	v1 =	vsub.f32 $0.0e+00, v1;
	_ =	sdelay $0x1  }
0x24f: {  	v1 =	vmul.f32 $1.442695020e+00, v1;
	_ =	sdelay $0x1  }
0x250: {  	(erf) = vpow2.f32 v1;
	_ =	sdelay $0x8  }
0x251: {  	v1 =	vpop (erf)  }
0x252: {  	v1 =	vadd.f32 $1.000000000e+00, v1;
	_ =	sdelay $0x1  }
0x253: {  	(erf) = vrcp.f32 v1;
	_ =	sdelay $0x4  }
0x254: {  	v3 =	vld [tilespmem:$0x1FF10];
	_ =	sdelay $0x1  }
0x255: {  	s16 =	sadd.s32 $0x30, s30  }
0x256: {  	v4 =	vld [tilespmem:$0x1FF20];
	v1 =	vmov s16  }
0x257: {  	v1 =	vshll.u32 v1, $0x6;
	v5 =	vpop (erf)  }
0x258: {  	v1 =	vor.u32 v3, v1;
	[tilespmem:s29+$0x0] =	vst v5;
	v5 =	vld [tilespmem:$0x1FF30]  }
0x259: {  	v3 =	vor.u32 v14, v1;
	_ =	sdelay $0x1  }
0x25a: {  	v7 =	vld [tilespmem:$0x1FF40];
	v4 =	vor.u32 v4, v1  }
0x25b: {  	v11 =	vld [tilespmem:$0x1FF80]  }
0x25c: {  	v9 =	vld [tilespmem:$0x1FF70];
	v5 =	vor.u32 v5, v1  }
0x25d: {  	v6 =	vld.idx.msk [tilespmem:v3+s14+$0x0], $0xffff  }
0x25e: {  	v3 =	vld.idx.msk [tilespmem:v3+s15+$0x0], $0xffff  }
0x25f: {  	v7 =	vor.u32 v7, v1;
	v8 =	vld.idx.msk [tilespmem:v4+s14+$0x0], $0xffff  }
0x260: {  	v4 =	vld.idx.msk [tilespmem:v4+s15+$0x0], $0xffff  }
0x261: {  	v10 =	vld.idx.msk [tilespmem:v5+s14+$0x0], $0xffff  }
0x262: {  	v11 =	vor.u32 v11, v1;
	v5 =	vld.idx.msk [tilespmem:v5+s15+$0x0], $0xffff  }
0x263: {  	v12 =	vld [tilespmem:$0x1FF90];
	v3 =	vmul.bf16 v3, v6  }
0x264: {  	v13 =	vimm.bf16 $0.0e+00;
	v6 =	vld.idx.msk [tilespmem:v7+s14+$0x0], $0xffff  }
0x265: {  	v9 =	vor.u32 v9, v1;
	v7 =	vld.idx.msk [tilespmem:v7+s15+$0x0], $0xffff;
	v4 =	vmul.bf16 v4, v8;
	v3 =	vadd.bf16 v13, v3  }
0x266: {  	v13 =	vld [tilespmem:$0x1FF50]  }
0x267: {  	v3 =	vadd.bf16 v4, v3;
	v4 =	vmul.bf16 v5, v10;
	v5 =	vld.idx.msk [tilespmem:v11+s14+$0x0], $0xffff  }
0x268: {  	v12 =	vor.u32 v12, v1;
	v10 =	vld.idx.msk [tilespmem:v11+s15+$0x0], $0xffff  }
0x269: {  	v11 =	vld [tilespmem:$0x1FF60]  }
0x26a: {  	v8 =	vld.idx.msk [tilespmem:v9+s14+$0x0], $0xffff  }
0x26b: {  	v9 =	vld.idx.msk [tilespmem:v9+s15+$0x0], $0xffff;
	v13 =	vor.u32 v13, v1;
	_ =	sdelay $0x1  }
0x26c: {  	v3 =	vadd.bf16 v4, v3;
	v4 =	vmul.bf16 v7, v6;
	v6 =	vld.idx.msk [tilespmem:v12+s14+$0x0], $0xffff  }
0x26d: {  	v7 =	vld.idx.msk [tilespmem:v12+s15+$0x0], $0xffff;
	v11 =	vor.u32 v11, v1  }
0x26e: {  	v12 =	vld [tilespmem:$0x1FFA0]  }
0x26f: {  	v3 =	vadd.bf16 v4, v3;
	v4 =	vmul.bf16 v9, v8;
	v8 =	vld.idx.msk [tilespmem:v13+s14+$0x0], $0xffff  }
0x270: {  	v9 =	vld.idx.msk [tilespmem:v13+s15+$0x0], $0xffff  }
0x271: {  	v13 =	vld [tilespmem:$0x1FFB0]  }
0x272: {  	v3 =	vadd.bf16 v4, v3;
	v4 =	vmul.bf16 v10, v5;
	v5 =	vld.idx.msk [tilespmem:v11+s14+$0x0], $0xffff  }
0x273: {  	v10 =	vld.idx.msk [tilespmem:v11+s15+$0x0], $0xffff  }
0x274: {  	v11 =	vld [tilespmem:$0x1FFD0]  }
0x275: {  	v12 =	vor.u32 v12, v1;
	_ =	sdelay $0x1  }
0x276: {  	v13 =	vor.u32 v13, v1;
	_ =	sdelay $0x1  }
0x277: {  	v11 =	vor.u32 v11, v1  }
0x278: {  	v3 =	vadd.bf16 v4, v3;
	v4 =	vmul.bf16 v7, v6;
	v6 =	vld.idx.msk [tilespmem:v12+s14+$0x0], $0xffff  }
0x279: {  	v7 =	vld.idx.msk [tilespmem:v12+s15+$0x0], $0xffff;
	v12 =	vor.u32 v27, v1  }
0x27a: {  	v3 =	vadd.bf16 v4, v3;
	v4 =	vmul.bf16 v9, v8;
	v8 =	vld.idx.msk [tilespmem:v13+s14+$0x0], $0xffff  }
0x27b: {  	v9 =	vld.idx.msk [tilespmem:v13+s15+$0x0], $0xffff;
	v13 =	vor.u32 v28, v1  }
0x27c: {  	v3 =	vadd.bf16 v4, v3;
	v4 =	vmul.bf16 v10, v5;
	v5 =	vld.idx.msk [tilespmem:v11+s14+$0x0], $0xffff  }
0x27d: {  	v10 =	vld.idx.msk [tilespmem:v11+s15+$0x0], $0xffff;
	v11 =	vor.u32 v29, v1  }
0x27e: {  	v3 =	vadd.bf16 v4, v3;
	v4 =	vmul.bf16 v7, v6;
	v6 =	vld.idx.msk [tilespmem:v12+s14+$0x0], $0xffff  }
0x27f: {  	v7 =	vld.idx.msk [tilespmem:v12+s15+$0x0], $0xffff;
	v12 =	vor.u32 v30, v1  }
0x280: {  	v3 =	vadd.bf16 v4, v3;
	v4 =	vmul.bf16 v9, v8;
	v8 =	vld.idx.msk [tilespmem:v13+s14+$0x0], $0xffff  }
0x281: {  	v9 =	vld.idx.msk [tilespmem:v13+s15+$0x0], $0xffff;
	v13 =	vor.u32 v31, v1  }
0x282: {  	v3 =	vadd.bf16 v4, v3;
	v4 =	vmul.bf16 v10, v5;
	v5 =	vld.idx.msk [tilespmem:v11+s14+$0x0], $0xffff  }
0x283: {  	v10 =	vld.idx.msk [tilespmem:v11+s15+$0x0], $0xffff;
	v11 =	vor.u32 v32, v1  }
0x284: {  	v3 =	vadd.bf16 v4, v3;
	v4 =	vmul.bf16 v7, v6;
	v6 =	vld.idx.msk [tilespmem:v12+s14+$0x0], $0xffff  }
0x285: {  	v7 =	vld.idx.msk [tilespmem:v12+s15+$0x0], $0xffff;
	v12 =	vor.u32 v33, v1  }
0x286: {  	v3 =	vadd.bf16 v4, v3;
	v4 =	vmul.bf16 v9, v8;
	v8 =	vld.idx.msk [tilespmem:v13+s14+$0x0], $0xffff  }
0x287: {  	v9 =	vld.idx.msk [tilespmem:v13+s15+$0x0], $0xffff;
	v13 =	vor.u32 v34, v1  }
0x288: {  	v3 =	vadd.bf16 v4, v3;
	v4 =	vmul.bf16 v10, v5;
	v5 =	vld.idx.msk [tilespmem:v11+s14+$0x0], $0xffff  }
0x289: {  	v10 =	vld.idx.msk [tilespmem:v11+s15+$0x0], $0xffff;
	v11 =	vor.u32 v35, v1  }
0x28a: {  	v3 =	vadd.bf16 v4, v3;
	v4 =	vmul.bf16 v7, v6;
	v6 =	vld.idx.msk [tilespmem:v12+s14+$0x0], $0xffff  }
0x28b: {  	v7 =	vld.idx.msk [tilespmem:v12+s15+$0x0], $0xffff;
	v12 =	vor.u32 v36, v1  }
0x28c: {  	v3 =	vadd.bf16 v4, v3;
	v4 =	vmul.bf16 v9, v8;
	v8 =	vld.idx.msk [tilespmem:v13+s14+$0x0], $0xffff  }
0x28d: {  	v9 =	vld.idx.msk [tilespmem:v13+s15+$0x0], $0xffff;
	v13 =	vor.u32 v37, v1  }
0x28e: {  	v3 =	vadd.bf16 v4, v3;
	v4 =	vmul.bf16 v10, v5;
	v5 =	vld.idx.msk [tilespmem:v11+s14+$0x0], $0xffff  }
0x28f: {  	v10 =	vld.idx.msk [tilespmem:v11+s15+$0x0], $0xffff;
	v11 =	vor.u32 v42, v1  }
0x290: {  	v3 =	vadd.bf16 v4, v3;
	v4 =	vmul.bf16 v7, v6;
	v6 =	vld.idx.msk [tilespmem:v12+s14+$0x0], $0xffff  }
0x291: {  	v7 =	vld.idx.msk [tilespmem:v12+s15+$0x0], $0xffff;
	v12 =	vor.u32 v43, v1  }
0x292: {  	v3 =	vadd.bf16 v4, v3;
	v4 =	vmul.bf16 v9, v8;
	v8 =	vld.idx.msk [tilespmem:v13+s14+$0x0], $0xffff  }
0x293: {  	v9 =	vld.idx.msk [tilespmem:v13+s15+$0x0], $0xffff;
	v13 =	vor.u32 v47, v1  }
0x294: {  	v3 =	vadd.bf16 v4, v3;
	v4 =	vmul.bf16 v10, v5;
	v5 =	vld.idx.msk [tilespmem:v11+s14+$0x0], $0xffff  }
0x295: {  	v10 =	vld.idx.msk [tilespmem:v11+s15+$0x0], $0xffff;
	v11 =	vor.u32 v48, v1  }
0x296: {  	v3 =	vadd.bf16 v4, v3;
	v4 =	vmul.bf16 v7, v6;
	v6 =	vld.idx.msk [tilespmem:v12+s14+$0x0], $0xffff  }
0x297: {  	v7 =	vld.idx.msk [tilespmem:v12+s15+$0x0], $0xffff;
	v12 =	vor.u32 v51, v1  }
0x298: {  	v3 =	vadd.bf16 v4, v3;
	v4 =	vmul.bf16 v9, v8;
	v8 =	vld.idx.msk [tilespmem:v13+s14+$0x0], $0xffff  }
0x299: {  	v9 =	vld.idx.msk [tilespmem:v13+s15+$0x0], $0xffff;
	v13 =	vor.u32 v54, v1  }
0x29a: {  	v3 =	vadd.bf16 v4, v3;
	v4 =	vmul.bf16 v10, v5;
	v5 =	vld.idx.msk [tilespmem:v11+s14+$0x0], $0xffff  }
0x29b: {  	v10 =	vld.idx.msk [tilespmem:v11+s15+$0x0], $0xffff;
	v11 =	vor.u32 v55, v1  }
0x29c: {  	v3 =	vadd.bf16 v4, v3;
	v4 =	vmul.bf16 v7, v6;
	v6 =	vld.idx.msk [tilespmem:v12+s14+$0x0], $0xffff  }
0x29d: {  	v7 =	vld.idx.msk [tilespmem:v12+s15+$0x0], $0xffff;
	v12 =	vor.u32 v56, v1  }
0x29e: {  	v3 =	vadd.bf16 v4, v3;
	v4 =	vmul.bf16 v9, v8;
	v8 =	vld.idx.msk [tilespmem:v13+s14+$0x0], $0xffff  }
0x29f: {  	v9 =	vld.idx.msk [tilespmem:v13+s15+$0x0], $0xffff;
	v13 =	vor.u32 v57, v1  }
0x2a0: {  	v3 =	vadd.bf16 v4, v3;
	v4 =	vmul.bf16 v10, v5;
	v5 =	vld.idx.msk [tilespmem:v11+s14+$0x0], $0xffff  }
0x2a1: {  	v10 =	vld.idx.msk [tilespmem:v11+s15+$0x0], $0xffff;
	v11 =	vor.u32 v58, v1  }
0x2a2: {  	v3 =	vadd.bf16 v4, v3;
	v4 =	vmul.bf16 v7, v6;
	v6 =	vld.idx.msk [tilespmem:v12+s14+$0x0], $0xffff  }
0x2a3: {  	v7 =	vld.idx.msk [tilespmem:v12+s15+$0x0], $0xffff;
	v12 =	vor.u32 v59, v1  }
0x2a4: {  	v3 =	vadd.bf16 v4, v3;
	v4 =	vmul.bf16 v9, v8;
	v8 =	vld.idx.msk [tilespmem:v13+s14+$0x0], $0xffff  }
0x2a5: {  	v9 =	vld.idx.msk [tilespmem:v13+s15+$0x0], $0xffff;
	v13 =	vor.u32 v38, v1  }
0x2a6: {  	v3 =	vadd.bf16 v4, v3;
	v4 =	vmul.bf16 v10, v5;
	v5 =	vld.idx.msk [tilespmem:v11+s14+$0x0], $0xffff  }
0x2a7: {  	v10 =	vld.idx.msk [tilespmem:v11+s15+$0x0], $0xffff;
	v11 =	vor.u32 v26, v1  }
0x2a8: {  	v3 =	vadd.bf16 v4, v3;
	v4 =	vmul.bf16 v7, v6;
	v6 =	vld.idx.msk [tilespmem:v12+s14+$0x0], $0xffff  }
0x2a9: {  	v7 =	vld.idx.msk [tilespmem:v12+s15+$0x0], $0xffff  }
0x2aa: {  	v3 =	vadd.bf16 v4, v3;
	v4 =	vmul.bf16 v9, v8;
	v8 =	vld.idx.msk [tilespmem:v13+s14+$0x0], $0xffff  }
0x2ab: {  	v9 =	vld.idx.msk [tilespmem:v13+s15+$0x0], $0xffff  }
0x2ac: {  	v12 =	vor.u32 v20, v1;
	v3 =	vadd.bf16 v4, v3;
	v4 =	vmul.bf16 v10, v5;
	v5 =	vld.idx.msk [tilespmem:v11+s14+$0x0], $0xffff  }
0x2ad: {  	v10 =	vld.idx.msk [tilespmem:v11+s15+$0x0], $0xffff;
	v11 =	vor.u32 v44, v1  }
0x2ae: {  	v3 =	vadd.bf16 v4, v3;
	v4 =	vmul.bf16 v7, v6;
	_ =	sdelay $0x1  }
0x2af: {  	v3 =	vadd.bf16 v4, v3;
	v4 =	vmul.bf16 v9, v8  }
0x2b0: {  	v13 =	vor.u32 v40, v1;
	v6 =	vld.idx.msk [tilespmem:v12+s14+$0x0], $0xffff  }
0x2b1: {  	v3 =	vadd.bf16 v4, v3;
	v4 =	vmul.bf16 v10, v5;
	v5 =	vld.idx.msk [tilespmem:v11+s14+$0x0], $0xffff  }
0x2b2: {  	v10 =	vld.idx.msk [tilespmem:v11+s15+$0x0], $0xffff  }
0x2b3: {  	v11 =	vld [tilespmem:$0x1FFC0]  }
0x2b4: {  	v7 =	vld.idx.msk [tilespmem:v12+s15+$0x0], $0xffff  }
0x2b5: {  	v8 =	vld.idx.msk [tilespmem:v13+s14+$0x0], $0xffff  }
0x2b6: {  	v9 =	vld.idx.msk [tilespmem:v13+s15+$0x0], $0xffff  }
0x2b7: {  	v12 =	vor.u32 v45, v1  }
0x2b8: {  	v11 =	vor.u32 v11, v1  }
0x2b9: {  	v3 =	vadd.bf16 v4, v3;
	v4 =	vmul.bf16 v7, v6;
	_ =	sdelay $0x1  }
0x2ba: {  	v3 =	vadd.bf16 v4, v3;
	v4 =	vmul.bf16 v9, v8  }
0x2bb: {  	v13 =	vor.u32 v21, v1;
	v6 =	vld.idx.msk [tilespmem:v12+s14+$0x0], $0xffff  }
0x2bc: {  	v3 =	vadd.bf16 v4, v3;
	v4 =	vmul.bf16 v10, v5;
	v5 =	vld.idx.msk [tilespmem:v11+s14+$0x0], $0xffff  }
0x2bd: {  	v10 =	vld.idx.msk [tilespmem:v11+s15+$0x0], $0xffff  }
0x2be: {  	v11 =	vld [tilespmem:$0x1FFE0]  }
0x2bf: {  	v7 =	vld.idx.msk [tilespmem:v12+s15+$0x0], $0xffff;
	v12 =	vor.u32 v39, v1  }
0x2c0: {  	v8 =	vld.idx.msk [tilespmem:v13+s14+$0x0], $0xffff  }
0x2c1: {  	v9 =	vld.idx.msk [tilespmem:v13+s15+$0x0], $0xffff;
	v13 =	vor.u32 v23, v1;
	_ =	sdelay $0x1  }
0x2c2: {  	v11 =	vor.u32 v11, v1  }
0x2c3: {  	v3 =	vadd.bf16 v4, v3;
	v4 =	vmul.bf16 v7, v6;
	v6 =	vld.idx.msk [tilespmem:v12+s14+$0x0], $0xffff  }
0x2c4: {  	v7 =	vld.idx.msk [tilespmem:v12+s15+$0x0], $0xffff;
	v12 =	vor.u32 v22, v1  }
0x2c5: {  	v3 =	vadd.bf16 v4, v3;
	v4 =	vmul.bf16 v9, v8;
	v8 =	vld.idx.msk [tilespmem:v13+s14+$0x0], $0xffff  }
0x2c6: {  	v9 =	vld.idx.msk [tilespmem:v13+s15+$0x0], $0xffff;
	v13 =	vor.u32 v24, v1  }
0x2c7: {  	v3 =	vadd.bf16 v4, v3;
	v4 =	vmul.bf16 v10, v5;
	v5 =	vld.idx.msk [tilespmem:v11+s14+$0x0], $0xffff  }
0x2c8: {  	v10 =	vld.idx.msk [tilespmem:v11+s15+$0x0], $0xffff;
	v11 =	vor.u32 v25, v1  }
0x2c9: {  	v3 =	vadd.bf16 v4, v3;
	v4 =	vmul.bf16 v7, v6;
	v6 =	vld.idx.msk [tilespmem:v12+s14+$0x0], $0xffff  }
0x2ca: {  	v7 =	vld.idx.msk [tilespmem:v12+s15+$0x0], $0xffff;
	v12 =	vor.u32 v17, v1  }
0x2cb: {  	v3 =	vadd.bf16 v4, v3;
	v4 =	vmul.bf16 v9, v8;
	v8 =	vld.idx.msk [tilespmem:v13+s14+$0x0], $0xffff  }
0x2cc: {  	v9 =	vld.idx.msk [tilespmem:v13+s15+$0x0], $0xffff;
	v13 =	vor.u32 v18, v1  }
0x2cd: {  	v3 =	vadd.bf16 v4, v3;
	v4 =	vmul.bf16 v10, v5;
	v5 =	vld.idx.msk [tilespmem:v11+s14+$0x0], $0xffff  }
0x2ce: {  	v10 =	vld.idx.msk [tilespmem:v11+s15+$0x0], $0xffff;
	v11 =	vor.u32 v16, v1  }
0x2cf: {  	v3 =	vadd.bf16 v4, v3;
	v4 =	vmul.bf16 v7, v6;
	v6 =	vld.idx.msk [tilespmem:v12+s14+$0x0], $0xffff  }
0x2d0: {  	v7 =	vld.idx.msk [tilespmem:v12+s15+$0x0], $0xffff;
	v12 =	vor.u32 v61, v1  }
0x2d1: {  	v3 =	vadd.bf16 v4, v3;
	v4 =	vmul.bf16 v9, v8;
	v8 =	vld.idx.msk [tilespmem:v13+s14+$0x0], $0xffff  }
0x2d2: {  	v9 =	vld.idx.msk [tilespmem:v13+s15+$0x0], $0xffff  }
0x2d3: {  	v3 =	vadd.bf16 v4, v3;
	v4 =	vmul.bf16 v10, v5;
	v5 =	vld.idx.msk [tilespmem:v11+s14+$0x0], $0xffff  }
0x2d4: {  	v10 =	vld.idx.msk [tilespmem:v11+s15+$0x0], $0xffff  }
0x2d5: {  	v13 =	vor.u32 v46, v1;
	v3 =	vadd.bf16 v4, v3;
	v4 =	vmul.bf16 v7, v6;
	v6 =	vld.idx.msk [tilespmem:v12+s14+$0x0], $0xffff  }
0x2d6: {  	v7 =	vld.idx.msk [tilespmem:v12+s15+$0x0], $0xffff;
	v12 =	vor.u32 v63, v1  }
0x2d7: {  	v3 =	vadd.bf16 v4, v3;
	v4 =	vmul.bf16 v9, v8;
	_ =	sdelay $0x1  }
0x2d8: {  	v3 =	vadd.bf16 v4, v3;
	v4 =	vmul.bf16 v10, v5  }
0x2d9: {  	v11 =	vor.u32 v62, v1;
	v8 =	vld.idx.msk [tilespmem:v13+s14+$0x0], $0xffff  }
0x2da: {  	v3 =	vadd.bf16 v4, v3;
	v4 =	vmul.bf16 v7, v6;
	v6 =	vld.idx.msk [tilespmem:v12+s14+$0x0], $0xffff  }
0x2db: {  	v7 =	vld.idx.msk [tilespmem:v12+s15+$0x0], $0xffff  }
0x2dc: {  	v12 =	vld [tilespmem:$0x1FFF0]  }
0x2dd: {  	v9 =	vld.idx.msk [tilespmem:v13+s15+$0x0], $0xffff;
	v13 =	vor.u32 v60, v1  }
0x2de: {  	v5 =	vld.idx.msk [tilespmem:v11+s14+$0x0], $0xffff  }
0x2df: {  	v10 =	vld.idx.msk [tilespmem:v11+s15+$0x0], $0xffff;
	v11 =	vor.u32 v2, v1;
	_ =	sdelay $0x1  }
0x2e0: {  	v12 =	vor.u32 v12, v1  }
0x2e1: {  	v3 =	vadd.bf16 v4, v3;
	v4 =	vmul.bf16 v9, v8;
	v8 =	vld.idx.msk [tilespmem:v13+s14+$0x0], $0xffff  }
0x2e2: {  	v9 =	vld.idx.msk [tilespmem:v13+s15+$0x0], $0xffff;
	v13 =	vor.u32 v50, v1  }
0x2e3: {  	v3 =	vadd.bf16 v4, v3;
	v4 =	vmul.bf16 v10, v5;
	v5 =	vld.idx.msk [tilespmem:v11+s14+$0x0], $0xffff  }
0x2e4: {  	v10 =	vld.idx.msk [tilespmem:v11+s15+$0x0], $0xffff;
	v11 =	vor.u32 v0, v1  }
0x2e5: {  	v3 =	vadd.bf16 v4, v3;
	v4 =	vmul.bf16 v7, v6;
	v6 =	vld.idx.msk [tilespmem:v12+s14+$0x0], $0xffff  }
0x2e6: {  	v7 =	vld.idx.msk [tilespmem:v12+s15+$0x0], $0xffff;
	v12 =	vor.u32 v52, v1  }
0x2e7: {  	v3 =	vadd.bf16 v4, v3;
	v4 =	vmul.bf16 v9, v8;
	v8 =	vld.idx.msk [tilespmem:v13+s14+$0x0], $0xffff  }
0x2e8: {  	v9 =	vld.idx.msk [tilespmem:v13+s15+$0x0], $0xffff;
	v13 =	vor.u32 v53, v1  }
0x2e9: {  	v3 =	vadd.bf16 v4, v3;
	v4 =	vmul.bf16 v10, v5;
	v5 =	vld.idx.msk [tilespmem:v11+s14+$0x0], $0xffff  }
0x2ea: {  	v10 =	vld.idx.msk [tilespmem:v11+s15+$0x0], $0xffff;
	v11 =	vor.u32 v49, v1  }
0x2eb: {  	v3 =	vadd.bf16 v4, v3;
	v4 =	vmul.bf16 v7, v6;
	v6 =	vld.idx.msk [tilespmem:v12+s14+$0x0], $0xffff  }
0x2ec: {  	v1 =	vor.u32 v41, v1;
	v7 =	vld.idx.msk [tilespmem:v12+s15+$0x0], $0xffff  }
0x2ed: {  	v3 =	vadd.bf16 v4, v3;
	v4 =	vmul.bf16 v9, v8;
	v8 =	vld.idx.msk [tilespmem:v13+s14+$0x0], $0xffff  }
0x2ee: {  	v9 =	vld.idx.msk [tilespmem:v13+s15+$0x0], $0xffff  }
0x2ef: {  	v3 =	vadd.bf16 v4, v3;
	v4 =	vmul.bf16 v10, v5;
	v5 =	vld.idx.msk [tilespmem:v11+s14+$0x0], $0xffff  }
0x2f0: {  	v10 =	vld.idx.msk [tilespmem:v11+s15+$0x0], $0xffff  }
0x2f1: {  	v3 =	vadd.bf16 v4, v3;
	v4 =	vmul.bf16 v7, v6;
	v6 =	vld.idx.msk [tilespmem:v1+s14+$0x0], $0xffff  }
0x2f2: {  	v1 =	vld.idx.msk [tilespmem:v1+s15+$0x0], $0xffff  }
0x2f3: {  	v3 =	vadd.bf16 v4, v3;
	v4 =	vmul.bf16 v9, v8;
	_ =	sdelay $0x1  }
0x2f4: {  	v3 =	vadd.bf16 v4, v3;
	v4 =	vmul.bf16 v10, v5;
	_ =	sdelay $0x1  }
0x2f5: {  	v1 =	vmul.bf16 v1, v6;
	v3 =	vadd.bf16 v4, v3;
	_ =	sdelay $0x1  }
0x2f6: {  	v1 =	vadd.bf16 v1, v3;
	_ =	sdelay $0x1  }
0x2f7: {  	v3 =	vshll.u32 v1, $0x10;
	v1 =	vand.u32 $0xFFFF0000, v1  }
0x2f8: {  	v1 =	vadd.f32 v1, v3;
	_ =	sdelay $0x1  }
0x2f9: {  	v1 =	vsub.f32 $0.0e+00, v1;
	_ =	sdelay $0x1  }
0x2fa: {  	v1 =	vmul.f32 $1.442695020e+00, v1;
	_ =	sdelay $0x1  }
0x2fb: {  	(erf) = vpow2.f32 v1;
	_ =	sdelay $0x8  }
0x2fc: {  	v1 =	vpop (erf)  }
0x2fd: {  	v1 =	vadd.f32 $1.000000000e+00, v1;
	_ =	sdelay $0x1  }
0x2fe: {  	(erf) = vrcp.f32 v1;
	_ =	sdelay $0x4  }
0x2ff: {  	v3 =	vld [tilespmem:$0x1FF10];
	_ =	sdelay $0x1  }
0x300: {  	s31 =	sadd.s32 $0x40, s30  }
0x301: {  	v4 =	vld [tilespmem:$0x1FF20];
	v1 =	vmov s31  }
0x302: {  	v1 =	vshll.u32 v1, $0x6;
	v5 =	vpop (erf)  }
0x303: {  	v1 =	vor.u32 v3, v1;
	[tilespmem:s29+$0x10] =	vst v5;
	v5 =	vld [tilespmem:$0x1FF30]  }
0x304: {  	v3 =	vor.u32 v14, v1;
	_ =	sdelay $0x1  }
0x305: {  	v7 =	vld [tilespmem:$0x1FF40];
	v4 =	vor.u32 v4, v1  }
0x306: {  	v11 =	vld [tilespmem:$0x1FF80]  }
0x307: {  	v9 =	vld [tilespmem:$0x1FF70];
	v5 =	vor.u32 v5, v1  }
0x308: {  	v6 =	vld.idx.msk [tilespmem:v3+s14+$0x0], $0xffff  }
0x309: {  	v3 =	vld.idx.msk [tilespmem:v3+s15+$0x0], $0xffff  }
0x30a: {  	v7 =	vor.u32 v7, v1;
	v8 =	vld.idx.msk [tilespmem:v4+s14+$0x0], $0xffff  }
0x30b: {  	v4 =	vld.idx.msk [tilespmem:v4+s15+$0x0], $0xffff  }
0x30c: {  	v10 =	vld.idx.msk [tilespmem:v5+s14+$0x0], $0xffff  }
0x30d: {  	v11 =	vor.u32 v11, v1;
	v5 =	vld.idx.msk [tilespmem:v5+s15+$0x0], $0xffff  }
0x30e: {  	v12 =	vld [tilespmem:$0x1FF90];
	v3 =	vmul.bf16 v3, v6  }
0x30f: {  	v13 =	vimm.bf16 $0.0e+00;
	v6 =	vld.idx.msk [tilespmem:v7+s14+$0x0], $0xffff  }
0x310: {  	v9 =	vor.u32 v9, v1;
	v7 =	vld.idx.msk [tilespmem:v7+s15+$0x0], $0xffff;
	v4 =	vmul.bf16 v4, v8;
	v3 =	vadd.bf16 v13, v3  }
0x311: {  	v13 =	vld [tilespmem:$0x1FF50]  }
0x312: {  	v3 =	vadd.bf16 v4, v3;
	v4 =	vmul.bf16 v5, v10;
	v5 =	vld.idx.msk [tilespmem:v11+s14+$0x0], $0xffff  }
0x313: {  	v12 =	vor.u32 v12, v1;
	v10 =	vld.idx.msk [tilespmem:v11+s15+$0x0], $0xffff  }
0x314: {  	v11 =	vld [tilespmem:$0x1FF60]  }
0x315: {  	v8 =	vld.idx.msk [tilespmem:v9+s14+$0x0], $0xffff  }
0x316: {  	v9 =	vld.idx.msk [tilespmem:v9+s15+$0x0], $0xffff;
	v13 =	vor.u32 v13, v1;
	_ =	sdelay $0x1  }
0x317: {  	v3 =	vadd.bf16 v4, v3;
	v4 =	vmul.bf16 v7, v6;
	v6 =	vld.idx.msk [tilespmem:v12+s14+$0x0], $0xffff  }
0x318: {  	v7 =	vld.idx.msk [tilespmem:v12+s15+$0x0], $0xffff;
	v11 =	vor.u32 v11, v1  }
0x319: {  	v12 =	vld [tilespmem:$0x1FFA0]  }
0x31a: {  	v3 =	vadd.bf16 v4, v3;
	v4 =	vmul.bf16 v9, v8;
	v8 =	vld.idx.msk [tilespmem:v13+s14+$0x0], $0xffff  }
0x31b: {  	v9 =	vld.idx.msk [tilespmem:v13+s15+$0x0], $0xffff  }
0x31c: {  	v13 =	vld [tilespmem:$0x1FFB0]  }
0x31d: {  	v3 =	vadd.bf16 v4, v3;
	v4 =	vmul.bf16 v10, v5;
	v5 =	vld.idx.msk [tilespmem:v11+s14+$0x0], $0xffff  }
0x31e: {  	v10 =	vld.idx.msk [tilespmem:v11+s15+$0x0], $0xffff  }
0x31f: {  	v11 =	vld [tilespmem:$0x1FFD0]  }
0x320: {  	v12 =	vor.u32 v12, v1;
	_ =	sdelay $0x1  }
0x321: {  	v13 =	vor.u32 v13, v1;
	_ =	sdelay $0x1  }
0x322: {  	v11 =	vor.u32 v11, v1  }
0x323: {  	v3 =	vadd.bf16 v4, v3;
	v4 =	vmul.bf16 v7, v6;
	v6 =	vld.idx.msk [tilespmem:v12+s14+$0x0], $0xffff  }
0x324: {  	v7 =	vld.idx.msk [tilespmem:v12+s15+$0x0], $0xffff;
	v12 =	vor.u32 v27, v1  }
0x325: {  	v3 =	vadd.bf16 v4, v3;
	v4 =	vmul.bf16 v9, v8;
	v8 =	vld.idx.msk [tilespmem:v13+s14+$0x0], $0xffff  }
0x326: {  	v9 =	vld.idx.msk [tilespmem:v13+s15+$0x0], $0xffff;
	v13 =	vor.u32 v28, v1  }
0x327: {  	v3 =	vadd.bf16 v4, v3;
	v4 =	vmul.bf16 v10, v5;
	v5 =	vld.idx.msk [tilespmem:v11+s14+$0x0], $0xffff  }
0x328: {  	v10 =	vld.idx.msk [tilespmem:v11+s15+$0x0], $0xffff;
	v11 =	vor.u32 v29, v1  }
0x329: {  	v3 =	vadd.bf16 v4, v3;
	v4 =	vmul.bf16 v7, v6;
	v6 =	vld.idx.msk [tilespmem:v12+s14+$0x0], $0xffff  }
0x32a: {  	v7 =	vld.idx.msk [tilespmem:v12+s15+$0x0], $0xffff;
	v12 =	vor.u32 v30, v1  }
0x32b: {  	v3 =	vadd.bf16 v4, v3;
	v4 =	vmul.bf16 v9, v8;
	v8 =	vld.idx.msk [tilespmem:v13+s14+$0x0], $0xffff  }
0x32c: {  	v9 =	vld.idx.msk [tilespmem:v13+s15+$0x0], $0xffff;
	v13 =	vor.u32 v31, v1  }
0x32d: {  	v3 =	vadd.bf16 v4, v3;
	v4 =	vmul.bf16 v10, v5;
	v5 =	vld.idx.msk [tilespmem:v11+s14+$0x0], $0xffff  }
0x32e: {  	v10 =	vld.idx.msk [tilespmem:v11+s15+$0x0], $0xffff;
	v11 =	vor.u32 v32, v1  }
0x32f: {  	v3 =	vadd.bf16 v4, v3;
	v4 =	vmul.bf16 v7, v6;
	v6 =	vld.idx.msk [tilespmem:v12+s14+$0x0], $0xffff  }
0x330: {  	v7 =	vld.idx.msk [tilespmem:v12+s15+$0x0], $0xffff;
	v12 =	vor.u32 v33, v1  }
0x331: {  	v3 =	vadd.bf16 v4, v3;
	v4 =	vmul.bf16 v9, v8;
	v8 =	vld.idx.msk [tilespmem:v13+s14+$0x0], $0xffff  }
0x332: {  	v9 =	vld.idx.msk [tilespmem:v13+s15+$0x0], $0xffff;
	v13 =	vor.u32 v34, v1  }
0x333: {  	v3 =	vadd.bf16 v4, v3;
	v4 =	vmul.bf16 v10, v5;
	v5 =	vld.idx.msk [tilespmem:v11+s14+$0x0], $0xffff  }
0x334: {  	v10 =	vld.idx.msk [tilespmem:v11+s15+$0x0], $0xffff;
	v11 =	vor.u32 v35, v1  }
0x335: {  	v3 =	vadd.bf16 v4, v3;
	v4 =	vmul.bf16 v7, v6;
	v6 =	vld.idx.msk [tilespmem:v12+s14+$0x0], $0xffff  }
0x336: {  	v7 =	vld.idx.msk [tilespmem:v12+s15+$0x0], $0xffff;
	v12 =	vor.u32 v36, v1  }
0x337: {  	v3 =	vadd.bf16 v4, v3;
	v4 =	vmul.bf16 v9, v8;
	v8 =	vld.idx.msk [tilespmem:v13+s14+$0x0], $0xffff  }
0x338: {  	v9 =	vld.idx.msk [tilespmem:v13+s15+$0x0], $0xffff;
	v13 =	vor.u32 v37, v1  }
0x339: {  	v3 =	vadd.bf16 v4, v3;
	v4 =	vmul.bf16 v10, v5;
	v5 =	vld.idx.msk [tilespmem:v11+s14+$0x0], $0xffff  }
0x33a: {  	v10 =	vld.idx.msk [tilespmem:v11+s15+$0x0], $0xffff;
	v11 =	vor.u32 v42, v1  }
0x33b: {  	v3 =	vadd.bf16 v4, v3;
	v4 =	vmul.bf16 v7, v6;
	v6 =	vld.idx.msk [tilespmem:v12+s14+$0x0], $0xffff  }
0x33c: {  	v7 =	vld.idx.msk [tilespmem:v12+s15+$0x0], $0xffff;
	v12 =	vor.u32 v43, v1  }
0x33d: {  	v3 =	vadd.bf16 v4, v3;
	v4 =	vmul.bf16 v9, v8;
	v8 =	vld.idx.msk [tilespmem:v13+s14+$0x0], $0xffff  }
0x33e: {  	v9 =	vld.idx.msk [tilespmem:v13+s15+$0x0], $0xffff;
	v13 =	vor.u32 v47, v1  }
0x33f: {  	v3 =	vadd.bf16 v4, v3;
	v4 =	vmul.bf16 v10, v5;
	v5 =	vld.idx.msk [tilespmem:v11+s14+$0x0], $0xffff  }
0x340: {  	v10 =	vld.idx.msk [tilespmem:v11+s15+$0x0], $0xffff;
	v11 =	vor.u32 v48, v1  }
0x341: {  	v3 =	vadd.bf16 v4, v3;
	v4 =	vmul.bf16 v7, v6;
	v6 =	vld.idx.msk [tilespmem:v12+s14+$0x0], $0xffff  }
0x342: {  	v7 =	vld.idx.msk [tilespmem:v12+s15+$0x0], $0xffff;
	v12 =	vor.u32 v51, v1  }
0x343: {  	v3 =	vadd.bf16 v4, v3;
	v4 =	vmul.bf16 v9, v8;
	v8 =	vld.idx.msk [tilespmem:v13+s14+$0x0], $0xffff  }
0x344: {  	v9 =	vld.idx.msk [tilespmem:v13+s15+$0x0], $0xffff;
	v13 =	vor.u32 v54, v1  }
0x345: {  	v3 =	vadd.bf16 v4, v3;
	v4 =	vmul.bf16 v10, v5;
	v5 =	vld.idx.msk [tilespmem:v11+s14+$0x0], $0xffff  }
0x346: {  	v10 =	vld.idx.msk [tilespmem:v11+s15+$0x0], $0xffff;
	v11 =	vor.u32 v55, v1  }
0x347: {  	v3 =	vadd.bf16 v4, v3;
	v4 =	vmul.bf16 v7, v6;
	v6 =	vld.idx.msk [tilespmem:v12+s14+$0x0], $0xffff  }
0x348: {  	v7 =	vld.idx.msk [tilespmem:v12+s15+$0x0], $0xffff;
	v12 =	vor.u32 v56, v1  }
0x349: {  	v3 =	vadd.bf16 v4, v3;
	v4 =	vmul.bf16 v9, v8;
	v8 =	vld.idx.msk [tilespmem:v13+s14+$0x0], $0xffff  }
0x34a: {  	v9 =	vld.idx.msk [tilespmem:v13+s15+$0x0], $0xffff;
	v13 =	vor.u32 v57, v1  }
0x34b: {  	v3 =	vadd.bf16 v4, v3;
	v4 =	vmul.bf16 v10, v5;
	v5 =	vld.idx.msk [tilespmem:v11+s14+$0x0], $0xffff  }
0x34c: {  	v10 =	vld.idx.msk [tilespmem:v11+s15+$0x0], $0xffff;
	v11 =	vor.u32 v58, v1  }
0x34d: {  	v3 =	vadd.bf16 v4, v3;
	v4 =	vmul.bf16 v7, v6;
	v6 =	vld.idx.msk [tilespmem:v12+s14+$0x0], $0xffff  }
0x34e: {  	v7 =	vld.idx.msk [tilespmem:v12+s15+$0x0], $0xffff;
	v12 =	vor.u32 v59, v1  }
0x34f: {  	v3 =	vadd.bf16 v4, v3;
	v4 =	vmul.bf16 v9, v8;
	v8 =	vld.idx.msk [tilespmem:v13+s14+$0x0], $0xffff  }
0x350: {  	v9 =	vld.idx.msk [tilespmem:v13+s15+$0x0], $0xffff;
	v13 =	vor.u32 v38, v1  }
0x351: {  	v3 =	vadd.bf16 v4, v3;
	v4 =	vmul.bf16 v10, v5;
	v5 =	vld.idx.msk [tilespmem:v11+s14+$0x0], $0xffff  }
0x352: {  	v10 =	vld.idx.msk [tilespmem:v11+s15+$0x0], $0xffff;
	v11 =	vor.u32 v26, v1  }
0x353: {  	v3 =	vadd.bf16 v4, v3;
	v4 =	vmul.bf16 v7, v6;
	v6 =	vld.idx.msk [tilespmem:v12+s14+$0x0], $0xffff  }
0x354: {  	v7 =	vld.idx.msk [tilespmem:v12+s15+$0x0], $0xffff  }
0x355: {  	v3 =	vadd.bf16 v4, v3;
	v4 =	vmul.bf16 v9, v8;
	v8 =	vld.idx.msk [tilespmem:v13+s14+$0x0], $0xffff  }
0x356: {  	v9 =	vld.idx.msk [tilespmem:v13+s15+$0x0], $0xffff  }
0x357: {  	v12 =	vor.u32 v20, v1;
	v3 =	vadd.bf16 v4, v3;
	v4 =	vmul.bf16 v10, v5;
	v5 =	vld.idx.msk [tilespmem:v11+s14+$0x0], $0xffff  }
0x358: {  	v10 =	vld.idx.msk [tilespmem:v11+s15+$0x0], $0xffff;
	v11 =	vor.u32 v44, v1  }
0x359: {  	v3 =	vadd.bf16 v4, v3;
	v4 =	vmul.bf16 v7, v6;
	_ =	sdelay $0x1  }
0x35a: {  	v3 =	vadd.bf16 v4, v3;
	v4 =	vmul.bf16 v9, v8  }
0x35b: {  	v13 =	vor.u32 v40, v1;
	v6 =	vld.idx.msk [tilespmem:v12+s14+$0x0], $0xffff  }
0x35c: {  	v3 =	vadd.bf16 v4, v3;
	v4 =	vmul.bf16 v10, v5;
	v5 =	vld.idx.msk [tilespmem:v11+s14+$0x0], $0xffff  }
0x35d: {  	v10 =	vld.idx.msk [tilespmem:v11+s15+$0x0], $0xffff  }
0x35e: {  	v11 =	vld [tilespmem:$0x1FFC0]  }
0x35f: {  	v7 =	vld.idx.msk [tilespmem:v12+s15+$0x0], $0xffff  }
0x360: {  	v8 =	vld.idx.msk [tilespmem:v13+s14+$0x0], $0xffff  }
0x361: {  	v9 =	vld.idx.msk [tilespmem:v13+s15+$0x0], $0xffff  }
0x362: {  	v12 =	vor.u32 v45, v1  }
0x363: {  	v11 =	vor.u32 v11, v1  }
0x364: {  	v3 =	vadd.bf16 v4, v3;
	v4 =	vmul.bf16 v7, v6;
	_ =	sdelay $0x1  }
0x365: {  	v3 =	vadd.bf16 v4, v3;
	v4 =	vmul.bf16 v9, v8  }
0x366: {  	v13 =	vor.u32 v21, v1;
	v6 =	vld.idx.msk [tilespmem:v12+s14+$0x0], $0xffff  }
0x367: {  	v3 =	vadd.bf16 v4, v3;
	v4 =	vmul.bf16 v10, v5;
	v5 =	vld.idx.msk [tilespmem:v11+s14+$0x0], $0xffff  }
0x368: {  	v10 =	vld.idx.msk [tilespmem:v11+s15+$0x0], $0xffff  }
0x369: {  	v11 =	vld [tilespmem:$0x1FFE0]  }
0x36a: {  	v7 =	vld.idx.msk [tilespmem:v12+s15+$0x0], $0xffff;
	v12 =	vor.u32 v39, v1  }
0x36b: {  	v8 =	vld.idx.msk [tilespmem:v13+s14+$0x0], $0xffff  }
0x36c: {  	v9 =	vld.idx.msk [tilespmem:v13+s15+$0x0], $0xffff;
	v13 =	vor.u32 v23, v1;
	_ =	sdelay $0x1  }
0x36d: {  	v11 =	vor.u32 v11, v1  }
0x36e: {  	v3 =	vadd.bf16 v4, v3;
	v4 =	vmul.bf16 v7, v6;
	v6 =	vld.idx.msk [tilespmem:v12+s14+$0x0], $0xffff  }
0x36f: {  	v7 =	vld.idx.msk [tilespmem:v12+s15+$0x0], $0xffff;
	v12 =	vor.u32 v22, v1  }
0x370: {  	v3 =	vadd.bf16 v4, v3;
	v4 =	vmul.bf16 v9, v8;
	v8 =	vld.idx.msk [tilespmem:v13+s14+$0x0], $0xffff  }
0x371: {  	v9 =	vld.idx.msk [tilespmem:v13+s15+$0x0], $0xffff;
	v13 =	vor.u32 v24, v1  }
0x372: {  	v3 =	vadd.bf16 v4, v3;
	v4 =	vmul.bf16 v10, v5;
	v5 =	vld.idx.msk [tilespmem:v11+s14+$0x0], $0xffff  }
0x373: {  	v10 =	vld.idx.msk [tilespmem:v11+s15+$0x0], $0xffff;
	v11 =	vor.u32 v25, v1  }
0x374: {  	v3 =	vadd.bf16 v4, v3;
	v4 =	vmul.bf16 v7, v6;
	v6 =	vld.idx.msk [tilespmem:v12+s14+$0x0], $0xffff  }
0x375: {  	v7 =	vld.idx.msk [tilespmem:v12+s15+$0x0], $0xffff;
	v12 =	vor.u32 v17, v1  }
0x376: {  	v3 =	vadd.bf16 v4, v3;
	v4 =	vmul.bf16 v9, v8;
	v8 =	vld.idx.msk [tilespmem:v13+s14+$0x0], $0xffff  }
0x377: {  	v9 =	vld.idx.msk [tilespmem:v13+s15+$0x0], $0xffff;
	v13 =	vor.u32 v18, v1  }
0x378: {  	v3 =	vadd.bf16 v4, v3;
	v4 =	vmul.bf16 v10, v5;
	v5 =	vld.idx.msk [tilespmem:v11+s14+$0x0], $0xffff  }
0x379: {  	v10 =	vld.idx.msk [tilespmem:v11+s15+$0x0], $0xffff;
	v11 =	vor.u32 v16, v1  }
0x37a: {  	v3 =	vadd.bf16 v4, v3;
	v4 =	vmul.bf16 v7, v6;
	v6 =	vld.idx.msk [tilespmem:v12+s14+$0x0], $0xffff  }
0x37b: {  	v7 =	vld.idx.msk [tilespmem:v12+s15+$0x0], $0xffff  }
0x37c: {  	v12 =	vor.u32 v61, v1;
	v3 =	vadd.bf16 v4, v3;
	v4 =	vmul.bf16 v9, v8;
	v8 =	vld.idx.msk [tilespmem:v13+s14+$0x0], $0xffff  }
0x37d: {  	v9 =	vld.idx.msk [tilespmem:v13+s15+$0x0], $0xffff  }
0x37e: {  	v13 =	vor.u32 v46, v1;
	v3 =	vadd.bf16 v4, v3;
	v4 =	vmul.bf16 v10, v5;
	v5 =	vld.idx.msk [tilespmem:v11+s14+$0x0], $0xffff  }
0x37f: {  	v10 =	vld.idx.msk [tilespmem:v11+s15+$0x0], $0xffff  }
0x380: {  	v11 =	vor.u32 v62, v1;
	v62 =	vld [tilespmem:$0x1FFF0]  }
0x381: {  	v3 =	vadd.bf16 v4, v3;
	v4 =	vmul.bf16 v7, v6;
	v6 =	vld.idx.msk [tilespmem:v12+s14+$0x0], $0xffff  }
0x382: {  	v7 =	vld.idx.msk [tilespmem:v12+s15+$0x0], $0xffff;
	v12 =	vor.u32 v63, v1  }
0x383: {  	v3 =	vadd.bf16 v4, v3;
	v4 =	vmul.bf16 v9, v8;
	v8 =	vld.idx.msk [tilespmem:v13+s14+$0x0], $0xffff  }
0x384: {  	v9 =	vld.idx.msk [tilespmem:v13+s15+$0x0], $0xffff;
	v13 =	vor.u32 v60, v1  }
0x385: {  	v3 =	vadd.bf16 v4, v3;
	v4 =	vmul.bf16 v10, v5;
	v5 =	vld.idx.msk [tilespmem:v11+s14+$0x0], $0xffff  }
0x386: {  	v2 =	vor.u32 v2, v1;
	v10 =	vld.idx.msk [tilespmem:v11+s15+$0x0], $0xffff  }
0x387: {  	v3 =	vadd.bf16 v4, v3;
	v4 =	vmul.bf16 v7, v6;
	v6 =	vld.idx.msk [tilespmem:v12+s14+$0x0], $0xffff  }
0x388: {  	v11 =	vor.u32 v62, v1;
	v7 =	vld.idx.msk [tilespmem:v12+s15+$0x0], $0xffff  }
0x389: {  	v3 =	vadd.bf16 v4, v3;
	v4 =	vmul.bf16 v9, v8;
	v8 =	vld.idx.msk [tilespmem:v13+s14+$0x0], $0xffff  }
0x38a: {  	v12 =	vor.u32 v50, v1;
	v9 =	vld.idx.msk [tilespmem:v13+s15+$0x0], $0xffff  }
0x38b: {  	v3 =	vadd.bf16 v4, v3;
	v4 =	vmul.bf16 v10, v5;
	v5 =	vld.idx.msk [tilespmem:v2+s14+$0x0], $0xffff  }
0x38c: {  	v0 =	vor.u32 v0, v1;
	v2 =	vld.idx.msk [tilespmem:v2+s15+$0x0], $0xffff  }
0x38d: {  	v3 =	vadd.bf16 v4, v3;
	v4 =	vmul.bf16 v7, v6;
	v6 =	vld.idx.msk [tilespmem:v11+s14+$0x0], $0xffff  }
0x38e: {  	v10 =	vor.u32 v52, v1;
	v7 =	vld.idx.msk [tilespmem:v11+s15+$0x0], $0xffff  }
0x38f: {  	v3 =	vadd.bf16 v4, v3;
	v4 =	vmul.bf16 v9, v8;
	v8 =	vld.idx.msk [tilespmem:v12+s14+$0x0], $0xffff  }
0x390: {  	v11 =	vor.u32 v53, v1;
	v9 =	vld.idx.msk [tilespmem:v12+s15+$0x0], $0xffff  }
0x391: {  	v40 =	vmov v49;
	v2 =	vmul.bf16 v2, v5;
	v3 =	vadd.bf16 v4, v3;
	v4 =	vld.idx.msk [tilespmem:v0+s14+$0x0], $0xffff  }
0x392: {  	v5 =	vor.u32 v40, v1;
	v0 =	vld.idx.msk [tilespmem:v0+s15+$0x0], $0xffff  }
0x393: {  	v63 =	vmul.bf16 v7, v6;
	v6 =	vld.idx.msk [tilespmem:v10+s14+$0x0], $0xffff;
	v2 =	vadd.bf16 v2, v3  }
0x394: {  	v1 =	vor.u32 v41, v1;
	v7 =	vld.idx.msk [tilespmem:v10+s15+$0x0], $0xffff  }
0x395: {  	v49 =	vmul.bf16 v9, v8;
	v8 =	vld.idx.msk [tilespmem:v11+s14+$0x0], $0xffff;
	v2 =	vadd.bf16 v63, v2  }
0x396: {  	v9 =	vld.idx.msk [tilespmem:v11+s15+$0x0], $0xffff  }
0x397: {  	v60 =	vld.idx.msk [tilespmem:v5+s14+$0x0], $0xffff;
	v0 =	vmul.bf16 v0, v4;
	v2 =	vadd.bf16 v49, v2  }
0x398: {  	v4 =	vld.idx.msk [tilespmem:v5+s15+$0x0], $0xffff  }
0x399: {  	v5 =	vld.idx.msk [tilespmem:v1+s14+$0x0], $0xffff;
	v62 =	vmul.bf16 v7, v6;
	v0 =	vadd.bf16 v0, v2  }
0x39a: {  	v1 =	vld.idx.msk [tilespmem:v1+s15+$0x0], $0xffff  }
0x39b: {  	v63 =	vmul.bf16 v9, v8;
	v0 =	vadd.bf16 v62, v0;
	_ =	sdelay $0x1  }
0x39c: {  	v49 =	vmul.bf16 v4, v60;
	v0 =	vadd.bf16 v63, v0;
	_ =	sdelay $0x1  }
0x39d: {  	v1 =	vmul.bf16 v1, v5;
	v0 =	vadd.bf16 v49, v0;
	_ =	sdelay $0x1  }
0x39e: {  	v0 =	vadd.bf16 v1, v0;
	_ =	sdelay $0x1  }
0x39f: {  	v1 =	vshll.u32 v0, $0x10;
	v0 =	vand.u32 $0xFFFF0000, v0  }
0x3a0: {  	v0 =	vadd.f32 v0, v1;
	_ =	sdelay $0x1  }
0x3a1: {  	v0 =	vsub.f32 $0.0e+00, v0;
	_ =	sdelay $0x1  }
0x3a2: {  	v0 =	vmul.f32 $1.442695020e+00, v0;
	_ =	sdelay $0x1  }
0x3a3: {  	(erf) = vpow2.f32 v0;
	_ =	sdelay $0x7  }
0x3a4: {  	v15 =	vld [tilespmem:$0x1FFA0]  }
0x3a5: {  	v23 =	vld [tilespmem:$0x1FF60];
	v0 =	vpop (erf)  }
0x3a6: {  	v22 =	vld [tilespmem:$0x1FF50];
	v0 =	vadd.f32 $1.000000000e+00, v0  }
0x3a7: {  	v24 =	vld [tilespmem:$0x1FFB0]  }
0x3a8: {  	v17 =	vld [tilespmem:$0x1FFC0];
	(erf) = vrcp.f32 v0  }
0x3a9: {  	v18 =	vld [tilespmem:$0x1FF40]  }
0x3aa: {  	v25 =	vld [tilespmem:$0x1FFD0]  }
0x3ab: {  	v16 =	vld [tilespmem:$0x1FF20]  }
0x3ac: {  	s25 =	sadd.s32 $0x1, s25;
	v61 =	vld [tilespmem:$0x1FEF0]  }
0x3ad: {  	p0 =	sne.s32 s25, $0x80;
	v12 =	vld [tilespmem:$0x1FEE0]  }
.Ltmp0:
0x3ae: {  	v10 =	vmov v26;
	v26 =	vld [tilespmem:$0x1FFE0];
	(pc) =	sbr.rel @p0 .LBB2_2-.Ltmp0, $4  }
0x3af: {  	v11 =	vld [tilespmem:$0x1FED0]  }
0x3b0: {  	v6 =	vld [tilespmem:$0x1FF10]  }
0x3b1: {  	v9 =	vmov v38;
	v38 =	vld [tilespmem:$0x1FF00];
	v0 =	vpop (erf)  }
0x3b2: {  	s26 =	sadd.s32 $0x50, s26;
	s28 =	sadd.s32 $0x50, s28;
	v7 =	vimm.bf16 $0.0e+00;
	v8 =	vmov v47;
	v60 =	vld [tilespmem:$0x1FF30];
	[tilespmem:s29+$0x20] =	vst v0;
	s29 =	sadd.s32 $0x50, s29  }
0x3b3: {  	s24 =	sadd.s32 $0x1, s24  }
0x3b4: {  	p0 =	sne.s32 s24, s9  }
.Ltmp1:
0x3b5: {  	_ = 	snop;
	(pc) =	sbr.rel @p0 .LBB2_1-.Ltmp1, $4  }
0x3b6: {  	[hbm4b:s8+s3] =	stream.linear.scatter [tilespmem:s23], [sflag:$0x5], $0x2710, $0x38;
	[tilespmem:$0x1B170] =	vst v63  }
0x3b7: {  	_ =	swait.ge [sflag:s11], $0x2710  }
0x3b8: {  	[sflag:s11] =	ssyncset.done $0x0  }
0x3b9: {  	[sflag:s11] =	ssyncadd.s32 $0xFFFFD8F0  }
0x3ba: {  	_ =	sfence.sel $0x180000  }
0x3bb: {  	[bflag:$0x0] =	sbarrier.arrive $0xFFFF  }
0x3bc: {  	_ =	strace $0x90000047  }
0x3bd: {  	s0 =	stileid.u32;
	[bflag:$0x2] =	sbarrier.arrive $0xFFFF  }
0x3be: {  	p0 =	sne.s32 s0, $0x0;
	s0 =	rddreg [dreg:$0x3]  }
0x3bf: {  	s0 =	sadd.s32 @!p0 $0x100000, s0  }
0x3c0: {  	[sflag:s0] =	ssyncadd.tile.s32 @!p0 $0x1;
	_ =	shalt  }
.Lfunc_end2:
_tile_overlayer_lowered:
.L_overlay_start_2:
0x3c1: {  	(tag) =	ssettag $0x2  }
0x3c2: {  	s0 =	rddreg [dreg:$0x0];
	s2 =	stileid.u32  }
0x3c3: {  	s1 =	rddreg [dreg:$0x1];
	p0 =	sne.s32 s2, $0x0  }
0x3c4: {  	s3 =	rddreg [dreg:$0x2];
	[bflag:$0x3] =	sbarrier.arrive $0xFFFF;
	s2 =	simm.s32 @!p0 $0x1C05  }
0x3c5: {  	[timem:s3], [sflag:s2] =	dma.local @!p0 [hbm:s0], s1  }
0x3c6: {  	s0 =	simm.s32 @!p0 $0x5  }
0x3c7: {  	_ =	swait.ge @!p0 [sflag:s0], s1  }
0x3c8: {  	s1 =	ssub.s32 @!p0 $0x0, s1;
	[sflag:s0] =	ssyncset.done @!p0 $0x0  }
0x3c9: {  	[sflag:s0] =	ssyncadd.s32 @!p0 s1  }
0x3ca: {  	[bflag:$0x3] =	sbarrier.arrive $0xFFFF  }
0x3cb: {  	_ =	shalt  }

</sc_bundles>
